<compile_context>
chip_gen: v7x
topology: tpu7x:2x2x1
jax: 0.10.2.dev20260603
libtpu: 0.0.44.dev20260713+nightly
codegen_flags: <defaults>
</compile_context>

<pallas_src>
import dataclasses

import jax
import jax.numpy as jnp
from jax import lax
from jax.experimental import pallas as pl
from jax.experimental.pallas import tpu as pltpu
from jax.experimental.pallas import tpu_sc as plsc

N = 10000
E = 320000
D = 128
H = 3
U = 128
ROW = 144
NC = 2
NS = 16
NW = NC * NS
EPT = E // NW
BLK = 32
NB = 2 * ((EPT + 2 * BLK - 1) // (2 * BLK))
EPT_PAD = NB * BLK
SH_ROWS = 10240
STRIPE = SH_ROWS // NS
LANES = 16



def _proj_kernel(x_ref, w_ref, a1_ref, a2_ref, hh_ref, p2_ref):
    xb = x_ref[...]
    w = w_ref[...]
    hb = jnp.dot(xb, w, preferred_element_type=jnp.float32)
    w3 = w.reshape(D, H, U)
    q1 = jnp.sum(w3 * a1_ref[...].reshape(1, H, U), axis=-1)
    q2 = jnp.sum(w3 * a2_ref[...].reshape(1, H, U), axis=-1)
    p2_ref[...] = jnp.dot(xb, q2, preferred_element_type=jnp.float32)
    bn = xb.shape[0]
    p1b = jnp.dot(xb, q1, preferred_element_type=jnp.float32)
    ones = jnp.ones((bn, 1), jnp.float32)
    zpad = jnp.zeros((bn, ROW - U - 2), jnp.float32)
    for hd in range(H):
        hh_ref[hd] = jnp.concatenate(
            [hb[:, hd * U:(hd + 1) * U], ones, p1b[:, hd:hd + 1], zpad],
            axis=1)


def _stage1(x, W, a1, a2):
    bn = 1000
    return pl.pallas_call(
        _proj_kernel,
        grid=(N // bn,),
        in_specs=[
            pl.BlockSpec((bn, D), lambda i: (i, 0)),
            pl.BlockSpec((D, H * U), lambda i: (0, 0)),
            pl.BlockSpec((H, 1, U), lambda i: (0, 0, 0)),
            pl.BlockSpec((H, 1, U), lambda i: (0, 0, 0)),
        ],
        out_specs=[
            pl.BlockSpec((H, bn, ROW), lambda i: (0, i, 0)),
            pl.BlockSpec((bn, H), lambda i: (i, 0)),
        ],
        out_shape=[
            jax.ShapeDtypeStruct((H, N, ROW), jnp.float32),
            jax.ShapeDtypeStruct((N, H), jnp.float32),
        ],
    )(x, W, a1, a2)



def _sc_kernel(hh_hbm, src_hbm, dst_hbm, p2_hbm, part_hbm,
               srcb0_v, srcb1_v, dstb0_v, dstb1_v, sidx0_v, sidx1_v,
               rows0_v, rows1_v, att_v,
               idx0_v, idx1_v, p2b0_v, p2b1_v, p2i0_v, p2i1_v,
               out_sh, seme0, seme1, sem0, sem1, semp0, semp1,
               semsc0, semsc1, semw):
    cid = lax.axis_index("c")
    sid = lax.axis_index("s")
    wid = cid * NS + sid
    ebase = wid * EPT_PAD

    src_bufs = (srcb0_v, srcb1_v)
    dst_bufs = (dstb0_v, dstb1_v)
    sidx_bufs = (sidx0_v, sidx1_v)
    rows_bufs = (rows0_v, rows1_v)
    idx_bufs = (idx0_v, idx1_v)
    p2_bufs = (p2b0_v, p2b1_v)
    p2i_bufs = (p2i0_v, p2i1_v)
    semes = (seme0, seme1)
    sems = (sem0, sem1)
    semps = (semp0, semp1)
    semscs = (semsc0, semsc1)

    def zero_rows0():
        @pl.loop(0, BLK)
        def _(e):
            for c in range(ROW // LANES):
                rows0_v[e, pl.ds(c * LANES, LANES)] = jnp.zeros(
                    (LANES,), jnp.float32)

    def zero_out_sh():
        base = sid * STRIPE
        for k in range(STRIPE // BLK):
            pltpu.sync_copy(rows0_v,
                            out_sh.at[pl.ds(base + k * BLK, BLK)])

    def load_edges(b, eb):
        off = pl.ds(ebase + b * BLK, BLK)
        pltpu.async_copy(src_hbm.at[off], src_bufs[eb], semes[eb])
        pltpu.async_copy(dst_hbm.at[off], dst_bufs[eb], semes[eb])

    def wait_edges(b, eb):
        off = pl.ds(ebase + b * BLK, BLK)
        pltpu.make_async_copy(src_hbm.at[off], src_bufs[eb],
                              semes[eb]).wait()
        pltpu.make_async_copy(dst_hbm.at[off], dst_bufs[eb],
                              semes[eb]).wait()

    def wait_scatter(rb):
        pltpu.make_async_copy(rows_bufs[rb], out_sh.at[sidx_bufs[rb]],
                              semscs[rb]).wait()

    def gather_block(hd, eb, rb):
        for s in range(BLK // LANES):
            sl = pl.ds(s * LANES, LANES)
            s16 = src_bufs[eb][sl]
            d16 = dst_bufs[eb][sl]
            idx_bufs[rb][sl] = s16 + hd * N
            p2i_bufs[rb][sl] = d16 * H + hd
            sidx_bufs[rb][sl] = d16
        pltpu.async_copy(hh_hbm.at[idx_bufs[rb]], rows_bufs[rb],
                         sems[rb])
        pltpu.async_copy(p2_hbm.at[p2i_bufs[rb]], p2_bufs[rb],
                         semps[rb])

    def wait_gather(rb):
        pltpu.make_async_copy(hh_hbm.at[idx_bufs[rb]], rows_bufs[rb],
                              sems[rb]).wait()
        pltpu.make_async_copy(p2_hbm.at[p2i_bufs[rb]], p2_bufs[rb],
                              semps[rb]).wait()

    def process_block(b, rb):
        rows = rows_bufs[rb]
        p2b = p2_bufs[rb]
        for s in range(BLK // LANES):
            e16 = s * LANES + lax.iota(jnp.int32, LANES)
            p1v = plsc.load_gather(
                rows, [e16, jnp.full((LANES,), U + 1, jnp.int32)])
            lv = p1v + p2b[pl.ds(s * LANES, LANES)]
            lv = jnp.where(lv >= 0.0, lv, 0.2 * lv)
            av = jnp.exp(lv)
            j = b * BLK + s * LANES + lax.iota(jnp.int32, LANES)
            av = jnp.where(j < EPT, av, 0.0)
            att_v[pl.ds(s * LANES, LANES)] = av

        @plsc.parallel_loop(0, BLK, unroll=4)
        def _(e):
            a16 = plsc.load_gather(
                att_v, [jnp.full((LANES,), e, jnp.int32)])
            for c in range(ROW // LANES):
                sl = pl.ds(c * LANES, LANES)
                rows[e, sl] = rows[e, sl] * a16

        pltpu.async_copy(rows, out_sh.at[sidx_bufs[rb]], semscs[rb],
                         add=True)

    for hd in range(H):
        zero_rows0()
        zero_out_sh()
        plsc.subcore_barrier()

        load_edges(0, 0)
        wait_edges(0, 0)
        gather_block(hd, 0, 0)
        load_edges(1, 1)

        @pl.loop(0, NB // 2)
        def _(i):
            b0 = i * 2
            wait_edges(b0 + 1, 1)

            @pl.when(b0 >= 1)
            def _():
                wait_scatter(1)

            gather_block(hd, 1, 1)

            @pl.when(b0 + 2 < NB)
            def _():
                load_edges(b0 + 2, 0)

            wait_gather(0)
            process_block(b0, 0)

            @pl.when(b0 + 2 < NB)
            def _():
                wait_edges(b0 + 2, 0)
                wait_scatter(0)
                gather_block(hd, 0, 0)

            @pl.when(b0 + 3 < NB)
            def _():
                load_edges(b0 + 3, 1)

            wait_gather(1)
            process_block(b0 + 1, 1)

        wait_scatter(0)
        wait_scatter(1)
        plsc.subcore_barrier()
        base = sid * STRIPE
        pltpu.async_copy(
            out_sh.at[pl.ds(base, STRIPE)],
            part_hbm.at[cid, hd, pl.ds(base, STRIPE)],
            semw).wait()
        plsc.subcore_barrier()


def _stage2(hh_flat, src2d, dst2d, p2f):
    mesh = plsc.VectorSubcoreMesh(core_axis_name="c", subcore_axis_name="s")
    cp = pltpu.CompilerParams()
    if "needs_layout_passes" in pltpu.CompilerParams.__dataclass_fields__:
        cp = dataclasses.replace(cp, needs_layout_passes=False)
    if "use_tc_tiling_on_sc" in pltpu.CompilerParams.__dataclass_fields__:
        cp = dataclasses.replace(cp, use_tc_tiling_on_sc=False)
    kern = pl.kernel(
        _sc_kernel,
        out_type=jax.ShapeDtypeStruct((NC, H, SH_ROWS, ROW), jnp.float32),
        mesh=mesh,
        compiler_params=cp,
        scratch_types=[
            pltpu.VMEM((BLK,), jnp.int32),
            pltpu.VMEM((BLK,), jnp.int32),
            pltpu.VMEM((BLK,), jnp.int32),
            pltpu.VMEM((BLK,), jnp.int32),
            pltpu.VMEM((BLK,), jnp.int32),
            pltpu.VMEM((BLK,), jnp.int32),
            pltpu.VMEM((BLK, ROW), jnp.float32),
            pltpu.VMEM((BLK, ROW), jnp.float32),
            pltpu.VMEM((BLK,), jnp.float32),
            pltpu.VMEM((BLK,), jnp.int32),
            pltpu.VMEM((BLK,), jnp.int32),
            pltpu.VMEM((BLK,), jnp.float32),
            pltpu.VMEM((BLK,), jnp.float32),
            pltpu.VMEM((BLK,), jnp.int32),
            pltpu.VMEM((BLK,), jnp.int32),
            pltpu.VMEM_SHARED((SH_ROWS, ROW), jnp.float32),
            pltpu.SemaphoreType.DMA,
            pltpu.SemaphoreType.DMA,
            pltpu.SemaphoreType.DMA,
            pltpu.SemaphoreType.DMA,
            pltpu.SemaphoreType.DMA,
            pltpu.SemaphoreType.DMA,
            pltpu.SemaphoreType.DMA,
            pltpu.SemaphoreType.DMA,
            pltpu.SemaphoreType.DMA,
        ],
    )
    return kern(hh_flat, src2d, dst2d, p2f)



def _combine_kernel(part_ref, out_ref):
    o = part_ref[0] + part_ref[1]
    den = o[:, :, U:U + 1]
    val = o[:, :, 0:U]
    safe = den > 0.0
    r = val / jnp.where(safe, den, 1.0)
    r = jnp.where(safe, r, 0.0)
    r = jnp.where(r > 0.0, r, jnp.exp(r) - 1.0)
    for hd in range(H):
        out_ref[:, hd * U:(hd + 1) * U] = r[hd]


def _stage3(partials):
    bn = 1000
    return pl.pallas_call(
        _combine_kernel,
        grid=(N // bn,),
        in_specs=[pl.BlockSpec((NC, H, bn, ROW), lambda i: (0, 0, i, 0))],
        out_specs=pl.BlockSpec((bn, H * U), lambda i: (i, 0)),
        out_shape=jax.ShapeDtypeStruct((N, H * U), jnp.float32),
    )(partials)



@jax.jit
def kernel(x, edge_index, W, a1, a2):
    hh, p2 = _stage1(x, W, a1, a2)
    hh_flat = hh.reshape(H * N, ROW)
    p2f = p2.reshape(-1)

    src2d = jnp.pad(edge_index[:, 0].reshape(NW, EPT),
                    ((0, 0), (0, EPT_PAD - EPT))).reshape(-1)
    dst2d = jnp.pad(edge_index[:, 1].reshape(NW, EPT),
                    ((0, 0), (0, EPT_PAD - EPT))).reshape(-1)

    partials = _stage2(hh_flat, src2d, dst2d, p2f)
    return _stage3(partials)

# --- scband reference (transcript-rebuilt; emitter-appended) ---
"""Pipeline reference for scband-gat-21071109554678 (READ-ONLY COPY).

The authoritative reference and input builder live on the scoring server;
editing this copy changes nothing except your own understanding.
"""

import jax, jax.numpy as jnp
import numpy as np

N = 10000
E = 320000
D = 128
HEADS = 3
UNITS = 128


def _glorot(key, shape):
    fan_in, fan_out = shape[0], shape[-1]
    if len(shape) == 3:
        fan_in, fan_out = shape[-1], shape[-1]
    std = np.sqrt(2.0 / (fan_in + fan_out))
    return jax.random.normal(key, shape, dtype=jnp.float32) * std


def setup_inputs(seed: int = 0) -> dict:
    key = jax.random.key(seed)
    k1, k2, k3, k4, k5 = jax.random.split(key, 5)
    x = jax.random.normal(k1, (N, D), dtype=jnp.float32)
    edge_index = jax.random.randint(k2, (E, 2), 0, N, dtype=jnp.int32)
    W = _glorot(k3, (D, HEADS * UNITS))
    a1 = _glorot(k4, (HEADS, 1, UNITS))
    a2 = _glorot(k5, (HEADS, 1, UNITS))
    return {"x": x, "edge_index": edge_index, "W": W, "a1": a1, "a2": a2}


def _segment_softmax(att, segments, num_segments):
    seg_max = jax.ops.segment_max(att, segments, num_segments=num_segments)
    att = att - seg_max[segments]
    att = jnp.exp(att)
    denom = jax.ops.segment_sum(att, segments, num_segments=num_segments)
    return att / denom[segments]


def reference(x, edge_index, W, a1, a2):
    n_nodes = x.shape[0]
    n_edges = edge_index.shape[0]
    h = x @ W  # [N, heads*units]
    sender = jnp.take(h, edge_index[:, 0], axis=0)    # [E, heads*units]
    receiver = jnp.take(h, edge_index[:, 1], axis=0)  # [E, heads*units]
    sender_h = jnp.stack(jnp.split(sender, HEADS, axis=-1), axis=0)      # [H, E, units]
    receiver_h = jnp.stack(jnp.split(receiver, HEADS, axis=-1), axis=0)  # [H, E, units]
    att = (jnp.sum(a1 * sender_h, axis=-1, keepdims=True)
           + jnp.sum(a2 * receiver_h, axis=-1, keepdims=True))  # [H, E, 1]
    att = att.reshape(-1, 1)                      # [H*E, 1]
    att = jax.nn.leaky_relu(att, negative_slope=0.2)
    segments = jnp.tile(edge_index[:, 1], HEADS) + jnp.repeat(
        jnp.arange(HEADS, dtype=edge_index.dtype) * n_nodes, n_edges)
    att = _segment_softmax(att, segments, n_nodes * HEADS)
    sender_flat = jnp.concatenate([sender_h[i] for i in range(HEADS)], axis=0)  # [H*E, units]
    sender_flat = sender_flat * att
    out = jax.ops.segment_sum(sender_flat, segments, num_segments=n_nodes * HEADS)  # [H*N, units]
    out = jnp.concatenate(jnp.split(out, HEADS, axis=0), axis=-1)  # [N, heads*units]
    return jax.nn.elu(out)

if __name__ == "__main__":
    import jax
    _d = setup_inputs()
    print(jax.jit(kernel)(*tuple(_d.values())))

</pallas_src>

<mosaic_0001>
#map = affine_map<(d0, d1) -> (0, 0)>
#map1 = affine_map<(d0, d1) -> (0)>
#map2 = affine_map<(d0, d1) -> (0, 0, 0, 0)>
module attributes {stable_mosaic.version = 14 : i64} {
  func.func @_sc_kernel(%arg0: i32, %arg1: i32, %arg2: memref<30000x144xf32, #tpu.memory_space<hbm>>, %arg3: memref<321536xi32, #tpu.memory_space<hbm>>, %arg4: memref<321536xi32, #tpu.memory_space<hbm>>, %arg5: memref<30000xf32, #tpu.memory_space<hbm>>, %arg6: memref<2x3x10240x144xf32, #tpu.memory_space<hbm>>, %arg7: memref<32xi32, #tpu.memory_space<vmem>>, %arg8: memref<32xi32, #tpu.memory_space<vmem>>, %arg9: memref<32xi32, #tpu.memory_space<vmem>>, %arg10: memref<32xi32, #tpu.memory_space<vmem>>, %arg11: memref<32xi32, #tpu.memory_space<vmem>>, %arg12: memref<32xi32, #tpu.memory_space<vmem>>, %arg13: memref<32x144xf32, #tpu.memory_space<vmem>>, %arg14: memref<32x144xf32, #tpu.memory_space<vmem>>, %arg15: memref<32xf32, #tpu.memory_space<vmem>>, %arg16: memref<32xi32, #tpu.memory_space<vmem>>, %arg17: memref<32xi32, #tpu.memory_space<vmem>>, %arg18: memref<32xf32, #tpu.memory_space<vmem>>, %arg19: memref<32xf32, #tpu.memory_space<vmem>>, %arg20: memref<32xi32, #tpu.memory_space<vmem>>, %arg21: memref<32xi32, #tpu.memory_space<vmem>>, %arg22: memref<10240x144xf32, #tpu.memory_space<vmem_shared>>, %arg23: memref<!tpu.dma_semaphore, #tpu.memory_space<semaphore_mem>>, %arg24: memref<!tpu.dma_semaphore, #tpu.memory_space<semaphore_mem>>, %arg25: memref<!tpu.dma_semaphore, #tpu.memory_space<semaphore_mem>>, %arg26: memref<!tpu.dma_semaphore, #tpu.memory_space<semaphore_mem>>, %arg27: memref<!tpu.dma_semaphore, #tpu.memory_space<semaphore_mem>>, %arg28: memref<!tpu.dma_semaphore, #tpu.memory_space<semaphore_mem>>, %arg29: memref<!tpu.dma_semaphore, #tpu.memory_space<semaphore_mem>>, %arg30: memref<!tpu.dma_semaphore, #tpu.memory_space<semaphore_mem>>, %arg31: memref<!tpu.dma_semaphore, #tpu.memory_space<semaphore_mem>>) attributes {dimension_semantics = [#tpu.dimension_semantics<core_parallel>, #tpu.dimension_semantics<subcore_parallel>], iteration_bounds = array<i64: 2, 16>, scalar_prefetch = 0 : i64, scratch_operands = 25 : i64, tpu.core_type = #tpu.core_type<sc_vector_subcore>, window_params = [{transform_indices = #map}, {transform_indices = #map1}, {transform_indices = #map1}, {transform_indices = #map1}, {transform_indices = #map2}]} {
    %mul3A = arith.constant 16 : i32
    %mul3A_0 = arith.muli %arg0, %mul3A : i32
    %add3A = arith.addi %mul3A_0, %arg1 : i32
    %mul3A_1 = arith.constant 10048 : i32
    %mul3A_2 = arith.muli %add3A, %mul3A_1 : i32
    %scan3A = arith.constant 0 : i32
    %scan3A_3 = arith.constant 32 : i32
    %scan3A_4 = arith.addi %scan3A, %scan3A_3 : i32
    %scan3A_5 = arith.constant 1 : i32
    scf.for %scan3A_405 = %scan3A to %scan3A_4 step %scan3A_5  : i32 {
      %mul3A_406 = arith.constant 1 : i32
      %mul3A_407 = arith.muli %scan3A_405, %mul3A_406 : i32
      %add3A_408 = arith.constant 0 : i32
      %add3A_409 = arith.addi %add3A_408, %mul3A_407 : i32
      %broadcast_in_dim3A = arith.constant 0.000000e+00 : f32
      %broadcast_in_dim3A_410 = vector.broadcast %broadcast_in_dim3A : f32 to vector<16xf32>
      %swap3A_411 = arith.index_cast %add3A_409 : i32 to index
      %swap3A_412 = arith.constant 0 : index
      %swap3A_413 = tpu.vector_load %arg13[%swap3A_411, %swap3A_412] {strides = array<i32>} : memref<32x144xf32, #tpu.memory_space<vmem>>, vector<16xf32>,
      tpu.vector_store %arg13[%swap3A_411, %swap3A_412], %broadcast_in_dim3A_410 {strides = array<i32>} : memref<32x144xf32, #tpu.memory_space<vmem>>, vector<16xf32>,
      %broadcast_in_dim3A_414 = arith.constant 0.000000e+00 : f32
      %broadcast_in_dim3A_415 = vector.broadcast %broadcast_in_dim3A_414 : f32 to vector<16xf32>
      %swap3A_416 = arith.index_cast %add3A_409 : i32 to index
      %swap3A_417 = arith.constant 16 : index
      %swap3A_418 = tpu.vector_load %arg13[%swap3A_416, %swap3A_417] {strides = array<i32>} : memref<32x144xf32, #tpu.memory_space<vmem>>, vector<16xf32>,
      tpu.vector_store %arg13[%swap3A_416, %swap3A_417], %broadcast_in_dim3A_415 {strides = array<i32>} : memref<32x144xf32, #tpu.memory_space<vmem>>, vector<16xf32>,
      %broadcast_in_dim3A_419 = arith.constant 0.000000e+00 : f32
      %broadcast_in_dim3A_420 = vector.broadcast %broadcast_in_dim3A_419 : f32 to vector<16xf32>
      %swap3A_421 = arith.index_cast %add3A_409 : i32 to index
      %swap3A_422 = arith.constant 32 : index
      %swap3A_423 = tpu.vector_load %arg13[%swap3A_421, %swap3A_422] {strides = array<i32>} : memref<32x144xf32, #tpu.memory_space<vmem>>, vector<16xf32>,
      tpu.vector_store %arg13[%swap3A_421, %swap3A_422], %broadcast_in_dim3A_420 {strides = array<i32>} : memref<32x144xf32, #tpu.memory_space<vmem>>, vector<16xf32>,
      %broadcast_in_dim3A_424 = arith.constant 0.000000e+00 : f32
      %broadcast_in_dim3A_425 = vector.broadcast %broadcast_in_dim3A_424 : f32 to vector<16xf32>
      %swap3A_426 = arith.index_cast %add3A_409 : i32 to index
      %swap3A_427 = arith.constant 48 : index
      %swap3A_428 = tpu.vector_load %arg13[%swap3A_426, %swap3A_427] {strides = array<i32>} : memref<32x144xf32, #tpu.memory_space<vmem>>, vector<16xf32>,
      tpu.vector_store %arg13[%swap3A_426, %swap3A_427], %broadcast_in_dim3A_425 {strides = array<i32>} : memref<32x144xf32, #tpu.memory_space<vmem>>, vector<16xf32>,
      %broadcast_in_dim3A_429 = arith.constant 0.000000e+00 : f32
      %broadcast_in_dim3A_430 = vector.broadcast %broadcast_in_dim3A_429 : f32 to vector<16xf32>
      %swap3A_431 = arith.index_cast %add3A_409 : i32 to index
      %swap3A_432 = arith.constant 64 : index
      %swap3A_433 = tpu.vector_load %arg13[%swap3A_431, %swap3A_432] {strides = array<i32>} : memref<32x144xf32, #tpu.memory_space<vmem>>, vector<16xf32>,
      tpu.vector_store %arg13[%swap3A_431, %swap3A_432], %broadcast_in_dim3A_430 {strides = array<i32>} : memref<32x144xf32, #tpu.memory_space<vmem>>, vector<16xf32>,
      %broadcast_in_dim3A_434 = arith.constant 0.000000e+00 : f32
      %broadcast_in_dim3A_435 = vector.broadcast %broadcast_in_dim3A_434 : f32 to vector<16xf32>
      %swap3A_436 = arith.index_cast %add3A_409 : i32 to index
      %swap3A_437 = arith.constant 80 : index
      %swap3A_438 = tpu.vector_load %arg13[%swap3A_436, %swap3A_437] {strides = array<i32>} : memref<32x144xf32, #tpu.memory_space<vmem>>, vector<16xf32>,
      tpu.vector_store %arg13[%swap3A_436, %swap3A_437], %broadcast_in_dim3A_435 {strides = array<i32>} : memref<32x144xf32, #tpu.memory_space<vmem>>, vector<16xf32>,
      %broadcast_in_dim3A_439 = arith.constant 0.000000e+00 : f32
      %broadcast_in_dim3A_440 = vector.broadcast %broadcast_in_dim3A_439 : f32 to vector<16xf32>
      %swap3A_441 = arith.index_cast %add3A_409 : i32 to index
      %swap3A_442 = arith.constant 96 : index
      %swap3A_443 = tpu.vector_load %arg13[%swap3A_441, %swap3A_442] {strides = array<i32>} : memref<32x144xf32, #tpu.memory_space<vmem>>, vector<16xf32>,
      tpu.vector_store %arg13[%swap3A_441, %swap3A_442], %broadcast_in_dim3A_440 {strides = array<i32>} : memref<32x144xf32, #tpu.memory_space<vmem>>, vector<16xf32>,
      %broadcast_in_dim3A_444 = arith.constant 0.000000e+00 : f32
      %broadcast_in_dim3A_445 = vector.broadcast %broadcast_in_dim3A_444 : f32 to vector<16xf32>
      %swap3A_446 = arith.index_cast %add3A_409 : i32 to index
      %swap3A_447 = arith.constant 112 : index
      %swap3A_448 = tpu.vector_load %arg13[%swap3A_446, %swap3A_447] {strides = array<i32>} : memref<32x144xf32, #tpu.memory_space<vmem>>, vector<16xf32>,
      tpu.vector_store %arg13[%swap3A_446, %swap3A_447], %broadcast_in_dim3A_445 {strides = array<i32>} : memref<32x144xf32, #tpu.memory_space<vmem>>, vector<16xf32>,
      %broadcast_in_dim3A_449 = arith.constant 0.000000e+00 : f32
      %broadcast_in_dim3A_450 = vector.broadcast %broadcast_in_dim3A_449 : f32 to vector<16xf32>
      %swap3A_451 = arith.index_cast %add3A_409 : i32 to index
      %swap3A_452 = arith.constant 128 : index
      %swap3A_453 = tpu.vector_load %arg13[%swap3A_451, %swap3A_452] {strides = array<i32>} : memref<32x144xf32, #tpu.memory_space<vmem>>, vector<16xf32>,
      tpu.vector_store %arg13[%swap3A_451, %swap3A_452], %broadcast_in_dim3A_450 {strides = array<i32>} : memref<32x144xf32, #tpu.memory_space<vmem>>, vector<16xf32>,
    }
    %scan3A_6 = arith.constant 32 : i32
    %mul3A_7 = arith.constant 640 : i32
    %mul3A_8 = arith.muli %arg1, %mul3A_7 : i32
    %add3A_9 = arith.constant 0 : i32
    %add3A_10 = arith.addi %mul3A_8, %add3A_9 : i32
    "tpu.region"() ({
      %run_scoped3A = tpu.sem_alloc : memref<!tpu.dma_semaphore, #tpu.memory_space<semaphore_mem>>
      %dma_start3A_405 = arith.constant 0 : i32
      %dma_start3A_406 = tpu.memref_slice %arg22[%add3A_10, %dma_start3A_405] : memref<10240x144xf32, #tpu.memory_space<vmem_shared>> -> memref<32x144xf32, #tpu.memory_space<vmem_shared>>
      %dma_start3A_407 = arith.constant 0 : i32
      %dma_start3A_408 = tpu.memref_slice %arg22[%add3A_10, %dma_start3A_407] : memref<10240x144xf32, #tpu.memory_space<vmem_shared>> -> memref<32x144xf32, #tpu.memory_space<vmem_shared>>
      tpu.enqueue_dma source(%arg13 : memref<32x144xf32, #tpu.memory_space<vmem>>) target(%dma_start3A_408 : memref<32x144xf32, #tpu.memory_space<vmem_shared>>) target_semaphore(%run_scoped3A : memref<!tpu.dma_semaphore, #tpu.memory_space<semaphore_mem>>)
      %dma_wait3A_409 = arith.constant 0 : i32
      %dma_wait3A_410 = tpu.memref_slice %arg22[%add3A_10, %dma_wait3A_409] : memref<10240x144xf32, #tpu.memory_space<vmem_shared>> -> memref<32x144xf32, #tpu.memory_space<vmem_shared>>
      %dma_wait3A_411 = arith.constant 0 : i32
      %dma_wait3A_412 = tpu.memref_slice %arg22[%add3A_10, %dma_wait3A_411] : memref<10240x144xf32, #tpu.memory_space<vmem_shared>> -> memref<32x144xf32, #tpu.memory_space<vmem_shared>>
      tpu.wait_dma2 semaphore(%run_scoped3A : memref<!tpu.dma_semaphore, #tpu.memory_space<semaphore_mem>>) src(%arg13 : memref<32x144xf32, #tpu.memory_space<vmem>>) dst(%dma_wait3A_412 : memref<32x144xf32, #tpu.memory_space<vmem_shared>>)
      tpu.yield
    }) : () -> ()
    %add3A_11 = arith.constant 32 : i32
    %add3A_12 = arith.addi %mul3A_8, %add3A_11 : i32
    "tpu.region"() ({
      %run_scoped3A = tpu.sem_alloc : memref<!tpu.dma_semaphore, #tpu.memory_space<semaphore_mem>>
      %dma_start3A_405 = arith.constant 0 : i32
      %dma_start3A_406 = tpu.memref_slice %arg22[%add3A_12, %dma_start3A_405] : memref<10240x144xf32, #tpu.memory_space<vmem_shared>> -> memref<32x144xf32, #tpu.memory_space<vmem_shared>>
      %dma_start3A_407 = arith.constant 0 : i32
      %dma_start3A_408 = tpu.memref_slice %arg22[%add3A_12, %dma_start3A_407] : memref<10240x144xf32, #tpu.memory_space<vmem_shared>> -> memref<32x144xf32, #tpu.memory_space<vmem_shared>>
      tpu.enqueue_dma source(%arg13 : memref<32x144xf32, #tpu.memory_space<vmem>>) target(%dma_start3A_408 : memref<32x144xf32, #tpu.memory_space<vmem_shared>>) target_semaphore(%run_scoped3A : memref<!tpu.dma_semaphore, #tpu.memory_space<semaphore_mem>>)
      %dma_wait3A_409 = arith.constant 0 : i32
      %dma_wait3A_410 = tpu.memref_slice %arg22[%add3A_12, %dma_wait3A_409] : memref<10240x144xf32, #tpu.memory_space<vmem_shared>> -> memref<32x144xf32, #tpu.memory_space<vmem_shared>>
      %dma_wait3A_411 = arith.constant 0 : i32
      %dma_wait3A_412 = tpu.memref_slice %arg22[%add3A_12, %dma_wait3A_411] : memref<10240x144xf32, #tpu.memory_space<vmem_shared>> -> memref<32x144xf32, #tpu.memory_space<vmem_shared>>
      tpu.wait_dma2 semaphore(%run_scoped3A : memref<!tpu.dma_semaphore, #tpu.memory_space<semaphore_mem>>) src(%arg13 : memref<32x144xf32, #tpu.memory_space<vmem>>) dst(%dma_wait3A_412 : memref<32x144xf32, #tpu.memory_space<vmem_shared>>)
      tpu.yield
    }) : () -> ()
    %add3A_13 = arith.constant 64 : i32
    %add3A_14 = arith.addi %mul3A_8, %add3A_13 : i32
    "tpu.region"() ({
      %run_scoped3A = tpu.sem_alloc : memref<!tpu.dma_semaphore, #tpu.memory_space<semaphore_mem>>
      %dma_start3A_405 = arith.constant 0 : i32
      %dma_start3A_406 = tpu.memref_slice %arg22[%add3A_14, %dma_start3A_405] : memref<10240x144xf32, #tpu.memory_space<vmem_shared>> -> memref<32x144xf32, #tpu.memory_space<vmem_shared>>
      %dma_start3A_407 = arith.constant 0 : i32
      %dma_start3A_408 = tpu.memref_slice %arg22[%add3A_14, %dma_start3A_407] : memref<10240x144xf32, #tpu.memory_space<vmem_shared>> -> memref<32x144xf32, #tpu.memory_space<vmem_shared>>
      tpu.enqueue_dma source(%arg13 : memref<32x144xf32, #tpu.memory_space<vmem>>) target(%dma_start3A_408 : memref<32x144xf32, #tpu.memory_space<vmem_shared>>) target_semaphore(%run_scoped3A : memref<!tpu.dma_semaphore, #tpu.memory_space<semaphore_mem>>)
      %dma_wait3A_409 = arith.constant 0 : i32
      %dma_wait3A_410 = tpu.memref_slice %arg22[%add3A_14, %dma_wait3A_409] : memref<10240x144xf32, #tpu.memory_space<vmem_shared>> -> memref<32x144xf32, #tpu.memory_space<vmem_shared>>
      %dma_wait3A_411 = arith.constant 0 : i32
      %dma_wait3A_412 = tpu.memref_slice %arg22[%add3A_14, %dma_wait3A_411] : memref<10240x144xf32, #tpu.memory_space<vmem_shared>> -> memref<32x144xf32, #tpu.memory_space<vmem_shared>>
      tpu.wait_dma2 semaphore(%run_scoped3A : memref<!tpu.dma_semaphore, #tpu.memory_space<semaphore_mem>>) src(%arg13 : memref<32x144xf32, #tpu.memory_space<vmem>>) dst(%dma_wait3A_412 : memref<32x144xf32, #tpu.memory_space<vmem_shared>>)
      tpu.yield
    }) : () -> ()
    %add3A_15 = arith.constant 96 : i32
    %add3A_16 = arith.addi %mul3A_8, %add3A_15 : i32
    "tpu.region"() ({
      %run_scoped3A = tpu.sem_alloc : memref<!tpu.dma_semaphore, #tpu.memory_space<semaphore_mem>>
      %dma_start3A_405 = arith.constant 0 : i32
      %dma_start3A_406 = tpu.memref_slice %arg22[%add3A_16, %dma_start3A_405] : memref<10240x144xf32, #tpu.memory_space<vmem_shared>> -> memref<32x144xf32, #tpu.memory_space<vmem_shared>>
      %dma_start3A_407 = arith.constant 0 : i32
      %dma_start3A_408 = tpu.memref_slice %arg22[%add3A_16, %dma_start3A_407] : memref<10240x144xf32, #tpu.memory_space<vmem_shared>> -> memref<32x144xf32, #tpu.memory_space<vmem_shared>>
      tpu.enqueue_dma source(%arg13 : memref<32x144xf32, #tpu.memory_space<vmem>>) target(%dma_start3A_408 : memref<32x144xf32, #tpu.memory_space<vmem_shared>>) target_semaphore(%run_scoped3A : memref<!tpu.dma_semaphore, #tpu.memory_space<semaphore_mem>>)
      %dma_wait3A_409 = arith.constant 0 : i32
      %dma_wait3A_410 = tpu.memref_slice %arg22[%add3A_16, %dma_wait3A_409] : memref<10240x144xf32, #tpu.memory_space<vmem_shared>> -> memref<32x144xf32, #tpu.memory_space<vmem_shared>>
      %dma_wait3A_411 = arith.constant 0 : i32
      %dma_wait3A_412 = tpu.memref_slice %arg22[%add3A_16, %dma_wait3A_411] : memref<10240x144xf32, #tpu.memory_space<vmem_shared>> -> memref<32x144xf32, #tpu.memory_space<vmem_shared>>
      tpu.wait_dma2 semaphore(%run_scoped3A : memref<!tpu.dma_semaphore, #tpu.memory_space<semaphore_mem>>) src(%arg13 : memref<32x144xf32, #tpu.memory_space<vmem>>) dst(%dma_wait3A_412 : memref<32x144xf32, #tpu.memory_space<vmem_shared>>)
      tpu.yield
    }) : () -> ()
    %add3A_17 = arith.constant 128 : i32
    %add3A_18 = arith.addi %mul3A_8, %add3A_17 : i32
    "tpu.region"() ({
      %run_scoped3A = tpu.sem_alloc : memref<!tpu.dma_semaphore, #tpu.memory_space<semaphore_mem>>
      %dma_start3A_405 = arith.constant 0 : i32
      %dma_start3A_406 = tpu.memref_slice %arg22[%add3A_18, %dma_start3A_405] : memref<10240x144xf32, #tpu.memory_space<vmem_shared>> -> memref<32x144xf32, #tpu.memory_space<vmem_shared>>
      %dma_start3A_407 = arith.constant 0 : i32
      %dma_start3A_408 = tpu.memref_slice %arg22[%add3A_18, %dma_start3A_407] : memref<10240x144xf32, #tpu.memory_space<vmem_shared>> -> memref<32x144xf32, #tpu.memory_space<vmem_shared>>
      tpu.enqueue_dma source(%arg13 : memref<32x144xf32, #tpu.memory_space<vmem>>) target(%dma_start3A_408 : memref<32x144xf32, #tpu.memory_space<vmem_shared>>) target_semaphore(%run_scoped3A : memref<!tpu.dma_semaphore, #tpu.memory_space<semaphore_mem>>)
      %dma_wait3A_409 = arith.constant 0 : i32
      %dma_wait3A_410 = tpu.memref_slice %arg22[%add3A_18, %dma_wait3A_409] : memref<10240x144xf32, #tpu.memory_space<vmem_shared>> -> memref<32x144xf32, #tpu.memory_space<vmem_shared>>
      %dma_wait3A_411 = arith.constant 0 : i32
      %dma_wait3A_412 = tpu.memref_slice %arg22[%add3A_18, %dma_wait3A_411] : memref<10240x144xf32, #tpu.memory_space<vmem_shared>> -> memref<32x144xf32, #tpu.memory_space<vmem_shared>>
      tpu.wait_dma2 semaphore(%run_scoped3A : memref<!tpu.dma_semaphore, #tpu.memory_space<semaphore_mem>>) src(%arg13 : memref<32x144xf32, #tpu.memory_space<vmem>>) dst(%dma_wait3A_412 : memref<32x144xf32, #tpu.memory_space<vmem_shared>>)
      tpu.yield
    }) : () -> ()
    %add3A_19 = arith.constant 160 : i32
    %add3A_20 = arith.addi %mul3A_8, %add3A_19 : i32
    "tpu.region"() ({
      %run_scoped3A = tpu.sem_alloc : memref<!tpu.dma_semaphore, #tpu.memory_space<semaphore_mem>>
      %dma_start3A_405 = arith.constant 0 : i32
      %dma_start3A_406 = tpu.memref_slice %arg22[%add3A_20, %dma_start3A_405] : memref<10240x144xf32, #tpu.memory_space<vmem_shared>> -> memref<32x144xf32, #tpu.memory_space<vmem_shared>>
      %dma_start3A_407 = arith.constant 0 : i32
      %dma_start3A_408 = tpu.memref_slice %arg22[%add3A_20, %dma_start3A_407] : memref<10240x144xf32, #tpu.memory_space<vmem_shared>> -> memref<32x144xf32, #tpu.memory_space<vmem_shared>>
      tpu.enqueue_dma source(%arg13 : memref<32x144xf32, #tpu.memory_space<vmem>>) target(%dma_start3A_408 : memref<32x144xf32, #tpu.memory_space<vmem_shared>>) target_semaphore(%run_scoped3A : memref<!tpu.dma_semaphore, #tpu.memory_space<semaphore_mem>>)
      %dma_wait3A_409 = arith.constant 0 : i32
      %dma_wait3A_410 = tpu.memref_slice %arg22[%add3A_20, %dma_wait3A_409] : memref<10240x144xf32, #tpu.memory_space<vmem_shared>> -> memref<32x144xf32, #tpu.memory_space<vmem_shared>>
      %dma_wait3A_411 = arith.constant 0 : i32
      %dma_wait3A_412 = tpu.memref_slice %arg22[%add3A_20, %dma_wait3A_411] : memref<10240x144xf32, #tpu.memory_space<vmem_shared>> -> memref<32x144xf32, #tpu.memory_space<vmem_shared>>
      tpu.wait_dma2 semaphore(%run_scoped3A : memref<!tpu.dma_semaphore, #tpu.memory_space<semaphore_mem>>) src(%arg13 : memref<32x144xf32, #tpu.memory_space<vmem>>) dst(%dma_wait3A_412 : memref<32x144xf32, #tpu.memory_space<vmem_shared>>)
      tpu.yield
    }) : () -> ()
    %add3A_21 = arith.constant 192 : i32
    %add3A_22 = arith.addi %mul3A_8, %add3A_21 : i32
    "tpu.region"() ({
      %run_scoped3A = tpu.sem_alloc : memref<!tpu.dma_semaphore, #tpu.memory_space<semaphore_mem>>
      %dma_start3A_405 = arith.constant 0 : i32
      %dma_start3A_406 = tpu.memref_slice %arg22[%add3A_22, %dma_start3A_405] : memref<10240x144xf32, #tpu.memory_space<vmem_shared>> -> memref<32x144xf32, #tpu.memory_space<vmem_shared>>
      %dma_start3A_407 = arith.constant 0 : i32
      %dma_start3A_408 = tpu.memref_slice %arg22[%add3A_22, %dma_start3A_407] : memref<10240x144xf32, #tpu.memory_space<vmem_shared>> -> memref<32x144xf32, #tpu.memory_space<vmem_shared>>
      tpu.enqueue_dma source(%arg13 : memref<32x144xf32, #tpu.memory_space<vmem>>) target(%dma_start3A_408 : memref<32x144xf32, #tpu.memory_space<vmem_shared>>) target_semaphore(%run_scoped3A : memref<!tpu.dma_semaphore, #tpu.memory_space<semaphore_mem>>)
      %dma_wait3A_409 = arith.constant 0 : i32
      %dma_wait3A_410 = tpu.memref_slice %arg22[%add3A_22, %dma_wait3A_409] : memref<10240x144xf32, #tpu.memory_space<vmem_shared>> -> memref<32x144xf32, #tpu.memory_space<vmem_shared>>
      %dma_wait3A_411 = arith.constant 0 : i32
      %dma_wait3A_412 = tpu.memref_slice %arg22[%add3A_22, %dma_wait3A_411] : memref<10240x144xf32, #tpu.memory_space<vmem_shared>> -> memref<32x144xf32, #tpu.memory_space<vmem_shared>>
      tpu.wait_dma2 semaphore(%run_scoped3A : memref<!tpu.dma_semaphore, #tpu.memory_space<semaphore_mem>>) src(%arg13 : memref<32x144xf32, #tpu.memory_space<vmem>>) dst(%dma_wait3A_412 : memref<32x144xf32, #tpu.memory_space<vmem_shared>>)
      tpu.yield
    }) : () -> ()
    %add3A_23 = arith.constant 224 : i32
    %add3A_24 = arith.addi %mul3A_8, %add3A_23 : i32
    "tpu.region"() ({
      %run_scoped3A = tpu.sem_alloc : memref<!tpu.dma_semaphore, #tpu.memory_space<semaphore_mem>>
      %dma_start3A_405 = arith.constant 0 : i32
      %dma_start3A_406 = tpu.memref_slice %arg22[%add3A_24, %dma_start3A_405] : memref<10240x144xf32, #tpu.memory_space<vmem_shared>> -> memref<32x144xf32, #tpu.memory_space<vmem_shared>>
      %dma_start3A_407 = arith.constant 0 : i32
      %dma_start3A_408 = tpu.memref_slice %arg22[%add3A_24, %dma_start3A_407] : memref<10240x144xf32, #tpu.memory_space<vmem_shared>> -> memref<32x144xf32, #tpu.memory_space<vmem_shared>>
      tpu.enqueue_dma source(%arg13 : memref<32x144xf32, #tpu.memory_space<vmem>>) target(%dma_start3A_408 : memref<32x144xf32, #tpu.memory_space<vmem_shared>>) target_semaphore(%run_scoped3A : memref<!tpu.dma_semaphore, #tpu.memory_space<semaphore_mem>>)
      %dma_wait3A_409 = arith.constant 0 : i32
      %dma_wait3A_410 = tpu.memref_slice %arg22[%add3A_24, %dma_wait3A_409] : memref<10240x144xf32, #tpu.memory_space<vmem_shared>> -> memref<32x144xf32, #tpu.memory_space<vmem_shared>>
      %dma_wait3A_411 = arith.constant 0 : i32
      %dma_wait3A_412 = tpu.memref_slice %arg22[%add3A_24, %dma_wait3A_411] : memref<10240x144xf32, #tpu.memory_space<vmem_shared>> -> memref<32x144xf32, #tpu.memory_space<vmem_shared>>
      tpu.wait_dma2 semaphore(%run_scoped3A : memref<!tpu.dma_semaphore, #tpu.memory_space<semaphore_mem>>) src(%arg13 : memref<32x144xf32, #tpu.memory_space<vmem>>) dst(%dma_wait3A_412 : memref<32x144xf32, #tpu.memory_space<vmem_shared>>)
      tpu.yield
    }) : () -> ()
    %add3A_25 = arith.constant 256 : i32
    %add3A_26 = arith.addi %mul3A_8, %add3A_25 : i32
    "tpu.region"() ({
      %run_scoped3A = tpu.sem_alloc : memref<!tpu.dma_semaphore, #tpu.memory_space<semaphore_mem>>
      %dma_start3A_405 = arith.constant 0 : i32
      %dma_start3A_406 = tpu.memref_slice %arg22[%add3A_26, %dma_start3A_405] : memref<10240x144xf32, #tpu.memory_space<vmem_shared>> -> memref<32x144xf32, #tpu.memory_space<vmem_shared>>
      %dma_start3A_407 = arith.constant 0 : i32
      %dma_start3A_408 = tpu.memref_slice %arg22[%add3A_26, %dma_start3A_407] : memref<10240x144xf32, #tpu.memory_space<vmem_shared>> -> memref<32x144xf32, #tpu.memory_space<vmem_shared>>
      tpu.enqueue_dma source(%arg13 : memref<32x144xf32, #tpu.memory_space<vmem>>) target(%dma_start3A_408 : memref<32x144xf32, #tpu.memory_space<vmem_shared>>) target_semaphore(%run_scoped3A : memref<!tpu.dma_semaphore, #tpu.memory_space<semaphore_mem>>)
      %dma_wait3A_409 = arith.constant 0 : i32
      %dma_wait3A_410 = tpu.memref_slice %arg22[%add3A_26, %dma_wait3A_409] : memref<10240x144xf32, #tpu.memory_space<vmem_shared>> -> memref<32x144xf32, #tpu.memory_space<vmem_shared>>
      %dma_wait3A_411 = arith.constant 0 : i32
      %dma_wait3A_412 = tpu.memref_slice %arg22[%add3A_26, %dma_wait3A_411] : memref<10240x144xf32, #tpu.memory_space<vmem_shared>> -> memref<32x144xf32, #tpu.memory_space<vmem_shared>>
      tpu.wait_dma2 semaphore(%run_scoped3A : memref<!tpu.dma_semaphore, #tpu.memory_space<semaphore_mem>>) src(%arg13 : memref<32x144xf32, #tpu.memory_space<vmem>>) dst(%dma_wait3A_412 : memref<32x144xf32, #tpu.memory_space<vmem_shared>>)
      tpu.yield
    }) : () -> ()
    %add3A_27 = arith.constant 288 : i32
    %add3A_28 = arith.addi %mul3A_8, %add3A_27 : i32
    "tpu.region"() ({
      %run_scoped3A = tpu.sem_alloc : memref<!tpu.dma_semaphore, #tpu.memory_space<semaphore_mem>>
      %dma_start3A_405 = arith.constant 0 : i32
      %dma_start3A_406 = tpu.memref_slice %arg22[%add3A_28, %dma_start3A_405] : memref<10240x144xf32, #tpu.memory_space<vmem_shared>> -> memref<32x144xf32, #tpu.memory_space<vmem_shared>>
      %dma_start3A_407 = arith.constant 0 : i32
      %dma_start3A_408 = tpu.memref_slice %arg22[%add3A_28, %dma_start3A_407] : memref<10240x144xf32, #tpu.memory_space<vmem_shared>> -> memref<32x144xf32, #tpu.memory_space<vmem_shared>>
      tpu.enqueue_dma source(%arg13 : memref<32x144xf32, #tpu.memory_space<vmem>>) target(%dma_start3A_408 : memref<32x144xf32, #tpu.memory_space<vmem_shared>>) target_semaphore(%run_scoped3A : memref<!tpu.dma_semaphore, #tpu.memory_space<semaphore_mem>>)
      %dma_wait3A_409 = arith.constant 0 : i32
      %dma_wait3A_410 = tpu.memref_slice %arg22[%add3A_28, %dma_wait3A_409] : memref<10240x144xf32, #tpu.memory_space<vmem_shared>> -> memref<32x144xf32, #tpu.memory_space<vmem_shared>>
      %dma_wait3A_411 = arith.constant 0 : i32
      %dma_wait3A_412 = tpu.memref_slice %arg22[%add3A_28, %dma_wait3A_411] : memref<10240x144xf32, #tpu.memory_space<vmem_shared>> -> memref<32x144xf32, #tpu.memory_space<vmem_shared>>
      tpu.wait_dma2 semaphore(%run_scoped3A : memref<!tpu.dma_semaphore, #tpu.memory_space<semaphore_mem>>) src(%arg13 : memref<32x144xf32, #tpu.memory_space<vmem>>) dst(%dma_wait3A_412 : memref<32x144xf32, #tpu.memory_space<vmem_shared>>)
      tpu.yield
    }) : () -> ()
    %add3A_29 = arith.constant 320 : i32
    %add3A_30 = arith.addi %mul3A_8, %add3A_29 : i32
    "tpu.region"() ({
      %run_scoped3A = tpu.sem_alloc : memref<!tpu.dma_semaphore, #tpu.memory_space<semaphore_mem>>
      %dma_start3A_405 = arith.constant 0 : i32
      %dma_start3A_406 = tpu.memref_slice %arg22[%add3A_30, %dma_start3A_405] : memref<10240x144xf32, #tpu.memory_space<vmem_shared>> -> memref<32x144xf32, #tpu.memory_space<vmem_shared>>
      %dma_start3A_407 = arith.constant 0 : i32
      %dma_start3A_408 = tpu.memref_slice %arg22[%add3A_30, %dma_start3A_407] : memref<10240x144xf32, #tpu.memory_space<vmem_shared>> -> memref<32x144xf32, #tpu.memory_space<vmem_shared>>
      tpu.enqueue_dma source(%arg13 : memref<32x144xf32, #tpu.memory_space<vmem>>) target(%dma_start3A_408 : memref<32x144xf32, #tpu.memory_space<vmem_shared>>) target_semaphore(%run_scoped3A : memref<!tpu.dma_semaphore, #tpu.memory_space<semaphore_mem>>)
      %dma_wait3A_409 = arith.constant 0 : i32
      %dma_wait3A_410 = tpu.memref_slice %arg22[%add3A_30, %dma_wait3A_409] : memref<10240x144xf32, #tpu.memory_space<vmem_shared>> -> memref<32x144xf32, #tpu.memory_space<vmem_shared>>
      %dma_wait3A_411 = arith.constant 0 : i32
      %dma_wait3A_412 = tpu.memref_slice %arg22[%add3A_30, %dma_wait3A_411] : memref<10240x144xf32, #tpu.memory_space<vmem_shared>> -> memref<32x144xf32, #tpu.memory_space<vmem_shared>>
      tpu.wait_dma2 semaphore(%run_scoped3A : memref<!tpu.dma_semaphore, #tpu.memory_space<semaphore_mem>>) src(%arg13 : memref<32x144xf32, #tpu.memory_space<vmem>>) dst(%dma_wait3A_412 : memref<32x144xf32, #tpu.memory_space<vmem_shared>>)
      tpu.yield
    }) : () -> ()
    %add3A_31 = arith.constant 352 : i32
    %add3A_32 = arith.addi %mul3A_8, %add3A_31 : i32
    "tpu.region"() ({
      %run_scoped3A = tpu.sem_alloc : memref<!tpu.dma_semaphore, #tpu.memory_space<semaphore_mem>>
      %dma_start3A_405 = arith.constant 0 : i32
      %dma_start3A_406 = tpu.memref_slice %arg22[%add3A_32, %dma_start3A_405] : memref<10240x144xf32, #tpu.memory_space<vmem_shared>> -> memref<32x144xf32, #tpu.memory_space<vmem_shared>>
      %dma_start3A_407 = arith.constant 0 : i32
      %dma_start3A_408 = tpu.memref_slice %arg22[%add3A_32, %dma_start3A_407] : memref<10240x144xf32, #tpu.memory_space<vmem_shared>> -> memref<32x144xf32, #tpu.memory_space<vmem_shared>>
      tpu.enqueue_dma source(%arg13 : memref<32x144xf32, #tpu.memory_space<vmem>>) target(%dma_start3A_408 : memref<32x144xf32, #tpu.memory_space<vmem_shared>>) target_semaphore(%run_scoped3A : memref<!tpu.dma_semaphore, #tpu.memory_space<semaphore_mem>>)
      %dma_wait3A_409 = arith.constant 0 : i32
      %dma_wait3A_410 = tpu.memref_slice %arg22[%add3A_32, %dma_wait3A_409] : memref<10240x144xf32, #tpu.memory_space<vmem_shared>> -> memref<32x144xf32, #tpu.memory_space<vmem_shared>>
      %dma_wait3A_411 = arith.constant 0 : i32
      %dma_wait3A_412 = tpu.memref_slice %arg22[%add3A_32, %dma_wait3A_411] : memref<10240x144xf32, #tpu.memory_space<vmem_shared>> -> memref<32x144xf32, #tpu.memory_space<vmem_shared>>
      tpu.wait_dma2 semaphore(%run_scoped3A : memref<!tpu.dma_semaphore, #tpu.memory_space<semaphore_mem>>) src(%arg13 : memref<32x144xf32, #tpu.memory_space<vmem>>) dst(%dma_wait3A_412 : memref<32x144xf32, #tpu.memory_space<vmem_shared>>)
      tpu.yield
    }) : () -> ()
    %add3A_33 = arith.constant 384 : i32
    %add3A_34 = arith.addi %mul3A_8, %add3A_33 : i32
    "tpu.region"() ({
      %run_scoped3A = tpu.sem_alloc : memref<!tpu.dma_semaphore, #tpu.memory_space<semaphore_mem>>
      %dma_start3A_405 = arith.constant 0 : i32
      %dma_start3A_406 = tpu.memref_slice %arg22[%add3A_34, %dma_start3A_405] : memref<10240x144xf32, #tpu.memory_space<vmem_shared>> -> memref<32x144xf32, #tpu.memory_space<vmem_shared>>
      %dma_start3A_407 = arith.constant 0 : i32
      %dma_start3A_408 = tpu.memref_slice %arg22[%add3A_34, %dma_start3A_407] : memref<10240x144xf32, #tpu.memory_space<vmem_shared>> -> memref<32x144xf32, #tpu.memory_space<vmem_shared>>
      tpu.enqueue_dma source(%arg13 : memref<32x144xf32, #tpu.memory_space<vmem>>) target(%dma_start3A_408 : memref<32x144xf32, #tpu.memory_space<vmem_shared>>) target_semaphore(%run_scoped3A : memref<!tpu.dma_semaphore, #tpu.memory_space<semaphore_mem>>)
      %dma_wait3A_409 = arith.constant 0 : i32
      %dma_wait3A_410 = tpu.memref_slice %arg22[%add3A_34, %dma_wait3A_409] : memref<10240x144xf32, #tpu.memory_space<vmem_shared>> -> memref<32x144xf32, #tpu.memory_space<vmem_shared>>
      %dma_wait3A_411 = arith.constant 0 : i32
      %dma_wait3A_412 = tpu.memref_slice %arg22[%add3A_34, %dma_wait3A_411] : memref<10240x144xf32, #tpu.memory_space<vmem_shared>> -> memref<32x144xf32, #tpu.memory_space<vmem_shared>>
      tpu.wait_dma2 semaphore(%run_scoped3A : memref<!tpu.dma_semaphore, #tpu.memory_space<semaphore_mem>>) src(%arg13 : memref<32x144xf32, #tpu.memory_space<vmem>>) dst(%dma_wait3A_412 : memref<32x144xf32, #tpu.memory_space<vmem_shared>>)
      tpu.yield
    }) : () -> ()
    %add3A_35 = arith.constant 416 : i32
    %add3A_36 = arith.addi %mul3A_8, %add3A_35 : i32
    "tpu.region"() ({
      %run_scoped3A = tpu.sem_alloc : memref<!tpu.dma_semaphore, #tpu.memory_space<semaphore_mem>>
      %dma_start3A_405 = arith.constant 0 : i32
      %dma_start3A_406 = tpu.memref_slice %arg22[%add3A_36, %dma_start3A_405] : memref<10240x144xf32, #tpu.memory_space<vmem_shared>> -> memref<32x144xf32, #tpu.memory_space<vmem_shared>>
      %dma_start3A_407 = arith.constant 0 : i32
      %dma_start3A_408 = tpu.memref_slice %arg22[%add3A_36, %dma_start3A_407] : memref<10240x144xf32, #tpu.memory_space<vmem_shared>> -> memref<32x144xf32, #tpu.memory_space<vmem_shared>>
      tpu.enqueue_dma source(%arg13 : memref<32x144xf32, #tpu.memory_space<vmem>>) target(%dma_start3A_408 : memref<32x144xf32, #tpu.memory_space<vmem_shared>>) target_semaphore(%run_scoped3A : memref<!tpu.dma_semaphore, #tpu.memory_space<semaphore_mem>>)
      %dma_wait3A_409 = arith.constant 0 : i32
      %dma_wait3A_410 = tpu.memref_slice %arg22[%add3A_36, %dma_wait3A_409] : memref<10240x144xf32, #tpu.memory_space<vmem_shared>> -> memref<32x144xf32, #tpu.memory_space<vmem_shared>>
      %dma_wait3A_411 = arith.constant 0 : i32
      %dma_wait3A_412 = tpu.memref_slice %arg22[%add3A_36, %dma_wait3A_411] : memref<10240x144xf32, #tpu.memory_space<vmem_shared>> -> memref<32x144xf32, #tpu.memory_space<vmem_shared>>
      tpu.wait_dma2 semaphore(%run_scoped3A : memref<!tpu.dma_semaphore, #tpu.memory_space<semaphore_mem>>) src(%arg13 : memref<32x144xf32, #tpu.memory_space<vmem>>) dst(%dma_wait3A_412 : memref<32x144xf32, #tpu.memory_space<vmem_shared>>)
      tpu.yield
    }) : () -> ()
    %add3A_37 = arith.constant 448 : i32
    %add3A_38 = arith.addi %mul3A_8, %add3A_37 : i32
    "tpu.region"() ({
      %run_scoped3A = tpu.sem_alloc : memref<!tpu.dma_semaphore, #tpu.memory_space<semaphore_mem>>
      %dma_start3A_405 = arith.constant 0 : i32
      %dma_start3A_406 = tpu.memref_slice %arg22[%add3A_38, %dma_start3A_405] : memref<10240x144xf32, #tpu.memory_space<vmem_shared>> -> memref<32x144xf32, #tpu.memory_space<vmem_shared>>
      %dma_start3A_407 = arith.constant 0 : i32
      %dma_start3A_408 = tpu.memref_slice %arg22[%add3A_38, %dma_start3A_407] : memref<10240x144xf32, #tpu.memory_space<vmem_shared>> -> memref<32x144xf32, #tpu.memory_space<vmem_shared>>
      tpu.enqueue_dma source(%arg13 : memref<32x144xf32, #tpu.memory_space<vmem>>) target(%dma_start3A_408 : memref<32x144xf32, #tpu.memory_space<vmem_shared>>) target_semaphore(%run_scoped3A : memref<!tpu.dma_semaphore, #tpu.memory_space<semaphore_mem>>)
      %dma_wait3A_409 = arith.constant 0 : i32
      %dma_wait3A_410 = tpu.memref_slice %arg22[%add3A_38, %dma_wait3A_409] : memref<10240x144xf32, #tpu.memory_space<vmem_shared>> -> memref<32x144xf32, #tpu.memory_space<vmem_shared>>
      %dma_wait3A_411 = arith.constant 0 : i32
      %dma_wait3A_412 = tpu.memref_slice %arg22[%add3A_38, %dma_wait3A_411] : memref<10240x144xf32, #tpu.memory_space<vmem_shared>> -> memref<32x144xf32, #tpu.memory_space<vmem_shared>>
      tpu.wait_dma2 semaphore(%run_scoped3A : memref<!tpu.dma_semaphore, #tpu.memory_space<semaphore_mem>>) src(%arg13 : memref<32x144xf32, #tpu.memory_space<vmem>>) dst(%dma_wait3A_412 : memref<32x144xf32, #tpu.memory_space<vmem_shared>>)
      tpu.yield
    }) : () -> ()
    %add3A_39 = arith.constant 480 : i32
    %add3A_40 = arith.addi %mul3A_8, %add3A_39 : i32
    "tpu.region"() ({
      %run_scoped3A = tpu.sem_alloc : memref<!tpu.dma_semaphore, #tpu.memory_space<semaphore_mem>>
      %dma_start3A_405 = arith.constant 0 : i32
      %dma_start3A_406 = tpu.memref_slice %arg22[%add3A_40, %dma_start3A_405] : memref<10240x144xf32, #tpu.memory_space<vmem_shared>> -> memref<32x144xf32, #tpu.memory_space<vmem_shared>>
      %dma_start3A_407 = arith.constant 0 : i32
      %dma_start3A_408 = tpu.memref_slice %arg22[%add3A_40, %dma_start3A_407] : memref<10240x144xf32, #tpu.memory_space<vmem_shared>> -> memref<32x144xf32, #tpu.memory_space<vmem_shared>>
      tpu.enqueue_dma source(%arg13 : memref<32x144xf32, #tpu.memory_space<vmem>>) target(%dma_start3A_408 : memref<32x144xf32, #tpu.memory_space<vmem_shared>>) target_semaphore(%run_scoped3A : memref<!tpu.dma_semaphore, #tpu.memory_space<semaphore_mem>>)
      %dma_wait3A_409 = arith.constant 0 : i32
      %dma_wait3A_410 = tpu.memref_slice %arg22[%add3A_40, %dma_wait3A_409] : memref<10240x144xf32, #tpu.memory_space<vmem_shared>> -> memref<32x144xf32, #tpu.memory_space<vmem_shared>>
      %dma_wait3A_411 = arith.constant 0 : i32
      %dma_wait3A_412 = tpu.memref_slice %arg22[%add3A_40, %dma_wait3A_411] : memref<10240x144xf32, #tpu.memory_space<vmem_shared>> -> memref<32x144xf32, #tpu.memory_space<vmem_shared>>
      tpu.wait_dma2 semaphore(%run_scoped3A : memref<!tpu.dma_semaphore, #tpu.memory_space<semaphore_mem>>) src(%arg13 : memref<32x144xf32, #tpu.memory_space<vmem>>) dst(%dma_wait3A_412 : memref<32x144xf32, #tpu.memory_space<vmem_shared>>)
      tpu.yield
    }) : () -> ()
    %add3A_41 = arith.constant 512 : i32
    %add3A_42 = arith.addi %mul3A_8, %add3A_41 : i32
    "tpu.region"() ({
      %run_scoped3A = tpu.sem_alloc : memref<!tpu.dma_semaphore, #tpu.memory_space<semaphore_mem>>
      %dma_start3A_405 = arith.constant 0 : i32
      %dma_start3A_406 = tpu.memref_slice %arg22[%add3A_42, %dma_start3A_405] : memref<10240x144xf32, #tpu.memory_space<vmem_shared>> -> memref<32x144xf32, #tpu.memory_space<vmem_shared>>
      %dma_start3A_407 = arith.constant 0 : i32
      %dma_start3A_408 = tpu.memref_slice %arg22[%add3A_42, %dma_start3A_407] : memref<10240x144xf32, #tpu.memory_space<vmem_shared>> -> memref<32x144xf32, #tpu.memory_space<vmem_shared>>
      tpu.enqueue_dma source(%arg13 : memref<32x144xf32, #tpu.memory_space<vmem>>) target(%dma_start3A_408 : memref<32x144xf32, #tpu.memory_space<vmem_shared>>) target_semaphore(%run_scoped3A : memref<!tpu.dma_semaphore, #tpu.memory_space<semaphore_mem>>)
      %dma_wait3A_409 = arith.constant 0 : i32
      %dma_wait3A_410 = tpu.memref_slice %arg22[%add3A_42, %dma_wait3A_409] : memref<10240x144xf32, #tpu.memory_space<vmem_shared>> -> memref<32x144xf32, #tpu.memory_space<vmem_shared>>
      %dma_wait3A_411 = arith.constant 0 : i32
      %dma_wait3A_412 = tpu.memref_slice %arg22[%add3A_42, %dma_wait3A_411] : memref<10240x144xf32, #tpu.memory_space<vmem_shared>> -> memref<32x144xf32, #tpu.memory_space<vmem_shared>>
      tpu.wait_dma2 semaphore(%run_scoped3A : memref<!tpu.dma_semaphore, #tpu.memory_space<semaphore_mem>>) src(%arg13 : memref<32x144xf32, #tpu.memory_space<vmem>>) dst(%dma_wait3A_412 : memref<32x144xf32, #tpu.memory_space<vmem_shared>>)
      tpu.yield
    }) : () -> ()
    %add3A_43 = arith.constant 544 : i32
    %add3A_44 = arith.addi %mul3A_8, %add3A_43 : i32
    "tpu.region"() ({
      %run_scoped3A = tpu.sem_alloc : memref<!tpu.dma_semaphore, #tpu.memory_space<semaphore_mem>>
      %dma_start3A_405 = arith.constant 0 : i32
      %dma_start3A_406 = tpu.memref_slice %arg22[%add3A_44, %dma_start3A_405] : memref<10240x144xf32, #tpu.memory_space<vmem_shared>> -> memref<32x144xf32, #tpu.memory_space<vmem_shared>>
      %dma_start3A_407 = arith.constant 0 : i32
      %dma_start3A_408 = tpu.memref_slice %arg22[%add3A_44, %dma_start3A_407] : memref<10240x144xf32, #tpu.memory_space<vmem_shared>> -> memref<32x144xf32, #tpu.memory_space<vmem_shared>>
      tpu.enqueue_dma source(%arg13 : memref<32x144xf32, #tpu.memory_space<vmem>>) target(%dma_start3A_408 : memref<32x144xf32, #tpu.memory_space<vmem_shared>>) target_semaphore(%run_scoped3A : memref<!tpu.dma_semaphore, #tpu.memory_space<semaphore_mem>>)
      %dma_wait3A_409 = arith.constant 0 : i32
      %dma_wait3A_410 = tpu.memref_slice %arg22[%add3A_44, %dma_wait3A_409] : memref<10240x144xf32, #tpu.memory_space<vmem_shared>> -> memref<32x144xf32, #tpu.memory_space<vmem_shared>>
      %dma_wait3A_411 = arith.constant 0 : i32
      %dma_wait3A_412 = tpu.memref_slice %arg22[%add3A_44, %dma_wait3A_411] : memref<10240x144xf32, #tpu.memory_space<vmem_shared>> -> memref<32x144xf32, #tpu.memory_space<vmem_shared>>
      tpu.wait_dma2 semaphore(%run_scoped3A : memref<!tpu.dma_semaphore, #tpu.memory_space<semaphore_mem>>) src(%arg13 : memref<32x144xf32, #tpu.memory_space<vmem>>) dst(%dma_wait3A_412 : memref<32x144xf32, #tpu.memory_space<vmem_shared>>)
      tpu.yield
    }) : () -> ()
    %add3A_45 = arith.constant 576 : i32
    %add3A_46 = arith.addi %mul3A_8, %add3A_45 : i32
    "tpu.region"() ({
      %run_scoped3A = tpu.sem_alloc : memref<!tpu.dma_semaphore, #tpu.memory_space<semaphore_mem>>
      %dma_start3A_405 = arith.constant 0 : i32
      %dma_start3A_406 = tpu.memref_slice %arg22[%add3A_46, %dma_start3A_405] : memref<10240x144xf32, #tpu.memory_space<vmem_shared>> -> memref<32x144xf32, #tpu.memory_space<vmem_shared>>
      %dma_start3A_407 = arith.constant 0 : i32
      %dma_start3A_408 = tpu.memref_slice %arg22[%add3A_46, %dma_start3A_407] : memref<10240x144xf32, #tpu.memory_space<vmem_shared>> -> memref<32x144xf32, #tpu.memory_space<vmem_shared>>
      tpu.enqueue_dma source(%arg13 : memref<32x144xf32, #tpu.memory_space<vmem>>) target(%dma_start3A_408 : memref<32x144xf32, #tpu.memory_space<vmem_shared>>) target_semaphore(%run_scoped3A : memref<!tpu.dma_semaphore, #tpu.memory_space<semaphore_mem>>)
      %dma_wait3A_409 = arith.constant 0 : i32
      %dma_wait3A_410 = tpu.memref_slice %arg22[%add3A_46, %dma_wait3A_409] : memref<10240x144xf32, #tpu.memory_space<vmem_shared>> -> memref<32x144xf32, #tpu.memory_space<vmem_shared>>
      %dma_wait3A_411 = arith.constant 0 : i32
      %dma_wait3A_412 = tpu.memref_slice %arg22[%add3A_46, %dma_wait3A_411] : memref<10240x144xf32, #tpu.memory_space<vmem_shared>> -> memref<32x144xf32, #tpu.memory_space<vmem_shared>>
      tpu.wait_dma2 semaphore(%run_scoped3A : memref<!tpu.dma_semaphore, #tpu.memory_space<semaphore_mem>>) src(%arg13 : memref<32x144xf32, #tpu.memory_space<vmem>>) dst(%dma_wait3A_412 : memref<32x144xf32, #tpu.memory_space<vmem_shared>>)
      tpu.yield
    }) : () -> ()
    %add3A_47 = arith.constant 608 : i32
    %add3A_48 = arith.addi %mul3A_8, %add3A_47 : i32
    "tpu.region"() ({
      %run_scoped3A = tpu.sem_alloc : memref<!tpu.dma_semaphore, #tpu.memory_space<semaphore_mem>>
      %dma_start3A_405 = arith.constant 0 : i32
      %dma_start3A_406 = tpu.memref_slice %arg22[%add3A_48, %dma_start3A_405] : memref<10240x144xf32, #tpu.memory_space<vmem_shared>> -> memref<32x144xf32, #tpu.memory_space<vmem_shared>>
      %dma_start3A_407 = arith.constant 0 : i32
      %dma_start3A_408 = tpu.memref_slice %arg22[%add3A_48, %dma_start3A_407] : memref<10240x144xf32, #tpu.memory_space<vmem_shared>> -> memref<32x144xf32, #tpu.memory_space<vmem_shared>>
      tpu.enqueue_dma source(%arg13 : memref<32x144xf32, #tpu.memory_space<vmem>>) target(%dma_start3A_408 : memref<32x144xf32, #tpu.memory_space<vmem_shared>>) target_semaphore(%run_scoped3A : memref<!tpu.dma_semaphore, #tpu.memory_space<semaphore_mem>>)
      %dma_wait3A_409 = arith.constant 0 : i32
      %dma_wait3A_410 = tpu.memref_slice %arg22[%add3A_48, %dma_wait3A_409] : memref<10240x144xf32, #tpu.memory_space<vmem_shared>> -> memref<32x144xf32, #tpu.memory_space<vmem_shared>>
      %dma_wait3A_411 = arith.constant 0 : i32
      %dma_wait3A_412 = tpu.memref_slice %arg22[%add3A_48, %dma_wait3A_411] : memref<10240x144xf32, #tpu.memory_space<vmem_shared>> -> memref<32x144xf32, #tpu.memory_space<vmem_shared>>
      tpu.wait_dma2 semaphore(%run_scoped3A : memref<!tpu.dma_semaphore, #tpu.memory_space<semaphore_mem>>) src(%arg13 : memref<32x144xf32, #tpu.memory_space<vmem>>) dst(%dma_wait3A_412 : memref<32x144xf32, #tpu.memory_space<vmem_shared>>)
      tpu.yield
    }) : () -> ()
    %barrier3A = arith.constant 0 : index
    tpu.barrier barrier_id(%barrier3A)
    %add3A_49 = arith.constant 0 : i32
    %add3A_50 = arith.addi %mul3A_2, %add3A_49 : i32
    %dma_start3A = tpu.memref_slice %arg3[%add3A_50] : memref<321536xi32, #tpu.memory_space<hbm>> -> memref<32xi32, #tpu.memory_space<hbm>>
    %dma_start3A_51 = tpu.memref_slice %arg3[%add3A_50] : memref<321536xi32, #tpu.memory_space<hbm>> -> memref<32xi32, #tpu.memory_space<hbm>>
    tpu.enqueue_dma source(%dma_start3A_51 : memref<32xi32, #tpu.memory_space<hbm>>) target(%arg7 : memref<32xi32, #tpu.memory_space<vmem>>) target_semaphore(%arg23 : memref<!tpu.dma_semaphore, #tpu.memory_space<semaphore_mem>>)
    %dma_start3A_52 = tpu.memref_slice %arg4[%add3A_50] : memref<321536xi32, #tpu.memory_space<hbm>> -> memref<32xi32, #tpu.memory_space<hbm>>
    %dma_start3A_53 = tpu.memref_slice %arg4[%add3A_50] : memref<321536xi32, #tpu.memory_space<hbm>> -> memref<32xi32, #tpu.memory_space<hbm>>
    tpu.enqueue_dma source(%dma_start3A_53 : memref<32xi32, #tpu.memory_space<hbm>>) target(%arg9 : memref<32xi32, #tpu.memory_space<vmem>>) target_semaphore(%arg23 : memref<!tpu.dma_semaphore, #tpu.memory_space<semaphore_mem>>)
    %add3A_54 = arith.constant 0 : i32
    %add3A_55 = arith.addi %mul3A_2, %add3A_54 : i32
    %dma_wait3A = tpu.memref_slice %arg3[%add3A_55] : memref<321536xi32, #tpu.memory_space<hbm>> -> memref<32xi32, #tpu.memory_space<hbm>>
    %dma_wait3A_56 = tpu.memref_slice %arg3[%add3A_55] : memref<321536xi32, #tpu.memory_space<hbm>> -> memref<32xi32, #tpu.memory_space<hbm>>
    tpu.wait_dma2 semaphore(%arg23 : memref<!tpu.dma_semaphore, #tpu.memory_space<semaphore_mem>>) src(%dma_wait3A_56 : memref<32xi32, #tpu.memory_space<hbm>>) dst(%arg7 : memref<32xi32, #tpu.memory_space<vmem>>)
    %dma_wait3A_57 = tpu.memref_slice %arg4[%add3A_55] : memref<321536xi32, #tpu.memory_space<hbm>> -> memref<32xi32, #tpu.memory_space<hbm>>
    %dma_wait3A_58 = tpu.memref_slice %arg4[%add3A_55] : memref<321536xi32, #tpu.memory_space<hbm>> -> memref<32xi32, #tpu.memory_space<hbm>>
    tpu.wait_dma2 semaphore(%arg23 : memref<!tpu.dma_semaphore, #tpu.memory_space<semaphore_mem>>) src(%dma_wait3A_58 : memref<32xi32, #tpu.memory_space<hbm>>) dst(%arg9 : memref<32xi32, #tpu.memory_space<vmem>>)
    %get3A = arith.constant 0 : index
    %get3A_59 = tpu.vector_load %arg7[%get3A] {strides = array<i32>} : memref<32xi32, #tpu.memory_space<vmem>>, vector<16xi32>,
    %get3A_60 = arith.constant 0 : index
    %get3A_61 = tpu.vector_load %arg9[%get3A_60] {strides = array<i32>} : memref<32xi32, #tpu.memory_space<vmem>>, vector<16xi32>,
    %add3A_62 = arith.constant 0 : i32
    %add3A_63 = vector.broadcast %add3A_62 : i32 to vector<16xi32>
    %add3A_64 = arith.addi %get3A_59, %add3A_63 : vector<16xi32>
    %swap3A = arith.constant 0 : index
    %swap3A_65 = tpu.vector_load %arg16[%swap3A] {strides = array<i32>} : memref<32xi32, #tpu.memory_space<vmem>>, vector<16xi32>,
    tpu.vector_store %arg16[%swap3A], %add3A_64 {strides = array<i32>} : memref<32xi32, #tpu.memory_space<vmem>>, vector<16xi32>,
    %mul3A_66 = arith.constant 3 : i32
    %mul3A_67 = vector.broadcast %mul3A_66 : i32 to vector<16xi32>
    %mul3A_68 = arith.muli %get3A_61, %mul3A_67 : vector<16xi32>
    %add3A_69 = arith.constant 0 : i32
    %add3A_70 = vector.broadcast %add3A_69 : i32 to vector<16xi32>
    %add3A_71 = arith.addi %mul3A_68, %add3A_70 : vector<16xi32>
    %swap3A_72 = arith.constant 0 : index
    %swap3A_73 = tpu.vector_load %arg20[%swap3A_72] {strides = array<i32>} : memref<32xi32, #tpu.memory_space<vmem>>, vector<16xi32>,
    tpu.vector_store %arg20[%swap3A_72], %add3A_71 {strides = array<i32>} : memref<32xi32, #tpu.memory_space<vmem>>, vector<16xi32>,
    %swap3A_74 = arith.constant 0 : index
    %swap3A_75 = tpu.vector_load %arg11[%swap3A_74] {strides = array<i32>} : memref<32xi32, #tpu.memory_space<vmem>>, vector<16xi32>,
    tpu.vector_store %arg11[%swap3A_74], %get3A_61 {strides = array<i32>} : memref<32xi32, #tpu.memory_space<vmem>>, vector<16xi32>,
    %get3A_76 = arith.constant 16 : index
    %get3A_77 = tpu.vector_load %arg7[%get3A_76] {strides = array<i32>} : memref<32xi32, #tpu.memory_space<vmem>>, vector<16xi32>,
    %get3A_78 = arith.constant 16 : index
    %get3A_79 = tpu.vector_load %arg9[%get3A_78] {strides = array<i32>} : memref<32xi32, #tpu.memory_space<vmem>>, vector<16xi32>,
    %add3A_80 = arith.constant 0 : i32
    %add3A_81 = vector.broadcast %add3A_80 : i32 to vector<16xi32>
    %add3A_82 = arith.addi %get3A_77, %add3A_81 : vector<16xi32>
    %swap3A_83 = arith.constant 16 : index
    %swap3A_84 = tpu.vector_load %arg16[%swap3A_83] {strides = array<i32>} : memref<32xi32, #tpu.memory_space<vmem>>, vector<16xi32>,
    tpu.vector_store %arg16[%swap3A_83], %add3A_82 {strides = array<i32>} : memref<32xi32, #tpu.memory_space<vmem>>, vector<16xi32>,
    %mul3A_85 = arith.constant 3 : i32
    %mul3A_86 = vector.broadcast %mul3A_85 : i32 to vector<16xi32>
    %mul3A_87 = arith.muli %get3A_79, %mul3A_86 : vector<16xi32>
    %add3A_88 = arith.constant 0 : i32
    %add3A_89 = vector.broadcast %add3A_88 : i32 to vector<16xi32>
    %add3A_90 = arith.addi %mul3A_87, %add3A_89 : vector<16xi32>
    %swap3A_91 = arith.constant 16 : index
    %swap3A_92 = tpu.vector_load %arg20[%swap3A_91] {strides = array<i32>} : memref<32xi32, #tpu.memory_space<vmem>>, vector<16xi32>,
    tpu.vector_store %arg20[%swap3A_91], %add3A_90 {strides = array<i32>} : memref<32xi32, #tpu.memory_space<vmem>>, vector<16xi32>,
    %swap3A_93 = arith.constant 16 : index
    %swap3A_94 = tpu.vector_load %arg11[%swap3A_93] {strides = array<i32>} : memref<32xi32, #tpu.memory_space<vmem>>, vector<16xi32>,
    tpu.vector_store %arg11[%swap3A_93], %get3A_79 {strides = array<i32>} : memref<32xi32, #tpu.memory_space<vmem>>, vector<16xi32>,
    %dma_start3A_95 = arith.constant 0 : i32
    %dma_start3A_96 = arith.constant 0 : i32
    %dma_start3A_97 = tpu.memref_slice %arg2[%dma_start3A_95, %dma_start3A_96] : memref<30000x144xf32, #tpu.memory_space<hbm>> -> memref<30000x144xf32, #tpu.memory_space<hbm>>
    tpu.enqueue_indirect_dma source(%dma_start3A_97 : memref<30000x144xf32, #tpu.memory_space<hbm>>) target(%arg13 : memref<32x144xf32, #tpu.memory_space<vmem>>) offsets(%arg16 : memref<32xi32, #tpu.memory_space<vmem>>) semaphore(%arg25 : memref<!tpu.dma_semaphore, #tpu.memory_space<semaphore_mem>>)
    %dma_start3A_98 = arith.constant 0 : i32
    %dma_start3A_99 = tpu.memref_slice %arg5[%dma_start3A_98] : memref<30000xf32, #tpu.memory_space<hbm>> -> memref<30000xf32, #tpu.memory_space<hbm>>
    tpu.enqueue_indirect_dma source(%dma_start3A_99 : memref<30000xf32, #tpu.memory_space<hbm>>) target(%arg18 : memref<32xf32, #tpu.memory_space<vmem>>) offsets(%arg20 : memref<32xi32, #tpu.memory_space<vmem>>) semaphore(%arg27 : memref<!tpu.dma_semaphore, #tpu.memory_space<semaphore_mem>>)
    %add3A_100 = arith.constant 32 : i32
    %add3A_101 = arith.addi %mul3A_2, %add3A_100 : i32
    %dma_start3A_102 = tpu.memref_slice %arg3[%add3A_101] : memref<321536xi32, #tpu.memory_space<hbm>> -> memref<32xi32, #tpu.memory_space<hbm>>
    %dma_start3A_103 = tpu.memref_slice %arg3[%add3A_101] : memref<321536xi32, #tpu.memory_space<hbm>> -> memref<32xi32, #tpu.memory_space<hbm>>
    tpu.enqueue_dma source(%dma_start3A_103 : memref<32xi32, #tpu.memory_space<hbm>>) target(%arg8 : memref<32xi32, #tpu.memory_space<vmem>>) target_semaphore(%arg24 : memref<!tpu.dma_semaphore, #tpu.memory_space<semaphore_mem>>)
    %dma_start3A_104 = tpu.memref_slice %arg4[%add3A_101] : memref<321536xi32, #tpu.memory_space<hbm>> -> memref<32xi32, #tpu.memory_space<hbm>>
    %dma_start3A_105 = tpu.memref_slice %arg4[%add3A_101] : memref<321536xi32, #tpu.memory_space<hbm>> -> memref<32xi32, #tpu.memory_space<hbm>>
    tpu.enqueue_dma source(%dma_start3A_105 : memref<32xi32, #tpu.memory_space<hbm>>) target(%arg10 : memref<32xi32, #tpu.memory_space<vmem>>) target_semaphore(%arg24 : memref<!tpu.dma_semaphore, #tpu.memory_space<semaphore_mem>>)
    %scan3A_106 = arith.constant 0 : i32
    %scan3A_107 = arith.constant 157 : i32
    %scan3A_108 = arith.addi %scan3A_106, %scan3A_107 : i32
    %scan3A_109 = arith.constant 1 : i32
    scf.for %scan3A_405 = %scan3A_106 to %scan3A_108 step %scan3A_109  : i32 {
      %mul3A_406 = arith.constant 1 : i32
      %mul3A_407 = arith.muli %scan3A_405, %mul3A_406 : i32
      %add3A_408 = arith.constant 0 : i32
      %add3A_409 = arith.addi %add3A_408, %mul3A_407 : i32
      %mul3A_410 = arith.constant 2 : i32
      %mul3A_411 = arith.muli %add3A_409, %mul3A_410 : i32
      %add3A_412 = arith.constant 1 : i32
      %add3A_413 = arith.addi %mul3A_411, %add3A_412 : i32
      %mul3A_414 = arith.constant 32 : i32
      %mul3A_415 = arith.muli %add3A_413, %mul3A_414 : i32
      %add3A_416 = arith.addi %mul3A_2, %mul3A_415 : i32
      %dma_wait3A_417 = tpu.memref_slice %arg3[%add3A_416] : memref<321536xi32, #tpu.memory_space<hbm>> -> memref<32xi32, #tpu.memory_space<hbm>>
      %dma_wait3A_418 = tpu.memref_slice %arg3[%add3A_416] : memref<321536xi32, #tpu.memory_space<hbm>> -> memref<32xi32, #tpu.memory_space<hbm>>
      tpu.wait_dma2 semaphore(%arg24 : memref<!tpu.dma_semaphore, #tpu.memory_space<semaphore_mem>>) src(%dma_wait3A_418 : memref<32xi32, #tpu.memory_space<hbm>>) dst(%arg8 : memref<32xi32, #tpu.memory_space<vmem>>)
      %dma_wait3A_419 = tpu.memref_slice %arg4[%add3A_416] : memref<321536xi32, #tpu.memory_space<hbm>> -> memref<32xi32, #tpu.memory_space<hbm>>
      %dma_wait3A_420 = tpu.memref_slice %arg4[%add3A_416] : memref<321536xi32, #tpu.memory_space<hbm>> -> memref<32xi32, #tpu.memory_space<hbm>>
      tpu.wait_dma2 semaphore(%arg24 : memref<!tpu.dma_semaphore, #tpu.memory_space<semaphore_mem>>) src(%dma_wait3A_420 : memref<32xi32, #tpu.memory_space<hbm>>) dst(%arg10 : memref<32xi32, #tpu.memory_space<vmem>>)
      %ge3A = arith.constant 1 : i32
      %ge3A_421 = arith.cmpi sge, %mul3A_411, %ge3A : i32
      %convert_element_type3A = arith.extui %ge3A_421 : i1 to i32
      %cond3A = arith.constant 0 : i32
      %cond3A_422 = arith.cmpi ne, %convert_element_type3A, %cond3A : i32
      scf.if %cond3A_422 {
        %dma_wait3A_635 = arith.constant 0 : i32
        %dma_wait3A_636 = arith.constant 0 : i32
        %dma_wait3A_637 = tpu.memref_slice %arg22[%dma_wait3A_635, %dma_wait3A_636] : memref<10240x144xf32, #tpu.memory_space<vmem_shared>> -> memref<10240x144xf32, #tpu.memory_space<vmem_shared>>
        tpu.wait_indirect_dma semaphore(%arg30 : memref<!tpu.dma_semaphore, #tpu.memory_space<semaphore_mem>>) src(%arg14 : memref<32x144xf32, #tpu.memory_space<vmem>>) dst(%dma_wait3A_637 : memref<10240x144xf32, #tpu.memory_space<vmem_shared>>)
      } else {
      }
      %get3A_423 = arith.constant 0 : index
      %get3A_424 = tpu.vector_load %arg8[%get3A_423] {strides = array<i32>} : memref<32xi32, #tpu.memory_space<vmem>>, vector<16xi32>,
      %get3A_425 = arith.constant 0 : index
      %get3A_426 = tpu.vector_load %arg10[%get3A_425] {strides = array<i32>} : memref<32xi32, #tpu.memory_space<vmem>>, vector<16xi32>,
      %add3A_427 = arith.constant 0 : i32
      %add3A_428 = vector.broadcast %add3A_427 : i32 to vector<16xi32>
      %add3A_429 = arith.addi %get3A_424, %add3A_428 : vector<16xi32>
      %swap3A_430 = arith.constant 0 : index
      %swap3A_431 = tpu.vector_load %arg17[%swap3A_430] {strides = array<i32>} : memref<32xi32, #tpu.memory_space<vmem>>, vector<16xi32>,
      tpu.vector_store %arg17[%swap3A_430], %add3A_429 {strides = array<i32>} : memref<32xi32, #tpu.memory_space<vmem>>, vector<16xi32>,
      %mul3A_432 = arith.constant 3 : i32
      %mul3A_433 = vector.broadcast %mul3A_432 : i32 to vector<16xi32>
      %mul3A_434 = arith.muli %get3A_426, %mul3A_433 : vector<16xi32>
      %add3A_435 = arith.constant 0 : i32
      %add3A_436 = vector.broadcast %add3A_435 : i32 to vector<16xi32>
      %add3A_437 = arith.addi %mul3A_434, %add3A_436 : vector<16xi32>
      %swap3A_438 = arith.constant 0 : index
      %swap3A_439 = tpu.vector_load %arg21[%swap3A_438] {strides = array<i32>} : memref<32xi32, #tpu.memory_space<vmem>>, vector<16xi32>,
      tpu.vector_store %arg21[%swap3A_438], %add3A_437 {strides = array<i32>} : memref<32xi32, #tpu.memory_space<vmem>>, vector<16xi32>,
      %swap3A_440 = arith.constant 0 : index
      %swap3A_441 = tpu.vector_load %arg12[%swap3A_440] {strides = array<i32>} : memref<32xi32, #tpu.memory_space<vmem>>, vector<16xi32>,
      tpu.vector_store %arg12[%swap3A_440], %get3A_426 {strides = array<i32>} : memref<32xi32, #tpu.memory_space<vmem>>, vector<16xi32>,
      %get3A_442 = arith.constant 16 : index
      %get3A_443 = tpu.vector_load %arg8[%get3A_442] {strides = array<i32>} : memref<32xi32, #tpu.memory_space<vmem>>, vector<16xi32>,
      %get3A_444 = arith.constant 16 : index
      %get3A_445 = tpu.vector_load %arg10[%get3A_444] {strides = array<i32>} : memref<32xi32, #tpu.memory_space<vmem>>, vector<16xi32>,
      %add3A_446 = arith.constant 0 : i32
      %add3A_447 = vector.broadcast %add3A_446 : i32 to vector<16xi32>
      %add3A_448 = arith.addi %get3A_443, %add3A_447 : vector<16xi32>
      %swap3A_449 = arith.constant 16 : index
      %swap3A_450 = tpu.vector_load %arg17[%swap3A_449] {strides = array<i32>} : memref<32xi32, #tpu.memory_space<vmem>>, vector<16xi32>,
      tpu.vector_store %arg17[%swap3A_449], %add3A_448 {strides = array<i32>} : memref<32xi32, #tpu.memory_space<vmem>>, vector<16xi32>,
      %mul3A_451 = arith.constant 3 : i32
      %mul3A_452 = vector.broadcast %mul3A_451 : i32 to vector<16xi32>
      %mul3A_453 = arith.muli %get3A_445, %mul3A_452 : vector<16xi32>
      %add3A_454 = arith.constant 0 : i32
      %add3A_455 = vector.broadcast %add3A_454 : i32 to vector<16xi32>
      %add3A_456 = arith.addi %mul3A_453, %add3A_455 : vector<16xi32>
      %swap3A_457 = arith.constant 16 : index
      %swap3A_458 = tpu.vector_load %arg21[%swap3A_457] {strides = array<i32>} : memref<32xi32, #tpu.memory_space<vmem>>, vector<16xi32>,
      tpu.vector_store %arg21[%swap3A_457], %add3A_456 {strides = array<i32>} : memref<32xi32, #tpu.memory_space<vmem>>, vector<16xi32>,
      %swap3A_459 = arith.constant 16 : index
      %swap3A_460 = tpu.vector_load %arg12[%swap3A_459] {strides = array<i32>} : memref<32xi32, #tpu.memory_space<vmem>>, vector<16xi32>,
      tpu.vector_store %arg12[%swap3A_459], %get3A_445 {strides = array<i32>} : memref<32xi32, #tpu.memory_space<vmem>>, vector<16xi32>,
      %dma_start3A_461 = arith.constant 0 : i32
      %dma_start3A_462 = arith.constant 0 : i32
      %dma_start3A_463 = tpu.memref_slice %arg2[%dma_start3A_461, %dma_start3A_462] : memref<30000x144xf32, #tpu.memory_space<hbm>> -> memref<30000x144xf32, #tpu.memory_space<hbm>>
      tpu.enqueue_indirect_dma source(%dma_start3A_463 : memref<30000x144xf32, #tpu.memory_space<hbm>>) target(%arg14 : memref<32x144xf32, #tpu.memory_space<vmem>>) offsets(%arg17 : memref<32xi32, #tpu.memory_space<vmem>>) semaphore(%arg26 : memref<!tpu.dma_semaphore, #tpu.memory_space<semaphore_mem>>)
      %dma_start3A_464 = arith.constant 0 : i32
      %dma_start3A_465 = tpu.memref_slice %arg5[%dma_start3A_464] : memref<30000xf32, #tpu.memory_space<hbm>> -> memref<30000xf32, #tpu.memory_space<hbm>>
      tpu.enqueue_indirect_dma source(%dma_start3A_465 : memref<30000xf32, #tpu.memory_space<hbm>>) target(%arg19 : memref<32xf32, #tpu.memory_space<vmem>>) offsets(%arg21 : memref<32xi32, #tpu.memory_space<vmem>>) semaphore(%arg28 : memref<!tpu.dma_semaphore, #tpu.memory_space<semaphore_mem>>)
      %add3A_466 = arith.constant 2 : i32
      %add3A_467 = arith.addi %mul3A_411, %add3A_466 : i32
      %lt3A = arith.constant 314 : i32
      %lt3A_468 = arith.cmpi slt, %add3A_467, %lt3A : i32
      %convert_element_type3A_469 = arith.extui %lt3A_468 : i1 to i32
      %cond3A_470 = arith.constant 0 : i32
      %cond3A_471 = arith.cmpi ne, %convert_element_type3A_469, %cond3A_470 : i32
      scf.if %cond3A_471 {
        %add3A_635 = arith.constant 2 : i32
        %add3A_636 = arith.addi %mul3A_411, %add3A_635 : i32
        %mul3A_637 = arith.constant 32 : i32
        %mul3A_638 = arith.muli %add3A_636, %mul3A_637 : i32
        %add3A_639 = arith.addi %mul3A_2, %mul3A_638 : i32
        %dma_start3A_640 = tpu.memref_slice %arg3[%add3A_639] : memref<321536xi32, #tpu.memory_space<hbm>> -> memref<32xi32, #tpu.memory_space<hbm>>
        %dma_start3A_641 = tpu.memref_slice %arg3[%add3A_639] : memref<321536xi32, #tpu.memory_space<hbm>> -> memref<32xi32, #tpu.memory_space<hbm>>
        tpu.enqueue_dma source(%dma_start3A_641 : memref<32xi32, #tpu.memory_space<hbm>>) target(%arg7 : memref<32xi32, #tpu.memory_space<vmem>>) target_semaphore(%arg23 : memref<!tpu.dma_semaphore, #tpu.memory_space<semaphore_mem>>)
        %dma_start3A_642 = tpu.memref_slice %arg4[%add3A_639] : memref<321536xi32, #tpu.memory_space<hbm>> -> memref<32xi32, #tpu.memory_space<hbm>>
        %dma_start3A_643 = tpu.memref_slice %arg4[%add3A_639] : memref<321536xi32, #tpu.memory_space<hbm>> -> memref<32xi32, #tpu.memory_space<hbm>>
        tpu.enqueue_dma source(%dma_start3A_643 : memref<32xi32, #tpu.memory_space<hbm>>) target(%arg9 : memref<32xi32, #tpu.memory_space<vmem>>) target_semaphore(%arg23 : memref<!tpu.dma_semaphore, #tpu.memory_space<semaphore_mem>>)
      } else {
      }
      %dma_wait3A_472 = arith.constant 0 : i32
      %dma_wait3A_473 = arith.constant 0 : i32
      %dma_wait3A_474 = tpu.memref_slice %arg2[%dma_wait3A_472, %dma_wait3A_473] : memref<30000x144xf32, #tpu.memory_space<hbm>> -> memref<30000x144xf32, #tpu.memory_space<hbm>>
      tpu.wait_indirect_dma semaphore(%arg25 : memref<!tpu.dma_semaphore, #tpu.memory_space<semaphore_mem>>) src(%dma_wait3A_474 : memref<30000x144xf32, #tpu.memory_space<hbm>>) dst(%arg13 : memref<32x144xf32, #tpu.memory_space<vmem>>)
      %dma_wait3A_475 = arith.constant 0 : i32
      %dma_wait3A_476 = tpu.memref_slice %arg5[%dma_wait3A_475] : memref<30000xf32, #tpu.memory_space<hbm>> -> memref<30000xf32, #tpu.memory_space<hbm>>
      tpu.wait_indirect_dma semaphore(%arg27 : memref<!tpu.dma_semaphore, #tpu.memory_space<semaphore_mem>>) src(%dma_wait3A_476 : memref<30000xf32, #tpu.memory_space<hbm>>) dst(%arg18 : memref<32xf32, #tpu.memory_space<vmem>>)
      %iota3A = tpu.iota {dimensions = array<i32: 0>} : vector<16xi32>
      %add3A_477 = arith.constant 0 : i32
      %add3A_478 = vector.broadcast %add3A_477 : i32 to vector<16xi32>
      %add3A_479 = arith.addi %add3A_478, %iota3A : vector<16xi32>
      %broadcast_in_dim3A = arith.constant 129 : i32
      %broadcast_in_dim3A_480 = vector.broadcast %broadcast_in_dim3A : i32 to vector<16xi32>
      %gather3A = tpu.vector_load_idx %arg13[%add3A_479, %broadcast_in_dim3A_480] : memref<32x144xf32, #tpu.memory_space<vmem>>[vector<16xi32>, vector<16xi32>], vector<16xf32>,
      %get3A_481 = arith.constant 0 : index
      %get3A_482 = tpu.vector_load %arg18[%get3A_481] {strides = array<i32>} : memref<32xf32, #tpu.memory_space<vmem>>, vector<16xf32>,
      %add3A_483 = arith.addf %gather3A, %get3A_482 : vector<16xf32>
      %ge3A_484 = arith.constant 0.000000e+00 : f32
      %ge3A_485 = vector.broadcast %ge3A_484 : f32 to vector<16xf32>
      %ge3A_486 = arith.cmpf oge, %add3A_483, %ge3A_485 : vector<16xf32>
      %mul3A_487 = arith.constant 2.000000e-01 : f32
      %mul3A_488 = vector.broadcast %mul3A_487 : f32 to vector<16xf32>
      %mul3A_489 = arith.mulf %mul3A_488, %add3A_483 : vector<16xf32>
      %select_n3A = arith.select %ge3A_486, %add3A_483, %mul3A_489 : vector<16xi1>, vector<16xf32>
      %exp3A = math.exp %select_n3A : vector<16xf32>
      %mul3A_490 = arith.constant 32 : i32
      %mul3A_491 = arith.muli %mul3A_411, %mul3A_490 : i32
      %add3A_492 = arith.constant 0 : i32
      %add3A_493 = arith.addi %mul3A_491, %add3A_492 : i32
      %iota3A_494 = tpu.iota {dimensions = array<i32: 0>} : vector<16xi32>
      %add3A_495 = vector.broadcast %add3A_493 : i32 to vector<16xi32>
      %add3A_496 = arith.addi %add3A_495, %iota3A_494 : vector<16xi32>
      %lt3A_497 = arith.constant 10000 : i32
      %lt3A_498 = vector.broadcast %lt3A_497 : i32 to vector<16xi32>
      %lt3A_499 = arith.cmpi slt, %add3A_496, %lt3A_498 : vector<16xi32>
      %jit3A = arith.constant 0.000000e+00 : f32
      %broadcast_in_dim3A_500 = vector.broadcast %jit3A : f32 to vector<16xf32>
      %select_n3A_501 = arith.select %lt3A_499, %exp3A, %broadcast_in_dim3A_500 : vector<16xi1>, vector<16xf32>
      %swap3A_502 = arith.constant 0 : index
      %swap3A_503 = tpu.vector_load %arg15[%swap3A_502] {strides = array<i32>} : memref<32xf32, #tpu.memory_space<vmem>>, vector<16xf32>,
      tpu.vector_store %arg15[%swap3A_502], %select_n3A_501 {strides = array<i32>} : memref<32xf32, #tpu.memory_space<vmem>>, vector<16xf32>,
      %iota3A_504 = tpu.iota {dimensions = array<i32: 0>} : vector<16xi32>
      %add3A_505 = arith.constant 16 : i32
      %add3A_506 = vector.broadcast %add3A_505 : i32 to vector<16xi32>
      %add3A_507 = arith.addi %add3A_506, %iota3A_504 : vector<16xi32>
      %broadcast_in_dim3A_508 = arith.constant 129 : i32
      %broadcast_in_dim3A_509 = vector.broadcast %broadcast_in_dim3A_508 : i32 to vector<16xi32>
      %gather3A_510 = tpu.vector_load_idx %arg13[%add3A_507, %broadcast_in_dim3A_509] : memref<32x144xf32, #tpu.memory_space<vmem>>[vector<16xi32>, vector<16xi32>], vector<16xf32>,
      %get3A_511 = arith.constant 16 : index
      %get3A_512 = tpu.vector_load %arg18[%get3A_511] {strides = array<i32>} : memref<32xf32, #tpu.memory_space<vmem>>, vector<16xf32>,
      %add3A_513 = arith.addf %gather3A_510, %get3A_512 : vector<16xf32>
      %ge3A_514 = arith.constant 0.000000e+00 : f32
      %ge3A_515 = vector.broadcast %ge3A_514 : f32 to vector<16xf32>
      %ge3A_516 = arith.cmpf oge, %add3A_513, %ge3A_515 : vector<16xf32>
      %mul3A_517 = arith.constant 2.000000e-01 : f32
      %mul3A_518 = vector.broadcast %mul3A_517 : f32 to vector<16xf32>
      %mul3A_519 = arith.mulf %mul3A_518, %add3A_513 : vector<16xf32>
      %select_n3A_520 = arith.select %ge3A_516, %add3A_513, %mul3A_519 : vector<16xi1>, vector<16xf32>
      %exp3A_521 = math.exp %select_n3A_520 : vector<16xf32>
      %mul3A_522 = arith.constant 32 : i32
      %mul3A_523 = arith.muli %mul3A_411, %mul3A_522 : i32
      %add3A_524 = arith.constant 16 : i32
      %add3A_525 = arith.addi %mul3A_523, %add3A_524 : i32
      %iota3A_526 = tpu.iota {dimensions = array<i32: 0>} : vector<16xi32>
      %add3A_527 = vector.broadcast %add3A_525 : i32 to vector<16xi32>
      %add3A_528 = arith.addi %add3A_527, %iota3A_526 : vector<16xi32>
      %lt3A_529 = arith.constant 10000 : i32
      %lt3A_530 = vector.broadcast %lt3A_529 : i32 to vector<16xi32>
      %lt3A_531 = arith.cmpi slt, %add3A_528, %lt3A_530 : vector<16xi32>
      %jit3A_532 = arith.constant 0.000000e+00 : f32
      %broadcast_in_dim3A_533 = vector.broadcast %jit3A_532 : f32 to vector<16xf32>
      %select_n3A_534 = arith.select %lt3A_531, %exp3A_521, %broadcast_in_dim3A_533 : vector<16xi1>, vector<16xf32>
      %swap3A_535 = arith.constant 16 : index
      %swap3A_536 = tpu.vector_load %arg15[%swap3A_535] {strides = array<i32>} : memref<32xf32, #tpu.memory_space<vmem>>, vector<16xf32>,
      tpu.vector_store %arg15[%swap3A_535], %select_n3A_534 {strides = array<i32>} : memref<32xf32, #tpu.memory_space<vmem>>, vector<16xf32>,
      %parallel_loop3A = arith.constant 0 : i32
      %parallel_loop3A_537 = arith.constant 32 : i32
      %parallel_loop3A_538 = arith.constant 1 : i32
      scf.for %parallel_loop3A_635 = %parallel_loop3A to %parallel_loop3A_537 step %parallel_loop3A_538  : i32 {
        %parallel_loop3A_636 = vector.broadcast %parallel_loop3A_635 : i32 to vector<16xi32>
        %parallel_loop3A_637 = tpu.vector_load_idx %arg15[%parallel_loop3A_636] : memref<32xf32, #tpu.memory_space<vmem>>[vector<16xi32>], vector<16xf32>,
        %parallel_loop3A_638 = arith.index_cast %parallel_loop3A_635 : i32 to index
        %parallel_loop3A_639 = arith.constant 0 : index
        %parallel_loop3A_640 = tpu.vector_load %arg13[%parallel_loop3A_638, %parallel_loop3A_639] {strides = array<i32>} : memref<32x144xf32, #tpu.memory_space<vmem>>, vector<16xf32>,
        %parallel_loop3A_641 = arith.mulf %parallel_loop3A_640, %parallel_loop3A_637 : vector<16xf32>
        %parallel_loop3A_642 = arith.index_cast %parallel_loop3A_635 : i32 to index
        %parallel_loop3A_643 = arith.constant 0 : index
        %parallel_loop3A_644 = tpu.vector_load %arg13[%parallel_loop3A_642, %parallel_loop3A_643] {strides = array<i32>} : memref<32x144xf32, #tpu.memory_space<vmem>>, vector<16xf32>,
        tpu.vector_store %arg13[%parallel_loop3A_642, %parallel_loop3A_643], %parallel_loop3A_641 {strides = array<i32>} : memref<32x144xf32, #tpu.memory_space<vmem>>, vector<16xf32>,
        %parallel_loop3A_645 = arith.index_cast %parallel_loop3A_635 : i32 to index
        %parallel_loop3A_646 = arith.constant 16 : index
        %parallel_loop3A_647 = tpu.vector_load %arg13[%parallel_loop3A_645, %parallel_loop3A_646] {strides = array<i32>} : memref<32x144xf32, #tpu.memory_space<vmem>>, vector<16xf32>,
        %parallel_loop3A_648 = arith.mulf %parallel_loop3A_647, %parallel_loop3A_637 : vector<16xf32>
        %parallel_loop3A_649 = arith.index_cast %parallel_loop3A_635 : i32 to index
        %parallel_loop3A_650 = arith.constant 16 : index
        %parallel_loop3A_651 = tpu.vector_load %arg13[%parallel_loop3A_649, %parallel_loop3A_650] {strides = array<i32>} : memref<32x144xf32, #tpu.memory_space<vmem>>, vector<16xf32>,
        tpu.vector_store %arg13[%parallel_loop3A_649, %parallel_loop3A_650], %parallel_loop3A_648 {strides = array<i32>} : memref<32x144xf32, #tpu.memory_space<vmem>>, vector<16xf32>,
        %parallel_loop3A_652 = arith.index_cast %parallel_loop3A_635 : i32 to index
        %parallel_loop3A_653 = arith.constant 32 : index
        %parallel_loop3A_654 = tpu.vector_load %arg13[%parallel_loop3A_652, %parallel_loop3A_653] {strides = array<i32>} : memref<32x144xf32, #tpu.memory_space<vmem>>, vector<16xf32>,
        %parallel_loop3A_655 = arith.mulf %parallel_loop3A_654, %parallel_loop3A_637 : vector<16xf32>
        %parallel_loop3A_656 = arith.index_cast %parallel_loop3A_635 : i32 to index
        %parallel_loop3A_657 = arith.constant 32 : index
        %parallel_loop3A_658 = tpu.vector_load %arg13[%parallel_loop3A_656, %parallel_loop3A_657] {strides = array<i32>} : memref<32x144xf32, #tpu.memory_space<vmem>>, vector<16xf32>,
        tpu.vector_store %arg13[%parallel_loop3A_656, %parallel_loop3A_657], %parallel_loop3A_655 {strides = array<i32>} : memref<32x144xf32, #tpu.memory_space<vmem>>, vector<16xf32>,
        %parallel_loop3A_659 = arith.index_cast %parallel_loop3A_635 : i32 to index
        %parallel_loop3A_660 = arith.constant 48 : index
        %parallel_loop3A_661 = tpu.vector_load %arg13[%parallel_loop3A_659, %parallel_loop3A_660] {strides = array<i32>} : memref<32x144xf32, #tpu.memory_space<vmem>>, vector<16xf32>,
        %parallel_loop3A_662 = arith.mulf %parallel_loop3A_661, %parallel_loop3A_637 : vector<16xf32>
        %parallel_loop3A_663 = arith.index_cast %parallel_loop3A_635 : i32 to index
        %parallel_loop3A_664 = arith.constant 48 : index
        %parallel_loop3A_665 = tpu.vector_load %arg13[%parallel_loop3A_663, %parallel_loop3A_664] {strides = array<i32>} : memref<32x144xf32, #tpu.memory_space<vmem>>, vector<16xf32>,
        tpu.vector_store %arg13[%parallel_loop3A_663, %parallel_loop3A_664], %parallel_loop3A_662 {strides = array<i32>} : memref<32x144xf32, #tpu.memory_space<vmem>>, vector<16xf32>,
        %parallel_loop3A_666 = arith.index_cast %parallel_loop3A_635 : i32 to index
        %parallel_loop3A_667 = arith.constant 64 : index
        %parallel_loop3A_668 = tpu.vector_load %arg13[%parallel_loop3A_666, %parallel_loop3A_667] {strides = array<i32>} : memref<32x144xf32, #tpu.memory_space<vmem>>, vector<16xf32>,
        %parallel_loop3A_669 = arith.mulf %parallel_loop3A_668, %parallel_loop3A_637 : vector<16xf32>
        %parallel_loop3A_670 = arith.index_cast %parallel_loop3A_635 : i32 to index
        %parallel_loop3A_671 = arith.constant 64 : index
        %parallel_loop3A_672 = tpu.vector_load %arg13[%parallel_loop3A_670, %parallel_loop3A_671] {strides = array<i32>} : memref<32x144xf32, #tpu.memory_space<vmem>>, vector<16xf32>,
        tpu.vector_store %arg13[%parallel_loop3A_670, %parallel_loop3A_671], %parallel_loop3A_669 {strides = array<i32>} : memref<32x144xf32, #tpu.memory_space<vmem>>, vector<16xf32>,
        %parallel_loop3A_673 = arith.index_cast %parallel_loop3A_635 : i32 to index
        %parallel_loop3A_674 = arith.constant 80 : index
        %parallel_loop3A_675 = tpu.vector_load %arg13[%parallel_loop3A_673, %parallel_loop3A_674] {strides = array<i32>} : memref<32x144xf32, #tpu.memory_space<vmem>>, vector<16xf32>,
        %parallel_loop3A_676 = arith.mulf %parallel_loop3A_675, %parallel_loop3A_637 : vector<16xf32>
        %parallel_loop3A_677 = arith.index_cast %parallel_loop3A_635 : i32 to index
        %parallel_loop3A_678 = arith.constant 80 : index
        %parallel_loop3A_679 = tpu.vector_load %arg13[%parallel_loop3A_677, %parallel_loop3A_678] {strides = array<i32>} : memref<32x144xf32, #tpu.memory_space<vmem>>, vector<16xf32>,
        tpu.vector_store %arg13[%parallel_loop3A_677, %parallel_loop3A_678], %parallel_loop3A_676 {strides = array<i32>} : memref<32x144xf32, #tpu.memory_space<vmem>>, vector<16xf32>,
        %parallel_loop3A_680 = arith.index_cast %parallel_loop3A_635 : i32 to index
        %parallel_loop3A_681 = arith.constant 96 : index
        %parallel_loop3A_682 = tpu.vector_load %arg13[%parallel_loop3A_680, %parallel_loop3A_681] {strides = array<i32>} : memref<32x144xf32, #tpu.memory_space<vmem>>, vector<16xf32>,
        %parallel_loop3A_683 = arith.mulf %parallel_loop3A_682, %parallel_loop3A_637 : vector<16xf32>
        %parallel_loop3A_684 = arith.index_cast %parallel_loop3A_635 : i32 to index
        %parallel_loop3A_685 = arith.constant 96 : index
        %parallel_loop3A_686 = tpu.vector_load %arg13[%parallel_loop3A_684, %parallel_loop3A_685] {strides = array<i32>} : memref<32x144xf32, #tpu.memory_space<vmem>>, vector<16xf32>,
        tpu.vector_store %arg13[%parallel_loop3A_684, %parallel_loop3A_685], %parallel_loop3A_683 {strides = array<i32>} : memref<32x144xf32, #tpu.memory_space<vmem>>, vector<16xf32>,
        %parallel_loop3A_687 = arith.index_cast %parallel_loop3A_635 : i32 to index
        %parallel_loop3A_688 = arith.constant 112 : index
        %parallel_loop3A_689 = tpu.vector_load %arg13[%parallel_loop3A_687, %parallel_loop3A_688] {strides = array<i32>} : memref<32x144xf32, #tpu.memory_space<vmem>>, vector<16xf32>,
        %parallel_loop3A_690 = arith.mulf %parallel_loop3A_689, %parallel_loop3A_637 : vector<16xf32>
        %parallel_loop3A_691 = arith.index_cast %parallel_loop3A_635 : i32 to index
        %parallel_loop3A_692 = arith.constant 112 : index
        %parallel_loop3A_693 = tpu.vector_load %arg13[%parallel_loop3A_691, %parallel_loop3A_692] {strides = array<i32>} : memref<32x144xf32, #tpu.memory_space<vmem>>, vector<16xf32>,
        tpu.vector_store %arg13[%parallel_loop3A_691, %parallel_loop3A_692], %parallel_loop3A_690 {strides = array<i32>} : memref<32x144xf32, #tpu.memory_space<vmem>>, vector<16xf32>,
        %parallel_loop3A_694 = arith.index_cast %parallel_loop3A_635 : i32 to index
        %parallel_loop3A_695 = arith.constant 128 : index
        %parallel_loop3A_696 = tpu.vector_load %arg13[%parallel_loop3A_694, %parallel_loop3A_695] {strides = array<i32>} : memref<32x144xf32, #tpu.memory_space<vmem>>, vector<16xf32>,
        %parallel_loop3A_697 = arith.mulf %parallel_loop3A_696, %parallel_loop3A_637 : vector<16xf32>
        %parallel_loop3A_698 = arith.index_cast %parallel_loop3A_635 : i32 to index
        %parallel_loop3A_699 = arith.constant 128 : index
        %parallel_loop3A_700 = tpu.vector_load %arg13[%parallel_loop3A_698, %parallel_loop3A_699] {strides = array<i32>} : memref<32x144xf32, #tpu.memory_space<vmem>>, vector<16xf32>,
        tpu.vector_store %arg13[%parallel_loop3A_698, %parallel_loop3A_699], %parallel_loop3A_697 {strides = array<i32>} : memref<32x144xf32, #tpu.memory_space<vmem>>, vector<16xf32>,
      } {sc.loop_unroll_factor = 4 : i64, sc.parallel_access}
      %dma_start3A_539 = arith.constant 0 : i32
      %dma_start3A_540 = arith.constant 0 : i32
      %dma_start3A_541 = tpu.memref_slice %arg22[%dma_start3A_539, %dma_start3A_540] : memref<10240x144xf32, #tpu.memory_space<vmem_shared>> -> memref<10240x144xf32, #tpu.memory_space<vmem_shared>>
      tpu.enqueue_indirect_dma source(%arg13 : memref<32x144xf32, #tpu.memory_space<vmem>>) target(%dma_start3A_541 : memref<10240x144xf32, #tpu.memory_space<vmem_shared>>) offsets(%arg11 : memref<32xi32, #tpu.memory_space<vmem>>) semaphore(%arg29 : memref<!tpu.dma_semaphore, #tpu.memory_space<semaphore_mem>>) {add = true}
      %add3A_542 = arith.constant 2 : i32
      %add3A_543 = arith.addi %mul3A_411, %add3A_542 : i32
      %lt3A_544 = arith.constant 314 : i32
      %lt3A_545 = arith.cmpi slt, %add3A_543, %lt3A_544 : i32
      %convert_element_type3A_546 = arith.extui %lt3A_545 : i1 to i32
      %cond3A_547 = arith.constant 0 : i32
      %cond3A_548 = arith.cmpi ne, %convert_element_type3A_546, %cond3A_547 : i32
      scf.if %cond3A_548 {
        %add3A_635 = arith.constant 2 : i32
        %add3A_636 = arith.addi %mul3A_411, %add3A_635 : i32
        %mul3A_637 = arith.constant 32 : i32
        %mul3A_638 = arith.muli %add3A_636, %mul3A_637 : i32
        %add3A_639 = arith.addi %mul3A_2, %mul3A_638 : i32
        %dma_wait3A_640 = tpu.memref_slice %arg3[%add3A_639] : memref<321536xi32, #tpu.memory_space<hbm>> -> memref<32xi32, #tpu.memory_space<hbm>>
        %dma_wait3A_641 = tpu.memref_slice %arg3[%add3A_639] : memref<321536xi32, #tpu.memory_space<hbm>> -> memref<32xi32, #tpu.memory_space<hbm>>
        tpu.wait_dma2 semaphore(%arg23 : memref<!tpu.dma_semaphore, #tpu.memory_space<semaphore_mem>>) src(%dma_wait3A_641 : memref<32xi32, #tpu.memory_space<hbm>>) dst(%arg7 : memref<32xi32, #tpu.memory_space<vmem>>)
        %dma_wait3A_642 = tpu.memref_slice %arg4[%add3A_639] : memref<321536xi32, #tpu.memory_space<hbm>> -> memref<32xi32, #tpu.memory_space<hbm>>
        %dma_wait3A_643 = tpu.memref_slice %arg4[%add3A_639] : memref<321536xi32, #tpu.memory_space<hbm>> -> memref<32xi32, #tpu.memory_space<hbm>>
        tpu.wait_dma2 semaphore(%arg23 : memref<!tpu.dma_semaphore, #tpu.memory_space<semaphore_mem>>) src(%dma_wait3A_643 : memref<32xi32, #tpu.memory_space<hbm>>) dst(%arg9 : memref<32xi32, #tpu.memory_space<vmem>>)
        %dma_wait3A_644 = arith.constant 0 : i32
        %dma_wait3A_645 = arith.constant 0 : i32
        %dma_wait3A_646 = tpu.memref_slice %arg22[%dma_wait3A_644, %dma_wait3A_645] : memref<10240x144xf32, #tpu.memory_space<vmem_shared>> -> memref<10240x144xf32, #tpu.memory_space<vmem_shared>>
        tpu.wait_indirect_dma semaphore(%arg29 : memref<!tpu.dma_semaphore, #tpu.memory_space<semaphore_mem>>) src(%arg13 : memref<32x144xf32, #tpu.memory_space<vmem>>) dst(%dma_wait3A_646 : memref<10240x144xf32, #tpu.memory_space<vmem_shared>>)
        %get3A_647 = arith.constant 0 : index
        %get3A_648 = tpu.vector_load %arg7[%get3A_647] {strides = array<i32>} : memref<32xi32, #tpu.memory_space<vmem>>, vector<16xi32>,
        %get3A_649 = arith.constant 0 : index
        %get3A_650 = tpu.vector_load %arg9[%get3A_649] {strides = array<i32>} : memref<32xi32, #tpu.memory_space<vmem>>, vector<16xi32>,
        %add3A_651 = arith.constant 0 : i32
        %add3A_652 = vector.broadcast %add3A_651 : i32 to vector<16xi32>
        %add3A_653 = arith.addi %get3A_648, %add3A_652 : vector<16xi32>
        %swap3A_654 = arith.constant 0 : index
        %swap3A_655 = tpu.vector_load %arg16[%swap3A_654] {strides = array<i32>} : memref<32xi32, #tpu.memory_space<vmem>>, vector<16xi32>,
        tpu.vector_store %arg16[%swap3A_654], %add3A_653 {strides = array<i32>} : memref<32xi32, #tpu.memory_space<vmem>>, vector<16xi32>,
        %mul3A_656 = arith.constant 3 : i32
        %mul3A_657 = vector.broadcast %mul3A_656 : i32 to vector<16xi32>
        %mul3A_658 = arith.muli %get3A_650, %mul3A_657 : vector<16xi32>
        %add3A_659 = arith.constant 0 : i32
        %add3A_660 = vector.broadcast %add3A_659 : i32 to vector<16xi32>
        %add3A_661 = arith.addi %mul3A_658, %add3A_660 : vector<16xi32>
        %swap3A_662 = arith.constant 0 : index
        %swap3A_663 = tpu.vector_load %arg20[%swap3A_662] {strides = array<i32>} : memref<32xi32, #tpu.memory_space<vmem>>, vector<16xi32>,
        tpu.vector_store %arg20[%swap3A_662], %add3A_661 {strides = array<i32>} : memref<32xi32, #tpu.memory_space<vmem>>, vector<16xi32>,
        %swap3A_664 = arith.constant 0 : index
        %swap3A_665 = tpu.vector_load %arg11[%swap3A_664] {strides = array<i32>} : memref<32xi32, #tpu.memory_space<vmem>>, vector<16xi32>,
        tpu.vector_store %arg11[%swap3A_664], %get3A_650 {strides = array<i32>} : memref<32xi32, #tpu.memory_space<vmem>>, vector<16xi32>,
        %get3A_666 = arith.constant 16 : index
        %get3A_667 = tpu.vector_load %arg7[%get3A_666] {strides = array<i32>} : memref<32xi32, #tpu.memory_space<vmem>>, vector<16xi32>,
        %get3A_668 = arith.constant 16 : index
        %get3A_669 = tpu.vector_load %arg9[%get3A_668] {strides = array<i32>} : memref<32xi32, #tpu.memory_space<vmem>>, vector<16xi32>,
        %add3A_670 = arith.constant 0 : i32
        %add3A_671 = vector.broadcast %add3A_670 : i32 to vector<16xi32>
        %add3A_672 = arith.addi %get3A_667, %add3A_671 : vector<16xi32>
        %swap3A_673 = arith.constant 16 : index
        %swap3A_674 = tpu.vector_load %arg16[%swap3A_673] {strides = array<i32>} : memref<32xi32, #tpu.memory_space<vmem>>, vector<16xi32>,
        tpu.vector_store %arg16[%swap3A_673], %add3A_672 {strides = array<i32>} : memref<32xi32, #tpu.memory_space<vmem>>, vector<16xi32>,
        %mul3A_675 = arith.constant 3 : i32
        %mul3A_676 = vector.broadcast %mul3A_675 : i32 to vector<16xi32>
        %mul3A_677 = arith.muli %get3A_669, %mul3A_676 : vector<16xi32>
        %add3A_678 = arith.constant 0 : i32
        %add3A_679 = vector.broadcast %add3A_678 : i32 to vector<16xi32>
        %add3A_680 = arith.addi %mul3A_677, %add3A_679 : vector<16xi32>
        %swap3A_681 = arith.constant 16 : index
        %swap3A_682 = tpu.vector_load %arg20[%swap3A_681] {strides = array<i32>} : memref<32xi32, #tpu.memory_space<vmem>>, vector<16xi32>,
        tpu.vector_store %arg20[%swap3A_681], %add3A_680 {strides = array<i32>} : memref<32xi32, #tpu.memory_space<vmem>>, vector<16xi32>,
        %swap3A_683 = arith.constant 16 : index
        %swap3A_684 = tpu.vector_load %arg11[%swap3A_683] {strides = array<i32>} : memref<32xi32, #tpu.memory_space<vmem>>, vector<16xi32>,
        tpu.vector_store %arg11[%swap3A_683], %get3A_669 {strides = array<i32>} : memref<32xi32, #tpu.memory_space<vmem>>, vector<16xi32>,
        %dma_start3A_685 = arith.constant 0 : i32
        %dma_start3A_686 = arith.constant 0 : i32
        %dma_start3A_687 = tpu.memref_slice %arg2[%dma_start3A_685, %dma_start3A_686] : memref<30000x144xf32, #tpu.memory_space<hbm>> -> memref<30000x144xf32, #tpu.memory_space<hbm>>
        tpu.enqueue_indirect_dma source(%dma_start3A_687 : memref<30000x144xf32, #tpu.memory_space<hbm>>) target(%arg13 : memref<32x144xf32, #tpu.memory_space<vmem>>) offsets(%arg16 : memref<32xi32, #tpu.memory_space<vmem>>) semaphore(%arg25 : memref<!tpu.dma_semaphore, #tpu.memory_space<semaphore_mem>>)
        %dma_start3A_688 = arith.constant 0 : i32
        %dma_start3A_689 = tpu.memref_slice %arg5[%dma_start3A_688] : memref<30000xf32, #tpu.memory_space<hbm>> -> memref<30000xf32, #tpu.memory_space<hbm>>
        tpu.enqueue_indirect_dma source(%dma_start3A_689 : memref<30000xf32, #tpu.memory_space<hbm>>) target(%arg18 : memref<32xf32, #tpu.memory_space<vmem>>) offsets(%arg20 : memref<32xi32, #tpu.memory_space<vmem>>) semaphore(%arg27 : memref<!tpu.dma_semaphore, #tpu.memory_space<semaphore_mem>>)
      } else {
      }
      %add3A_549 = arith.constant 3 : i32
      %add3A_550 = arith.addi %mul3A_411, %add3A_549 : i32
      %lt3A_551 = arith.constant 314 : i32
      %lt3A_552 = arith.cmpi slt, %add3A_550, %lt3A_551 : i32
      %convert_element_type3A_553 = arith.extui %lt3A_552 : i1 to i32
      %cond3A_554 = arith.constant 0 : i32
      %cond3A_555 = arith.cmpi ne, %convert_element_type3A_553, %cond3A_554 : i32
      scf.if %cond3A_555 {
        %add3A_635 = arith.constant 3 : i32
        %add3A_636 = arith.addi %mul3A_411, %add3A_635 : i32
        %mul3A_637 = arith.constant 32 : i32
        %mul3A_638 = arith.muli %add3A_636, %mul3A_637 : i32
        %add3A_639 = arith.addi %mul3A_2, %mul3A_638 : i32
        %dma_start3A_640 = tpu.memref_slice %arg3[%add3A_639] : memref<321536xi32, #tpu.memory_space<hbm>> -> memref<32xi32, #tpu.memory_space<hbm>>
        %dma_start3A_641 = tpu.memref_slice %arg3[%add3A_639] : memref<321536xi32, #tpu.memory_space<hbm>> -> memref<32xi32, #tpu.memory_space<hbm>>
        tpu.enqueue_dma source(%dma_start3A_641 : memref<32xi32, #tpu.memory_space<hbm>>) target(%arg8 : memref<32xi32, #tpu.memory_space<vmem>>) target_semaphore(%arg24 : memref<!tpu.dma_semaphore, #tpu.memory_space<semaphore_mem>>)
        %dma_start3A_642 = tpu.memref_slice %arg4[%add3A_639] : memref<321536xi32, #tpu.memory_space<hbm>> -> memref<32xi32, #tpu.memory_space<hbm>>
        %dma_start3A_643 = tpu.memref_slice %arg4[%add3A_639] : memref<321536xi32, #tpu.memory_space<hbm>> -> memref<32xi32, #tpu.memory_space<hbm>>
        tpu.enqueue_dma source(%dma_start3A_643 : memref<32xi32, #tpu.memory_space<hbm>>) target(%arg10 : memref<32xi32, #tpu.memory_space<vmem>>) target_semaphore(%arg24 : memref<!tpu.dma_semaphore, #tpu.memory_space<semaphore_mem>>)
      } else {
      }
      %dma_wait3A_556 = arith.constant 0 : i32
      %dma_wait3A_557 = arith.constant 0 : i32
      %dma_wait3A_558 = tpu.memref_slice %arg2[%dma_wait3A_556, %dma_wait3A_557] : memref<30000x144xf32, #tpu.memory_space<hbm>> -> memref<30000x144xf32, #tpu.memory_space<hbm>>
      tpu.wait_indirect_dma semaphore(%arg26 : memref<!tpu.dma_semaphore, #tpu.memory_space<semaphore_mem>>) src(%dma_wait3A_558 : memref<30000x144xf32, #tpu.memory_space<hbm>>) dst(%arg14 : memref<32x144xf32, #tpu.memory_space<vmem>>)
      %dma_wait3A_559 = arith.constant 0 : i32
      %dma_wait3A_560 = tpu.memref_slice %arg5[%dma_wait3A_559] : memref<30000xf32, #tpu.memory_space<hbm>> -> memref<30000xf32, #tpu.memory_space<hbm>>
      tpu.wait_indirect_dma semaphore(%arg28 : memref<!tpu.dma_semaphore, #tpu.memory_space<semaphore_mem>>) src(%dma_wait3A_560 : memref<30000xf32, #tpu.memory_space<hbm>>) dst(%arg19 : memref<32xf32, #tpu.memory_space<vmem>>)
      %add3A_561 = arith.constant 1 : i32
      %add3A_562 = arith.addi %mul3A_411, %add3A_561 : i32
      %iota3A_563 = tpu.iota {dimensions = array<i32: 0>} : vector<16xi32>
      %add3A_564 = arith.constant 0 : i32
      %add3A_565 = vector.broadcast %add3A_564 : i32 to vector<16xi32>
      %add3A_566 = arith.addi %add3A_565, %iota3A_563 : vector<16xi32>
      %broadcast_in_dim3A_567 = arith.constant 129 : i32
      %broadcast_in_dim3A_568 = vector.broadcast %broadcast_in_dim3A_567 : i32 to vector<16xi32>
      %gather3A_569 = tpu.vector_load_idx %arg14[%add3A_566, %broadcast_in_dim3A_568] : memref<32x144xf32, #tpu.memory_space<vmem>>[vector<16xi32>, vector<16xi32>], vector<16xf32>,
      %get3A_570 = arith.constant 0 : index
      %get3A_571 = tpu.vector_load %arg19[%get3A_570] {strides = array<i32>} : memref<32xf32, #tpu.memory_space<vmem>>, vector<16xf32>,
      %add3A_572 = arith.addf %gather3A_569, %get3A_571 : vector<16xf32>
      %ge3A_573 = arith.constant 0.000000e+00 : f32
      %ge3A_574 = vector.broadcast %ge3A_573 : f32 to vector<16xf32>
      %ge3A_575 = arith.cmpf oge, %add3A_572, %ge3A_574 : vector<16xf32>
      %mul3A_576 = arith.constant 2.000000e-01 : f32
      %mul3A_577 = vector.broadcast %mul3A_576 : f32 to vector<16xf32>
      %mul3A_578 = arith.mulf %mul3A_577, %add3A_572 : vector<16xf32>
      %select_n3A_579 = arith.select %ge3A_575, %add3A_572, %mul3A_578 : vector<16xi1>, vector<16xf32>
      %exp3A_580 = math.exp %select_n3A_579 : vector<16xf32>
      %mul3A_581 = arith.constant 32 : i32
      %mul3A_582 = arith.muli %add3A_562, %mul3A_581 : i32
      %add3A_583 = arith.constant 0 : i32
      %add3A_584 = arith.addi %mul3A_582, %add3A_583 : i32
      %iota3A_585 = tpu.iota {dimensions = array<i32: 0>} : vector<16xi32>
      %add3A_586 = vector.broadcast %add3A_584 : i32 to vector<16xi32>
      %add3A_587 = arith.addi %add3A_586, %iota3A_585 : vector<16xi32>
      %lt3A_588 = arith.constant 10000 : i32
      %lt3A_589 = vector.broadcast %lt3A_588 : i32 to vector<16xi32>
      %lt3A_590 = arith.cmpi slt, %add3A_587, %lt3A_589 : vector<16xi32>
      %jit3A_591 = arith.constant 0.000000e+00 : f32
      %broadcast_in_dim3A_592 = vector.broadcast %jit3A_591 : f32 to vector<16xf32>
      %select_n3A_593 = arith.select %lt3A_590, %exp3A_580, %broadcast_in_dim3A_592 : vector<16xi1>, vector<16xf32>
      %swap3A_594 = arith.constant 0 : index
      %swap3A_595 = tpu.vector_load %arg15[%swap3A_594] {strides = array<i32>} : memref<32xf32, #tpu.memory_space<vmem>>, vector<16xf32>,
      tpu.vector_store %arg15[%swap3A_594], %select_n3A_593 {strides = array<i32>} : memref<32xf32, #tpu.memory_space<vmem>>, vector<16xf32>,
      %iota3A_596 = tpu.iota {dimensions = array<i32: 0>} : vector<16xi32>
      %add3A_597 = arith.constant 16 : i32
      %add3A_598 = vector.broadcast %add3A_597 : i32 to vector<16xi32>
      %add3A_599 = arith.addi %add3A_598, %iota3A_596 : vector<16xi32>
      %broadcast_in_dim3A_600 = arith.constant 129 : i32
      %broadcast_in_dim3A_601 = vector.broadcast %broadcast_in_dim3A_600 : i32 to vector<16xi32>
      %gather3A_602 = tpu.vector_load_idx %arg14[%add3A_599, %broadcast_in_dim3A_601] : memref<32x144xf32, #tpu.memory_space<vmem>>[vector<16xi32>, vector<16xi32>], vector<16xf32>,
      %get3A_603 = arith.constant 16 : index
      %get3A_604 = tpu.vector_load %arg19[%get3A_603] {strides = array<i32>} : memref<32xf32, #tpu.memory_space<vmem>>, vector<16xf32>,
      %add3A_605 = arith.addf %gather3A_602, %get3A_604 : vector<16xf32>
      %ge3A_606 = arith.constant 0.000000e+00 : f32
      %ge3A_607 = vector.broadcast %ge3A_606 : f32 to vector<16xf32>
      %ge3A_608 = arith.cmpf oge, %add3A_605, %ge3A_607 : vector<16xf32>
      %mul3A_609 = arith.constant 2.000000e-01 : f32
      %mul3A_610 = vector.broadcast %mul3A_609 : f32 to vector<16xf32>
      %mul3A_611 = arith.mulf %mul3A_610, %add3A_605 : vector<16xf32>
      %select_n3A_612 = arith.select %ge3A_608, %add3A_605, %mul3A_611 : vector<16xi1>, vector<16xf32>
      %exp3A_613 = math.exp %select_n3A_612 : vector<16xf32>
      %mul3A_614 = arith.constant 32 : i32
      %mul3A_615 = arith.muli %add3A_562, %mul3A_614 : i32
      %add3A_616 = arith.constant 16 : i32
      %add3A_617 = arith.addi %mul3A_615, %add3A_616 : i32
      %iota3A_618 = tpu.iota {dimensions = array<i32: 0>} : vector<16xi32>
      %add3A_619 = vector.broadcast %add3A_617 : i32 to vector<16xi32>
      %add3A_620 = arith.addi %add3A_619, %iota3A_618 : vector<16xi32>
      %lt3A_621 = arith.constant 10000 : i32
      %lt3A_622 = vector.broadcast %lt3A_621 : i32 to vector<16xi32>
      %lt3A_623 = arith.cmpi slt, %add3A_620, %lt3A_622 : vector<16xi32>
      %jit3A_624 = arith.constant 0.000000e+00 : f32
      %broadcast_in_dim3A_625 = vector.broadcast %jit3A_624 : f32 to vector<16xf32>
      %select_n3A_626 = arith.select %lt3A_623, %exp3A_613, %broadcast_in_dim3A_625 : vector<16xi1>, vector<16xf32>
      %swap3A_627 = arith.constant 16 : index
      %swap3A_628 = tpu.vector_load %arg15[%swap3A_627] {strides = array<i32>} : memref<32xf32, #tpu.memory_space<vmem>>, vector<16xf32>,
      tpu.vector_store %arg15[%swap3A_627], %select_n3A_626 {strides = array<i32>} : memref<32xf32, #tpu.memory_space<vmem>>, vector<16xf32>,
      %parallel_loop3A_629 = arith.constant 0 : i32
      %parallel_loop3A_630 = arith.constant 32 : i32
      %parallel_loop3A_631 = arith.constant 1 : i32
      scf.for %parallel_loop3A_635 = %parallel_loop3A_629 to %parallel_loop3A_630 step %parallel_loop3A_631  : i32 {
        %parallel_loop3A_636 = vector.broadcast %parallel_loop3A_635 : i32 to vector<16xi32>
        %parallel_loop3A_637 = tpu.vector_load_idx %arg15[%parallel_loop3A_636] : memref<32xf32, #tpu.memory_space<vmem>>[vector<16xi32>], vector<16xf32>,
        %parallel_loop3A_638 = arith.index_cast %parallel_loop3A_635 : i32 to index
        %parallel_loop3A_639 = arith.constant 0 : index
        %parallel_loop3A_640 = tpu.vector_load %arg14[%parallel_loop3A_638, %parallel_loop3A_639] {strides = array<i32>} : memref<32x144xf32, #tpu.memory_space<vmem>>, vector<16xf32>,
        %parallel_loop3A_641 = arith.mulf %parallel_loop3A_640, %parallel_loop3A_637 : vector<16xf32>
        %parallel_loop3A_642 = arith.index_cast %parallel_loop3A_635 : i32 to index
        %parallel_loop3A_643 = arith.constant 0 : index
        %parallel_loop3A_644 = tpu.vector_load %arg14[%parallel_loop3A_642, %parallel_loop3A_643] {strides = array<i32>} : memref<32x144xf32, #tpu.memory_space<vmem>>, vector<16xf32>,
        tpu.vector_store %arg14[%parallel_loop3A_642, %parallel_loop3A_643], %parallel_loop3A_641 {strides = array<i32>} : memref<32x144xf32, #tpu.memory_space<vmem>>, vector<16xf32>,
        %parallel_loop3A_645 = arith.index_cast %parallel_loop3A_635 : i32 to index
        %parallel_loop3A_646 = arith.constant 16 : index
        %parallel_loop3A_647 = tpu.vector_load %arg14[%parallel_loop3A_645, %parallel_loop3A_646] {strides = array<i32>} : memref<32x144xf32, #tpu.memory_space<vmem>>, vector<16xf32>,
        %parallel_loop3A_648 = arith.mulf %parallel_loop3A_647, %parallel_loop3A_637 : vector<16xf32>
        %parallel_loop3A_649 = arith.index_cast %parallel_loop3A_635 : i32 to index
        %parallel_loop3A_650 = arith.constant 16 : index
        %parallel_loop3A_651 = tpu.vector_load %arg14[%parallel_loop3A_649, %parallel_loop3A_650] {strides = array<i32>} : memref<32x144xf32, #tpu.memory_space<vmem>>, vector<16xf32>,
        tpu.vector_store %arg14[%parallel_loop3A_649, %parallel_loop3A_650], %parallel_loop3A_648 {strides = array<i32>} : memref<32x144xf32, #tpu.memory_space<vmem>>, vector<16xf32>,
        %parallel_loop3A_652 = arith.index_cast %parallel_loop3A_635 : i32 to index
        %parallel_loop3A_653 = arith.constant 32 : index
        %parallel_loop3A_654 = tpu.vector_load %arg14[%parallel_loop3A_652, %parallel_loop3A_653] {strides = array<i32>} : memref<32x144xf32, #tpu.memory_space<vmem>>, vector<16xf32>,
        %parallel_loop3A_655 = arith.mulf %parallel_loop3A_654, %parallel_loop3A_637 : vector<16xf32>
        %parallel_loop3A_656 = arith.index_cast %parallel_loop3A_635 : i32 to index
        %parallel_loop3A_657 = arith.constant 32 : index
        %parallel_loop3A_658 = tpu.vector_load %arg14[%parallel_loop3A_656, %parallel_loop3A_657] {strides = array<i32>} : memref<32x144xf32, #tpu.memory_space<vmem>>, vector<16xf32>,
        tpu.vector_store %arg14[%parallel_loop3A_656, %parallel_loop3A_657], %parallel_loop3A_655 {strides = array<i32>} : memref<32x144xf32, #tpu.memory_space<vmem>>, vector<16xf32>,
        %parallel_loop3A_659 = arith.index_cast %parallel_loop3A_635 : i32 to index
        %parallel_loop3A_660 = arith.constant 48 : index
        %parallel_loop3A_661 = tpu.vector_load %arg14[%parallel_loop3A_659, %parallel_loop3A_660] {strides = array<i32>} : memref<32x144xf32, #tpu.memory_space<vmem>>, vector<16xf32>,
        %parallel_loop3A_662 = arith.mulf %parallel_loop3A_661, %parallel_loop3A_637 : vector<16xf32>
        %parallel_loop3A_663 = arith.index_cast %parallel_loop3A_635 : i32 to index
        %parallel_loop3A_664 = arith.constant 48 : index
        %parallel_loop3A_665 = tpu.vector_load %arg14[%parallel_loop3A_663, %parallel_loop3A_664] {strides = array<i32>} : memref<32x144xf32, #tpu.memory_space<vmem>>, vector<16xf32>,
        tpu.vector_store %arg14[%parallel_loop3A_663, %parallel_loop3A_664], %parallel_loop3A_662 {strides = array<i32>} : memref<32x144xf32, #tpu.memory_space<vmem>>, vector<16xf32>,
        %parallel_loop3A_666 = arith.index_cast %parallel_loop3A_635 : i32 to index
        %parallel_loop3A_667 = arith.constant 64 : index
        %parallel_loop3A_668 = tpu.vector_load %arg14[%parallel_loop3A_666, %parallel_loop3A_667] {strides = array<i32>} : memref<32x144xf32, #tpu.memory_space<vmem>>, vector<16xf32>,
        %parallel_loop3A_669 = arith.mulf %parallel_loop3A_668, %parallel_loop3A_637 : vector<16xf32>
        %parallel_loop3A_670 = arith.index_cast %parallel_loop3A_635 : i32 to index
        %parallel_loop3A_671 = arith.constant 64 : index
        %parallel_loop3A_672 = tpu.vector_load %arg14[%parallel_loop3A_670, %parallel_loop3A_671] {strides = array<i32>} : memref<32x144xf32, #tpu.memory_space<vmem>>, vector<16xf32>,
        tpu.vector_store %arg14[%parallel_loop3A_670, %parallel_loop3A_671], %parallel_loop3A_669 {strides = array<i32>} : memref<32x144xf32, #tpu.memory_space<vmem>>, vector<16xf32>,
        %parallel_loop3A_673 = arith.index_cast %parallel_loop3A_635 : i32 to index
        %parallel_loop3A_674 = arith.constant 80 : index
        %parallel_loop3A_675 = tpu.vector_load %arg14[%parallel_loop3A_673, %parallel_loop3A_674] {strides = array<i32>} : memref<32x144xf32, #tpu.memory_space<vmem>>, vector<16xf32>,
        %parallel_loop3A_676 = arith.mulf %parallel_loop3A_675, %parallel_loop3A_637 : vector<16xf32>
        %parallel_loop3A_677 = arith.index_cast %parallel_loop3A_635 : i32 to index
        %parallel_loop3A_678 = arith.constant 80 : index
        %parallel_loop3A_679 = tpu.vector_load %arg14[%parallel_loop3A_677, %parallel_loop3A_678] {strides = array<i32>} : memref<32x144xf32, #tpu.memory_space<vmem>>, vector<16xf32>,
        tpu.vector_store %arg14[%parallel_loop3A_677, %parallel_loop3A_678], %parallel_loop3A_676 {strides = array<i32>} : memref<32x144xf32, #tpu.memory_space<vmem>>, vector<16xf32>,
        %parallel_loop3A_680 = arith.index_cast %parallel_loop3A_635 : i32 to index
        %parallel_loop3A_681 = arith.constant 96 : index
        %parallel_loop3A_682 = tpu.vector_load %arg14[%parallel_loop3A_680, %parallel_loop3A_681] {strides = array<i32>} : memref<32x144xf32, #tpu.memory_space<vmem>>, vector<16xf32>,
        %parallel_loop3A_683 = arith.mulf %parallel_loop3A_682, %parallel_loop3A_637 : vector<16xf32>
        %parallel_loop3A_684 = arith.index_cast %parallel_loop3A_635 : i32 to index
        %parallel_loop3A_685 = arith.constant 96 : index
        %parallel_loop3A_686 = tpu.vector_load %arg14[%parallel_loop3A_684, %parallel_loop3A_685] {strides = array<i32>} : memref<32x144xf32, #tpu.memory_space<vmem>>, vector<16xf32>,
        tpu.vector_store %arg14[%parallel_loop3A_684, %parallel_loop3A_685], %parallel_loop3A_683 {strides = array<i32>} : memref<32x144xf32, #tpu.memory_space<vmem>>, vector<16xf32>,
        %parallel_loop3A_687 = arith.index_cast %parallel_loop3A_635 : i32 to index
        %parallel_loop3A_688 = arith.constant 112 : index
        %parallel_loop3A_689 = tpu.vector_load %arg14[%parallel_loop3A_687, %parallel_loop3A_688] {strides = array<i32>} : memref<32x144xf32, #tpu.memory_space<vmem>>, vector<16xf32>,
        %parallel_loop3A_690 = arith.mulf %parallel_loop3A_689, %parallel_loop3A_637 : vector<16xf32>
        %parallel_loop3A_691 = arith.index_cast %parallel_loop3A_635 : i32 to index
        %parallel_loop3A_692 = arith.constant 112 : index
        %parallel_loop3A_693 = tpu.vector_load %arg14[%parallel_loop3A_691, %parallel_loop3A_692] {strides = array<i32>} : memref<32x144xf32, #tpu.memory_space<vmem>>, vector<16xf32>,
        tpu.vector_store %arg14[%parallel_loop3A_691, %parallel_loop3A_692], %parallel_loop3A_690 {strides = array<i32>} : memref<32x144xf32, #tpu.memory_space<vmem>>, vector<16xf32>,
        %parallel_loop3A_694 = arith.index_cast %parallel_loop3A_635 : i32 to index
        %parallel_loop3A_695 = arith.constant 128 : index
        %parallel_loop3A_696 = tpu.vector_load %arg14[%parallel_loop3A_694, %parallel_loop3A_695] {strides = array<i32>} : memref<32x144xf32, #tpu.memory_space<vmem>>, vector<16xf32>,
        %parallel_loop3A_697 = arith.mulf %parallel_loop3A_696, %parallel_loop3A_637 : vector<16xf32>
        %parallel_loop3A_698 = arith.index_cast %parallel_loop3A_635 : i32 to index
        %parallel_loop3A_699 = arith.constant 128 : index
        %parallel_loop3A_700 = tpu.vector_load %arg14[%parallel_loop3A_698, %parallel_loop3A_699] {strides = array<i32>} : memref<32x144xf32, #tpu.memory_space<vmem>>, vector<16xf32>,
        tpu.vector_store %arg14[%parallel_loop3A_698, %parallel_loop3A_699], %parallel_loop3A_697 {strides = array<i32>} : memref<32x144xf32, #tpu.memory_space<vmem>>, vector<16xf32>,
      } {sc.loop_unroll_factor = 4 : i64, sc.parallel_access}
      %dma_start3A_632 = arith.constant 0 : i32
      %dma_start3A_633 = arith.constant 0 : i32
      %dma_start3A_634 = tpu.memref_slice %arg22[%dma_start3A_632, %dma_start3A_633] : memref<10240x144xf32, #tpu.memory_space<vmem_shared>> -> memref<10240x144xf32, #tpu.memory_space<vmem_shared>>
      tpu.enqueue_indirect_dma source(%arg14 : memref<32x144xf32, #tpu.memory_space<vmem>>) target(%dma_start3A_634 : memref<10240x144xf32, #tpu.memory_space<vmem_shared>>) offsets(%arg12 : memref<32xi32, #tpu.memory_space<vmem>>) semaphore(%arg30 : memref<!tpu.dma_semaphore, #tpu.memory_space<semaphore_mem>>) {add = true}
    }
    %scan3A_110 = arith.constant 157 : i32
    %dma_wait3A_111 = arith.constant 0 : i32
    %dma_wait3A_112 = arith.constant 0 : i32
    %dma_wait3A_113 = tpu.memref_slice %arg22[%dma_wait3A_111, %dma_wait3A_112] : memref<10240x144xf32, #tpu.memory_space<vmem_shared>> -> memref<10240x144xf32, #tpu.memory_space<vmem_shared>>
    tpu.wait_indirect_dma semaphore(%arg29 : memref<!tpu.dma_semaphore, #tpu.memory_space<semaphore_mem>>) src(%arg13 : memref<32x144xf32, #tpu.memory_space<vmem>>) dst(%dma_wait3A_113 : memref<10240x144xf32, #tpu.memory_space<vmem_shared>>)
    %dma_wait3A_114 = arith.constant 0 : i32
    %dma_wait3A_115 = arith.constant 0 : i32
    %dma_wait3A_116 = tpu.memref_slice %arg22[%dma_wait3A_114, %dma_wait3A_115] : memref<10240x144xf32, #tpu.memory_space<vmem_shared>> -> memref<10240x144xf32, #tpu.memory_space<vmem_shared>>
    tpu.wait_indirect_dma semaphore(%arg30 : memref<!tpu.dma_semaphore, #tpu.memory_space<semaphore_mem>>) src(%arg14 : memref<32x144xf32, #tpu.memory_space<vmem>>) dst(%dma_wait3A_116 : memref<10240x144xf32, #tpu.memory_space<vmem_shared>>)
    %barrier3A_117 = arith.constant 0 : index
    tpu.barrier barrier_id(%barrier3A_117)
    %mul3A_118 = arith.constant 640 : i32
    %mul3A_119 = arith.muli %arg1, %mul3A_118 : i32
    %dma_start3A_120 = arith.constant 0 : i32
    %dma_start3A_121 = arith.constant 0 : i32
    %dma_start3A_122 = tpu.memref_slice %arg6[%arg0, %dma_start3A_120, %mul3A_119, %dma_start3A_121] : memref<2x3x10240x144xf32, #tpu.memory_space<hbm>> -> memref<1x1x640x144xf32, #tpu.memory_space<hbm>>
    %dma_start3A_123 = tpu.memref_squeeze %dma_start3A_122 : memref<1x1x640x144xf32, #tpu.memory_space<hbm>> -> memref<640x144xf32, #tpu.memory_space<hbm>>
    %dma_start3A_124 = arith.constant 0 : i32
    %dma_start3A_125 = tpu.memref_slice %arg22[%mul3A_119, %dma_start3A_124] : memref<10240x144xf32, #tpu.memory_space<vmem_shared>> -> memref<640x144xf32, #tpu.memory_space<vmem_shared>>
    tpu.enqueue_dma source(%dma_start3A_125 : memref<640x144xf32, #tpu.memory_space<vmem_shared>>) target(%dma_start3A_123 : memref<640x144xf32, #tpu.memory_space<hbm>>) target_semaphore(%arg31 : memref<!tpu.dma_semaphore, #tpu.memory_space<semaphore_mem>>)
    %dma_wait3A_126 = arith.constant 0 : i32
    %dma_wait3A_127 = arith.constant 0 : i32
    %dma_wait3A_128 = tpu.memref_slice %arg6[%arg0, %dma_wait3A_126, %mul3A_119, %dma_wait3A_127] : memref<2x3x10240x144xf32, #tpu.memory_space<hbm>> -> memref<1x1x640x144xf32, #tpu.memory_space<hbm>>
    %dma_wait3A_129 = tpu.memref_squeeze %dma_wait3A_128 : memref<1x1x640x144xf32, #tpu.memory_space<hbm>> -> memref<640x144xf32, #tpu.memory_space<hbm>>
    %dma_wait3A_130 = arith.constant 0 : i32
    %dma_wait3A_131 = tpu.memref_slice %arg22[%mul3A_119, %dma_wait3A_130] : memref<10240x144xf32, #tpu.memory_space<vmem_shared>> -> memref<640x144xf32, #tpu.memory_space<vmem_shared>>
    tpu.wait_dma2 semaphore(%arg31 : memref<!tpu.dma_semaphore, #tpu.memory_space<semaphore_mem>>) src(%dma_wait3A_131 : memref<640x144xf32, #tpu.memory_space<vmem_shared>>) dst(%dma_wait3A_129 : memref<640x144xf32, #tpu.memory_space<hbm>>)
    %barrier3A_132 = arith.constant 0 : index
    tpu.barrier barrier_id(%barrier3A_132)
    %scan3A_133 = arith.constant 0 : i32
    %scan3A_134 = arith.constant 32 : i32
    %scan3A_135 = arith.addi %scan3A_133, %scan3A_134 : i32
    %scan3A_136 = arith.constant 1 : i32
    scf.for %scan3A_405 = %scan3A_133 to %scan3A_135 step %scan3A_136  : i32 {
      %mul3A_406 = arith.constant 1 : i32
      %mul3A_407 = arith.muli %scan3A_405, %mul3A_406 : i32
      %add3A_408 = arith.constant 0 : i32
      %add3A_409 = arith.addi %add3A_408, %mul3A_407 : i32
      %broadcast_in_dim3A = arith.constant 0.000000e+00 : f32
      %broadcast_in_dim3A_410 = vector.broadcast %broadcast_in_dim3A : f32 to vector<16xf32>
      %swap3A_411 = arith.index_cast %add3A_409 : i32 to index
      %swap3A_412 = arith.constant 0 : index
      %swap3A_413 = tpu.vector_load %arg13[%swap3A_411, %swap3A_412] {strides = array<i32>} : memref<32x144xf32, #tpu.memory_space<vmem>>, vector<16xf32>,
      tpu.vector_store %arg13[%swap3A_411, %swap3A_412], %broadcast_in_dim3A_410 {strides = array<i32>} : memref<32x144xf32, #tpu.memory_space<vmem>>, vector<16xf32>,
      %broadcast_in_dim3A_414 = arith.constant 0.000000e+00 : f32
      %broadcast_in_dim3A_415 = vector.broadcast %broadcast_in_dim3A_414 : f32 to vector<16xf32>
      %swap3A_416 = arith.index_cast %add3A_409 : i32 to index
      %swap3A_417 = arith.constant 16 : index
      %swap3A_418 = tpu.vector_load %arg13[%swap3A_416, %swap3A_417] {strides = array<i32>} : memref<32x144xf32, #tpu.memory_space<vmem>>, vector<16xf32>,
      tpu.vector_store %arg13[%swap3A_416, %swap3A_417], %broadcast_in_dim3A_415 {strides = array<i32>} : memref<32x144xf32, #tpu.memory_space<vmem>>, vector<16xf32>,
      %broadcast_in_dim3A_419 = arith.constant 0.000000e+00 : f32
      %broadcast_in_dim3A_420 = vector.broadcast %broadcast_in_dim3A_419 : f32 to vector<16xf32>
      %swap3A_421 = arith.index_cast %add3A_409 : i32 to index
      %swap3A_422 = arith.constant 32 : index
      %swap3A_423 = tpu.vector_load %arg13[%swap3A_421, %swap3A_422] {strides = array<i32>} : memref<32x144xf32, #tpu.memory_space<vmem>>, vector<16xf32>,
      tpu.vector_store %arg13[%swap3A_421, %swap3A_422], %broadcast_in_dim3A_420 {strides = array<i32>} : memref<32x144xf32, #tpu.memory_space<vmem>>, vector<16xf32>,
      %broadcast_in_dim3A_424 = arith.constant 0.000000e+00 : f32
      %broadcast_in_dim3A_425 = vector.broadcast %broadcast_in_dim3A_424 : f32 to vector<16xf32>
      %swap3A_426 = arith.index_cast %add3A_409 : i32 to index
      %swap3A_427 = arith.constant 48 : index
      %swap3A_428 = tpu.vector_load %arg13[%swap3A_426, %swap3A_427] {strides = array<i32>} : memref<32x144xf32, #tpu.memory_space<vmem>>, vector<16xf32>,
      tpu.vector_store %arg13[%swap3A_426, %swap3A_427], %broadcast_in_dim3A_425 {strides = array<i32>} : memref<32x144xf32, #tpu.memory_space<vmem>>, vector<16xf32>,
      %broadcast_in_dim3A_429 = arith.constant 0.000000e+00 : f32
      %broadcast_in_dim3A_430 = vector.broadcast %broadcast_in_dim3A_429 : f32 to vector<16xf32>
      %swap3A_431 = arith.index_cast %add3A_409 : i32 to index
      %swap3A_432 = arith.constant 64 : index
      %swap3A_433 = tpu.vector_load %arg13[%swap3A_431, %swap3A_432] {strides = array<i32>} : memref<32x144xf32, #tpu.memory_space<vmem>>, vector<16xf32>,
      tpu.vector_store %arg13[%swap3A_431, %swap3A_432], %broadcast_in_dim3A_430 {strides = array<i32>} : memref<32x144xf32, #tpu.memory_space<vmem>>, vector<16xf32>,
      %broadcast_in_dim3A_434 = arith.constant 0.000000e+00 : f32
      %broadcast_in_dim3A_435 = vector.broadcast %broadcast_in_dim3A_434 : f32 to vector<16xf32>
      %swap3A_436 = arith.index_cast %add3A_409 : i32 to index
      %swap3A_437 = arith.constant 80 : index
      %swap3A_438 = tpu.vector_load %arg13[%swap3A_436, %swap3A_437] {strides = array<i32>} : memref<32x144xf32, #tpu.memory_space<vmem>>, vector<16xf32>,
      tpu.vector_store %arg13[%swap3A_436, %swap3A_437], %broadcast_in_dim3A_435 {strides = array<i32>} : memref<32x144xf32, #tpu.memory_space<vmem>>, vector<16xf32>,
      %broadcast_in_dim3A_439 = arith.constant 0.000000e+00 : f32
      %broadcast_in_dim3A_440 = vector.broadcast %broadcast_in_dim3A_439 : f32 to vector<16xf32>
      %swap3A_441 = arith.index_cast %add3A_409 : i32 to index
      %swap3A_442 = arith.constant 96 : index
      %swap3A_443 = tpu.vector_load %arg13[%swap3A_441, %swap3A_442] {strides = array<i32>} : memref<32x144xf32, #tpu.memory_space<vmem>>, vector<16xf32>,
      tpu.vector_store %arg13[%swap3A_441, %swap3A_442], %broadcast_in_dim3A_440 {strides = array<i32>} : memref<32x144xf32, #tpu.memory_space<vmem>>, vector<16xf32>,
      %broadcast_in_dim3A_444 = arith.constant 0.000000e+00 : f32
      %broadcast_in_dim3A_445 = vector.broadcast %broadcast_in_dim3A_444 : f32 to vector<16xf32>
      %swap3A_446 = arith.index_cast %add3A_409 : i32 to index
      %swap3A_447 = arith.constant 112 : index
      %swap3A_448 = tpu.vector_load %arg13[%swap3A_446, %swap3A_447] {strides = array<i32>} : memref<32x144xf32, #tpu.memory_space<vmem>>, vector<16xf32>,
      tpu.vector_store %arg13[%swap3A_446, %swap3A_447], %broadcast_in_dim3A_445 {strides = array<i32>} : memref<32x144xf32, #tpu.memory_space<vmem>>, vector<16xf32>,
      %broadcast_in_dim3A_449 = arith.constant 0.000000e+00 : f32
      %broadcast_in_dim3A_450 = vector.broadcast %broadcast_in_dim3A_449 : f32 to vector<16xf32>
      %swap3A_451 = arith.index_cast %add3A_409 : i32 to index
      %swap3A_452 = arith.constant 128 : index
      %swap3A_453 = tpu.vector_load %arg13[%swap3A_451, %swap3A_452] {strides = array<i32>} : memref<32x144xf32, #tpu.memory_space<vmem>>, vector<16xf32>,
      tpu.vector_store %arg13[%swap3A_451, %swap3A_452], %broadcast_in_dim3A_450 {strides = array<i32>} : memref<32x144xf32, #tpu.memory_space<vmem>>, vector<16xf32>,
    }
    %scan3A_137 = arith.constant 32 : i32
    %mul3A_138 = arith.constant 640 : i32
    %mul3A_139 = arith.muli %arg1, %mul3A_138 : i32
    %add3A_140 = arith.constant 0 : i32
    %add3A_141 = arith.addi %mul3A_139, %add3A_140 : i32
    "tpu.region"() ({
      %run_scoped3A = tpu.sem_alloc : memref<!tpu.dma_semaphore, #tpu.memory_space<semaphore_mem>>
      %dma_start3A_405 = arith.constant 0 : i32
      %dma_start3A_406 = tpu.memref_slice %arg22[%add3A_141, %dma_start3A_405] : memref<10240x144xf32, #tpu.memory_space<vmem_shared>> -> memref<32x144xf32, #tpu.memory_space<vmem_shared>>
      %dma_start3A_407 = arith.constant 0 : i32
      %dma_start3A_408 = tpu.memref_slice %arg22[%add3A_141, %dma_start3A_407] : memref<10240x144xf32, #tpu.memory_space<vmem_shared>> -> memref<32x144xf32, #tpu.memory_space<vmem_shared>>
      tpu.enqueue_dma source(%arg13 : memref<32x144xf32, #tpu.memory_space<vmem>>) target(%dma_start3A_408 : memref<32x144xf32, #tpu.memory_space<vmem_shared>>) target_semaphore(%run_scoped3A : memref<!tpu.dma_semaphore, #tpu.memory_space<semaphore_mem>>)
      %dma_wait3A_409 = arith.constant 0 : i32
      %dma_wait3A_410 = tpu.memref_slice %arg22[%add3A_141, %dma_wait3A_409] : memref<10240x144xf32, #tpu.memory_space<vmem_shared>> -> memref<32x144xf32, #tpu.memory_space<vmem_shared>>
      %dma_wait3A_411 = arith.constant 0 : i32
      %dma_wait3A_412 = tpu.memref_slice %arg22[%add3A_141, %dma_wait3A_411] : memref<10240x144xf32, #tpu.memory_space<vmem_shared>> -> memref<32x144xf32, #tpu.memory_space<vmem_shared>>
      tpu.wait_dma2 semaphore(%run_scoped3A : memref<!tpu.dma_semaphore, #tpu.memory_space<semaphore_mem>>) src(%arg13 : memref<32x144xf32, #tpu.memory_space<vmem>>) dst(%dma_wait3A_412 : memref<32x144xf32, #tpu.memory_space<vmem_shared>>)
      tpu.yield
    }) : () -> ()
    %add3A_142 = arith.constant 32 : i32
    %add3A_143 = arith.addi %mul3A_139, %add3A_142 : i32
    "tpu.region"() ({
      %run_scoped3A = tpu.sem_alloc : memref<!tpu.dma_semaphore, #tpu.memory_space<semaphore_mem>>
      %dma_start3A_405 = arith.constant 0 : i32
      %dma_start3A_406 = tpu.memref_slice %arg22[%add3A_143, %dma_start3A_405] : memref<10240x144xf32, #tpu.memory_space<vmem_shared>> -> memref<32x144xf32, #tpu.memory_space<vmem_shared>>
      %dma_start3A_407 = arith.constant 0 : i32
      %dma_start3A_408 = tpu.memref_slice %arg22[%add3A_143, %dma_start3A_407] : memref<10240x144xf32, #tpu.memory_space<vmem_shared>> -> memref<32x144xf32, #tpu.memory_space<vmem_shared>>
      tpu.enqueue_dma source(%arg13 : memref<32x144xf32, #tpu.memory_space<vmem>>) target(%dma_start3A_408 : memref<32x144xf32, #tpu.memory_space<vmem_shared>>) target_semaphore(%run_scoped3A : memref<!tpu.dma_semaphore, #tpu.memory_space<semaphore_mem>>)
      %dma_wait3A_409 = arith.constant 0 : i32
      %dma_wait3A_410 = tpu.memref_slice %arg22[%add3A_143, %dma_wait3A_409] : memref<10240x144xf32, #tpu.memory_space<vmem_shared>> -> memref<32x144xf32, #tpu.memory_space<vmem_shared>>
      %dma_wait3A_411 = arith.constant 0 : i32
      %dma_wait3A_412 = tpu.memref_slice %arg22[%add3A_143, %dma_wait3A_411] : memref<10240x144xf32, #tpu.memory_space<vmem_shared>> -> memref<32x144xf32, #tpu.memory_space<vmem_shared>>
      tpu.wait_dma2 semaphore(%run_scoped3A : memref<!tpu.dma_semaphore, #tpu.memory_space<semaphore_mem>>) src(%arg13 : memref<32x144xf32, #tpu.memory_space<vmem>>) dst(%dma_wait3A_412 : memref<32x144xf32, #tpu.memory_space<vmem_shared>>)
      tpu.yield
    }) : () -> ()
    %add3A_144 = arith.constant 64 : i32
    %add3A_145 = arith.addi %mul3A_139, %add3A_144 : i32
    "tpu.region"() ({
      %run_scoped3A = tpu.sem_alloc : memref<!tpu.dma_semaphore, #tpu.memory_space<semaphore_mem>>
      %dma_start3A_405 = arith.constant 0 : i32
      %dma_start3A_406 = tpu.memref_slice %arg22[%add3A_145, %dma_start3A_405] : memref<10240x144xf32, #tpu.memory_space<vmem_shared>> -> memref<32x144xf32, #tpu.memory_space<vmem_shared>>
      %dma_start3A_407 = arith.constant 0 : i32
      %dma_start3A_408 = tpu.memref_slice %arg22[%add3A_145, %dma_start3A_407] : memref<10240x144xf32, #tpu.memory_space<vmem_shared>> -> memref<32x144xf32, #tpu.memory_space<vmem_shared>>
      tpu.enqueue_dma source(%arg13 : memref<32x144xf32, #tpu.memory_space<vmem>>) target(%dma_start3A_408 : memref<32x144xf32, #tpu.memory_space<vmem_shared>>) target_semaphore(%run_scoped3A : memref<!tpu.dma_semaphore, #tpu.memory_space<semaphore_mem>>)
      %dma_wait3A_409 = arith.constant 0 : i32
      %dma_wait3A_410 = tpu.memref_slice %arg22[%add3A_145, %dma_wait3A_409] : memref<10240x144xf32, #tpu.memory_space<vmem_shared>> -> memref<32x144xf32, #tpu.memory_space<vmem_shared>>
      %dma_wait3A_411 = arith.constant 0 : i32
      %dma_wait3A_412 = tpu.memref_slice %arg22[%add3A_145, %dma_wait3A_411] : memref<10240x144xf32, #tpu.memory_space<vmem_shared>> -> memref<32x144xf32, #tpu.memory_space<vmem_shared>>
      tpu.wait_dma2 semaphore(%run_scoped3A : memref<!tpu.dma_semaphore, #tpu.memory_space<semaphore_mem>>) src(%arg13 : memref<32x144xf32, #tpu.memory_space<vmem>>) dst(%dma_wait3A_412 : memref<32x144xf32, #tpu.memory_space<vmem_shared>>)
      tpu.yield
    }) : () -> ()
    %add3A_146 = arith.constant 96 : i32
    %add3A_147 = arith.addi %mul3A_139, %add3A_146 : i32
    "tpu.region"() ({
      %run_scoped3A = tpu.sem_alloc : memref<!tpu.dma_semaphore, #tpu.memory_space<semaphore_mem>>
      %dma_start3A_405 = arith.constant 0 : i32
      %dma_start3A_406 = tpu.memref_slice %arg22[%add3A_147, %dma_start3A_405] : memref<10240x144xf32, #tpu.memory_space<vmem_shared>> -> memref<32x144xf32, #tpu.memory_space<vmem_shared>>
      %dma_start3A_407 = arith.constant 0 : i32
      %dma_start3A_408 = tpu.memref_slice %arg22[%add3A_147, %dma_start3A_407] : memref<10240x144xf32, #tpu.memory_space<vmem_shared>> -> memref<32x144xf32, #tpu.memory_space<vmem_shared>>
      tpu.enqueue_dma source(%arg13 : memref<32x144xf32, #tpu.memory_space<vmem>>) target(%dma_start3A_408 : memref<32x144xf32, #tpu.memory_space<vmem_shared>>) target_semaphore(%run_scoped3A : memref<!tpu.dma_semaphore, #tpu.memory_space<semaphore_mem>>)
      %dma_wait3A_409 = arith.constant 0 : i32
      %dma_wait3A_410 = tpu.memref_slice %arg22[%add3A_147, %dma_wait3A_409] : memref<10240x144xf32, #tpu.memory_space<vmem_shared>> -> memref<32x144xf32, #tpu.memory_space<vmem_shared>>
      %dma_wait3A_411 = arith.constant 0 : i32
      %dma_wait3A_412 = tpu.memref_slice %arg22[%add3A_147, %dma_wait3A_411] : memref<10240x144xf32, #tpu.memory_space<vmem_shared>> -> memref<32x144xf32, #tpu.memory_space<vmem_shared>>
      tpu.wait_dma2 semaphore(%run_scoped3A : memref<!tpu.dma_semaphore, #tpu.memory_space<semaphore_mem>>) src(%arg13 : memref<32x144xf32, #tpu.memory_space<vmem>>) dst(%dma_wait3A_412 : memref<32x144xf32, #tpu.memory_space<vmem_shared>>)
      tpu.yield
    }) : () -> ()
    %add3A_148 = arith.constant 128 : i32
    %add3A_149 = arith.addi %mul3A_139, %add3A_148 : i32
    "tpu.region"() ({
      %run_scoped3A = tpu.sem_alloc : memref<!tpu.dma_semaphore, #tpu.memory_space<semaphore_mem>>
      %dma_start3A_405 = arith.constant 0 : i32
      %dma_start3A_406 = tpu.memref_slice %arg22[%add3A_149, %dma_start3A_405] : memref<10240x144xf32, #tpu.memory_space<vmem_shared>> -> memref<32x144xf32, #tpu.memory_space<vmem_shared>>
      %dma_start3A_407 = arith.constant 0 : i32
      %dma_start3A_408 = tpu.memref_slice %arg22[%add3A_149, %dma_start3A_407] : memref<10240x144xf32, #tpu.memory_space<vmem_shared>> -> memref<32x144xf32, #tpu.memory_space<vmem_shared>>
      tpu.enqueue_dma source(%arg13 : memref<32x144xf32, #tpu.memory_space<vmem>>) target(%dma_start3A_408 : memref<32x144xf32, #tpu.memory_space<vmem_shared>>) target_semaphore(%run_scoped3A : memref<!tpu.dma_semaphore, #tpu.memory_space<semaphore_mem>>)
      %dma_wait3A_409 = arith.constant 0 : i32
      %dma_wait3A_410 = tpu.memref_slice %arg22[%add3A_149, %dma_wait3A_409] : memref<10240x144xf32, #tpu.memory_space<vmem_shared>> -> memref<32x144xf32, #tpu.memory_space<vmem_shared>>
      %dma_wait3A_411 = arith.constant 0 : i32
      %dma_wait3A_412 = tpu.memref_slice %arg22[%add3A_149, %dma_wait3A_411] : memref<10240x144xf32, #tpu.memory_space<vmem_shared>> -> memref<32x144xf32, #tpu.memory_space<vmem_shared>>
      tpu.wait_dma2 semaphore(%run_scoped3A : memref<!tpu.dma_semaphore, #tpu.memory_space<semaphore_mem>>) src(%arg13 : memref<32x144xf32, #tpu.memory_space<vmem>>) dst(%dma_wait3A_412 : memref<32x144xf32, #tpu.memory_space<vmem_shared>>)
      tpu.yield
    }) : () -> ()
    %add3A_150 = arith.constant 160 : i32
    %add3A_151 = arith.addi %mul3A_139, %add3A_150 : i32
    "tpu.region"() ({
      %run_scoped3A = tpu.sem_alloc : memref<!tpu.dma_semaphore, #tpu.memory_space<semaphore_mem>>
      %dma_start3A_405 = arith.constant 0 : i32
      %dma_start3A_406 = tpu.memref_slice %arg22[%add3A_151, %dma_start3A_405] : memref<10240x144xf32, #tpu.memory_space<vmem_shared>> -> memref<32x144xf32, #tpu.memory_space<vmem_shared>>
      %dma_start3A_407 = arith.constant 0 : i32
      %dma_start3A_408 = tpu.memref_slice %arg22[%add3A_151, %dma_start3A_407] : memref<10240x144xf32, #tpu.memory_space<vmem_shared>> -> memref<32x144xf32, #tpu.memory_space<vmem_shared>>
      tpu.enqueue_dma source(%arg13 : memref<32x144xf32, #tpu.memory_space<vmem>>) target(%dma_start3A_408 : memref<32x144xf32, #tpu.memory_space<vmem_shared>>) target_semaphore(%run_scoped3A : memref<!tpu.dma_semaphore, #tpu.memory_space<semaphore_mem>>)
      %dma_wait3A_409 = arith.constant 0 : i32
      %dma_wait3A_410 = tpu.memref_slice %arg22[%add3A_151, %dma_wait3A_409] : memref<10240x144xf32, #tpu.memory_space<vmem_shared>> -> memref<32x144xf32, #tpu.memory_space<vmem_shared>>
      %dma_wait3A_411 = arith.constant 0 : i32
      %dma_wait3A_412 = tpu.memref_slice %arg22[%add3A_151, %dma_wait3A_411] : memref<10240x144xf32, #tpu.memory_space<vmem_shared>> -> memref<32x144xf32, #tpu.memory_space<vmem_shared>>
      tpu.wait_dma2 semaphore(%run_scoped3A : memref<!tpu.dma_semaphore, #tpu.memory_space<semaphore_mem>>) src(%arg13 : memref<32x144xf32, #tpu.memory_space<vmem>>) dst(%dma_wait3A_412 : memref<32x144xf32, #tpu.memory_space<vmem_shared>>)
      tpu.yield
    }) : () -> ()
    %add3A_152 = arith.constant 192 : i32
    %add3A_153 = arith.addi %mul3A_139, %add3A_152 : i32
    "tpu.region"() ({
      %run_scoped3A = tpu.sem_alloc : memref<!tpu.dma_semaphore, #tpu.memory_space<semaphore_mem>>
      %dma_start3A_405 = arith.constant 0 : i32
      %dma_start3A_406 = tpu.memref_slice %arg22[%add3A_153, %dma_start3A_405] : memref<10240x144xf32, #tpu.memory_space<vmem_shared>> -> memref<32x144xf32, #tpu.memory_space<vmem_shared>>
      %dma_start3A_407 = arith.constant 0 : i32
      %dma_start3A_408 = tpu.memref_slice %arg22[%add3A_153, %dma_start3A_407] : memref<10240x144xf32, #tpu.memory_space<vmem_shared>> -> memref<32x144xf32, #tpu.memory_space<vmem_shared>>
      tpu.enqueue_dma source(%arg13 : memref<32x144xf32, #tpu.memory_space<vmem>>) target(%dma_start3A_408 : memref<32x144xf32, #tpu.memory_space<vmem_shared>>) target_semaphore(%run_scoped3A : memref<!tpu.dma_semaphore, #tpu.memory_space<semaphore_mem>>)
      %dma_wait3A_409 = arith.constant 0 : i32
      %dma_wait3A_410 = tpu.memref_slice %arg22[%add3A_153, %dma_wait3A_409] : memref<10240x144xf32, #tpu.memory_space<vmem_shared>> -> memref<32x144xf32, #tpu.memory_space<vmem_shared>>
      %dma_wait3A_411 = arith.constant 0 : i32
      %dma_wait3A_412 = tpu.memref_slice %arg22[%add3A_153, %dma_wait3A_411] : memref<10240x144xf32, #tpu.memory_space<vmem_shared>> -> memref<32x144xf32, #tpu.memory_space<vmem_shared>>
      tpu.wait_dma2 semaphore(%run_scoped3A : memref<!tpu.dma_semaphore, #tpu.memory_space<semaphore_mem>>) src(%arg13 : memref<32x144xf32, #tpu.memory_space<vmem>>) dst(%dma_wait3A_412 : memref<32x144xf32, #tpu.memory_space<vmem_shared>>)
      tpu.yield
    }) : () -> ()
    %add3A_154 = arith.constant 224 : i32
    %add3A_155 = arith.addi %mul3A_139, %add3A_154 : i32
    "tpu.region"() ({
      %run_scoped3A = tpu.sem_alloc : memref<!tpu.dma_semaphore, #tpu.memory_space<semaphore_mem>>
      %dma_start3A_405 = arith.constant 0 : i32
      %dma_start3A_406 = tpu.memref_slice %arg22[%add3A_155, %dma_start3A_405] : memref<10240x144xf32, #tpu.memory_space<vmem_shared>> -> memref<32x144xf32, #tpu.memory_space<vmem_shared>>
      %dma_start3A_407 = arith.constant 0 : i32
      %dma_start3A_408 = tpu.memref_slice %arg22[%add3A_155, %dma_start3A_407] : memref<10240x144xf32, #tpu.memory_space<vmem_shared>> -> memref<32x144xf32, #tpu.memory_space<vmem_shared>>
      tpu.enqueue_dma source(%arg13 : memref<32x144xf32, #tpu.memory_space<vmem>>) target(%dma_start3A_408 : memref<32x144xf32, #tpu.memory_space<vmem_shared>>) target_semaphore(%run_scoped3A : memref<!tpu.dma_semaphore, #tpu.memory_space<semaphore_mem>>)
      %dma_wait3A_409 = arith.constant 0 : i32
      %dma_wait3A_410 = tpu.memref_slice %arg22[%add3A_155, %dma_wait3A_409] : memref<10240x144xf32, #tpu.memory_space<vmem_shared>> -> memref<32x144xf32, #tpu.memory_space<vmem_shared>>
      %dma_wait3A_411 = arith.constant 0 : i32
      %dma_wait3A_412 = tpu.memref_slice %arg22[%add3A_155, %dma_wait3A_411] : memref<10240x144xf32, #tpu.memory_space<vmem_shared>> -> memref<32x144xf32, #tpu.memory_space<vmem_shared>>
      tpu.wait_dma2 semaphore(%run_scoped3A : memref<!tpu.dma_semaphore, #tpu.memory_space<semaphore_mem>>) src(%arg13 : memref<32x144xf32, #tpu.memory_space<vmem>>) dst(%dma_wait3A_412 : memref<32x144xf32, #tpu.memory_space<vmem_shared>>)
      tpu.yield
    }) : () -> ()
    %add3A_156 = arith.constant 256 : i32
    %add3A_157 = arith.addi %mul3A_139, %add3A_156 : i32
    "tpu.region"() ({
      %run_scoped3A = tpu.sem_alloc : memref<!tpu.dma_semaphore, #tpu.memory_space<semaphore_mem>>
      %dma_start3A_405 = arith.constant 0 : i32
      %dma_start3A_406 = tpu.memref_slice %arg22[%add3A_157, %dma_start3A_405] : memref<10240x144xf32, #tpu.memory_space<vmem_shared>> -> memref<32x144xf32, #tpu.memory_space<vmem_shared>>
      %dma_start3A_407 = arith.constant 0 : i32
      %dma_start3A_408 = tpu.memref_slice %arg22[%add3A_157, %dma_start3A_407] : memref<10240x144xf32, #tpu.memory_space<vmem_shared>> -> memref<32x144xf32, #tpu.memory_space<vmem_shared>>
      tpu.enqueue_dma source(%arg13 : memref<32x144xf32, #tpu.memory_space<vmem>>) target(%dma_start3A_408 : memref<32x144xf32, #tpu.memory_space<vmem_shared>>) target_semaphore(%run_scoped3A : memref<!tpu.dma_semaphore, #tpu.memory_space<semaphore_mem>>)
      %dma_wait3A_409 = arith.constant 0 : i32
      %dma_wait3A_410 = tpu.memref_slice %arg22[%add3A_157, %dma_wait3A_409] : memref<10240x144xf32, #tpu.memory_space<vmem_shared>> -> memref<32x144xf32, #tpu.memory_space<vmem_shared>>
      %dma_wait3A_411 = arith.constant 0 : i32
      %dma_wait3A_412 = tpu.memref_slice %arg22[%add3A_157, %dma_wait3A_411] : memref<10240x144xf32, #tpu.memory_space<vmem_shared>> -> memref<32x144xf32, #tpu.memory_space<vmem_shared>>
      tpu.wait_dma2 semaphore(%run_scoped3A : memref<!tpu.dma_semaphore, #tpu.memory_space<semaphore_mem>>) src(%arg13 : memref<32x144xf32, #tpu.memory_space<vmem>>) dst(%dma_wait3A_412 : memref<32x144xf32, #tpu.memory_space<vmem_shared>>)
      tpu.yield
    }) : () -> ()
    %add3A_158 = arith.constant 288 : i32
    %add3A_159 = arith.addi %mul3A_139, %add3A_158 : i32
    "tpu.region"() ({
      %run_scoped3A = tpu.sem_alloc : memref<!tpu.dma_semaphore, #tpu.memory_space<semaphore_mem>>
      %dma_start3A_405 = arith.constant 0 : i32
      %dma_start3A_406 = tpu.memref_slice %arg22[%add3A_159, %dma_start3A_405] : memref<10240x144xf32, #tpu.memory_space<vmem_shared>> -> memref<32x144xf32, #tpu.memory_space<vmem_shared>>
      %dma_start3A_407 = arith.constant 0 : i32
      %dma_start3A_408 = tpu.memref_slice %arg22[%add3A_159, %dma_start3A_407] : memref<10240x144xf32, #tpu.memory_space<vmem_shared>> -> memref<32x144xf32, #tpu.memory_space<vmem_shared>>
      tpu.enqueue_dma source(%arg13 : memref<32x144xf32, #tpu.memory_space<vmem>>) target(%dma_start3A_408 : memref<32x144xf32, #tpu.memory_space<vmem_shared>>) target_semaphore(%run_scoped3A : memref<!tpu.dma_semaphore, #tpu.memory_space<semaphore_mem>>)
      %dma_wait3A_409 = arith.constant 0 : i32
      %dma_wait3A_410 = tpu.memref_slice %arg22[%add3A_159, %dma_wait3A_409] : memref<10240x144xf32, #tpu.memory_space<vmem_shared>> -> memref<32x144xf32, #tpu.memory_space<vmem_shared>>
      %dma_wait3A_411 = arith.constant 0 : i32
      %dma_wait3A_412 = tpu.memref_slice %arg22[%add3A_159, %dma_wait3A_411] : memref<10240x144xf32, #tpu.memory_space<vmem_shared>> -> memref<32x144xf32, #tpu.memory_space<vmem_shared>>
      tpu.wait_dma2 semaphore(%run_scoped3A : memref<!tpu.dma_semaphore, #tpu.memory_space<semaphore_mem>>) src(%arg13 : memref<32x144xf32, #tpu.memory_space<vmem>>) dst(%dma_wait3A_412 : memref<32x144xf32, #tpu.memory_space<vmem_shared>>)
      tpu.yield
    }) : () -> ()
    %add3A_160 = arith.constant 320 : i32
    %add3A_161 = arith.addi %mul3A_139, %add3A_160 : i32
    "tpu.region"() ({
      %run_scoped3A = tpu.sem_alloc : memref<!tpu.dma_semaphore, #tpu.memory_space<semaphore_mem>>
      %dma_start3A_405 = arith.constant 0 : i32
      %dma_start3A_406 = tpu.memref_slice %arg22[%add3A_161, %dma_start3A_405] : memref<10240x144xf32, #tpu.memory_space<vmem_shared>> -> memref<32x144xf32, #tpu.memory_space<vmem_shared>>
      %dma_start3A_407 = arith.constant 0 : i32
      %dma_start3A_408 = tpu.memref_slice %arg22[%add3A_161, %dma_start3A_407] : memref<10240x144xf32, #tpu.memory_space<vmem_shared>> -> memref<32x144xf32, #tpu.memory_space<vmem_shared>>
      tpu.enqueue_dma source(%arg13 : memref<32x144xf32, #tpu.memory_space<vmem>>) target(%dma_start3A_408 : memref<32x144xf32, #tpu.memory_space<vmem_shared>>) target_semaphore(%run_scoped3A : memref<!tpu.dma_semaphore, #tpu.memory_space<semaphore_mem>>)
      %dma_wait3A_409 = arith.constant 0 : i32
      %dma_wait3A_410 = tpu.memref_slice %arg22[%add3A_161, %dma_wait3A_409] : memref<10240x144xf32, #tpu.memory_space<vmem_shared>> -> memref<32x144xf32, #tpu.memory_space<vmem_shared>>
      %dma_wait3A_411 = arith.constant 0 : i32
      %dma_wait3A_412 = tpu.memref_slice %arg22[%add3A_161, %dma_wait3A_411] : memref<10240x144xf32, #tpu.memory_space<vmem_shared>> -> memref<32x144xf32, #tpu.memory_space<vmem_shared>>
      tpu.wait_dma2 semaphore(%run_scoped3A : memref<!tpu.dma_semaphore, #tpu.memory_space<semaphore_mem>>) src(%arg13 : memref<32x144xf32, #tpu.memory_space<vmem>>) dst(%dma_wait3A_412 : memref<32x144xf32, #tpu.memory_space<vmem_shared>>)
      tpu.yield
    }) : () -> ()
    %add3A_162 = arith.constant 352 : i32
    %add3A_163 = arith.addi %mul3A_139, %add3A_162 : i32
    "tpu.region"() ({
      %run_scoped3A = tpu.sem_alloc : memref<!tpu.dma_semaphore, #tpu.memory_space<semaphore_mem>>
      %dma_start3A_405 = arith.constant 0 : i32
      %dma_start3A_406 = tpu.memref_slice %arg22[%add3A_163, %dma_start3A_405] : memref<10240x144xf32, #tpu.memory_space<vmem_shared>> -> memref<32x144xf32, #tpu.memory_space<vmem_shared>>
      %dma_start3A_407 = arith.constant 0 : i32
      %dma_start3A_408 = tpu.memref_slice %arg22[%add3A_163, %dma_start3A_407] : memref<10240x144xf32, #tpu.memory_space<vmem_shared>> -> memref<32x144xf32, #tpu.memory_space<vmem_shared>>
      tpu.enqueue_dma source(%arg13 : memref<32x144xf32, #tpu.memory_space<vmem>>) target(%dma_start3A_408 : memref<32x144xf32, #tpu.memory_space<vmem_shared>>) target_semaphore(%run_scoped3A : memref<!tpu.dma_semaphore, #tpu.memory_space<semaphore_mem>>)
      %dma_wait3A_409 = arith.constant 0 : i32
      %dma_wait3A_410 = tpu.memref_slice %arg22[%add3A_163, %dma_wait3A_409] : memref<10240x144xf32, #tpu.memory_space<vmem_shared>> -> memref<32x144xf32, #tpu.memory_space<vmem_shared>>
      %dma_wait3A_411 = arith.constant 0 : i32
      %dma_wait3A_412 = tpu.memref_slice %arg22[%add3A_163, %dma_wait3A_411] : memref<10240x144xf32, #tpu.memory_space<vmem_shared>> -> memref<32x144xf32, #tpu.memory_space<vmem_shared>>
      tpu.wait_dma2 semaphore(%run_scoped3A : memref<!tpu.dma_semaphore, #tpu.memory_space<semaphore_mem>>) src(%arg13 : memref<32x144xf32, #tpu.memory_space<vmem>>) dst(%dma_wait3A_412 : memref<32x144xf32, #tpu.memory_space<vmem_shared>>)
      tpu.yield
    }) : () -> ()
    %add3A_164 = arith.constant 384 : i32
    %add3A_165 = arith.addi %mul3A_139, %add3A_164 : i32
    "tpu.region"() ({
      %run_scoped3A = tpu.sem_alloc : memref<!tpu.dma_semaphore, #tpu.memory_space<semaphore_mem>>
      %dma_start3A_405 = arith.constant 0 : i32
      %dma_start3A_406 = tpu.memref_slice %arg22[%add3A_165, %dma_start3A_405] : memref<10240x144xf32, #tpu.memory_space<vmem_shared>> -> memref<32x144xf32, #tpu.memory_space<vmem_shared>>
      %dma_start3A_407 = arith.constant 0 : i32
      %dma_start3A_408 = tpu.memref_slice %arg22[%add3A_165, %dma_start3A_407] : memref<10240x144xf32, #tpu.memory_space<vmem_shared>> -> memref<32x144xf32, #tpu.memory_space<vmem_shared>>
      tpu.enqueue_dma source(%arg13 : memref<32x144xf32, #tpu.memory_space<vmem>>) target(%dma_start3A_408 : memref<32x144xf32, #tpu.memory_space<vmem_shared>>) target_semaphore(%run_scoped3A : memref<!tpu.dma_semaphore, #tpu.memory_space<semaphore_mem>>)
      %dma_wait3A_409 = arith.constant 0 : i32
      %dma_wait3A_410 = tpu.memref_slice %arg22[%add3A_165, %dma_wait3A_409] : memref<10240x144xf32, #tpu.memory_space<vmem_shared>> -> memref<32x144xf32, #tpu.memory_space<vmem_shared>>
      %dma_wait3A_411 = arith.constant 0 : i32
      %dma_wait3A_412 = tpu.memref_slice %arg22[%add3A_165, %dma_wait3A_411] : memref<10240x144xf32, #tpu.memory_space<vmem_shared>> -> memref<32x144xf32, #tpu.memory_space<vmem_shared>>
      tpu.wait_dma2 semaphore(%run_scoped3A : memref<!tpu.dma_semaphore, #tpu.memory_space<semaphore_mem>>) src(%arg13 : memref<32x144xf32, #tpu.memory_space<vmem>>) dst(%dma_wait3A_412 : memref<32x144xf32, #tpu.memory_space<vmem_shared>>)
      tpu.yield
    }) : () -> ()
    %add3A_166 = arith.constant 416 : i32
    %add3A_167 = arith.addi %mul3A_139, %add3A_166 : i32
    "tpu.region"() ({
      %run_scoped3A = tpu.sem_alloc : memref<!tpu.dma_semaphore, #tpu.memory_space<semaphore_mem>>
      %dma_start3A_405 = arith.constant 0 : i32
      %dma_start3A_406 = tpu.memref_slice %arg22[%add3A_167, %dma_start3A_405] : memref<10240x144xf32, #tpu.memory_space<vmem_shared>> -> memref<32x144xf32, #tpu.memory_space<vmem_shared>>
      %dma_start3A_407 = arith.constant 0 : i32
      %dma_start3A_408 = tpu.memref_slice %arg22[%add3A_167, %dma_start3A_407] : memref<10240x144xf32, #tpu.memory_space<vmem_shared>> -> memref<32x144xf32, #tpu.memory_space<vmem_shared>>
      tpu.enqueue_dma source(%arg13 : memref<32x144xf32, #tpu.memory_space<vmem>>) target(%dma_start3A_408 : memref<32x144xf32, #tpu.memory_space<vmem_shared>>) target_semaphore(%run_scoped3A : memref<!tpu.dma_semaphore, #tpu.memory_space<semaphore_mem>>)
      %dma_wait3A_409 = arith.constant 0 : i32
      %dma_wait3A_410 = tpu.memref_slice %arg22[%add3A_167, %dma_wait3A_409] : memref<10240x144xf32, #tpu.memory_space<vmem_shared>> -> memref<32x144xf32, #tpu.memory_space<vmem_shared>>
      %dma_wait3A_411 = arith.constant 0 : i32
      %dma_wait3A_412 = tpu.memref_slice %arg22[%add3A_167, %dma_wait3A_411] : memref<10240x144xf32, #tpu.memory_space<vmem_shared>> -> memref<32x144xf32, #tpu.memory_space<vmem_shared>>
      tpu.wait_dma2 semaphore(%run_scoped3A : memref<!tpu.dma_semaphore, #tpu.memory_space<semaphore_mem>>) src(%arg13 : memref<32x144xf32, #tpu.memory_space<vmem>>) dst(%dma_wait3A_412 : memref<32x144xf32, #tpu.memory_space<vmem_shared>>)
      tpu.yield
    }) : () -> ()
    %add3A_168 = arith.constant 448 : i32
    %add3A_169 = arith.addi %mul3A_139, %add3A_168 : i32
    "tpu.region"() ({
      %run_scoped3A = tpu.sem_alloc : memref<!tpu.dma_semaphore, #tpu.memory_space<semaphore_mem>>
      %dma_start3A_405 = arith.constant 0 : i32
      %dma_start3A_406 = tpu.memref_slice %arg22[%add3A_169, %dma_start3A_405] : memref<10240x144xf32, #tpu.memory_space<vmem_shared>> -> memref<32x144xf32, #tpu.memory_space<vmem_shared>>
      %dma_start3A_407 = arith.constant 0 : i32
      %dma_start3A_408 = tpu.memref_slice %arg22[%add3A_169, %dma_start3A_407] : memref<10240x144xf32, #tpu.memory_space<vmem_shared>> -> memref<32x144xf32, #tpu.memory_space<vmem_shared>>
      tpu.enqueue_dma source(%arg13 : memref<32x144xf32, #tpu.memory_space<vmem>>) target(%dma_start3A_408 : memref<32x144xf32, #tpu.memory_space<vmem_shared>>) target_semaphore(%run_scoped3A : memref<!tpu.dma_semaphore, #tpu.memory_space<semaphore_mem>>)
      %dma_wait3A_409 = arith.constant 0 : i32
      %dma_wait3A_410 = tpu.memref_slice %arg22[%add3A_169, %dma_wait3A_409] : memref<10240x144xf32, #tpu.memory_space<vmem_shared>> -> memref<32x144xf32, #tpu.memory_space<vmem_shared>>
      %dma_wait3A_411 = arith.constant 0 : i32
      %dma_wait3A_412 = tpu.memref_slice %arg22[%add3A_169, %dma_wait3A_411] : memref<10240x144xf32, #tpu.memory_space<vmem_shared>> -> memref<32x144xf32, #tpu.memory_space<vmem_shared>>
      tpu.wait_dma2 semaphore(%run_scoped3A : memref<!tpu.dma_semaphore, #tpu.memory_space<semaphore_mem>>) src(%arg13 : memref<32x144xf32, #tpu.memory_space<vmem>>) dst(%dma_wait3A_412 : memref<32x144xf32, #tpu.memory_space<vmem_shared>>)
      tpu.yield
    }) : () -> ()
    %add3A_170 = arith.constant 480 : i32
    %add3A_171 = arith.addi %mul3A_139, %add3A_170 : i32
    "tpu.region"() ({
      %run_scoped3A = tpu.sem_alloc : memref<!tpu.dma_semaphore, #tpu.memory_space<semaphore_mem>>
      %dma_start3A_405 = arith.constant 0 : i32
      %dma_start3A_406 = tpu.memref_slice %arg22[%add3A_171, %dma_start3A_405] : memref<10240x144xf32, #tpu.memory_space<vmem_shared>> -> memref<32x144xf32, #tpu.memory_space<vmem_shared>>
      %dma_start3A_407 = arith.constant 0 : i32
      %dma_start3A_408 = tpu.memref_slice %arg22[%add3A_171, %dma_start3A_407] : memref<10240x144xf32, #tpu.memory_space<vmem_shared>> -> memref<32x144xf32, #tpu.memory_space<vmem_shared>>
      tpu.enqueue_dma source(%arg13 : memref<32x144xf32, #tpu.memory_space<vmem>>) target(%dma_start3A_408 : memref<32x144xf32, #tpu.memory_space<vmem_shared>>) target_semaphore(%run_scoped3A : memref<!tpu.dma_semaphore, #tpu.memory_space<semaphore_mem>>)
      %dma_wait3A_409 = arith.constant 0 : i32
      %dma_wait3A_410 = tpu.memref_slice %arg22[%add3A_171, %dma_wait3A_409] : memref<10240x144xf32, #tpu.memory_space<vmem_shared>> -> memref<32x144xf32, #tpu.memory_space<vmem_shared>>
      %dma_wait3A_411 = arith.constant 0 : i32
      %dma_wait3A_412 = tpu.memref_slice %arg22[%add3A_171, %dma_wait3A_411] : memref<10240x144xf32, #tpu.memory_space<vmem_shared>> -> memref<32x144xf32, #tpu.memory_space<vmem_shared>>
      tpu.wait_dma2 semaphore(%run_scoped3A : memref<!tpu.dma_semaphore, #tpu.memory_space<semaphore_mem>>) src(%arg13 : memref<32x144xf32, #tpu.memory_space<vmem>>) dst(%dma_wait3A_412 : memref<32x144xf32, #tpu.memory_space<vmem_shared>>)
      tpu.yield
    }) : () -> ()
    %add3A_172 = arith.constant 512 : i32
    %add3A_173 = arith.addi %mul3A_139, %add3A_172 : i32
    "tpu.region"() ({
      %run_scoped3A = tpu.sem_alloc : memref<!tpu.dma_semaphore, #tpu.memory_space<semaphore_mem>>
      %dma_start3A_405 = arith.constant 0 : i32
      %dma_start3A_406 = tpu.memref_slice %arg22[%add3A_173, %dma_start3A_405] : memref<10240x144xf32, #tpu.memory_space<vmem_shared>> -> memref<32x144xf32, #tpu.memory_space<vmem_shared>>
      %dma_start3A_407 = arith.constant 0 : i32
      %dma_start3A_408 = tpu.memref_slice %arg22[%add3A_173, %dma_start3A_407] : memref<10240x144xf32, #tpu.memory_space<vmem_shared>> -> memref<32x144xf32, #tpu.memory_space<vmem_shared>>
      tpu.enqueue_dma source(%arg13 : memref<32x144xf32, #tpu.memory_space<vmem>>) target(%dma_start3A_408 : memref<32x144xf32, #tpu.memory_space<vmem_shared>>) target_semaphore(%run_scoped3A : memref<!tpu.dma_semaphore, #tpu.memory_space<semaphore_mem>>)
      %dma_wait3A_409 = arith.constant 0 : i32
      %dma_wait3A_410 = tpu.memref_slice %arg22[%add3A_173, %dma_wait3A_409] : memref<10240x144xf32, #tpu.memory_space<vmem_shared>> -> memref<32x144xf32, #tpu.memory_space<vmem_shared>>
      %dma_wait3A_411 = arith.constant 0 : i32
      %dma_wait3A_412 = tpu.memref_slice %arg22[%add3A_173, %dma_wait3A_411] : memref<10240x144xf32, #tpu.memory_space<vmem_shared>> -> memref<32x144xf32, #tpu.memory_space<vmem_shared>>
      tpu.wait_dma2 semaphore(%run_scoped3A : memref<!tpu.dma_semaphore, #tpu.memory_space<semaphore_mem>>) src(%arg13 : memref<32x144xf32, #tpu.memory_space<vmem>>) dst(%dma_wait3A_412 : memref<32x144xf32, #tpu.memory_space<vmem_shared>>)
      tpu.yield
    }) : () -> ()
    %add3A_174 = arith.constant 544 : i32
    %add3A_175 = arith.addi %mul3A_139, %add3A_174 : i32
    "tpu.region"() ({
      %run_scoped3A = tpu.sem_alloc : memref<!tpu.dma_semaphore, #tpu.memory_space<semaphore_mem>>
      %dma_start3A_405 = arith.constant 0 : i32
      %dma_start3A_406 = tpu.memref_slice %arg22[%add3A_175, %dma_start3A_405] : memref<10240x144xf32, #tpu.memory_space<vmem_shared>> -> memref<32x144xf32, #tpu.memory_space<vmem_shared>>
      %dma_start3A_407 = arith.constant 0 : i32
      %dma_start3A_408 = tpu.memref_slice %arg22[%add3A_175, %dma_start3A_407] : memref<10240x144xf32, #tpu.memory_space<vmem_shared>> -> memref<32x144xf32, #tpu.memory_space<vmem_shared>>
      tpu.enqueue_dma source(%arg13 : memref<32x144xf32, #tpu.memory_space<vmem>>) target(%dma_start3A_408 : memref<32x144xf32, #tpu.memory_space<vmem_shared>>) target_semaphore(%run_scoped3A : memref<!tpu.dma_semaphore, #tpu.memory_space<semaphore_mem>>)
      %dma_wait3A_409 = arith.constant 0 : i32
      %dma_wait3A_410 = tpu.memref_slice %arg22[%add3A_175, %dma_wait3A_409] : memref<10240x144xf32, #tpu.memory_space<vmem_shared>> -> memref<32x144xf32, #tpu.memory_space<vmem_shared>>
      %dma_wait3A_411 = arith.constant 0 : i32
      %dma_wait3A_412 = tpu.memref_slice %arg22[%add3A_175, %dma_wait3A_411] : memref<10240x144xf32, #tpu.memory_space<vmem_shared>> -> memref<32x144xf32, #tpu.memory_space<vmem_shared>>
      tpu.wait_dma2 semaphore(%run_scoped3A : memref<!tpu.dma_semaphore, #tpu.memory_space<semaphore_mem>>) src(%arg13 : memref<32x144xf32, #tpu.memory_space<vmem>>) dst(%dma_wait3A_412 : memref<32x144xf32, #tpu.memory_space<vmem_shared>>)
      tpu.yield
    }) : () -> ()
    %add3A_176 = arith.constant 576 : i32
    %add3A_177 = arith.addi %mul3A_139, %add3A_176 : i32
    "tpu.region"() ({
      %run_scoped3A = tpu.sem_alloc : memref<!tpu.dma_semaphore, #tpu.memory_space<semaphore_mem>>
      %dma_start3A_405 = arith.constant 0 : i32
      %dma_start3A_406 = tpu.memref_slice %arg22[%add3A_177, %dma_start3A_405] : memref<10240x144xf32, #tpu.memory_space<vmem_shared>> -> memref<32x144xf32, #tpu.memory_space<vmem_shared>>
      %dma_start3A_407 = arith.constant 0 : i32
      %dma_start3A_408 = tpu.memref_slice %arg22[%add3A_177, %dma_start3A_407] : memref<10240x144xf32, #tpu.memory_space<vmem_shared>> -> memref<32x144xf32, #tpu.memory_space<vmem_shared>>
      tpu.enqueue_dma source(%arg13 : memref<32x144xf32, #tpu.memory_space<vmem>>) target(%dma_start3A_408 : memref<32x144xf32, #tpu.memory_space<vmem_shared>>) target_semaphore(%run_scoped3A : memref<!tpu.dma_semaphore, #tpu.memory_space<semaphore_mem>>)
      %dma_wait3A_409 = arith.constant 0 : i32
      %dma_wait3A_410 = tpu.memref_slice %arg22[%add3A_177, %dma_wait3A_409] : memref<10240x144xf32, #tpu.memory_space<vmem_shared>> -> memref<32x144xf32, #tpu.memory_space<vmem_shared>>
      %dma_wait3A_411 = arith.constant 0 : i32
      %dma_wait3A_412 = tpu.memref_slice %arg22[%add3A_177, %dma_wait3A_411] : memref<10240x144xf32, #tpu.memory_space<vmem_shared>> -> memref<32x144xf32, #tpu.memory_space<vmem_shared>>
      tpu.wait_dma2 semaphore(%run_scoped3A : memref<!tpu.dma_semaphore, #tpu.memory_space<semaphore_mem>>) src(%arg13 : memref<32x144xf32, #tpu.memory_space<vmem>>) dst(%dma_wait3A_412 : memref<32x144xf32, #tpu.memory_space<vmem_shared>>)
      tpu.yield
    }) : () -> ()
    %add3A_178 = arith.constant 608 : i32
    %add3A_179 = arith.addi %mul3A_139, %add3A_178 : i32
    "tpu.region"() ({
      %run_scoped3A = tpu.sem_alloc : memref<!tpu.dma_semaphore, #tpu.memory_space<semaphore_mem>>
      %dma_start3A_405 = arith.constant 0 : i32
      %dma_start3A_406 = tpu.memref_slice %arg22[%add3A_179, %dma_start3A_405] : memref<10240x144xf32, #tpu.memory_space<vmem_shared>> -> memref<32x144xf32, #tpu.memory_space<vmem_shared>>
      %dma_start3A_407 = arith.constant 0 : i32
      %dma_start3A_408 = tpu.memref_slice %arg22[%add3A_179, %dma_start3A_407] : memref<10240x144xf32, #tpu.memory_space<vmem_shared>> -> memref<32x144xf32, #tpu.memory_space<vmem_shared>>
      tpu.enqueue_dma source(%arg13 : memref<32x144xf32, #tpu.memory_space<vmem>>) target(%dma_start3A_408 : memref<32x144xf32, #tpu.memory_space<vmem_shared>>) target_semaphore(%run_scoped3A : memref<!tpu.dma_semaphore, #tpu.memory_space<semaphore_mem>>)
      %dma_wait3A_409 = arith.constant 0 : i32
      %dma_wait3A_410 = tpu.memref_slice %arg22[%add3A_179, %dma_wait3A_409] : memref<10240x144xf32, #tpu.memory_space<vmem_shared>> -> memref<32x144xf32, #tpu.memory_space<vmem_shared>>
      %dma_wait3A_411 = arith.constant 0 : i32
      %dma_wait3A_412 = tpu.memref_slice %arg22[%add3A_179, %dma_wait3A_411] : memref<10240x144xf32, #tpu.memory_space<vmem_shared>> -> memref<32x144xf32, #tpu.memory_space<vmem_shared>>
      tpu.wait_dma2 semaphore(%run_scoped3A : memref<!tpu.dma_semaphore, #tpu.memory_space<semaphore_mem>>) src(%arg13 : memref<32x144xf32, #tpu.memory_space<vmem>>) dst(%dma_wait3A_412 : memref<32x144xf32, #tpu.memory_space<vmem_shared>>)
      tpu.yield
    }) : () -> ()
    %barrier3A_180 = arith.constant 0 : index
    tpu.barrier barrier_id(%barrier3A_180)
    %add3A_181 = arith.constant 0 : i32
    %add3A_182 = arith.addi %mul3A_2, %add3A_181 : i32
    %dma_start3A_183 = tpu.memref_slice %arg3[%add3A_182] : memref<321536xi32, #tpu.memory_space<hbm>> -> memref<32xi32, #tpu.memory_space<hbm>>
    %dma_start3A_184 = tpu.memref_slice %arg3[%add3A_182] : memref<321536xi32, #tpu.memory_space<hbm>> -> memref<32xi32, #tpu.memory_space<hbm>>
    tpu.enqueue_dma source(%dma_start3A_184 : memref<32xi32, #tpu.memory_space<hbm>>) target(%arg7 : memref<32xi32, #tpu.memory_space<vmem>>) target_semaphore(%arg23 : memref<!tpu.dma_semaphore, #tpu.memory_space<semaphore_mem>>)
    %dma_start3A_185 = tpu.memref_slice %arg4[%add3A_182] : memref<321536xi32, #tpu.memory_space<hbm>> -> memref<32xi32, #tpu.memory_space<hbm>>
    %dma_start3A_186 = tpu.memref_slice %arg4[%add3A_182] : memref<321536xi32, #tpu.memory_space<hbm>> -> memref<32xi32, #tpu.memory_space<hbm>>
    tpu.enqueue_dma source(%dma_start3A_186 : memref<32xi32, #tpu.memory_space<hbm>>) target(%arg9 : memref<32xi32, #tpu.memory_space<vmem>>) target_semaphore(%arg23 : memref<!tpu.dma_semaphore, #tpu.memory_space<semaphore_mem>>)
    %add3A_187 = arith.constant 0 : i32
    %add3A_188 = arith.addi %mul3A_2, %add3A_187 : i32
    %dma_wait3A_189 = tpu.memref_slice %arg3[%add3A_188] : memref<321536xi32, #tpu.memory_space<hbm>> -> memref<32xi32, #tpu.memory_space<hbm>>
    %dma_wait3A_190 = tpu.memref_slice %arg3[%add3A_188] : memref<321536xi32, #tpu.memory_space<hbm>> -> memref<32xi32, #tpu.memory_space<hbm>>
    tpu.wait_dma2 semaphore(%arg23 : memref<!tpu.dma_semaphore, #tpu.memory_space<semaphore_mem>>) src(%dma_wait3A_190 : memref<32xi32, #tpu.memory_space<hbm>>) dst(%arg7 : memref<32xi32, #tpu.memory_space<vmem>>)
    %dma_wait3A_191 = tpu.memref_slice %arg4[%add3A_188] : memref<321536xi32, #tpu.memory_space<hbm>> -> memref<32xi32, #tpu.memory_space<hbm>>
    %dma_wait3A_192 = tpu.memref_slice %arg4[%add3A_188] : memref<321536xi32, #tpu.memory_space<hbm>> -> memref<32xi32, #tpu.memory_space<hbm>>
    tpu.wait_dma2 semaphore(%arg23 : memref<!tpu.dma_semaphore, #tpu.memory_space<semaphore_mem>>) src(%dma_wait3A_192 : memref<32xi32, #tpu.memory_space<hbm>>) dst(%arg9 : memref<32xi32, #tpu.memory_space<vmem>>)
    %get3A_193 = arith.constant 0 : index
    %get3A_194 = tpu.vector_load %arg7[%get3A_193] {strides = array<i32>} : memref<32xi32, #tpu.memory_space<vmem>>, vector<16xi32>,
    %get3A_195 = arith.constant 0 : index
    %get3A_196 = tpu.vector_load %arg9[%get3A_195] {strides = array<i32>} : memref<32xi32, #tpu.memory_space<vmem>>, vector<16xi32>,
    %add3A_197 = arith.constant 10000 : i32
    %add3A_198 = vector.broadcast %add3A_197 : i32 to vector<16xi32>
    %add3A_199 = arith.addi %get3A_194, %add3A_198 : vector<16xi32>
    %swap3A_200 = arith.constant 0 : index
    %swap3A_201 = tpu.vector_load %arg16[%swap3A_200] {strides = array<i32>} : memref<32xi32, #tpu.memory_space<vmem>>, vector<16xi32>,
    tpu.vector_store %arg16[%swap3A_200], %add3A_199 {strides = array<i32>} : memref<32xi32, #tpu.memory_space<vmem>>, vector<16xi32>,
    %mul3A_202 = arith.constant 3 : i32
    %mul3A_203 = vector.broadcast %mul3A_202 : i32 to vector<16xi32>
    %mul3A_204 = arith.muli %get3A_196, %mul3A_203 : vector<16xi32>
    %add3A_205 = arith.constant 1 : i32
    %add3A_206 = vector.broadcast %add3A_205 : i32 to vector<16xi32>
    %add3A_207 = arith.addi %mul3A_204, %add3A_206 : vector<16xi32>
    %swap3A_208 = arith.constant 0 : index
    %swap3A_209 = tpu.vector_load %arg20[%swap3A_208] {strides = array<i32>} : memref<32xi32, #tpu.memory_space<vmem>>, vector<16xi32>,
    tpu.vector_store %arg20[%swap3A_208], %add3A_207 {strides = array<i32>} : memref<32xi32, #tpu.memory_space<vmem>>, vector<16xi32>,
    %swap3A_210 = arith.constant 0 : index
    %swap3A_211 = tpu.vector_load %arg11[%swap3A_210] {strides = array<i32>} : memref<32xi32, #tpu.memory_space<vmem>>, vector<16xi32>,
    tpu.vector_store %arg11[%swap3A_210], %get3A_196 {strides = array<i32>} : memref<32xi32, #tpu.memory_space<vmem>>, vector<16xi32>,
    %get3A_212 = arith.constant 16 : index
    %get3A_213 = tpu.vector_load %arg7[%get3A_212] {strides = array<i32>} : memref<32xi32, #tpu.memory_space<vmem>>, vector<16xi32>,
    %get3A_214 = arith.constant 16 : index
    %get3A_215 = tpu.vector_load %arg9[%get3A_214] {strides = array<i32>} : memref<32xi32, #tpu.memory_space<vmem>>, vector<16xi32>,
    %add3A_216 = arith.constant 10000 : i32
    %add3A_217 = vector.broadcast %add3A_216 : i32 to vector<16xi32>
    %add3A_218 = arith.addi %get3A_213, %add3A_217 : vector<16xi32>
    %swap3A_219 = arith.constant 16 : index
    %swap3A_220 = tpu.vector_load %arg16[%swap3A_219] {strides = array<i32>} : memref<32xi32, #tpu.memory_space<vmem>>, vector<16xi32>,
    tpu.vector_store %arg16[%swap3A_219], %add3A_218 {strides = array<i32>} : memref<32xi32, #tpu.memory_space<vmem>>, vector<16xi32>,
    %mul3A_221 = arith.constant 3 : i32
    %mul3A_222 = vector.broadcast %mul3A_221 : i32 to vector<16xi32>
    %mul3A_223 = arith.muli %get3A_215, %mul3A_222 : vector<16xi32>
    %add3A_224 = arith.constant 1 : i32
    %add3A_225 = vector.broadcast %add3A_224 : i32 to vector<16xi32>
    %add3A_226 = arith.addi %mul3A_223, %add3A_225 : vector<16xi32>
    %swap3A_227 = arith.constant 16 : index
    %swap3A_228 = tpu.vector_load %arg20[%swap3A_227] {strides = array<i32>} : memref<32xi32, #tpu.memory_space<vmem>>, vector<16xi32>,
    tpu.vector_store %arg20[%swap3A_227], %add3A_226 {strides = array<i32>} : memref<32xi32, #tpu.memory_space<vmem>>, vector<16xi32>,
    %swap3A_229 = arith.constant 16 : index
    %swap3A_230 = tpu.vector_load %arg11[%swap3A_229] {strides = array<i32>} : memref<32xi32, #tpu.memory_space<vmem>>, vector<16xi32>,
    tpu.vector_store %arg11[%swap3A_229], %get3A_215 {strides = array<i32>} : memref<32xi32, #tpu.memory_space<vmem>>, vector<16xi32>,
    %dma_start3A_231 = arith.constant 0 : i32
    %dma_start3A_232 = arith.constant 0 : i32
    %dma_start3A_233 = tpu.memref_slice %arg2[%dma_start3A_231, %dma_start3A_232] : memref<30000x144xf32, #tpu.memory_space<hbm>> -> memref<30000x144xf32, #tpu.memory_space<hbm>>
    tpu.enqueue_indirect_dma source(%dma_start3A_233 : memref<30000x144xf32, #tpu.memory_space<hbm>>) target(%arg13 : memref<32x144xf32, #tpu.memory_space<vmem>>) offsets(%arg16 : memref<32xi32, #tpu.memory_space<vmem>>) semaphore(%arg25 : memref<!tpu.dma_semaphore, #tpu.memory_space<semaphore_mem>>)
    %dma_start3A_234 = arith.constant 0 : i32
    %dma_start3A_235 = tpu.memref_slice %arg5[%dma_start3A_234] : memref<30000xf32, #tpu.memory_space<hbm>> -> memref<30000xf32, #tpu.memory_space<hbm>>
    tpu.enqueue_indirect_dma source(%dma_start3A_235 : memref<30000xf32, #tpu.memory_space<hbm>>) target(%arg18 : memref<32xf32, #tpu.memory_space<vmem>>) offsets(%arg20 : memref<32xi32, #tpu.memory_space<vmem>>) semaphore(%arg27 : memref<!tpu.dma_semaphore, #tpu.memory_space<semaphore_mem>>)
    %add3A_236 = arith.constant 32 : i32
    %add3A_237 = arith.addi %mul3A_2, %add3A_236 : i32
    %dma_start3A_238 = tpu.memref_slice %arg3[%add3A_237] : memref<321536xi32, #tpu.memory_space<hbm>> -> memref<32xi32, #tpu.memory_space<hbm>>
    %dma_start3A_239 = tpu.memref_slice %arg3[%add3A_237] : memref<321536xi32, #tpu.memory_space<hbm>> -> memref<32xi32, #tpu.memory_space<hbm>>
    tpu.enqueue_dma source(%dma_start3A_239 : memref<32xi32, #tpu.memory_space<hbm>>) target(%arg8 : memref<32xi32, #tpu.memory_space<vmem>>) target_semaphore(%arg24 : memref<!tpu.dma_semaphore, #tpu.memory_space<semaphore_mem>>)
    %dma_start3A_240 = tpu.memref_slice %arg4[%add3A_237] : memref<321536xi32, #tpu.memory_space<hbm>> -> memref<32xi32, #tpu.memory_space<hbm>>
    %dma_start3A_241 = tpu.memref_slice %arg4[%add3A_237] : memref<321536xi32, #tpu.memory_space<hbm>> -> memref<32xi32, #tpu.memory_space<hbm>>
    tpu.enqueue_dma source(%dma_start3A_241 : memref<32xi32, #tpu.memory_space<hbm>>) target(%arg10 : memref<32xi32, #tpu.memory_space<vmem>>) target_semaphore(%arg24 : memref<!tpu.dma_semaphore, #tpu.memory_space<semaphore_mem>>)
    %scan3A_242 = arith.constant 0 : i32
    %scan3A_243 = arith.constant 157 : i32
    %scan3A_244 = arith.addi %scan3A_242, %scan3A_243 : i32
    %scan3A_245 = arith.constant 1 : i32
    scf.for %scan3A_405 = %scan3A_242 to %scan3A_244 step %scan3A_245  : i32 {
      %mul3A_406 = arith.constant 1 : i32
      %mul3A_407 = arith.muli %scan3A_405, %mul3A_406 : i32
      %add3A_408 = arith.constant 0 : i32
      %add3A_409 = arith.addi %add3A_408, %mul3A_407 : i32
      %mul3A_410 = arith.constant 2 : i32
      %mul3A_411 = arith.muli %add3A_409, %mul3A_410 : i32
      %add3A_412 = arith.constant 1 : i32
      %add3A_413 = arith.addi %mul3A_411, %add3A_412 : i32
      %mul3A_414 = arith.constant 32 : i32
      %mul3A_415 = arith.muli %add3A_413, %mul3A_414 : i32
      %add3A_416 = arith.addi %mul3A_2, %mul3A_415 : i32
      %dma_wait3A_417 = tpu.memref_slice %arg3[%add3A_416] : memref<321536xi32, #tpu.memory_space<hbm>> -> memref<32xi32, #tpu.memory_space<hbm>>
      %dma_wait3A_418 = tpu.memref_slice %arg3[%add3A_416] : memref<321536xi32, #tpu.memory_space<hbm>> -> memref<32xi32, #tpu.memory_space<hbm>>
      tpu.wait_dma2 semaphore(%arg24 : memref<!tpu.dma_semaphore, #tpu.memory_space<semaphore_mem>>) src(%dma_wait3A_418 : memref<32xi32, #tpu.memory_space<hbm>>) dst(%arg8 : memref<32xi32, #tpu.memory_space<vmem>>)
      %dma_wait3A_419 = tpu.memref_slice %arg4[%add3A_416] : memref<321536xi32, #tpu.memory_space<hbm>> -> memref<32xi32, #tpu.memory_space<hbm>>
      %dma_wait3A_420 = tpu.memref_slice %arg4[%add3A_416] : memref<321536xi32, #tpu.memory_space<hbm>> -> memref<32xi32, #tpu.memory_space<hbm>>
      tpu.wait_dma2 semaphore(%arg24 : memref<!tpu.dma_semaphore, #tpu.memory_space<semaphore_mem>>) src(%dma_wait3A_420 : memref<32xi32, #tpu.memory_space<hbm>>) dst(%arg10 : memref<32xi32, #tpu.memory_space<vmem>>)
      %ge3A = arith.constant 1 : i32
      %ge3A_421 = arith.cmpi sge, %mul3A_411, %ge3A : i32
      %convert_element_type3A = arith.extui %ge3A_421 : i1 to i32
      %cond3A = arith.constant 0 : i32
      %cond3A_422 = arith.cmpi ne, %convert_element_type3A, %cond3A : i32
      scf.if %cond3A_422 {
        %dma_wait3A_635 = arith.constant 0 : i32
        %dma_wait3A_636 = arith.constant 0 : i32
        %dma_wait3A_637 = tpu.memref_slice %arg22[%dma_wait3A_635, %dma_wait3A_636] : memref<10240x144xf32, #tpu.memory_space<vmem_shared>> -> memref<10240x144xf32, #tpu.memory_space<vmem_shared>>
        tpu.wait_indirect_dma semaphore(%arg30 : memref<!tpu.dma_semaphore, #tpu.memory_space<semaphore_mem>>) src(%arg14 : memref<32x144xf32, #tpu.memory_space<vmem>>) dst(%dma_wait3A_637 : memref<10240x144xf32, #tpu.memory_space<vmem_shared>>)
      } else {
      }
      %get3A_423 = arith.constant 0 : index
      %get3A_424 = tpu.vector_load %arg8[%get3A_423] {strides = array<i32>} : memref<32xi32, #tpu.memory_space<vmem>>, vector<16xi32>,
      %get3A_425 = arith.constant 0 : index
      %get3A_426 = tpu.vector_load %arg10[%get3A_425] {strides = array<i32>} : memref<32xi32, #tpu.memory_space<vmem>>, vector<16xi32>,
      %add3A_427 = arith.constant 10000 : i32
      %add3A_428 = vector.broadcast %add3A_427 : i32 to vector<16xi32>
      %add3A_429 = arith.addi %get3A_424, %add3A_428 : vector<16xi32>
      %swap3A_430 = arith.constant 0 : index
      %swap3A_431 = tpu.vector_load %arg17[%swap3A_430] {strides = array<i32>} : memref<32xi32, #tpu.memory_space<vmem>>, vector<16xi32>,
      tpu.vector_store %arg17[%swap3A_430], %add3A_429 {strides = array<i32>} : memref<32xi32, #tpu.memory_space<vmem>>, vector<16xi32>,
      %mul3A_432 = arith.constant 3 : i32
      %mul3A_433 = vector.broadcast %mul3A_432 : i32 to vector<16xi32>
      %mul3A_434 = arith.muli %get3A_426, %mul3A_433 : vector<16xi32>
      %add3A_435 = arith.constant 1 : i32
      %add3A_436 = vector.broadcast %add3A_435 : i32 to vector<16xi32>
      %add3A_437 = arith.addi %mul3A_434, %add3A_436 : vector<16xi32>
      %swap3A_438 = arith.constant 0 : index
      %swap3A_439 = tpu.vector_load %arg21[%swap3A_438] {strides = array<i32>} : memref<32xi32, #tpu.memory_space<vmem>>, vector<16xi32>,
      tpu.vector_store %arg21[%swap3A_438], %add3A_437 {strides = array<i32>} : memref<32xi32, #tpu.memory_space<vmem>>, vector<16xi32>,
      %swap3A_440 = arith.constant 0 : index
      %swap3A_441 = tpu.vector_load %arg12[%swap3A_440] {strides = array<i32>} : memref<32xi32, #tpu.memory_space<vmem>>, vector<16xi32>,
      tpu.vector_store %arg12[%swap3A_440], %get3A_426 {strides = array<i32>} : memref<32xi32, #tpu.memory_space<vmem>>, vector<16xi32>,
      %get3A_442 = arith.constant 16 : index
      %get3A_443 = tpu.vector_load %arg8[%get3A_442] {strides = array<i32>} : memref<32xi32, #tpu.memory_space<vmem>>, vector<16xi32>,
      %get3A_444 = arith.constant 16 : index
      %get3A_445 = tpu.vector_load %arg10[%get3A_444] {strides = array<i32>} : memref<32xi32, #tpu.memory_space<vmem>>, vector<16xi32>,
      %add3A_446 = arith.constant 10000 : i32
      %add3A_447 = vector.broadcast %add3A_446 : i32 to vector<16xi32>
      %add3A_448 = arith.addi %get3A_443, %add3A_447 : vector<16xi32>
      %swap3A_449 = arith.constant 16 : index
      %swap3A_450 = tpu.vector_load %arg17[%swap3A_449] {strides = array<i32>} : memref<32xi32, #tpu.memory_space<vmem>>, vector<16xi32>,
      tpu.vector_store %arg17[%swap3A_449], %add3A_448 {strides = array<i32>} : memref<32xi32, #tpu.memory_space<vmem>>, vector<16xi32>,
      %mul3A_451 = arith.constant 3 : i32
      %mul3A_452 = vector.broadcast %mul3A_451 : i32 to vector<16xi32>
      %mul3A_453 = arith.muli %get3A_445, %mul3A_452 : vector<16xi32>
      %add3A_454 = arith.constant 1 : i32
      %add3A_455 = vector.broadcast %add3A_454 : i32 to vector<16xi32>
      %add3A_456 = arith.addi %mul3A_453, %add3A_455 : vector<16xi32>
      %swap3A_457 = arith.constant 16 : index
      %swap3A_458 = tpu.vector_load %arg21[%swap3A_457] {strides = array<i32>} : memref<32xi32, #tpu.memory_space<vmem>>, vector<16xi32>,
      tpu.vector_store %arg21[%swap3A_457], %add3A_456 {strides = array<i32>} : memref<32xi32, #tpu.memory_space<vmem>>, vector<16xi32>,
      %swap3A_459 = arith.constant 16 : index
      %swap3A_460 = tpu.vector_load %arg12[%swap3A_459] {strides = array<i32>} : memref<32xi32, #tpu.memory_space<vmem>>, vector<16xi32>,
      tpu.vector_store %arg12[%swap3A_459], %get3A_445 {strides = array<i32>} : memref<32xi32, #tpu.memory_space<vmem>>, vector<16xi32>,
      %dma_start3A_461 = arith.constant 0 : i32
      %dma_start3A_462 = arith.constant 0 : i32
      %dma_start3A_463 = tpu.memref_slice %arg2[%dma_start3A_461, %dma_start3A_462] : memref<30000x144xf32, #tpu.memory_space<hbm>> -> memref<30000x144xf32, #tpu.memory_space<hbm>>
      tpu.enqueue_indirect_dma source(%dma_start3A_463 : memref<30000x144xf32, #tpu.memory_space<hbm>>) target(%arg14 : memref<32x144xf32, #tpu.memory_space<vmem>>) offsets(%arg17 : memref<32xi32, #tpu.memory_space<vmem>>) semaphore(%arg26 : memref<!tpu.dma_semaphore, #tpu.memory_space<semaphore_mem>>)
      %dma_start3A_464 = arith.constant 0 : i32
      %dma_start3A_465 = tpu.memref_slice %arg5[%dma_start3A_464] : memref<30000xf32, #tpu.memory_space<hbm>> -> memref<30000xf32, #tpu.memory_space<hbm>>
      tpu.enqueue_indirect_dma source(%dma_start3A_465 : memref<30000xf32, #tpu.memory_space<hbm>>) target(%arg19 : memref<32xf32, #tpu.memory_space<vmem>>) offsets(%arg21 : memref<32xi32, #tpu.memory_space<vmem>>) semaphore(%arg28 : memref<!tpu.dma_semaphore, #tpu.memory_space<semaphore_mem>>)
      %add3A_466 = arith.constant 2 : i32
      %add3A_467 = arith.addi %mul3A_411, %add3A_466 : i32
      %lt3A = arith.constant 314 : i32
      %lt3A_468 = arith.cmpi slt, %add3A_467, %lt3A : i32
      %convert_element_type3A_469 = arith.extui %lt3A_468 : i1 to i32
      %cond3A_470 = arith.constant 0 : i32
      %cond3A_471 = arith.cmpi ne, %convert_element_type3A_469, %cond3A_470 : i32
      scf.if %cond3A_471 {
        %add3A_635 = arith.constant 2 : i32
        %add3A_636 = arith.addi %mul3A_411, %add3A_635 : i32
        %mul3A_637 = arith.constant 32 : i32
        %mul3A_638 = arith.muli %add3A_636, %mul3A_637 : i32
        %add3A_639 = arith.addi %mul3A_2, %mul3A_638 : i32
        %dma_start3A_640 = tpu.memref_slice %arg3[%add3A_639] : memref<321536xi32, #tpu.memory_space<hbm>> -> memref<32xi32, #tpu.memory_space<hbm>>
        %dma_start3A_641 = tpu.memref_slice %arg3[%add3A_639] : memref<321536xi32, #tpu.memory_space<hbm>> -> memref<32xi32, #tpu.memory_space<hbm>>
        tpu.enqueue_dma source(%dma_start3A_641 : memref<32xi32, #tpu.memory_space<hbm>>) target(%arg7 : memref<32xi32, #tpu.memory_space<vmem>>) target_semaphore(%arg23 : memref<!tpu.dma_semaphore, #tpu.memory_space<semaphore_mem>>)
        %dma_start3A_642 = tpu.memref_slice %arg4[%add3A_639] : memref<321536xi32, #tpu.memory_space<hbm>> -> memref<32xi32, #tpu.memory_space<hbm>>
        %dma_start3A_643 = tpu.memref_slice %arg4[%add3A_639] : memref<321536xi32, #tpu.memory_space<hbm>> -> memref<32xi32, #tpu.memory_space<hbm>>
        tpu.enqueue_dma source(%dma_start3A_643 : memref<32xi32, #tpu.memory_space<hbm>>) target(%arg9 : memref<32xi32, #tpu.memory_space<vmem>>) target_semaphore(%arg23 : memref<!tpu.dma_semaphore, #tpu.memory_space<semaphore_mem>>)
      } else {
      }
      %dma_wait3A_472 = arith.constant 0 : i32
      %dma_wait3A_473 = arith.constant 0 : i32
      %dma_wait3A_474 = tpu.memref_slice %arg2[%dma_wait3A_472, %dma_wait3A_473] : memref<30000x144xf32, #tpu.memory_space<hbm>> -> memref<30000x144xf32, #tpu.memory_space<hbm>>
      tpu.wait_indirect_dma semaphore(%arg25 : memref<!tpu.dma_semaphore, #tpu.memory_space<semaphore_mem>>) src(%dma_wait3A_474 : memref<30000x144xf32, #tpu.memory_space<hbm>>) dst(%arg13 : memref<32x144xf32, #tpu.memory_space<vmem>>)
      %dma_wait3A_475 = arith.constant 0 : i32
      %dma_wait3A_476 = tpu.memref_slice %arg5[%dma_wait3A_475] : memref<30000xf32, #tpu.memory_space<hbm>> -> memref<30000xf32, #tpu.memory_space<hbm>>
      tpu.wait_indirect_dma semaphore(%arg27 : memref<!tpu.dma_semaphore, #tpu.memory_space<semaphore_mem>>) src(%dma_wait3A_476 : memref<30000xf32, #tpu.memory_space<hbm>>) dst(%arg18 : memref<32xf32, #tpu.memory_space<vmem>>)
      %iota3A = tpu.iota {dimensions = array<i32: 0>} : vector<16xi32>
      %add3A_477 = arith.constant 0 : i32
      %add3A_478 = vector.broadcast %add3A_477 : i32 to vector<16xi32>
      %add3A_479 = arith.addi %add3A_478, %iota3A : vector<16xi32>
      %broadcast_in_dim3A = arith.constant 129 : i32
      %broadcast_in_dim3A_480 = vector.broadcast %broadcast_in_dim3A : i32 to vector<16xi32>
      %gather3A = tpu.vector_load_idx %arg13[%add3A_479, %broadcast_in_dim3A_480] : memref<32x144xf32, #tpu.memory_space<vmem>>[vector<16xi32>, vector<16xi32>], vector<16xf32>,
      %get3A_481 = arith.constant 0 : index
      %get3A_482 = tpu.vector_load %arg18[%get3A_481] {strides = array<i32>} : memref<32xf32, #tpu.memory_space<vmem>>, vector<16xf32>,
      %add3A_483 = arith.addf %gather3A, %get3A_482 : vector<16xf32>
      %ge3A_484 = arith.constant 0.000000e+00 : f32
      %ge3A_485 = vector.broadcast %ge3A_484 : f32 to vector<16xf32>
      %ge3A_486 = arith.cmpf oge, %add3A_483, %ge3A_485 : vector<16xf32>
      %mul3A_487 = arith.constant 2.000000e-01 : f32
      %mul3A_488 = vector.broadcast %mul3A_487 : f32 to vector<16xf32>
      %mul3A_489 = arith.mulf %mul3A_488, %add3A_483 : vector<16xf32>
      %select_n3A = arith.select %ge3A_486, %add3A_483, %mul3A_489 : vector<16xi1>, vector<16xf32>
      %exp3A = math.exp %select_n3A : vector<16xf32>
      %mul3A_490 = arith.constant 32 : i32
      %mul3A_491 = arith.muli %mul3A_411, %mul3A_490 : i32
      %add3A_492 = arith.constant 0 : i32
      %add3A_493 = arith.addi %mul3A_491, %add3A_492 : i32
      %iota3A_494 = tpu.iota {dimensions = array<i32: 0>} : vector<16xi32>
      %add3A_495 = vector.broadcast %add3A_493 : i32 to vector<16xi32>
      %add3A_496 = arith.addi %add3A_495, %iota3A_494 : vector<16xi32>
      %lt3A_497 = arith.constant 10000 : i32
      %lt3A_498 = vector.broadcast %lt3A_497 : i32 to vector<16xi32>
      %lt3A_499 = arith.cmpi slt, %add3A_496, %lt3A_498 : vector<16xi32>
      %jit3A = arith.constant 0.000000e+00 : f32
      %broadcast_in_dim3A_500 = vector.broadcast %jit3A : f32 to vector<16xf32>
      %select_n3A_501 = arith.select %lt3A_499, %exp3A, %broadcast_in_dim3A_500 : vector<16xi1>, vector<16xf32>
      %swap3A_502 = arith.constant 0 : index
      %swap3A_503 = tpu.vector_load %arg15[%swap3A_502] {strides = array<i32>} : memref<32xf32, #tpu.memory_space<vmem>>, vector<16xf32>,
      tpu.vector_store %arg15[%swap3A_502], %select_n3A_501 {strides = array<i32>} : memref<32xf32, #tpu.memory_space<vmem>>, vector<16xf32>,
      %iota3A_504 = tpu.iota {dimensions = array<i32: 0>} : vector<16xi32>
      %add3A_505 = arith.constant 16 : i32
      %add3A_506 = vector.broadcast %add3A_505 : i32 to vector<16xi32>
      %add3A_507 = arith.addi %add3A_506, %iota3A_504 : vector<16xi32>
      %broadcast_in_dim3A_508 = arith.constant 129 : i32
      %broadcast_in_dim3A_509 = vector.broadcast %broadcast_in_dim3A_508 : i32 to vector<16xi32>
      %gather3A_510 = tpu.vector_load_idx %arg13[%add3A_507, %broadcast_in_dim3A_509] : memref<32x144xf32, #tpu.memory_space<vmem>>[vector<16xi32>, vector<16xi32>], vector<16xf32>,
      %get3A_511 = arith.constant 16 : index
      %get3A_512 = tpu.vector_load %arg18[%get3A_511] {strides = array<i32>} : memref<32xf32, #tpu.memory_space<vmem>>, vector<16xf32>,
      %add3A_513 = arith.addf %gather3A_510, %get3A_512 : vector<16xf32>
      %ge3A_514 = arith.constant 0.000000e+00 : f32
      %ge3A_515 = vector.broadcast %ge3A_514 : f32 to vector<16xf32>
      %ge3A_516 = arith.cmpf oge, %add3A_513, %ge3A_515 : vector<16xf32>
      %mul3A_517 = arith.constant 2.000000e-01 : f32
      %mul3A_518 = vector.broadcast %mul3A_517 : f32 to vector<16xf32>
      %mul3A_519 = arith.mulf %mul3A_518, %add3A_513 : vector<16xf32>
      %select_n3A_520 = arith.select %ge3A_516, %add3A_513, %mul3A_519 : vector<16xi1>, vector<16xf32>
      %exp3A_521 = math.exp %select_n3A_520 : vector<16xf32>
      %mul3A_522 = arith.constant 32 : i32
      %mul3A_523 = arith.muli %mul3A_411, %mul3A_522 : i32
      %add3A_524 = arith.constant 16 : i32
      %add3A_525 = arith.addi %mul3A_523, %add3A_524 : i32
      %iota3A_526 = tpu.iota {dimensions = array<i32: 0>} : vector<16xi32>
      %add3A_527 = vector.broadcast %add3A_525 : i32 to vector<16xi32>
      %add3A_528 = arith.addi %add3A_527, %iota3A_526 : vector<16xi32>
      %lt3A_529 = arith.constant 10000 : i32
      %lt3A_530 = vector.broadcast %lt3A_529 : i32 to vector<16xi32>
      %lt3A_531 = arith.cmpi slt, %add3A_528, %lt3A_530 : vector<16xi32>
      %jit3A_532 = arith.constant 0.000000e+00 : f32
      %broadcast_in_dim3A_533 = vector.broadcast %jit3A_532 : f32 to vector<16xf32>
      %select_n3A_534 = arith.select %lt3A_531, %exp3A_521, %broadcast_in_dim3A_533 : vector<16xi1>, vector<16xf32>
      %swap3A_535 = arith.constant 16 : index
      %swap3A_536 = tpu.vector_load %arg15[%swap3A_535] {strides = array<i32>} : memref<32xf32, #tpu.memory_space<vmem>>, vector<16xf32>,
      tpu.vector_store %arg15[%swap3A_535], %select_n3A_534 {strides = array<i32>} : memref<32xf32, #tpu.memory_space<vmem>>, vector<16xf32>,
      %parallel_loop3A = arith.constant 0 : i32
      %parallel_loop3A_537 = arith.constant 32 : i32
      %parallel_loop3A_538 = arith.constant 1 : i32
      scf.for %parallel_loop3A_635 = %parallel_loop3A to %parallel_loop3A_537 step %parallel_loop3A_538  : i32 {
        %parallel_loop3A_636 = vector.broadcast %parallel_loop3A_635 : i32 to vector<16xi32>
        %parallel_loop3A_637 = tpu.vector_load_idx %arg15[%parallel_loop3A_636] : memref<32xf32, #tpu.memory_space<vmem>>[vector<16xi32>], vector<16xf32>,
        %parallel_loop3A_638 = arith.index_cast %parallel_loop3A_635 : i32 to index
        %parallel_loop3A_639 = arith.constant 0 : index
        %parallel_loop3A_640 = tpu.vector_load %arg13[%parallel_loop3A_638, %parallel_loop3A_639] {strides = array<i32>} : memref<32x144xf32, #tpu.memory_space<vmem>>, vector<16xf32>,
        %parallel_loop3A_641 = arith.mulf %parallel_loop3A_640, %parallel_loop3A_637 : vector<16xf32>
        %parallel_loop3A_642 = arith.index_cast %parallel_loop3A_635 : i32 to index
        %parallel_loop3A_643 = arith.constant 0 : index
        %parallel_loop3A_644 = tpu.vector_load %arg13[%parallel_loop3A_642, %parallel_loop3A_643] {strides = array<i32>} : memref<32x144xf32, #tpu.memory_space<vmem>>, vector<16xf32>,
        tpu.vector_store %arg13[%parallel_loop3A_642, %parallel_loop3A_643], %parallel_loop3A_641 {strides = array<i32>} : memref<32x144xf32, #tpu.memory_space<vmem>>, vector<16xf32>,
        %parallel_loop3A_645 = arith.index_cast %parallel_loop3A_635 : i32 to index
        %parallel_loop3A_646 = arith.constant 16 : index
        %parallel_loop3A_647 = tpu.vector_load %arg13[%parallel_loop3A_645, %parallel_loop3A_646] {strides = array<i32>} : memref<32x144xf32, #tpu.memory_space<vmem>>, vector<16xf32>,
        %parallel_loop3A_648 = arith.mulf %parallel_loop3A_647, %parallel_loop3A_637 : vector<16xf32>
        %parallel_loop3A_649 = arith.index_cast %parallel_loop3A_635 : i32 to index
        %parallel_loop3A_650 = arith.constant 16 : index
        %parallel_loop3A_651 = tpu.vector_load %arg13[%parallel_loop3A_649, %parallel_loop3A_650] {strides = array<i32>} : memref<32x144xf32, #tpu.memory_space<vmem>>, vector<16xf32>,
        tpu.vector_store %arg13[%parallel_loop3A_649, %parallel_loop3A_650], %parallel_loop3A_648 {strides = array<i32>} : memref<32x144xf32, #tpu.memory_space<vmem>>, vector<16xf32>,
        %parallel_loop3A_652 = arith.index_cast %parallel_loop3A_635 : i32 to index
        %parallel_loop3A_653 = arith.constant 32 : index
        %parallel_loop3A_654 = tpu.vector_load %arg13[%parallel_loop3A_652, %parallel_loop3A_653] {strides = array<i32>} : memref<32x144xf32, #tpu.memory_space<vmem>>, vector<16xf32>,
        %parallel_loop3A_655 = arith.mulf %parallel_loop3A_654, %parallel_loop3A_637 : vector<16xf32>
        %parallel_loop3A_656 = arith.index_cast %parallel_loop3A_635 : i32 to index
        %parallel_loop3A_657 = arith.constant 32 : index
        %parallel_loop3A_658 = tpu.vector_load %arg13[%parallel_loop3A_656, %parallel_loop3A_657] {strides = array<i32>} : memref<32x144xf32, #tpu.memory_space<vmem>>, vector<16xf32>,
        tpu.vector_store %arg13[%parallel_loop3A_656, %parallel_loop3A_657], %parallel_loop3A_655 {strides = array<i32>} : memref<32x144xf32, #tpu.memory_space<vmem>>, vector<16xf32>,
        %parallel_loop3A_659 = arith.index_cast %parallel_loop3A_635 : i32 to index
        %parallel_loop3A_660 = arith.constant 48 : index
        %parallel_loop3A_661 = tpu.vector_load %arg13[%parallel_loop3A_659, %parallel_loop3A_660] {strides = array<i32>} : memref<32x144xf32, #tpu.memory_space<vmem>>, vector<16xf32>,
        %parallel_loop3A_662 = arith.mulf %parallel_loop3A_661, %parallel_loop3A_637 : vector<16xf32>
        %parallel_loop3A_663 = arith.index_cast %parallel_loop3A_635 : i32 to index
        %parallel_loop3A_664 = arith.constant 48 : index
        %parallel_loop3A_665 = tpu.vector_load %arg13[%parallel_loop3A_663, %parallel_loop3A_664] {strides = array<i32>} : memref<32x144xf32, #tpu.memory_space<vmem>>, vector<16xf32>,
        tpu.vector_store %arg13[%parallel_loop3A_663, %parallel_loop3A_664], %parallel_loop3A_662 {strides = array<i32>} : memref<32x144xf32, #tpu.memory_space<vmem>>, vector<16xf32>,
        %parallel_loop3A_666 = arith.index_cast %parallel_loop3A_635 : i32 to index
        %parallel_loop3A_667 = arith.constant 64 : index
        %parallel_loop3A_668 = tpu.vector_load %arg13[%parallel_loop3A_666, %parallel_loop3A_667] {strides = array<i32>} : memref<32x144xf32, #tpu.memory_space<vmem>>, vector<16xf32>,
        %parallel_loop3A_669 = arith.mulf %parallel_loop3A_668, %parallel_loop3A_637 : vector<16xf32>
        %parallel_loop3A_670 = arith.index_cast %parallel_loop3A_635 : i32 to index
        %parallel_loop3A_671 = arith.constant 64 : index
        %parallel_loop3A_672 = tpu.vector_load %arg13[%parallel_loop3A_670, %parallel_loop3A_671] {strides = array<i32>} : memref<32x144xf32, #tpu.memory_space<vmem>>, vector<16xf32>,
        tpu.vector_store %arg13[%parallel_loop3A_670, %parallel_loop3A_671], %parallel_loop3A_669 {strides = array<i32>} : memref<32x144xf32, #tpu.memory_space<vmem>>, vector<16xf32>,
        %parallel_loop3A_673 = arith.index_cast %parallel_loop3A_635 : i32 to index
        %parallel_loop3A_674 = arith.constant 80 : index
        %parallel_loop3A_675 = tpu.vector_load %arg13[%parallel_loop3A_673, %parallel_loop3A_674] {strides = array<i32>} : memref<32x144xf32, #tpu.memory_space<vmem>>, vector<16xf32>,
        %parallel_loop3A_676 = arith.mulf %parallel_loop3A_675, %parallel_loop3A_637 : vector<16xf32>
        %parallel_loop3A_677 = arith.index_cast %parallel_loop3A_635 : i32 to index
        %parallel_loop3A_678 = arith.constant 80 : index
        %parallel_loop3A_679 = tpu.vector_load %arg13[%parallel_loop3A_677, %parallel_loop3A_678] {strides = array<i32>} : memref<32x144xf32, #tpu.memory_space<vmem>>, vector<16xf32>,
        tpu.vector_store %arg13[%parallel_loop3A_677, %parallel_loop3A_678], %parallel_loop3A_676 {strides = array<i32>} : memref<32x144xf32, #tpu.memory_space<vmem>>, vector<16xf32>,
        %parallel_loop3A_680 = arith.index_cast %parallel_loop3A_635 : i32 to index
        %parallel_loop3A_681 = arith.constant 96 : index
        %parallel_loop3A_682 = tpu.vector_load %arg13[%parallel_loop3A_680, %parallel_loop3A_681] {strides = array<i32>} : memref<32x144xf32, #tpu.memory_space<vmem>>, vector<16xf32>,
        %parallel_loop3A_683 = arith.mulf %parallel_loop3A_682, %parallel_loop3A_637 : vector<16xf32>
        %parallel_loop3A_684 = arith.index_cast %parallel_loop3A_635 : i32 to index
        %parallel_loop3A_685 = arith.constant 96 : index
        %parallel_loop3A_686 = tpu.vector_load %arg13[%parallel_loop3A_684, %parallel_loop3A_685] {strides = array<i32>} : memref<32x144xf32, #tpu.memory_space<vmem>>, vector<16xf32>,
        tpu.vector_store %arg13[%parallel_loop3A_684, %parallel_loop3A_685], %parallel_loop3A_683 {strides = array<i32>} : memref<32x144xf32, #tpu.memory_space<vmem>>, vector<16xf32>,
        %parallel_loop3A_687 = arith.index_cast %parallel_loop3A_635 : i32 to index
        %parallel_loop3A_688 = arith.constant 112 : index
        %parallel_loop3A_689 = tpu.vector_load %arg13[%parallel_loop3A_687, %parallel_loop3A_688] {strides = array<i32>} : memref<32x144xf32, #tpu.memory_space<vmem>>, vector<16xf32>,
        %parallel_loop3A_690 = arith.mulf %parallel_loop3A_689, %parallel_loop3A_637 : vector<16xf32>
        %parallel_loop3A_691 = arith.index_cast %parallel_loop3A_635 : i32 to index
        %parallel_loop3A_692 = arith.constant 112 : index
        %parallel_loop3A_693 = tpu.vector_load %arg13[%parallel_loop3A_691, %parallel_loop3A_692] {strides = array<i32>} : memref<32x144xf32, #tpu.memory_space<vmem>>, vector<16xf32>,
        tpu.vector_store %arg13[%parallel_loop3A_691, %parallel_loop3A_692], %parallel_loop3A_690 {strides = array<i32>} : memref<32x144xf32, #tpu.memory_space<vmem>>, vector<16xf32>,
        %parallel_loop3A_694 = arith.index_cast %parallel_loop3A_635 : i32 to index
        %parallel_loop3A_695 = arith.constant 128 : index
        %parallel_loop3A_696 = tpu.vector_load %arg13[%parallel_loop3A_694, %parallel_loop3A_695] {strides = array<i32>} : memref<32x144xf32, #tpu.memory_space<vmem>>, vector<16xf32>,
        %parallel_loop3A_697 = arith.mulf %parallel_loop3A_696, %parallel_loop3A_637 : vector<16xf32>
        %parallel_loop3A_698 = arith.index_cast %parallel_loop3A_635 : i32 to index
        %parallel_loop3A_699 = arith.constant 128 : index
        %parallel_loop3A_700 = tpu.vector_load %arg13[%parallel_loop3A_698, %parallel_loop3A_699] {strides = array<i32>} : memref<32x144xf32, #tpu.memory_space<vmem>>, vector<16xf32>,
        tpu.vector_store %arg13[%parallel_loop3A_698, %parallel_loop3A_699], %parallel_loop3A_697 {strides = array<i32>} : memref<32x144xf32, #tpu.memory_space<vmem>>, vector<16xf32>,
      } {sc.loop_unroll_factor = 4 : i64, sc.parallel_access}
      %dma_start3A_539 = arith.constant 0 : i32
      %dma_start3A_540 = arith.constant 0 : i32
      %dma_start3A_541 = tpu.memref_slice %arg22[%dma_start3A_539, %dma_start3A_540] : memref<10240x144xf32, #tpu.memory_space<vmem_shared>> -> memref<10240x144xf32, #tpu.memory_space<vmem_shared>>
      tpu.enqueue_indirect_dma source(%arg13 : memref<32x144xf32, #tpu.memory_space<vmem>>) target(%dma_start3A_541 : memref<10240x144xf32, #tpu.memory_space<vmem_shared>>) offsets(%arg11 : memref<32xi32, #tpu.memory_space<vmem>>) semaphore(%arg29 : memref<!tpu.dma_semaphore, #tpu.memory_space<semaphore_mem>>) {add = true}
      %add3A_542 = arith.constant 2 : i32
      %add3A_543 = arith.addi %mul3A_411, %add3A_542 : i32
      %lt3A_544 = arith.constant 314 : i32
      %lt3A_545 = arith.cmpi slt, %add3A_543, %lt3A_544 : i32
      %convert_element_type3A_546 = arith.extui %lt3A_545 : i1 to i32
      %cond3A_547 = arith.constant 0 : i32
      %cond3A_548 = arith.cmpi ne, %convert_element_type3A_546, %cond3A_547 : i32
      scf.if %cond3A_548 {
        %add3A_635 = arith.constant 2 : i32
        %add3A_636 = arith.addi %mul3A_411, %add3A_635 : i32
        %mul3A_637 = arith.constant 32 : i32
        %mul3A_638 = arith.muli %add3A_636, %mul3A_637 : i32
        %add3A_639 = arith.addi %mul3A_2, %mul3A_638 : i32
        %dma_wait3A_640 = tpu.memref_slice %arg3[%add3A_639] : memref<321536xi32, #tpu.memory_space<hbm>> -> memref<32xi32, #tpu.memory_space<hbm>>
        %dma_wait3A_641 = tpu.memref_slice %arg3[%add3A_639] : memref<321536xi32, #tpu.memory_space<hbm>> -> memref<32xi32, #tpu.memory_space<hbm>>
        tpu.wait_dma2 semaphore(%arg23 : memref<!tpu.dma_semaphore, #tpu.memory_space<semaphore_mem>>) src(%dma_wait3A_641 : memref<32xi32, #tpu.memory_space<hbm>>) dst(%arg7 : memref<32xi32, #tpu.memory_space<vmem>>)
        %dma_wait3A_642 = tpu.memref_slice %arg4[%add3A_639] : memref<321536xi32, #tpu.memory_space<hbm>> -> memref<32xi32, #tpu.memory_space<hbm>>
        %dma_wait3A_643 = tpu.memref_slice %arg4[%add3A_639] : memref<321536xi32, #tpu.memory_space<hbm>> -> memref<32xi32, #tpu.memory_space<hbm>>
        tpu.wait_dma2 semaphore(%arg23 : memref<!tpu.dma_semaphore, #tpu.memory_space<semaphore_mem>>) src(%dma_wait3A_643 : memref<32xi32, #tpu.memory_space<hbm>>) dst(%arg9 : memref<32xi32, #tpu.memory_space<vmem>>)
        %dma_wait3A_644 = arith.constant 0 : i32
        %dma_wait3A_645 = arith.constant 0 : i32
        %dma_wait3A_646 = tpu.memref_slice %arg22[%dma_wait3A_644, %dma_wait3A_645] : memref<10240x144xf32, #tpu.memory_space<vmem_shared>> -> memref<10240x144xf32, #tpu.memory_space<vmem_shared>>
        tpu.wait_indirect_dma semaphore(%arg29 : memref<!tpu.dma_semaphore, #tpu.memory_space<semaphore_mem>>) src(%arg13 : memref<32x144xf32, #tpu.memory_space<vmem>>) dst(%dma_wait3A_646 : memref<10240x144xf32, #tpu.memory_space<vmem_shared>>)
        %get3A_647 = arith.constant 0 : index
        %get3A_648 = tpu.vector_load %arg7[%get3A_647] {strides = array<i32>} : memref<32xi32, #tpu.memory_space<vmem>>, vector<16xi32>,
        %get3A_649 = arith.constant 0 : index
        %get3A_650 = tpu.vector_load %arg9[%get3A_649] {strides = array<i32>} : memref<32xi32, #tpu.memory_space<vmem>>, vector<16xi32>,
        %add3A_651 = arith.constant 10000 : i32
        %add3A_652 = vector.broadcast %add3A_651 : i32 to vector<16xi32>
        %add3A_653 = arith.addi %get3A_648, %add3A_652 : vector<16xi32>
        %swap3A_654 = arith.constant 0 : index
        %swap3A_655 = tpu.vector_load %arg16[%swap3A_654] {strides = array<i32>} : memref<32xi32, #tpu.memory_space<vmem>>, vector<16xi32>,
        tpu.vector_store %arg16[%swap3A_654], %add3A_653 {strides = array<i32>} : memref<32xi32, #tpu.memory_space<vmem>>, vector<16xi32>,
        %mul3A_656 = arith.constant 3 : i32
        %mul3A_657 = vector.broadcast %mul3A_656 : i32 to vector<16xi32>
        %mul3A_658 = arith.muli %get3A_650, %mul3A_657 : vector<16xi32>
        %add3A_659 = arith.constant 1 : i32
        %add3A_660 = vector.broadcast %add3A_659 : i32 to vector<16xi32>
        %add3A_661 = arith.addi %mul3A_658, %add3A_660 : vector<16xi32>
        %swap3A_662 = arith.constant 0 : index
        %swap3A_663 = tpu.vector_load %arg20[%swap3A_662] {strides = array<i32>} : memref<32xi32, #tpu.memory_space<vmem>>, vector<16xi32>,
        tpu.vector_store %arg20[%swap3A_662], %add3A_661 {strides = array<i32>} : memref<32xi32, #tpu.memory_space<vmem>>, vector<16xi32>,
        %swap3A_664 = arith.constant 0 : index
        %swap3A_665 = tpu.vector_load %arg11[%swap3A_664] {strides = array<i32>} : memref<32xi32, #tpu.memory_space<vmem>>, vector<16xi32>,
        tpu.vector_store %arg11[%swap3A_664], %get3A_650 {strides = array<i32>} : memref<32xi32, #tpu.memory_space<vmem>>, vector<16xi32>,
        %get3A_666 = arith.constant 16 : index
        %get3A_667 = tpu.vector_load %arg7[%get3A_666] {strides = array<i32>} : memref<32xi32, #tpu.memory_space<vmem>>, vector<16xi32>,
        %get3A_668 = arith.constant 16 : index
        %get3A_669 = tpu.vector_load %arg9[%get3A_668] {strides = array<i32>} : memref<32xi32, #tpu.memory_space<vmem>>, vector<16xi32>,
        %add3A_670 = arith.constant 10000 : i32
        %add3A_671 = vector.broadcast %add3A_670 : i32 to vector<16xi32>
        %add3A_672 = arith.addi %get3A_667, %add3A_671 : vector<16xi32>
        %swap3A_673 = arith.constant 16 : index
        %swap3A_674 = tpu.vector_load %arg16[%swap3A_673] {strides = array<i32>} : memref<32xi32, #tpu.memory_space<vmem>>, vector<16xi32>,
        tpu.vector_store %arg16[%swap3A_673], %add3A_672 {strides = array<i32>} : memref<32xi32, #tpu.memory_space<vmem>>, vector<16xi32>,
        %mul3A_675 = arith.constant 3 : i32
        %mul3A_676 = vector.broadcast %mul3A_675 : i32 to vector<16xi32>
        %mul3A_677 = arith.muli %get3A_669, %mul3A_676 : vector<16xi32>
        %add3A_678 = arith.constant 1 : i32
        %add3A_679 = vector.broadcast %add3A_678 : i32 to vector<16xi32>
        %add3A_680 = arith.addi %mul3A_677, %add3A_679 : vector<16xi32>
        %swap3A_681 = arith.constant 16 : index
        %swap3A_682 = tpu.vector_load %arg20[%swap3A_681] {strides = array<i32>} : memref<32xi32, #tpu.memory_space<vmem>>, vector<16xi32>,
        tpu.vector_store %arg20[%swap3A_681], %add3A_680 {strides = array<i32>} : memref<32xi32, #tpu.memory_space<vmem>>, vector<16xi32>,
        %swap3A_683 = arith.constant 16 : index
        %swap3A_684 = tpu.vector_load %arg11[%swap3A_683] {strides = array<i32>} : memref<32xi32, #tpu.memory_space<vmem>>, vector<16xi32>,
        tpu.vector_store %arg11[%swap3A_683], %get3A_669 {strides = array<i32>} : memref<32xi32, #tpu.memory_space<vmem>>, vector<16xi32>,
        %dma_start3A_685 = arith.constant 0 : i32
        %dma_start3A_686 = arith.constant 0 : i32
        %dma_start3A_687 = tpu.memref_slice %arg2[%dma_start3A_685, %dma_start3A_686] : memref<30000x144xf32, #tpu.memory_space<hbm>> -> memref<30000x144xf32, #tpu.memory_space<hbm>>
        tpu.enqueue_indirect_dma source(%dma_start3A_687 : memref<30000x144xf32, #tpu.memory_space<hbm>>) target(%arg13 : memref<32x144xf32, #tpu.memory_space<vmem>>) offsets(%arg16 : memref<32xi32, #tpu.memory_space<vmem>>) semaphore(%arg25 : memref<!tpu.dma_semaphore, #tpu.memory_space<semaphore_mem>>)
        %dma_start3A_688 = arith.constant 0 : i32
        %dma_start3A_689 = tpu.memref_slice %arg5[%dma_start3A_688] : memref<30000xf32, #tpu.memory_space<hbm>> -> memref<30000xf32, #tpu.memory_space<hbm>>
        tpu.enqueue_indirect_dma source(%dma_start3A_689 : memref<30000xf32, #tpu.memory_space<hbm>>) target(%arg18 : memref<32xf32, #tpu.memory_space<vmem>>) offsets(%arg20 : memref<32xi32, #tpu.memory_space<vmem>>) semaphore(%arg27 : memref<!tpu.dma_semaphore, #tpu.memory_space<semaphore_mem>>)
      } else {
      }
      %add3A_549 = arith.constant 3 : i32
      %add3A_550 = arith.addi %mul3A_411, %add3A_549 : i32
      %lt3A_551 = arith.constant 314 : i32
      %lt3A_552 = arith.cmpi slt, %add3A_550, %lt3A_551 : i32
      %convert_element_type3A_553 = arith.extui %lt3A_552 : i1 to i32
      %cond3A_554 = arith.constant 0 : i32
      %cond3A_555 = arith.cmpi ne, %convert_element_type3A_553, %cond3A_554 : i32
      scf.if %cond3A_555 {
        %add3A_635 = arith.constant 3 : i32
        %add3A_636 = arith.addi %mul3A_411, %add3A_635 : i32
        %mul3A_637 = arith.constant 32 : i32
        %mul3A_638 = arith.muli %add3A_636, %mul3A_637 : i32
        %add3A_639 = arith.addi %mul3A_2, %mul3A_638 : i32
        %dma_start3A_640 = tpu.memref_slice %arg3[%add3A_639] : memref<321536xi32, #tpu.memory_space<hbm>> -> memref<32xi32, #tpu.memory_space<hbm>>
        %dma_start3A_641 = tpu.memref_slice %arg3[%add3A_639] : memref<321536xi32, #tpu.memory_space<hbm>> -> memref<32xi32, #tpu.memory_space<hbm>>
        tpu.enqueue_dma source(%dma_start3A_641 : memref<32xi32, #tpu.memory_space<hbm>>) target(%arg8 : memref<32xi32, #tpu.memory_space<vmem>>) target_semaphore(%arg24 : memref<!tpu.dma_semaphore, #tpu.memory_space<semaphore_mem>>)
        %dma_start3A_642 = tpu.memref_slice %arg4[%add3A_639] : memref<321536xi32, #tpu.memory_space<hbm>> -> memref<32xi32, #tpu.memory_space<hbm>>
        %dma_start3A_643 = tpu.memref_slice %arg4[%add3A_639] : memref<321536xi32, #tpu.memory_space<hbm>> -> memref<32xi32, #tpu.memory_space<hbm>>
        tpu.enqueue_dma source(%dma_start3A_643 : memref<32xi32, #tpu.memory_space<hbm>>) target(%arg10 : memref<32xi32, #tpu.memory_space<vmem>>) target_semaphore(%arg24 : memref<!tpu.dma_semaphore, #tpu.memory_space<semaphore_mem>>)
      } else {
      }
      %dma_wait3A_556 = arith.constant 0 : i32
      %dma_wait3A_557 = arith.constant 0 : i32
      %dma_wait3A_558 = tpu.memref_slice %arg2[%dma_wait3A_556, %dma_wait3A_557] : memref<30000x144xf32, #tpu.memory_space<hbm>> -> memref<30000x144xf32, #tpu.memory_space<hbm>>
      tpu.wait_indirect_dma semaphore(%arg26 : memref<!tpu.dma_semaphore, #tpu.memory_space<semaphore_mem>>) src(%dma_wait3A_558 : memref<30000x144xf32, #tpu.memory_space<hbm>>) dst(%arg14 : memref<32x144xf32, #tpu.memory_space<vmem>>)
      %dma_wait3A_559 = arith.constant 0 : i32
      %dma_wait3A_560 = tpu.memref_slice %arg5[%dma_wait3A_559] : memref<30000xf32, #tpu.memory_space<hbm>> -> memref<30000xf32, #tpu.memory_space<hbm>>
      tpu.wait_indirect_dma semaphore(%arg28 : memref<!tpu.dma_semaphore, #tpu.memory_space<semaphore_mem>>) src(%dma_wait3A_560 : memref<30000xf32, #tpu.memory_space<hbm>>) dst(%arg19 : memref<32xf32, #tpu.memory_space<vmem>>)
      %add3A_561 = arith.constant 1 : i32
      %add3A_562 = arith.addi %mul3A_411, %add3A_561 : i32
      %iota3A_563 = tpu.iota {dimensions = array<i32: 0>} : vector<16xi32>
      %add3A_564 = arith.constant 0 : i32
      %add3A_565 = vector.broadcast %add3A_564 : i32 to vector<16xi32>
      %add3A_566 = arith.addi %add3A_565, %iota3A_563 : vector<16xi32>
      %broadcast_in_dim3A_567 = arith.constant 129 : i32
      %broadcast_in_dim3A_568 = vector.broadcast %broadcast_in_dim3A_567 : i32 to vector<16xi32>
      %gather3A_569 = tpu.vector_load_idx %arg14[%add3A_566, %broadcast_in_dim3A_568] : memref<32x144xf32, #tpu.memory_space<vmem>>[vector<16xi32>, vector<16xi32>], vector<16xf32>,
      %get3A_570 = arith.constant 0 : index
      %get3A_571 = tpu.vector_load %arg19[%get3A_570] {strides = array<i32>} : memref<32xf32, #tpu.memory_space<vmem>>, vector<16xf32>,
      %add3A_572 = arith.addf %gather3A_569, %get3A_571 : vector<16xf32>
      %ge3A_573 = arith.constant 0.000000e+00 : f32
      %ge3A_574 = vector.broadcast %ge3A_573 : f32 to vector<16xf32>
      %ge3A_575 = arith.cmpf oge, %add3A_572, %ge3A_574 : vector<16xf32>
      %mul3A_576 = arith.constant 2.000000e-01 : f32
      %mul3A_577 = vector.broadcast %mul3A_576 : f32 to vector<16xf32>
      %mul3A_578 = arith.mulf %mul3A_577, %add3A_572 : vector<16xf32>
      %select_n3A_579 = arith.select %ge3A_575, %add3A_572, %mul3A_578 : vector<16xi1>, vector<16xf32>
      %exp3A_580 = math.exp %select_n3A_579 : vector<16xf32>
      %mul3A_581 = arith.constant 32 : i32
      %mul3A_582 = arith.muli %add3A_562, %mul3A_581 : i32
      %add3A_583 = arith.constant 0 : i32
      %add3A_584 = arith.addi %mul3A_582, %add3A_583 : i32
      %iota3A_585 = tpu.iota {dimensions = array<i32: 0>} : vector<16xi32>
      %add3A_586 = vector.broadcast %add3A_584 : i32 to vector<16xi32>
      %add3A_587 = arith.addi %add3A_586, %iota3A_585 : vector<16xi32>
      %lt3A_588 = arith.constant 10000 : i32
      %lt3A_589 = vector.broadcast %lt3A_588 : i32 to vector<16xi32>
      %lt3A_590 = arith.cmpi slt, %add3A_587, %lt3A_589 : vector<16xi32>
      %jit3A_591 = arith.constant 0.000000e+00 : f32
      %broadcast_in_dim3A_592 = vector.broadcast %jit3A_591 : f32 to vector<16xf32>
      %select_n3A_593 = arith.select %lt3A_590, %exp3A_580, %broadcast_in_dim3A_592 : vector<16xi1>, vector<16xf32>
      %swap3A_594 = arith.constant 0 : index
      %swap3A_595 = tpu.vector_load %arg15[%swap3A_594] {strides = array<i32>} : memref<32xf32, #tpu.memory_space<vmem>>, vector<16xf32>,
      tpu.vector_store %arg15[%swap3A_594], %select_n3A_593 {strides = array<i32>} : memref<32xf32, #tpu.memory_space<vmem>>, vector<16xf32>,
      %iota3A_596 = tpu.iota {dimensions = array<i32: 0>} : vector<16xi32>
      %add3A_597 = arith.constant 16 : i32
      %add3A_598 = vector.broadcast %add3A_597 : i32 to vector<16xi32>
      %add3A_599 = arith.addi %add3A_598, %iota3A_596 : vector<16xi32>
      %broadcast_in_dim3A_600 = arith.constant 129 : i32
      %broadcast_in_dim3A_601 = vector.broadcast %broadcast_in_dim3A_600 : i32 to vector<16xi32>
      %gather3A_602 = tpu.vector_load_idx %arg14[%add3A_599, %broadcast_in_dim3A_601] : memref<32x144xf32, #tpu.memory_space<vmem>>[vector<16xi32>, vector<16xi32>], vector<16xf32>,
      %get3A_603 = arith.constant 16 : index
      %get3A_604 = tpu.vector_load %arg19[%get3A_603] {strides = array<i32>} : memref<32xf32, #tpu.memory_space<vmem>>, vector<16xf32>,
      %add3A_605 = arith.addf %gather3A_602, %get3A_604 : vector<16xf32>
      %ge3A_606 = arith.constant 0.000000e+00 : f32
      %ge3A_607 = vector.broadcast %ge3A_606 : f32 to vector<16xf32>
      %ge3A_608 = arith.cmpf oge, %add3A_605, %ge3A_607 : vector<16xf32>
      %mul3A_609 = arith.constant 2.000000e-01 : f32
      %mul3A_610 = vector.broadcast %mul3A_609 : f32 to vector<16xf32>
      %mul3A_611 = arith.mulf %mul3A_610, %add3A_605 : vector<16xf32>
      %select_n3A_612 = arith.select %ge3A_608, %add3A_605, %mul3A_611 : vector<16xi1>, vector<16xf32>
      %exp3A_613 = math.exp %select_n3A_612 : vector<16xf32>
      %mul3A_614 = arith.constant 32 : i32
      %mul3A_615 = arith.muli %add3A_562, %mul3A_614 : i32
      %add3A_616 = arith.constant 16 : i32
      %add3A_617 = arith.addi %mul3A_615, %add3A_616 : i32
      %iota3A_618 = tpu.iota {dimensions = array<i32: 0>} : vector<16xi32>
      %add3A_619 = vector.broadcast %add3A_617 : i32 to vector<16xi32>
      %add3A_620 = arith.addi %add3A_619, %iota3A_618 : vector<16xi32>
      %lt3A_621 = arith.constant 10000 : i32
      %lt3A_622 = vector.broadcast %lt3A_621 : i32 to vector<16xi32>
      %lt3A_623 = arith.cmpi slt, %add3A_620, %lt3A_622 : vector<16xi32>
      %jit3A_624 = arith.constant 0.000000e+00 : f32
      %broadcast_in_dim3A_625 = vector.broadcast %jit3A_624 : f32 to vector<16xf32>
      %select_n3A_626 = arith.select %lt3A_623, %exp3A_613, %broadcast_in_dim3A_625 : vector<16xi1>, vector<16xf32>
      %swap3A_627 = arith.constant 16 : index
      %swap3A_628 = tpu.vector_load %arg15[%swap3A_627] {strides = array<i32>} : memref<32xf32, #tpu.memory_space<vmem>>, vector<16xf32>,
      tpu.vector_store %arg15[%swap3A_627], %select_n3A_626 {strides = array<i32>} : memref<32xf32, #tpu.memory_space<vmem>>, vector<16xf32>,
      %parallel_loop3A_629 = arith.constant 0 : i32
      %parallel_loop3A_630 = arith.constant 32 : i32
      %parallel_loop3A_631 = arith.constant 1 : i32
      scf.for %parallel_loop3A_635 = %parallel_loop3A_629 to %parallel_loop3A_630 step %parallel_loop3A_631  : i32 {
        %parallel_loop3A_636 = vector.broadcast %parallel_loop3A_635 : i32 to vector<16xi32>
        %parallel_loop3A_637 = tpu.vector_load_idx %arg15[%parallel_loop3A_636] : memref<32xf32, #tpu.memory_space<vmem>>[vector<16xi32>], vector<16xf32>,
        %parallel_loop3A_638 = arith.index_cast %parallel_loop3A_635 : i32 to index
        %parallel_loop3A_639 = arith.constant 0 : index
        %parallel_loop3A_640 = tpu.vector_load %arg14[%parallel_loop3A_638, %parallel_loop3A_639] {strides = array<i32>} : memref<32x144xf32, #tpu.memory_space<vmem>>, vector<16xf32>,
        %parallel_loop3A_641 = arith.mulf %parallel_loop3A_640, %parallel_loop3A_637 : vector<16xf32>
        %parallel_loop3A_642 = arith.index_cast %parallel_loop3A_635 : i32 to index
        %parallel_loop3A_643 = arith.constant 0 : index
        %parallel_loop3A_644 = tpu.vector_load %arg14[%parallel_loop3A_642, %parallel_loop3A_643] {strides = array<i32>} : memref<32x144xf32, #tpu.memory_space<vmem>>, vector<16xf32>,
        tpu.vector_store %arg14[%parallel_loop3A_642, %parallel_loop3A_643], %parallel_loop3A_641 {strides = array<i32>} : memref<32x144xf32, #tpu.memory_space<vmem>>, vector<16xf32>,
        %parallel_loop3A_645 = arith.index_cast %parallel_loop3A_635 : i32 to index
        %parallel_loop3A_646 = arith.constant 16 : index
        %parallel_loop3A_647 = tpu.vector_load %arg14[%parallel_loop3A_645, %parallel_loop3A_646] {strides = array<i32>} : memref<32x144xf32, #tpu.memory_space<vmem>>, vector<16xf32>,
        %parallel_loop3A_648 = arith.mulf %parallel_loop3A_647, %parallel_loop3A_637 : vector<16xf32>
        %parallel_loop3A_649 = arith.index_cast %parallel_loop3A_635 : i32 to index
        %parallel_loop3A_650 = arith.constant 16 : index
        %parallel_loop3A_651 = tpu.vector_load %arg14[%parallel_loop3A_649, %parallel_loop3A_650] {strides = array<i32>} : memref<32x144xf32, #tpu.memory_space<vmem>>, vector<16xf32>,
        tpu.vector_store %arg14[%parallel_loop3A_649, %parallel_loop3A_650], %parallel_loop3A_648 {strides = array<i32>} : memref<32x144xf32, #tpu.memory_space<vmem>>, vector<16xf32>,
        %parallel_loop3A_652 = arith.index_cast %parallel_loop3A_635 : i32 to index
        %parallel_loop3A_653 = arith.constant 32 : index
        %parallel_loop3A_654 = tpu.vector_load %arg14[%parallel_loop3A_652, %parallel_loop3A_653] {strides = array<i32>} : memref<32x144xf32, #tpu.memory_space<vmem>>, vector<16xf32>,
        %parallel_loop3A_655 = arith.mulf %parallel_loop3A_654, %parallel_loop3A_637 : vector<16xf32>
        %parallel_loop3A_656 = arith.index_cast %parallel_loop3A_635 : i32 to index
        %parallel_loop3A_657 = arith.constant 32 : index
        %parallel_loop3A_658 = tpu.vector_load %arg14[%parallel_loop3A_656, %parallel_loop3A_657] {strides = array<i32>} : memref<32x144xf32, #tpu.memory_space<vmem>>, vector<16xf32>,
        tpu.vector_store %arg14[%parallel_loop3A_656, %parallel_loop3A_657], %parallel_loop3A_655 {strides = array<i32>} : memref<32x144xf32, #tpu.memory_space<vmem>>, vector<16xf32>,
        %parallel_loop3A_659 = arith.index_cast %parallel_loop3A_635 : i32 to index
        %parallel_loop3A_660 = arith.constant 48 : index
        %parallel_loop3A_661 = tpu.vector_load %arg14[%parallel_loop3A_659, %parallel_loop3A_660] {strides = array<i32>} : memref<32x144xf32, #tpu.memory_space<vmem>>, vector<16xf32>,
        %parallel_loop3A_662 = arith.mulf %parallel_loop3A_661, %parallel_loop3A_637 : vector<16xf32>
        %parallel_loop3A_663 = arith.index_cast %parallel_loop3A_635 : i32 to index
        %parallel_loop3A_664 = arith.constant 48 : index
        %parallel_loop3A_665 = tpu.vector_load %arg14[%parallel_loop3A_663, %parallel_loop3A_664] {strides = array<i32>} : memref<32x144xf32, #tpu.memory_space<vmem>>, vector<16xf32>,
        tpu.vector_store %arg14[%parallel_loop3A_663, %parallel_loop3A_664], %parallel_loop3A_662 {strides = array<i32>} : memref<32x144xf32, #tpu.memory_space<vmem>>, vector<16xf32>,
        %parallel_loop3A_666 = arith.index_cast %parallel_loop3A_635 : i32 to index
        %parallel_loop3A_667 = arith.constant 64 : index
        %parallel_loop3A_668 = tpu.vector_load %arg14[%parallel_loop3A_666, %parallel_loop3A_667] {strides = array<i32>} : memref<32x144xf32, #tpu.memory_space<vmem>>, vector<16xf32>,
        %parallel_loop3A_669 = arith.mulf %parallel_loop3A_668, %parallel_loop3A_637 : vector<16xf32>
        %parallel_loop3A_670 = arith.index_cast %parallel_loop3A_635 : i32 to index
        %parallel_loop3A_671 = arith.constant 64 : index
        %parallel_loop3A_672 = tpu.vector_load %arg14[%parallel_loop3A_670, %parallel_loop3A_671] {strides = array<i32>} : memref<32x144xf32, #tpu.memory_space<vmem>>, vector<16xf32>,
        tpu.vector_store %arg14[%parallel_loop3A_670, %parallel_loop3A_671], %parallel_loop3A_669 {strides = array<i32>} : memref<32x144xf32, #tpu.memory_space<vmem>>, vector<16xf32>,
        %parallel_loop3A_673 = arith.index_cast %parallel_loop3A_635 : i32 to index
        %parallel_loop3A_674 = arith.constant 80 : index
        %parallel_loop3A_675 = tpu.vector_load %arg14[%parallel_loop3A_673, %parallel_loop3A_674] {strides = array<i32>} : memref<32x144xf32, #tpu.memory_space<vmem>>, vector<16xf32>,
        %parallel_loop3A_676 = arith.mulf %parallel_loop3A_675, %parallel_loop3A_637 : vector<16xf32>
        %parallel_loop3A_677 = arith.index_cast %parallel_loop3A_635 : i32 to index
        %parallel_loop3A_678 = arith.constant 80 : index
        %parallel_loop3A_679 = tpu.vector_load %arg14[%parallel_loop3A_677, %parallel_loop3A_678] {strides = array<i32>} : memref<32x144xf32, #tpu.memory_space<vmem>>, vector<16xf32>,
        tpu.vector_store %arg14[%parallel_loop3A_677, %parallel_loop3A_678], %parallel_loop3A_676 {strides = array<i32>} : memref<32x144xf32, #tpu.memory_space<vmem>>, vector<16xf32>,
        %parallel_loop3A_680 = arith.index_cast %parallel_loop3A_635 : i32 to index
        %parallel_loop3A_681 = arith.constant 96 : index
        %parallel_loop3A_682 = tpu.vector_load %arg14[%parallel_loop3A_680, %parallel_loop3A_681] {strides = array<i32>} : memref<32x144xf32, #tpu.memory_space<vmem>>, vector<16xf32>,
        %parallel_loop3A_683 = arith.mulf %parallel_loop3A_682, %parallel_loop3A_637 : vector<16xf32>
        %parallel_loop3A_684 = arith.index_cast %parallel_loop3A_635 : i32 to index
        %parallel_loop3A_685 = arith.constant 96 : index
        %parallel_loop3A_686 = tpu.vector_load %arg14[%parallel_loop3A_684, %parallel_loop3A_685] {strides = array<i32>} : memref<32x144xf32, #tpu.memory_space<vmem>>, vector<16xf32>,
        tpu.vector_store %arg14[%parallel_loop3A_684, %parallel_loop3A_685], %parallel_loop3A_683 {strides = array<i32>} : memref<32x144xf32, #tpu.memory_space<vmem>>, vector<16xf32>,
        %parallel_loop3A_687 = arith.index_cast %parallel_loop3A_635 : i32 to index
        %parallel_loop3A_688 = arith.constant 112 : index
        %parallel_loop3A_689 = tpu.vector_load %arg14[%parallel_loop3A_687, %parallel_loop3A_688] {strides = array<i32>} : memref<32x144xf32, #tpu.memory_space<vmem>>, vector<16xf32>,
        %parallel_loop3A_690 = arith.mulf %parallel_loop3A_689, %parallel_loop3A_637 : vector<16xf32>
        %parallel_loop3A_691 = arith.index_cast %parallel_loop3A_635 : i32 to index
        %parallel_loop3A_692 = arith.constant 112 : index
        %parallel_loop3A_693 = tpu.vector_load %arg14[%parallel_loop3A_691, %parallel_loop3A_692] {strides = array<i32>} : memref<32x144xf32, #tpu.memory_space<vmem>>, vector<16xf32>,
        tpu.vector_store %arg14[%parallel_loop3A_691, %parallel_loop3A_692], %parallel_loop3A_690 {strides = array<i32>} : memref<32x144xf32, #tpu.memory_space<vmem>>, vector<16xf32>,
        %parallel_loop3A_694 = arith.index_cast %parallel_loop3A_635 : i32 to index
        %parallel_loop3A_695 = arith.constant 128 : index
        %parallel_loop3A_696 = tpu.vector_load %arg14[%parallel_loop3A_694, %parallel_loop3A_695] {strides = array<i32>} : memref<32x144xf32, #tpu.memory_space<vmem>>, vector<16xf32>,
        %parallel_loop3A_697 = arith.mulf %parallel_loop3A_696, %parallel_loop3A_637 : vector<16xf32>
        %parallel_loop3A_698 = arith.index_cast %parallel_loop3A_635 : i32 to index
        %parallel_loop3A_699 = arith.constant 128 : index
        %parallel_loop3A_700 = tpu.vector_load %arg14[%parallel_loop3A_698, %parallel_loop3A_699] {strides = array<i32>} : memref<32x144xf32, #tpu.memory_space<vmem>>, vector<16xf32>,
        tpu.vector_store %arg14[%parallel_loop3A_698, %parallel_loop3A_699], %parallel_loop3A_697 {strides = array<i32>} : memref<32x144xf32, #tpu.memory_space<vmem>>, vector<16xf32>,
      } {sc.loop_unroll_factor = 4 : i64, sc.parallel_access}
      %dma_start3A_632 = arith.constant 0 : i32
      %dma_start3A_633 = arith.constant 0 : i32
      %dma_start3A_634 = tpu.memref_slice %arg22[%dma_start3A_632, %dma_start3A_633] : memref<10240x144xf32, #tpu.memory_space<vmem_shared>> -> memref<10240x144xf32, #tpu.memory_space<vmem_shared>>
      tpu.enqueue_indirect_dma source(%arg14 : memref<32x144xf32, #tpu.memory_space<vmem>>) target(%dma_start3A_634 : memref<10240x144xf32, #tpu.memory_space<vmem_shared>>) offsets(%arg12 : memref<32xi32, #tpu.memory_space<vmem>>) semaphore(%arg30 : memref<!tpu.dma_semaphore, #tpu.memory_space<semaphore_mem>>) {add = true}
    }
    %scan3A_246 = arith.constant 157 : i32
    %dma_wait3A_247 = arith.constant 0 : i32
    %dma_wait3A_248 = arith.constant 0 : i32
    %dma_wait3A_249 = tpu.memref_slice %arg22[%dma_wait3A_247, %dma_wait3A_248] : memref<10240x144xf32, #tpu.memory_space<vmem_shared>> -> memref<10240x144xf32, #tpu.memory_space<vmem_shared>>
    tpu.wait_indirect_dma semaphore(%arg29 : memref<!tpu.dma_semaphore, #tpu.memory_space<semaphore_mem>>) src(%arg13 : memref<32x144xf32, #tpu.memory_space<vmem>>) dst(%dma_wait3A_249 : memref<10240x144xf32, #tpu.memory_space<vmem_shared>>)
    %dma_wait3A_250 = arith.constant 0 : i32
    %dma_wait3A_251 = arith.constant 0 : i32
    %dma_wait3A_252 = tpu.memref_slice %arg22[%dma_wait3A_250, %dma_wait3A_251] : memref<10240x144xf32, #tpu.memory_space<vmem_shared>> -> memref<10240x144xf32, #tpu.memory_space<vmem_shared>>
    tpu.wait_indirect_dma semaphore(%arg30 : memref<!tpu.dma_semaphore, #tpu.memory_space<semaphore_mem>>) src(%arg14 : memref<32x144xf32, #tpu.memory_space<vmem>>) dst(%dma_wait3A_252 : memref<10240x144xf32, #tpu.memory_space<vmem_shared>>)
    %barrier3A_253 = arith.constant 0 : index
    tpu.barrier barrier_id(%barrier3A_253)
    %mul3A_254 = arith.constant 640 : i32
    %mul3A_255 = arith.muli %arg1, %mul3A_254 : i32
    %dma_start3A_256 = arith.constant 1 : i32
    %dma_start3A_257 = arith.constant 0 : i32
    %dma_start3A_258 = tpu.memref_slice %arg6[%arg0, %dma_start3A_256, %mul3A_255, %dma_start3A_257] : memref<2x3x10240x144xf32, #tpu.memory_space<hbm>> -> memref<1x1x640x144xf32, #tpu.memory_space<hbm>>
    %dma_start3A_259 = tpu.memref_squeeze %dma_start3A_258 : memref<1x1x640x144xf32, #tpu.memory_space<hbm>> -> memref<640x144xf32, #tpu.memory_space<hbm>>
    %dma_start3A_260 = arith.constant 0 : i32
    %dma_start3A_261 = tpu.memref_slice %arg22[%mul3A_255, %dma_start3A_260] : memref<10240x144xf32, #tpu.memory_space<vmem_shared>> -> memref<640x144xf32, #tpu.memory_space<vmem_shared>>
    tpu.enqueue_dma source(%dma_start3A_261 : memref<640x144xf32, #tpu.memory_space<vmem_shared>>) target(%dma_start3A_259 : memref<640x144xf32, #tpu.memory_space<hbm>>) target_semaphore(%arg31 : memref<!tpu.dma_semaphore, #tpu.memory_space<semaphore_mem>>)
    %dma_wait3A_262 = arith.constant 1 : i32
    %dma_wait3A_263 = arith.constant 0 : i32
    %dma_wait3A_264 = tpu.memref_slice %arg6[%arg0, %dma_wait3A_262, %mul3A_255, %dma_wait3A_263] : memref<2x3x10240x144xf32, #tpu.memory_space<hbm>> -> memref<1x1x640x144xf32, #tpu.memory_space<hbm>>
    %dma_wait3A_265 = tpu.memref_squeeze %dma_wait3A_264 : memref<1x1x640x144xf32, #tpu.memory_space<hbm>> -> memref<640x144xf32, #tpu.memory_space<hbm>>
    %dma_wait3A_266 = arith.constant 0 : i32
    %dma_wait3A_267 = tpu.memref_slice %arg22[%mul3A_255, %dma_wait3A_266] : memref<10240x144xf32, #tpu.memory_space<vmem_shared>> -> memref<640x144xf32, #tpu.memory_space<vmem_shared>>
    tpu.wait_dma2 semaphore(%arg31 : memref<!tpu.dma_semaphore, #tpu.memory_space<semaphore_mem>>) src(%dma_wait3A_267 : memref<640x144xf32, #tpu.memory_space<vmem_shared>>) dst(%dma_wait3A_265 : memref<640x144xf32, #tpu.memory_space<hbm>>)
    %barrier3A_268 = arith.constant 0 : index
    tpu.barrier barrier_id(%barrier3A_268)
    %scan3A_269 = arith.constant 0 : i32
    %scan3A_270 = arith.constant 32 : i32
    %scan3A_271 = arith.addi %scan3A_269, %scan3A_270 : i32
    %scan3A_272 = arith.constant 1 : i32
    scf.for %scan3A_405 = %scan3A_269 to %scan3A_271 step %scan3A_272  : i32 {
      %mul3A_406 = arith.constant 1 : i32
      %mul3A_407 = arith.muli %scan3A_405, %mul3A_406 : i32
      %add3A_408 = arith.constant 0 : i32
      %add3A_409 = arith.addi %add3A_408, %mul3A_407 : i32
      %broadcast_in_dim3A = arith.constant 0.000000e+00 : f32
      %broadcast_in_dim3A_410 = vector.broadcast %broadcast_in_dim3A : f32 to vector<16xf32>
      %swap3A_411 = arith.index_cast %add3A_409 : i32 to index
      %swap3A_412 = arith.constant 0 : index
      %swap3A_413 = tpu.vector_load %arg13[%swap3A_411, %swap3A_412] {strides = array<i32>} : memref<32x144xf32, #tpu.memory_space<vmem>>, vector<16xf32>,
      tpu.vector_store %arg13[%swap3A_411, %swap3A_412], %broadcast_in_dim3A_410 {strides = array<i32>} : memref<32x144xf32, #tpu.memory_space<vmem>>, vector<16xf32>,
      %broadcast_in_dim3A_414 = arith.constant 0.000000e+00 : f32
      %broadcast_in_dim3A_415 = vector.broadcast %broadcast_in_dim3A_414 : f32 to vector<16xf32>
      %swap3A_416 = arith.index_cast %add3A_409 : i32 to index
      %swap3A_417 = arith.constant 16 : index
      %swap3A_418 = tpu.vector_load %arg13[%swap3A_416, %swap3A_417] {strides = array<i32>} : memref<32x144xf32, #tpu.memory_space<vmem>>, vector<16xf32>,
      tpu.vector_store %arg13[%swap3A_416, %swap3A_417], %broadcast_in_dim3A_415 {strides = array<i32>} : memref<32x144xf32, #tpu.memory_space<vmem>>, vector<16xf32>,
      %broadcast_in_dim3A_419 = arith.constant 0.000000e+00 : f32
      %broadcast_in_dim3A_420 = vector.broadcast %broadcast_in_dim3A_419 : f32 to vector<16xf32>
      %swap3A_421 = arith.index_cast %add3A_409 : i32 to index
      %swap3A_422 = arith.constant 32 : index
      %swap3A_423 = tpu.vector_load %arg13[%swap3A_421, %swap3A_422] {strides = array<i32>} : memref<32x144xf32, #tpu.memory_space<vmem>>, vector<16xf32>,
      tpu.vector_store %arg13[%swap3A_421, %swap3A_422], %broadcast_in_dim3A_420 {strides = array<i32>} : memref<32x144xf32, #tpu.memory_space<vmem>>, vector<16xf32>,
      %broadcast_in_dim3A_424 = arith.constant 0.000000e+00 : f32
      %broadcast_in_dim3A_425 = vector.broadcast %broadcast_in_dim3A_424 : f32 to vector<16xf32>
      %swap3A_426 = arith.index_cast %add3A_409 : i32 to index
      %swap3A_427 = arith.constant 48 : index
      %swap3A_428 = tpu.vector_load %arg13[%swap3A_426, %swap3A_427] {strides = array<i32>} : memref<32x144xf32, #tpu.memory_space<vmem>>, vector<16xf32>,
      tpu.vector_store %arg13[%swap3A_426, %swap3A_427], %broadcast_in_dim3A_425 {strides = array<i32>} : memref<32x144xf32, #tpu.memory_space<vmem>>, vector<16xf32>,
      %broadcast_in_dim3A_429 = arith.constant 0.000000e+00 : f32
      %broadcast_in_dim3A_430 = vector.broadcast %broadcast_in_dim3A_429 : f32 to vector<16xf32>
      %swap3A_431 = arith.index_cast %add3A_409 : i32 to index
      %swap3A_432 = arith.constant 64 : index
      %swap3A_433 = tpu.vector_load %arg13[%swap3A_431, %swap3A_432] {strides = array<i32>} : memref<32x144xf32, #tpu.memory_space<vmem>>, vector<16xf32>,
      tpu.vector_store %arg13[%swap3A_431, %swap3A_432], %broadcast_in_dim3A_430 {strides = array<i32>} : memref<32x144xf32, #tpu.memory_space<vmem>>, vector<16xf32>,
      %broadcast_in_dim3A_434 = arith.constant 0.000000e+00 : f32
      %broadcast_in_dim3A_435 = vector.broadcast %broadcast_in_dim3A_434 : f32 to vector<16xf32>
      %swap3A_436 = arith.index_cast %add3A_409 : i32 to index
      %swap3A_437 = arith.constant 80 : index
      %swap3A_438 = tpu.vector_load %arg13[%swap3A_436, %swap3A_437] {strides = array<i32>} : memref<32x144xf32, #tpu.memory_space<vmem>>, vector<16xf32>,
      tpu.vector_store %arg13[%swap3A_436, %swap3A_437], %broadcast_in_dim3A_435 {strides = array<i32>} : memref<32x144xf32, #tpu.memory_space<vmem>>, vector<16xf32>,
      %broadcast_in_dim3A_439 = arith.constant 0.000000e+00 : f32
      %broadcast_in_dim3A_440 = vector.broadcast %broadcast_in_dim3A_439 : f32 to vector<16xf32>
      %swap3A_441 = arith.index_cast %add3A_409 : i32 to index
      %swap3A_442 = arith.constant 96 : index
      %swap3A_443 = tpu.vector_load %arg13[%swap3A_441, %swap3A_442] {strides = array<i32>} : memref<32x144xf32, #tpu.memory_space<vmem>>, vector<16xf32>,
      tpu.vector_store %arg13[%swap3A_441, %swap3A_442], %broadcast_in_dim3A_440 {strides = array<i32>} : memref<32x144xf32, #tpu.memory_space<vmem>>, vector<16xf32>,
      %broadcast_in_dim3A_444 = arith.constant 0.000000e+00 : f32
      %broadcast_in_dim3A_445 = vector.broadcast %broadcast_in_dim3A_444 : f32 to vector<16xf32>
      %swap3A_446 = arith.index_cast %add3A_409 : i32 to index
      %swap3A_447 = arith.constant 112 : index
      %swap3A_448 = tpu.vector_load %arg13[%swap3A_446, %swap3A_447] {strides = array<i32>} : memref<32x144xf32, #tpu.memory_space<vmem>>, vector<16xf32>,
      tpu.vector_store %arg13[%swap3A_446, %swap3A_447], %broadcast_in_dim3A_445 {strides = array<i32>} : memref<32x144xf32, #tpu.memory_space<vmem>>, vector<16xf32>,
      %broadcast_in_dim3A_449 = arith.constant 0.000000e+00 : f32
      %broadcast_in_dim3A_450 = vector.broadcast %broadcast_in_dim3A_449 : f32 to vector<16xf32>
      %swap3A_451 = arith.index_cast %add3A_409 : i32 to index
      %swap3A_452 = arith.constant 128 : index
      %swap3A_453 = tpu.vector_load %arg13[%swap3A_451, %swap3A_452] {strides = array<i32>} : memref<32x144xf32, #tpu.memory_space<vmem>>, vector<16xf32>,
      tpu.vector_store %arg13[%swap3A_451, %swap3A_452], %broadcast_in_dim3A_450 {strides = array<i32>} : memref<32x144xf32, #tpu.memory_space<vmem>>, vector<16xf32>,
    }
    %scan3A_273 = arith.constant 32 : i32
    %mul3A_274 = arith.constant 640 : i32
    %mul3A_275 = arith.muli %arg1, %mul3A_274 : i32
    %add3A_276 = arith.constant 0 : i32
    %add3A_277 = arith.addi %mul3A_275, %add3A_276 : i32
    "tpu.region"() ({
      %run_scoped3A = tpu.sem_alloc : memref<!tpu.dma_semaphore, #tpu.memory_space<semaphore_mem>>
      %dma_start3A_405 = arith.constant 0 : i32
      %dma_start3A_406 = tpu.memref_slice %arg22[%add3A_277, %dma_start3A_405] : memref<10240x144xf32, #tpu.memory_space<vmem_shared>> -> memref<32x144xf32, #tpu.memory_space<vmem_shared>>
      %dma_start3A_407 = arith.constant 0 : i32
      %dma_start3A_408 = tpu.memref_slice %arg22[%add3A_277, %dma_start3A_407] : memref<10240x144xf32, #tpu.memory_space<vmem_shared>> -> memref<32x144xf32, #tpu.memory_space<vmem_shared>>
      tpu.enqueue_dma source(%arg13 : memref<32x144xf32, #tpu.memory_space<vmem>>) target(%dma_start3A_408 : memref<32x144xf32, #tpu.memory_space<vmem_shared>>) target_semaphore(%run_scoped3A : memref<!tpu.dma_semaphore, #tpu.memory_space<semaphore_mem>>)
      %dma_wait3A_409 = arith.constant 0 : i32
      %dma_wait3A_410 = tpu.memref_slice %arg22[%add3A_277, %dma_wait3A_409] : memref<10240x144xf32, #tpu.memory_space<vmem_shared>> -> memref<32x144xf32, #tpu.memory_space<vmem_shared>>
      %dma_wait3A_411 = arith.constant 0 : i32
      %dma_wait3A_412 = tpu.memref_slice %arg22[%add3A_277, %dma_wait3A_411] : memref<10240x144xf32, #tpu.memory_space<vmem_shared>> -> memref<32x144xf32, #tpu.memory_space<vmem_shared>>
      tpu.wait_dma2 semaphore(%run_scoped3A : memref<!tpu.dma_semaphore, #tpu.memory_space<semaphore_mem>>) src(%arg13 : memref<32x144xf32, #tpu.memory_space<vmem>>) dst(%dma_wait3A_412 : memref<32x144xf32, #tpu.memory_space<vmem_shared>>)
      tpu.yield
    }) : () -> ()
    %add3A_278 = arith.constant 32 : i32
    %add3A_279 = arith.addi %mul3A_275, %add3A_278 : i32
    "tpu.region"() ({
      %run_scoped3A = tpu.sem_alloc : memref<!tpu.dma_semaphore, #tpu.memory_space<semaphore_mem>>
      %dma_start3A_405 = arith.constant 0 : i32
      %dma_start3A_406 = tpu.memref_slice %arg22[%add3A_279, %dma_start3A_405] : memref<10240x144xf32, #tpu.memory_space<vmem_shared>> -> memref<32x144xf32, #tpu.memory_space<vmem_shared>>
      %dma_start3A_407 = arith.constant 0 : i32
      %dma_start3A_408 = tpu.memref_slice %arg22[%add3A_279, %dma_start3A_407] : memref<10240x144xf32, #tpu.memory_space<vmem_shared>> -> memref<32x144xf32, #tpu.memory_space<vmem_shared>>
      tpu.enqueue_dma source(%arg13 : memref<32x144xf32, #tpu.memory_space<vmem>>) target(%dma_start3A_408 : memref<32x144xf32, #tpu.memory_space<vmem_shared>>) target_semaphore(%run_scoped3A : memref<!tpu.dma_semaphore, #tpu.memory_space<semaphore_mem>>)
      %dma_wait3A_409 = arith.constant 0 : i32
      %dma_wait3A_410 = tpu.memref_slice %arg22[%add3A_279, %dma_wait3A_409] : memref<10240x144xf32, #tpu.memory_space<vmem_shared>> -> memref<32x144xf32, #tpu.memory_space<vmem_shared>>
      %dma_wait3A_411 = arith.constant 0 : i32
      %dma_wait3A_412 = tpu.memref_slice %arg22[%add3A_279, %dma_wait3A_411] : memref<10240x144xf32, #tpu.memory_space<vmem_shared>> -> memref<32x144xf32, #tpu.memory_space<vmem_shared>>
      tpu.wait_dma2 semaphore(%run_scoped3A : memref<!tpu.dma_semaphore, #tpu.memory_space<semaphore_mem>>) src(%arg13 : memref<32x144xf32, #tpu.memory_space<vmem>>) dst(%dma_wait3A_412 : memref<32x144xf32, #tpu.memory_space<vmem_shared>>)
      tpu.yield
    }) : () -> ()
    %add3A_280 = arith.constant 64 : i32
    %add3A_281 = arith.addi %mul3A_275, %add3A_280 : i32
    "tpu.region"() ({
      %run_scoped3A = tpu.sem_alloc : memref<!tpu.dma_semaphore, #tpu.memory_space<semaphore_mem>>
      %dma_start3A_405 = arith.constant 0 : i32
      %dma_start3A_406 = tpu.memref_slice %arg22[%add3A_281, %dma_start3A_405] : memref<10240x144xf32, #tpu.memory_space<vmem_shared>> -> memref<32x144xf32, #tpu.memory_space<vmem_shared>>
      %dma_start3A_407 = arith.constant 0 : i32
      %dma_start3A_408 = tpu.memref_slice %arg22[%add3A_281, %dma_start3A_407] : memref<10240x144xf32, #tpu.memory_space<vmem_shared>> -> memref<32x144xf32, #tpu.memory_space<vmem_shared>>
      tpu.enqueue_dma source(%arg13 : memref<32x144xf32, #tpu.memory_space<vmem>>) target(%dma_start3A_408 : memref<32x144xf32, #tpu.memory_space<vmem_shared>>) target_semaphore(%run_scoped3A : memref<!tpu.dma_semaphore, #tpu.memory_space<semaphore_mem>>)
      %dma_wait3A_409 = arith.constant 0 : i32
      %dma_wait3A_410 = tpu.memref_slice %arg22[%add3A_281, %dma_wait3A_409] : memref<10240x144xf32, #tpu.memory_space<vmem_shared>> -> memref<32x144xf32, #tpu.memory_space<vmem_shared>>
      %dma_wait3A_411 = arith.constant 0 : i32
      %dma_wait3A_412 = tpu.memref_slice %arg22[%add3A_281, %dma_wait3A_411] : memref<10240x144xf32, #tpu.memory_space<vmem_shared>> -> memref<32x144xf32, #tpu.memory_space<vmem_shared>>
      tpu.wait_dma2 semaphore(%run_scoped3A : memref<!tpu.dma_semaphore, #tpu.memory_space<semaphore_mem>>) src(%arg13 : memref<32x144xf32, #tpu.memory_space<vmem>>) dst(%dma_wait3A_412 : memref<32x144xf32, #tpu.memory_space<vmem_shared>>)
      tpu.yield
    }) : () -> ()
    %add3A_282 = arith.constant 96 : i32
    %add3A_283 = arith.addi %mul3A_275, %add3A_282 : i32
    "tpu.region"() ({
      %run_scoped3A = tpu.sem_alloc : memref<!tpu.dma_semaphore, #tpu.memory_space<semaphore_mem>>
      %dma_start3A_405 = arith.constant 0 : i32
      %dma_start3A_406 = tpu.memref_slice %arg22[%add3A_283, %dma_start3A_405] : memref<10240x144xf32, #tpu.memory_space<vmem_shared>> -> memref<32x144xf32, #tpu.memory_space<vmem_shared>>
      %dma_start3A_407 = arith.constant 0 : i32
      %dma_start3A_408 = tpu.memref_slice %arg22[%add3A_283, %dma_start3A_407] : memref<10240x144xf32, #tpu.memory_space<vmem_shared>> -> memref<32x144xf32, #tpu.memory_space<vmem_shared>>
      tpu.enqueue_dma source(%arg13 : memref<32x144xf32, #tpu.memory_space<vmem>>) target(%dma_start3A_408 : memref<32x144xf32, #tpu.memory_space<vmem_shared>>) target_semaphore(%run_scoped3A : memref<!tpu.dma_semaphore, #tpu.memory_space<semaphore_mem>>)
      %dma_wait3A_409 = arith.constant 0 : i32
      %dma_wait3A_410 = tpu.memref_slice %arg22[%add3A_283, %dma_wait3A_409] : memref<10240x144xf32, #tpu.memory_space<vmem_shared>> -> memref<32x144xf32, #tpu.memory_space<vmem_shared>>
      %dma_wait3A_411 = arith.constant 0 : i32
      %dma_wait3A_412 = tpu.memref_slice %arg22[%add3A_283, %dma_wait3A_411] : memref<10240x144xf32, #tpu.memory_space<vmem_shared>> -> memref<32x144xf32, #tpu.memory_space<vmem_shared>>
      tpu.wait_dma2 semaphore(%run_scoped3A : memref<!tpu.dma_semaphore, #tpu.memory_space<semaphore_mem>>) src(%arg13 : memref<32x144xf32, #tpu.memory_space<vmem>>) dst(%dma_wait3A_412 : memref<32x144xf32, #tpu.memory_space<vmem_shared>>)
      tpu.yield
    }) : () -> ()
    %add3A_284 = arith.constant 128 : i32
    %add3A_285 = arith.addi %mul3A_275, %add3A_284 : i32
    "tpu.region"() ({
      %run_scoped3A = tpu.sem_alloc : memref<!tpu.dma_semaphore, #tpu.memory_space<semaphore_mem>>
      %dma_start3A_405 = arith.constant 0 : i32
      %dma_start3A_406 = tpu.memref_slice %arg22[%add3A_285, %dma_start3A_405] : memref<10240x144xf32, #tpu.memory_space<vmem_shared>> -> memref<32x144xf32, #tpu.memory_space<vmem_shared>>
      %dma_start3A_407 = arith.constant 0 : i32
      %dma_start3A_408 = tpu.memref_slice %arg22[%add3A_285, %dma_start3A_407] : memref<10240x144xf32, #tpu.memory_space<vmem_shared>> -> memref<32x144xf32, #tpu.memory_space<vmem_shared>>
      tpu.enqueue_dma source(%arg13 : memref<32x144xf32, #tpu.memory_space<vmem>>) target(%dma_start3A_408 : memref<32x144xf32, #tpu.memory_space<vmem_shared>>) target_semaphore(%run_scoped3A : memref<!tpu.dma_semaphore, #tpu.memory_space<semaphore_mem>>)
      %dma_wait3A_409 = arith.constant 0 : i32
      %dma_wait3A_410 = tpu.memref_slice %arg22[%add3A_285, %dma_wait3A_409] : memref<10240x144xf32, #tpu.memory_space<vmem_shared>> -> memref<32x144xf32, #tpu.memory_space<vmem_shared>>
      %dma_wait3A_411 = arith.constant 0 : i32
      %dma_wait3A_412 = tpu.memref_slice %arg22[%add3A_285, %dma_wait3A_411] : memref<10240x144xf32, #tpu.memory_space<vmem_shared>> -> memref<32x144xf32, #tpu.memory_space<vmem_shared>>
      tpu.wait_dma2 semaphore(%run_scoped3A : memref<!tpu.dma_semaphore, #tpu.memory_space<semaphore_mem>>) src(%arg13 : memref<32x144xf32, #tpu.memory_space<vmem>>) dst(%dma_wait3A_412 : memref<32x144xf32, #tpu.memory_space<vmem_shared>>)
      tpu.yield
    }) : () -> ()
    %add3A_286 = arith.constant 160 : i32
    %add3A_287 = arith.addi %mul3A_275, %add3A_286 : i32
    "tpu.region"() ({
      %run_scoped3A = tpu.sem_alloc : memref<!tpu.dma_semaphore, #tpu.memory_space<semaphore_mem>>
      %dma_start3A_405 = arith.constant 0 : i32
      %dma_start3A_406 = tpu.memref_slice %arg22[%add3A_287, %dma_start3A_405] : memref<10240x144xf32, #tpu.memory_space<vmem_shared>> -> memref<32x144xf32, #tpu.memory_space<vmem_shared>>
      %dma_start3A_407 = arith.constant 0 : i32
      %dma_start3A_408 = tpu.memref_slice %arg22[%add3A_287, %dma_start3A_407] : memref<10240x144xf32, #tpu.memory_space<vmem_shared>> -> memref<32x144xf32, #tpu.memory_space<vmem_shared>>
      tpu.enqueue_dma source(%arg13 : memref<32x144xf32, #tpu.memory_space<vmem>>) target(%dma_start3A_408 : memref<32x144xf32, #tpu.memory_space<vmem_shared>>) target_semaphore(%run_scoped3A : memref<!tpu.dma_semaphore, #tpu.memory_space<semaphore_mem>>)
      %dma_wait3A_409 = arith.constant 0 : i32
      %dma_wait3A_410 = tpu.memref_slice %arg22[%add3A_287, %dma_wait3A_409] : memref<10240x144xf32, #tpu.memory_space<vmem_shared>> -> memref<32x144xf32, #tpu.memory_space<vmem_shared>>
      %dma_wait3A_411 = arith.constant 0 : i32
      %dma_wait3A_412 = tpu.memref_slice %arg22[%add3A_287, %dma_wait3A_411] : memref<10240x144xf32, #tpu.memory_space<vmem_shared>> -> memref<32x144xf32, #tpu.memory_space<vmem_shared>>
      tpu.wait_dma2 semaphore(%run_scoped3A : memref<!tpu.dma_semaphore, #tpu.memory_space<semaphore_mem>>) src(%arg13 : memref<32x144xf32, #tpu.memory_space<vmem>>) dst(%dma_wait3A_412 : memref<32x144xf32, #tpu.memory_space<vmem_shared>>)
      tpu.yield
    }) : () -> ()
    %add3A_288 = arith.constant 192 : i32
    %add3A_289 = arith.addi %mul3A_275, %add3A_288 : i32
    "tpu.region"() ({
      %run_scoped3A = tpu.sem_alloc : memref<!tpu.dma_semaphore, #tpu.memory_space<semaphore_mem>>
      %dma_start3A_405 = arith.constant 0 : i32
      %dma_start3A_406 = tpu.memref_slice %arg22[%add3A_289, %dma_start3A_405] : memref<10240x144xf32, #tpu.memory_space<vmem_shared>> -> memref<32x144xf32, #tpu.memory_space<vmem_shared>>
      %dma_start3A_407 = arith.constant 0 : i32
      %dma_start3A_408 = tpu.memref_slice %arg22[%add3A_289, %dma_start3A_407] : memref<10240x144xf32, #tpu.memory_space<vmem_shared>> -> memref<32x144xf32, #tpu.memory_space<vmem_shared>>
      tpu.enqueue_dma source(%arg13 : memref<32x144xf32, #tpu.memory_space<vmem>>) target(%dma_start3A_408 : memref<32x144xf32, #tpu.memory_space<vmem_shared>>) target_semaphore(%run_scoped3A : memref<!tpu.dma_semaphore, #tpu.memory_space<semaphore_mem>>)
      %dma_wait3A_409 = arith.constant 0 : i32
      %dma_wait3A_410 = tpu.memref_slice %arg22[%add3A_289, %dma_wait3A_409] : memref<10240x144xf32, #tpu.memory_space<vmem_shared>> -> memref<32x144xf32, #tpu.memory_space<vmem_shared>>
      %dma_wait3A_411 = arith.constant 0 : i32
      %dma_wait3A_412 = tpu.memref_slice %arg22[%add3A_289, %dma_wait3A_411] : memref<10240x144xf32, #tpu.memory_space<vmem_shared>> -> memref<32x144xf32, #tpu.memory_space<vmem_shared>>
      tpu.wait_dma2 semaphore(%run_scoped3A : memref<!tpu.dma_semaphore, #tpu.memory_space<semaphore_mem>>) src(%arg13 : memref<32x144xf32, #tpu.memory_space<vmem>>) dst(%dma_wait3A_412 : memref<32x144xf32, #tpu.memory_space<vmem_shared>>)
      tpu.yield
    }) : () -> ()
    %add3A_290 = arith.constant 224 : i32
    %add3A_291 = arith.addi %mul3A_275, %add3A_290 : i32
    "tpu.region"() ({
      %run_scoped3A = tpu.sem_alloc : memref<!tpu.dma_semaphore, #tpu.memory_space<semaphore_mem>>
      %dma_start3A_405 = arith.constant 0 : i32
      %dma_start3A_406 = tpu.memref_slice %arg22[%add3A_291, %dma_start3A_405] : memref<10240x144xf32, #tpu.memory_space<vmem_shared>> -> memref<32x144xf32, #tpu.memory_space<vmem_shared>>
      %dma_start3A_407 = arith.constant 0 : i32
      %dma_start3A_408 = tpu.memref_slice %arg22[%add3A_291, %dma_start3A_407] : memref<10240x144xf32, #tpu.memory_space<vmem_shared>> -> memref<32x144xf32, #tpu.memory_space<vmem_shared>>
      tpu.enqueue_dma source(%arg13 : memref<32x144xf32, #tpu.memory_space<vmem>>) target(%dma_start3A_408 : memref<32x144xf32, #tpu.memory_space<vmem_shared>>) target_semaphore(%run_scoped3A : memref<!tpu.dma_semaphore, #tpu.memory_space<semaphore_mem>>)
      %dma_wait3A_409 = arith.constant 0 : i32
      %dma_wait3A_410 = tpu.memref_slice %arg22[%add3A_291, %dma_wait3A_409] : memref<10240x144xf32, #tpu.memory_space<vmem_shared>> -> memref<32x144xf32, #tpu.memory_space<vmem_shared>>
      %dma_wait3A_411 = arith.constant 0 : i32
      %dma_wait3A_412 = tpu.memref_slice %arg22[%add3A_291, %dma_wait3A_411] : memref<10240x144xf32, #tpu.memory_space<vmem_shared>> -> memref<32x144xf32, #tpu.memory_space<vmem_shared>>
      tpu.wait_dma2 semaphore(%run_scoped3A : memref<!tpu.dma_semaphore, #tpu.memory_space<semaphore_mem>>) src(%arg13 : memref<32x144xf32, #tpu.memory_space<vmem>>) dst(%dma_wait3A_412 : memref<32x144xf32, #tpu.memory_space<vmem_shared>>)
      tpu.yield
    }) : () -> ()
    %add3A_292 = arith.constant 256 : i32
    %add3A_293 = arith.addi %mul3A_275, %add3A_292 : i32
    "tpu.region"() ({
      %run_scoped3A = tpu.sem_alloc : memref<!tpu.dma_semaphore, #tpu.memory_space<semaphore_mem>>
      %dma_start3A_405 = arith.constant 0 : i32
      %dma_start3A_406 = tpu.memref_slice %arg22[%add3A_293, %dma_start3A_405] : memref<10240x144xf32, #tpu.memory_space<vmem_shared>> -> memref<32x144xf32, #tpu.memory_space<vmem_shared>>
      %dma_start3A_407 = arith.constant 0 : i32
      %dma_start3A_408 = tpu.memref_slice %arg22[%add3A_293, %dma_start3A_407] : memref<10240x144xf32, #tpu.memory_space<vmem_shared>> -> memref<32x144xf32, #tpu.memory_space<vmem_shared>>
      tpu.enqueue_dma source(%arg13 : memref<32x144xf32, #tpu.memory_space<vmem>>) target(%dma_start3A_408 : memref<32x144xf32, #tpu.memory_space<vmem_shared>>) target_semaphore(%run_scoped3A : memref<!tpu.dma_semaphore, #tpu.memory_space<semaphore_mem>>)
      %dma_wait3A_409 = arith.constant 0 : i32
      %dma_wait3A_410 = tpu.memref_slice %arg22[%add3A_293, %dma_wait3A_409] : memref<10240x144xf32, #tpu.memory_space<vmem_shared>> -> memref<32x144xf32, #tpu.memory_space<vmem_shared>>
      %dma_wait3A_411 = arith.constant 0 : i32
      %dma_wait3A_412 = tpu.memref_slice %arg22[%add3A_293, %dma_wait3A_411] : memref<10240x144xf32, #tpu.memory_space<vmem_shared>> -> memref<32x144xf32, #tpu.memory_space<vmem_shared>>
      tpu.wait_dma2 semaphore(%run_scoped3A : memref<!tpu.dma_semaphore, #tpu.memory_space<semaphore_mem>>) src(%arg13 : memref<32x144xf32, #tpu.memory_space<vmem>>) dst(%dma_wait3A_412 : memref<32x144xf32, #tpu.memory_space<vmem_shared>>)
      tpu.yield
    }) : () -> ()
    %add3A_294 = arith.constant 288 : i32
    %add3A_295 = arith.addi %mul3A_275, %add3A_294 : i32
    "tpu.region"() ({
      %run_scoped3A = tpu.sem_alloc : memref<!tpu.dma_semaphore, #tpu.memory_space<semaphore_mem>>
      %dma_start3A_405 = arith.constant 0 : i32
      %dma_start3A_406 = tpu.memref_slice %arg22[%add3A_295, %dma_start3A_405] : memref<10240x144xf32, #tpu.memory_space<vmem_shared>> -> memref<32x144xf32, #tpu.memory_space<vmem_shared>>
      %dma_start3A_407 = arith.constant 0 : i32
      %dma_start3A_408 = tpu.memref_slice %arg22[%add3A_295, %dma_start3A_407] : memref<10240x144xf32, #tpu.memory_space<vmem_shared>> -> memref<32x144xf32, #tpu.memory_space<vmem_shared>>
      tpu.enqueue_dma source(%arg13 : memref<32x144xf32, #tpu.memory_space<vmem>>) target(%dma_start3A_408 : memref<32x144xf32, #tpu.memory_space<vmem_shared>>) target_semaphore(%run_scoped3A : memref<!tpu.dma_semaphore, #tpu.memory_space<semaphore_mem>>)
      %dma_wait3A_409 = arith.constant 0 : i32
      %dma_wait3A_410 = tpu.memref_slice %arg22[%add3A_295, %dma_wait3A_409] : memref<10240x144xf32, #tpu.memory_space<vmem_shared>> -> memref<32x144xf32, #tpu.memory_space<vmem_shared>>
      %dma_wait3A_411 = arith.constant 0 : i32
      %dma_wait3A_412 = tpu.memref_slice %arg22[%add3A_295, %dma_wait3A_411] : memref<10240x144xf32, #tpu.memory_space<vmem_shared>> -> memref<32x144xf32, #tpu.memory_space<vmem_shared>>
      tpu.wait_dma2 semaphore(%run_scoped3A : memref<!tpu.dma_semaphore, #tpu.memory_space<semaphore_mem>>) src(%arg13 : memref<32x144xf32, #tpu.memory_space<vmem>>) dst(%dma_wait3A_412 : memref<32x144xf32, #tpu.memory_space<vmem_shared>>)
      tpu.yield
    }) : () -> ()
    %add3A_296 = arith.constant 320 : i32
    %add3A_297 = arith.addi %mul3A_275, %add3A_296 : i32
    "tpu.region"() ({
      %run_scoped3A = tpu.sem_alloc : memref<!tpu.dma_semaphore, #tpu.memory_space<semaphore_mem>>
      %dma_start3A_405 = arith.constant 0 : i32
      %dma_start3A_406 = tpu.memref_slice %arg22[%add3A_297, %dma_start3A_405] : memref<10240x144xf32, #tpu.memory_space<vmem_shared>> -> memref<32x144xf32, #tpu.memory_space<vmem_shared>>
      %dma_start3A_407 = arith.constant 0 : i32
      %dma_start3A_408 = tpu.memref_slice %arg22[%add3A_297, %dma_start3A_407] : memref<10240x144xf32, #tpu.memory_space<vmem_shared>> -> memref<32x144xf32, #tpu.memory_space<vmem_shared>>
      tpu.enqueue_dma source(%arg13 : memref<32x144xf32, #tpu.memory_space<vmem>>) target(%dma_start3A_408 : memref<32x144xf32, #tpu.memory_space<vmem_shared>>) target_semaphore(%run_scoped3A : memref<!tpu.dma_semaphore, #tpu.memory_space<semaphore_mem>>)
      %dma_wait3A_409 = arith.constant 0 : i32
      %dma_wait3A_410 = tpu.memref_slice %arg22[%add3A_297, %dma_wait3A_409] : memref<10240x144xf32, #tpu.memory_space<vmem_shared>> -> memref<32x144xf32, #tpu.memory_space<vmem_shared>>
      %dma_wait3A_411 = arith.constant 0 : i32
      %dma_wait3A_412 = tpu.memref_slice %arg22[%add3A_297, %dma_wait3A_411] : memref<10240x144xf32, #tpu.memory_space<vmem_shared>> -> memref<32x144xf32, #tpu.memory_space<vmem_shared>>
      tpu.wait_dma2 semaphore(%run_scoped3A : memref<!tpu.dma_semaphore, #tpu.memory_space<semaphore_mem>>) src(%arg13 : memref<32x144xf32, #tpu.memory_space<vmem>>) dst(%dma_wait3A_412 : memref<32x144xf32, #tpu.memory_space<vmem_shared>>)
      tpu.yield
    }) : () -> ()
    %add3A_298 = arith.constant 352 : i32
    %add3A_299 = arith.addi %mul3A_275, %add3A_298 : i32
    "tpu.region"() ({
      %run_scoped3A = tpu.sem_alloc : memref<!tpu.dma_semaphore, #tpu.memory_space<semaphore_mem>>
      %dma_start3A_405 = arith.constant 0 : i32
      %dma_start3A_406 = tpu.memref_slice %arg22[%add3A_299, %dma_start3A_405] : memref<10240x144xf32, #tpu.memory_space<vmem_shared>> -> memref<32x144xf32, #tpu.memory_space<vmem_shared>>
      %dma_start3A_407 = arith.constant 0 : i32
      %dma_start3A_408 = tpu.memref_slice %arg22[%add3A_299, %dma_start3A_407] : memref<10240x144xf32, #tpu.memory_space<vmem_shared>> -> memref<32x144xf32, #tpu.memory_space<vmem_shared>>
      tpu.enqueue_dma source(%arg13 : memref<32x144xf32, #tpu.memory_space<vmem>>) target(%dma_start3A_408 : memref<32x144xf32, #tpu.memory_space<vmem_shared>>) target_semaphore(%run_scoped3A : memref<!tpu.dma_semaphore, #tpu.memory_space<semaphore_mem>>)
      %dma_wait3A_409 = arith.constant 0 : i32
      %dma_wait3A_410 = tpu.memref_slice %arg22[%add3A_299, %dma_wait3A_409] : memref<10240x144xf32, #tpu.memory_space<vmem_shared>> -> memref<32x144xf32, #tpu.memory_space<vmem_shared>>
      %dma_wait3A_411 = arith.constant 0 : i32
      %dma_wait3A_412 = tpu.memref_slice %arg22[%add3A_299, %dma_wait3A_411] : memref<10240x144xf32, #tpu.memory_space<vmem_shared>> -> memref<32x144xf32, #tpu.memory_space<vmem_shared>>
      tpu.wait_dma2 semaphore(%run_scoped3A : memref<!tpu.dma_semaphore, #tpu.memory_space<semaphore_mem>>) src(%arg13 : memref<32x144xf32, #tpu.memory_space<vmem>>) dst(%dma_wait3A_412 : memref<32x144xf32, #tpu.memory_space<vmem_shared>>)
      tpu.yield
    }) : () -> ()
    %add3A_300 = arith.constant 384 : i32
    %add3A_301 = arith.addi %mul3A_275, %add3A_300 : i32
    "tpu.region"() ({
      %run_scoped3A = tpu.sem_alloc : memref<!tpu.dma_semaphore, #tpu.memory_space<semaphore_mem>>
      %dma_start3A_405 = arith.constant 0 : i32
      %dma_start3A_406 = tpu.memref_slice %arg22[%add3A_301, %dma_start3A_405] : memref<10240x144xf32, #tpu.memory_space<vmem_shared>> -> memref<32x144xf32, #tpu.memory_space<vmem_shared>>
      %dma_start3A_407 = arith.constant 0 : i32
      %dma_start3A_408 = tpu.memref_slice %arg22[%add3A_301, %dma_start3A_407] : memref<10240x144xf32, #tpu.memory_space<vmem_shared>> -> memref<32x144xf32, #tpu.memory_space<vmem_shared>>
      tpu.enqueue_dma source(%arg13 : memref<32x144xf32, #tpu.memory_space<vmem>>) target(%dma_start3A_408 : memref<32x144xf32, #tpu.memory_space<vmem_shared>>) target_semaphore(%run_scoped3A : memref<!tpu.dma_semaphore, #tpu.memory_space<semaphore_mem>>)
      %dma_wait3A_409 = arith.constant 0 : i32
      %dma_wait3A_410 = tpu.memref_slice %arg22[%add3A_301, %dma_wait3A_409] : memref<10240x144xf32, #tpu.memory_space<vmem_shared>> -> memref<32x144xf32, #tpu.memory_space<vmem_shared>>
      %dma_wait3A_411 = arith.constant 0 : i32
      %dma_wait3A_412 = tpu.memref_slice %arg22[%add3A_301, %dma_wait3A_411] : memref<10240x144xf32, #tpu.memory_space<vmem_shared>> -> memref<32x144xf32, #tpu.memory_space<vmem_shared>>
      tpu.wait_dma2 semaphore(%run_scoped3A : memref<!tpu.dma_semaphore, #tpu.memory_space<semaphore_mem>>) src(%arg13 : memref<32x144xf32, #tpu.memory_space<vmem>>) dst(%dma_wait3A_412 : memref<32x144xf32, #tpu.memory_space<vmem_shared>>)
      tpu.yield
    }) : () -> ()
    %add3A_302 = arith.constant 416 : i32
    %add3A_303 = arith.addi %mul3A_275, %add3A_302 : i32
    "tpu.region"() ({
      %run_scoped3A = tpu.sem_alloc : memref<!tpu.dma_semaphore, #tpu.memory_space<semaphore_mem>>
      %dma_start3A_405 = arith.constant 0 : i32
      %dma_start3A_406 = tpu.memref_slice %arg22[%add3A_303, %dma_start3A_405] : memref<10240x144xf32, #tpu.memory_space<vmem_shared>> -> memref<32x144xf32, #tpu.memory_space<vmem_shared>>
      %dma_start3A_407 = arith.constant 0 : i32
      %dma_start3A_408 = tpu.memref_slice %arg22[%add3A_303, %dma_start3A_407] : memref<10240x144xf32, #tpu.memory_space<vmem_shared>> -> memref<32x144xf32, #tpu.memory_space<vmem_shared>>
      tpu.enqueue_dma source(%arg13 : memref<32x144xf32, #tpu.memory_space<vmem>>) target(%dma_start3A_408 : memref<32x144xf32, #tpu.memory_space<vmem_shared>>) target_semaphore(%run_scoped3A : memref<!tpu.dma_semaphore, #tpu.memory_space<semaphore_mem>>)
      %dma_wait3A_409 = arith.constant 0 : i32
      %dma_wait3A_410 = tpu.memref_slice %arg22[%add3A_303, %dma_wait3A_409] : memref<10240x144xf32, #tpu.memory_space<vmem_shared>> -> memref<32x144xf32, #tpu.memory_space<vmem_shared>>
      %dma_wait3A_411 = arith.constant 0 : i32
      %dma_wait3A_412 = tpu.memref_slice %arg22[%add3A_303, %dma_wait3A_411] : memref<10240x144xf32, #tpu.memory_space<vmem_shared>> -> memref<32x144xf32, #tpu.memory_space<vmem_shared>>
      tpu.wait_dma2 semaphore(%run_scoped3A : memref<!tpu.dma_semaphore, #tpu.memory_space<semaphore_mem>>) src(%arg13 : memref<32x144xf32, #tpu.memory_space<vmem>>) dst(%dma_wait3A_412 : memref<32x144xf32, #tpu.memory_space<vmem_shared>>)
      tpu.yield
    }) : () -> ()
    %add3A_304 = arith.constant 448 : i32
    %add3A_305 = arith.addi %mul3A_275, %add3A_304 : i32
    "tpu.region"() ({
      %run_scoped3A = tpu.sem_alloc : memref<!tpu.dma_semaphore, #tpu.memory_space<semaphore_mem>>
      %dma_start3A_405 = arith.constant 0 : i32
      %dma_start3A_406 = tpu.memref_slice %arg22[%add3A_305, %dma_start3A_405] : memref<10240x144xf32, #tpu.memory_space<vmem_shared>> -> memref<32x144xf32, #tpu.memory_space<vmem_shared>>
      %dma_start3A_407 = arith.constant 0 : i32
      %dma_start3A_408 = tpu.memref_slice %arg22[%add3A_305, %dma_start3A_407] : memref<10240x144xf32, #tpu.memory_space<vmem_shared>> -> memref<32x144xf32, #tpu.memory_space<vmem_shared>>
      tpu.enqueue_dma source(%arg13 : memref<32x144xf32, #tpu.memory_space<vmem>>) target(%dma_start3A_408 : memref<32x144xf32, #tpu.memory_space<vmem_shared>>) target_semaphore(%run_scoped3A : memref<!tpu.dma_semaphore, #tpu.memory_space<semaphore_mem>>)
      %dma_wait3A_409 = arith.constant 0 : i32
      %dma_wait3A_410 = tpu.memref_slice %arg22[%add3A_305, %dma_wait3A_409] : memref<10240x144xf32, #tpu.memory_space<vmem_shared>> -> memref<32x144xf32, #tpu.memory_space<vmem_shared>>
      %dma_wait3A_411 = arith.constant 0 : i32
      %dma_wait3A_412 = tpu.memref_slice %arg22[%add3A_305, %dma_wait3A_411] : memref<10240x144xf32, #tpu.memory_space<vmem_shared>> -> memref<32x144xf32, #tpu.memory_space<vmem_shared>>
      tpu.wait_dma2 semaphore(%run_scoped3A : memref<!tpu.dma_semaphore, #tpu.memory_space<semaphore_mem>>) src(%arg13 : memref<32x144xf32, #tpu.memory_space<vmem>>) dst(%dma_wait3A_412 : memref<32x144xf32, #tpu.memory_space<vmem_shared>>)
      tpu.yield
    }) : () -> ()
    %add3A_306 = arith.constant 480 : i32
    %add3A_307 = arith.addi %mul3A_275, %add3A_306 : i32
    "tpu.region"() ({
      %run_scoped3A = tpu.sem_alloc : memref<!tpu.dma_semaphore, #tpu.memory_space<semaphore_mem>>
      %dma_start3A_405 = arith.constant 0 : i32
      %dma_start3A_406 = tpu.memref_slice %arg22[%add3A_307, %dma_start3A_405] : memref<10240x144xf32, #tpu.memory_space<vmem_shared>> -> memref<32x144xf32, #tpu.memory_space<vmem_shared>>
      %dma_start3A_407 = arith.constant 0 : i32
      %dma_start3A_408 = tpu.memref_slice %arg22[%add3A_307, %dma_start3A_407] : memref<10240x144xf32, #tpu.memory_space<vmem_shared>> -> memref<32x144xf32, #tpu.memory_space<vmem_shared>>
      tpu.enqueue_dma source(%arg13 : memref<32x144xf32, #tpu.memory_space<vmem>>) target(%dma_start3A_408 : memref<32x144xf32, #tpu.memory_space<vmem_shared>>) target_semaphore(%run_scoped3A : memref<!tpu.dma_semaphore, #tpu.memory_space<semaphore_mem>>)
      %dma_wait3A_409 = arith.constant 0 : i32
      %dma_wait3A_410 = tpu.memref_slice %arg22[%add3A_307, %dma_wait3A_409] : memref<10240x144xf32, #tpu.memory_space<vmem_shared>> -> memref<32x144xf32, #tpu.memory_space<vmem_shared>>
      %dma_wait3A_411 = arith.constant 0 : i32
      %dma_wait3A_412 = tpu.memref_slice %arg22[%add3A_307, %dma_wait3A_411] : memref<10240x144xf32, #tpu.memory_space<vmem_shared>> -> memref<32x144xf32, #tpu.memory_space<vmem_shared>>
      tpu.wait_dma2 semaphore(%run_scoped3A : memref<!tpu.dma_semaphore, #tpu.memory_space<semaphore_mem>>) src(%arg13 : memref<32x144xf32, #tpu.memory_space<vmem>>) dst(%dma_wait3A_412 : memref<32x144xf32, #tpu.memory_space<vmem_shared>>)
      tpu.yield
    }) : () -> ()
    %add3A_308 = arith.constant 512 : i32
    %add3A_309 = arith.addi %mul3A_275, %add3A_308 : i32
    "tpu.region"() ({
      %run_scoped3A = tpu.sem_alloc : memref<!tpu.dma_semaphore, #tpu.memory_space<semaphore_mem>>
      %dma_start3A_405 = arith.constant 0 : i32
      %dma_start3A_406 = tpu.memref_slice %arg22[%add3A_309, %dma_start3A_405] : memref<10240x144xf32, #tpu.memory_space<vmem_shared>> -> memref<32x144xf32, #tpu.memory_space<vmem_shared>>
      %dma_start3A_407 = arith.constant 0 : i32
      %dma_start3A_408 = tpu.memref_slice %arg22[%add3A_309, %dma_start3A_407] : memref<10240x144xf32, #tpu.memory_space<vmem_shared>> -> memref<32x144xf32, #tpu.memory_space<vmem_shared>>
      tpu.enqueue_dma source(%arg13 : memref<32x144xf32, #tpu.memory_space<vmem>>) target(%dma_start3A_408 : memref<32x144xf32, #tpu.memory_space<vmem_shared>>) target_semaphore(%run_scoped3A : memref<!tpu.dma_semaphore, #tpu.memory_space<semaphore_mem>>)
      %dma_wait3A_409 = arith.constant 0 : i32
      %dma_wait3A_410 = tpu.memref_slice %arg22[%add3A_309, %dma_wait3A_409] : memref<10240x144xf32, #tpu.memory_space<vmem_shared>> -> memref<32x144xf32, #tpu.memory_space<vmem_shared>>
      %dma_wait3A_411 = arith.constant 0 : i32
      %dma_wait3A_412 = tpu.memref_slice %arg22[%add3A_309, %dma_wait3A_411] : memref<10240x144xf32, #tpu.memory_space<vmem_shared>> -> memref<32x144xf32, #tpu.memory_space<vmem_shared>>
      tpu.wait_dma2 semaphore(%run_scoped3A : memref<!tpu.dma_semaphore, #tpu.memory_space<semaphore_mem>>) src(%arg13 : memref<32x144xf32, #tpu.memory_space<vmem>>) dst(%dma_wait3A_412 : memref<32x144xf32, #tpu.memory_space<vmem_shared>>)
      tpu.yield
    }) : () -> ()
    %add3A_310 = arith.constant 544 : i32
    %add3A_311 = arith.addi %mul3A_275, %add3A_310 : i32
    "tpu.region"() ({
      %run_scoped3A = tpu.sem_alloc : memref<!tpu.dma_semaphore, #tpu.memory_space<semaphore_mem>>
      %dma_start3A_405 = arith.constant 0 : i32
      %dma_start3A_406 = tpu.memref_slice %arg22[%add3A_311, %dma_start3A_405] : memref<10240x144xf32, #tpu.memory_space<vmem_shared>> -> memref<32x144xf32, #tpu.memory_space<vmem_shared>>
      %dma_start3A_407 = arith.constant 0 : i32
      %dma_start3A_408 = tpu.memref_slice %arg22[%add3A_311, %dma_start3A_407] : memref<10240x144xf32, #tpu.memory_space<vmem_shared>> -> memref<32x144xf32, #tpu.memory_space<vmem_shared>>
      tpu.enqueue_dma source(%arg13 : memref<32x144xf32, #tpu.memory_space<vmem>>) target(%dma_start3A_408 : memref<32x144xf32, #tpu.memory_space<vmem_shared>>) target_semaphore(%run_scoped3A : memref<!tpu.dma_semaphore, #tpu.memory_space<semaphore_mem>>)
      %dma_wait3A_409 = arith.constant 0 : i32
      %dma_wait3A_410 = tpu.memref_slice %arg22[%add3A_311, %dma_wait3A_409] : memref<10240x144xf32, #tpu.memory_space<vmem_shared>> -> memref<32x144xf32, #tpu.memory_space<vmem_shared>>
      %dma_wait3A_411 = arith.constant 0 : i32
      %dma_wait3A_412 = tpu.memref_slice %arg22[%add3A_311, %dma_wait3A_411] : memref<10240x144xf32, #tpu.memory_space<vmem_shared>> -> memref<32x144xf32, #tpu.memory_space<vmem_shared>>
      tpu.wait_dma2 semaphore(%run_scoped3A : memref<!tpu.dma_semaphore, #tpu.memory_space<semaphore_mem>>) src(%arg13 : memref<32x144xf32, #tpu.memory_space<vmem>>) dst(%dma_wait3A_412 : memref<32x144xf32, #tpu.memory_space<vmem_shared>>)
      tpu.yield
    }) : () -> ()
    %add3A_312 = arith.constant 576 : i32
    %add3A_313 = arith.addi %mul3A_275, %add3A_312 : i32
    "tpu.region"() ({
      %run_scoped3A = tpu.sem_alloc : memref<!tpu.dma_semaphore, #tpu.memory_space<semaphore_mem>>
      %dma_start3A_405 = arith.constant 0 : i32
      %dma_start3A_406 = tpu.memref_slice %arg22[%add3A_313, %dma_start3A_405] : memref<10240x144xf32, #tpu.memory_space<vmem_shared>> -> memref<32x144xf32, #tpu.memory_space<vmem_shared>>
      %dma_start3A_407 = arith.constant 0 : i32
      %dma_start3A_408 = tpu.memref_slice %arg22[%add3A_313, %dma_start3A_407] : memref<10240x144xf32, #tpu.memory_space<vmem_shared>> -> memref<32x144xf32, #tpu.memory_space<vmem_shared>>
      tpu.enqueue_dma source(%arg13 : memref<32x144xf32, #tpu.memory_space<vmem>>) target(%dma_start3A_408 : memref<32x144xf32, #tpu.memory_space<vmem_shared>>) target_semaphore(%run_scoped3A : memref<!tpu.dma_semaphore, #tpu.memory_space<semaphore_mem>>)
      %dma_wait3A_409 = arith.constant 0 : i32
      %dma_wait3A_410 = tpu.memref_slice %arg22[%add3A_313, %dma_wait3A_409] : memref<10240x144xf32, #tpu.memory_space<vmem_shared>> -> memref<32x144xf32, #tpu.memory_space<vmem_shared>>
      %dma_wait3A_411 = arith.constant 0 : i32
      %dma_wait3A_412 = tpu.memref_slice %arg22[%add3A_313, %dma_wait3A_411] : memref<10240x144xf32, #tpu.memory_space<vmem_shared>> -> memref<32x144xf32, #tpu.memory_space<vmem_shared>>
      tpu.wait_dma2 semaphore(%run_scoped3A : memref<!tpu.dma_semaphore, #tpu.memory_space<semaphore_mem>>) src(%arg13 : memref<32x144xf32, #tpu.memory_space<vmem>>) dst(%dma_wait3A_412 : memref<32x144xf32, #tpu.memory_space<vmem_shared>>)
      tpu.yield
    }) : () -> ()
    %add3A_314 = arith.constant 608 : i32
    %add3A_315 = arith.addi %mul3A_275, %add3A_314 : i32
    "tpu.region"() ({
      %run_scoped3A = tpu.sem_alloc : memref<!tpu.dma_semaphore, #tpu.memory_space<semaphore_mem>>
      %dma_start3A_405 = arith.constant 0 : i32
      %dma_start3A_406 = tpu.memref_slice %arg22[%add3A_315, %dma_start3A_405] : memref<10240x144xf32, #tpu.memory_space<vmem_shared>> -> memref<32x144xf32, #tpu.memory_space<vmem_shared>>
      %dma_start3A_407 = arith.constant 0 : i32
      %dma_start3A_408 = tpu.memref_slice %arg22[%add3A_315, %dma_start3A_407] : memref<10240x144xf32, #tpu.memory_space<vmem_shared>> -> memref<32x144xf32, #tpu.memory_space<vmem_shared>>
      tpu.enqueue_dma source(%arg13 : memref<32x144xf32, #tpu.memory_space<vmem>>) target(%dma_start3A_408 : memref<32x144xf32, #tpu.memory_space<vmem_shared>>) target_semaphore(%run_scoped3A : memref<!tpu.dma_semaphore, #tpu.memory_space<semaphore_mem>>)
      %dma_wait3A_409 = arith.constant 0 : i32
      %dma_wait3A_410 = tpu.memref_slice %arg22[%add3A_315, %dma_wait3A_409] : memref<10240x144xf32, #tpu.memory_space<vmem_shared>> -> memref<32x144xf32, #tpu.memory_space<vmem_shared>>
      %dma_wait3A_411 = arith.constant 0 : i32
      %dma_wait3A_412 = tpu.memref_slice %arg22[%add3A_315, %dma_wait3A_411] : memref<10240x144xf32, #tpu.memory_space<vmem_shared>> -> memref<32x144xf32, #tpu.memory_space<vmem_shared>>
      tpu.wait_dma2 semaphore(%run_scoped3A : memref<!tpu.dma_semaphore, #tpu.memory_space<semaphore_mem>>) src(%arg13 : memref<32x144xf32, #tpu.memory_space<vmem>>) dst(%dma_wait3A_412 : memref<32x144xf32, #tpu.memory_space<vmem_shared>>)
      tpu.yield
    }) : () -> ()
    %barrier3A_316 = arith.constant 0 : index
    tpu.barrier barrier_id(%barrier3A_316)
    %add3A_317 = arith.constant 0 : i32
    %add3A_318 = arith.addi %mul3A_2, %add3A_317 : i32
    %dma_start3A_319 = tpu.memref_slice %arg3[%add3A_318] : memref<321536xi32, #tpu.memory_space<hbm>> -> memref<32xi32, #tpu.memory_space<hbm>>
    %dma_start3A_320 = tpu.memref_slice %arg3[%add3A_318] : memref<321536xi32, #tpu.memory_space<hbm>> -> memref<32xi32, #tpu.memory_space<hbm>>
    tpu.enqueue_dma source(%dma_start3A_320 : memref<32xi32, #tpu.memory_space<hbm>>) target(%arg7 : memref<32xi32, #tpu.memory_space<vmem>>) target_semaphore(%arg23 : memref<!tpu.dma_semaphore, #tpu.memory_space<semaphore_mem>>)
    %dma_start3A_321 = tpu.memref_slice %arg4[%add3A_318] : memref<321536xi32, #tpu.memory_space<hbm>> -> memref<32xi32, #tpu.memory_space<hbm>>
    %dma_start3A_322 = tpu.memref_slice %arg4[%add3A_318] : memref<321536xi32, #tpu.memory_space<hbm>> -> memref<32xi32, #tpu.memory_space<hbm>>
    tpu.enqueue_dma source(%dma_start3A_322 : memref<32xi32, #tpu.memory_space<hbm>>) target(%arg9 : memref<32xi32, #tpu.memory_space<vmem>>) target_semaphore(%arg23 : memref<!tpu.dma_semaphore, #tpu.memory_space<semaphore_mem>>)
    %add3A_323 = arith.constant 0 : i32
    %add3A_324 = arith.addi %mul3A_2, %add3A_323 : i32
    %dma_wait3A_325 = tpu.memref_slice %arg3[%add3A_324] : memref<321536xi32, #tpu.memory_space<hbm>> -> memref<32xi32, #tpu.memory_space<hbm>>
    %dma_wait3A_326 = tpu.memref_slice %arg3[%add3A_324] : memref<321536xi32, #tpu.memory_space<hbm>> -> memref<32xi32, #tpu.memory_space<hbm>>
    tpu.wait_dma2 semaphore(%arg23 : memref<!tpu.dma_semaphore, #tpu.memory_space<semaphore_mem>>) src(%dma_wait3A_326 : memref<32xi32, #tpu.memory_space<hbm>>) dst(%arg7 : memref<32xi32, #tpu.memory_space<vmem>>)
    %dma_wait3A_327 = tpu.memref_slice %arg4[%add3A_324] : memref<321536xi32, #tpu.memory_space<hbm>> -> memref<32xi32, #tpu.memory_space<hbm>>
    %dma_wait3A_328 = tpu.memref_slice %arg4[%add3A_324] : memref<321536xi32, #tpu.memory_space<hbm>> -> memref<32xi32, #tpu.memory_space<hbm>>
    tpu.wait_dma2 semaphore(%arg23 : memref<!tpu.dma_semaphore, #tpu.memory_space<semaphore_mem>>) src(%dma_wait3A_328 : memref<32xi32, #tpu.memory_space<hbm>>) dst(%arg9 : memref<32xi32, #tpu.memory_space<vmem>>)
    %get3A_329 = arith.constant 0 : index
    %get3A_330 = tpu.vector_load %arg7[%get3A_329] {strides = array<i32>} : memref<32xi32, #tpu.memory_space<vmem>>, vector<16xi32>,
    %get3A_331 = arith.constant 0 : index
    %get3A_332 = tpu.vector_load %arg9[%get3A_331] {strides = array<i32>} : memref<32xi32, #tpu.memory_space<vmem>>, vector<16xi32>,
    %add3A_333 = arith.constant 20000 : i32
    %add3A_334 = vector.broadcast %add3A_333 : i32 to vector<16xi32>
    %add3A_335 = arith.addi %get3A_330, %add3A_334 : vector<16xi32>
    %swap3A_336 = arith.constant 0 : index
    %swap3A_337 = tpu.vector_load %arg16[%swap3A_336] {strides = array<i32>} : memref<32xi32, #tpu.memory_space<vmem>>, vector<16xi32>,
    tpu.vector_store %arg16[%swap3A_336], %add3A_335 {strides = array<i32>} : memref<32xi32, #tpu.memory_space<vmem>>, vector<16xi32>,
    %mul3A_338 = arith.constant 3 : i32
    %mul3A_339 = vector.broadcast %mul3A_338 : i32 to vector<16xi32>
    %mul3A_340 = arith.muli %get3A_332, %mul3A_339 : vector<16xi32>
    %add3A_341 = arith.constant 2 : i32
    %add3A_342 = vector.broadcast %add3A_341 : i32 to vector<16xi32>
    %add3A_343 = arith.addi %mul3A_340, %add3A_342 : vector<16xi32>
    %swap3A_344 = arith.constant 0 : index
    %swap3A_345 = tpu.vector_load %arg20[%swap3A_344] {strides = array<i32>} : memref<32xi32, #tpu.memory_space<vmem>>, vector<16xi32>,
    tpu.vector_store %arg20[%swap3A_344], %add3A_343 {strides = array<i32>} : memref<32xi32, #tpu.memory_space<vmem>>, vector<16xi32>,
    %swap3A_346 = arith.constant 0 : index
    %swap3A_347 = tpu.vector_load %arg11[%swap3A_346] {strides = array<i32>} : memref<32xi32, #tpu.memory_space<vmem>>, vector<16xi32>,
    tpu.vector_store %arg11[%swap3A_346], %get3A_332 {strides = array<i32>} : memref<32xi32, #tpu.memory_space<vmem>>, vector<16xi32>,
    %get3A_348 = arith.constant 16 : index
    %get3A_349 = tpu.vector_load %arg7[%get3A_348] {strides = array<i32>} : memref<32xi32, #tpu.memory_space<vmem>>, vector<16xi32>,
    %get3A_350 = arith.constant 16 : index
    %get3A_351 = tpu.vector_load %arg9[%get3A_350] {strides = array<i32>} : memref<32xi32, #tpu.memory_space<vmem>>, vector<16xi32>,
    %add3A_352 = arith.constant 20000 : i32
    %add3A_353 = vector.broadcast %add3A_352 : i32 to vector<16xi32>
    %add3A_354 = arith.addi %get3A_349, %add3A_353 : vector<16xi32>
    %swap3A_355 = arith.constant 16 : index
    %swap3A_356 = tpu.vector_load %arg16[%swap3A_355] {strides = array<i32>} : memref<32xi32, #tpu.memory_space<vmem>>, vector<16xi32>,
    tpu.vector_store %arg16[%swap3A_355], %add3A_354 {strides = array<i32>} : memref<32xi32, #tpu.memory_space<vmem>>, vector<16xi32>,
    %mul3A_357 = arith.constant 3 : i32
    %mul3A_358 = vector.broadcast %mul3A_357 : i32 to vector<16xi32>
    %mul3A_359 = arith.muli %get3A_351, %mul3A_358 : vector<16xi32>
    %add3A_360 = arith.constant 2 : i32
    %add3A_361 = vector.broadcast %add3A_360 : i32 to vector<16xi32>
    %add3A_362 = arith.addi %mul3A_359, %add3A_361 : vector<16xi32>
    %swap3A_363 = arith.constant 16 : index
    %swap3A_364 = tpu.vector_load %arg20[%swap3A_363] {strides = array<i32>} : memref<32xi32, #tpu.memory_space<vmem>>, vector<16xi32>,
    tpu.vector_store %arg20[%swap3A_363], %add3A_362 {strides = array<i32>} : memref<32xi32, #tpu.memory_space<vmem>>, vector<16xi32>,
    %swap3A_365 = arith.constant 16 : index
    %swap3A_366 = tpu.vector_load %arg11[%swap3A_365] {strides = array<i32>} : memref<32xi32, #tpu.memory_space<vmem>>, vector<16xi32>,
    tpu.vector_store %arg11[%swap3A_365], %get3A_351 {strides = array<i32>} : memref<32xi32, #tpu.memory_space<vmem>>, vector<16xi32>,
    %dma_start3A_367 = arith.constant 0 : i32
    %dma_start3A_368 = arith.constant 0 : i32
    %dma_start3A_369 = tpu.memref_slice %arg2[%dma_start3A_367, %dma_start3A_368] : memref<30000x144xf32, #tpu.memory_space<hbm>> -> memref<30000x144xf32, #tpu.memory_space<hbm>>
    tpu.enqueue_indirect_dma source(%dma_start3A_369 : memref<30000x144xf32, #tpu.memory_space<hbm>>) target(%arg13 : memref<32x144xf32, #tpu.memory_space<vmem>>) offsets(%arg16 : memref<32xi32, #tpu.memory_space<vmem>>) semaphore(%arg25 : memref<!tpu.dma_semaphore, #tpu.memory_space<semaphore_mem>>)
    %dma_start3A_370 = arith.constant 0 : i32
    %dma_start3A_371 = tpu.memref_slice %arg5[%dma_start3A_370] : memref<30000xf32, #tpu.memory_space<hbm>> -> memref<30000xf32, #tpu.memory_space<hbm>>
    tpu.enqueue_indirect_dma source(%dma_start3A_371 : memref<30000xf32, #tpu.memory_space<hbm>>) target(%arg18 : memref<32xf32, #tpu.memory_space<vmem>>) offsets(%arg20 : memref<32xi32, #tpu.memory_space<vmem>>) semaphore(%arg27 : memref<!tpu.dma_semaphore, #tpu.memory_space<semaphore_mem>>)
    %add3A_372 = arith.constant 32 : i32
    %add3A_373 = arith.addi %mul3A_2, %add3A_372 : i32
    %dma_start3A_374 = tpu.memref_slice %arg3[%add3A_373] : memref<321536xi32, #tpu.memory_space<hbm>> -> memref<32xi32, #tpu.memory_space<hbm>>
    %dma_start3A_375 = tpu.memref_slice %arg3[%add3A_373] : memref<321536xi32, #tpu.memory_space<hbm>> -> memref<32xi32, #tpu.memory_space<hbm>>
    tpu.enqueue_dma source(%dma_start3A_375 : memref<32xi32, #tpu.memory_space<hbm>>) target(%arg8 : memref<32xi32, #tpu.memory_space<vmem>>) target_semaphore(%arg24 : memref<!tpu.dma_semaphore, #tpu.memory_space<semaphore_mem>>)
    %dma_start3A_376 = tpu.memref_slice %arg4[%add3A_373] : memref<321536xi32, #tpu.memory_space<hbm>> -> memref<32xi32, #tpu.memory_space<hbm>>
    %dma_start3A_377 = tpu.memref_slice %arg4[%add3A_373] : memref<321536xi32, #tpu.memory_space<hbm>> -> memref<32xi32, #tpu.memory_space<hbm>>
    tpu.enqueue_dma source(%dma_start3A_377 : memref<32xi32, #tpu.memory_space<hbm>>) target(%arg10 : memref<32xi32, #tpu.memory_space<vmem>>) target_semaphore(%arg24 : memref<!tpu.dma_semaphore, #tpu.memory_space<semaphore_mem>>)
    %scan3A_378 = arith.constant 0 : i32
    %scan3A_379 = arith.constant 157 : i32
    %scan3A_380 = arith.addi %scan3A_378, %scan3A_379 : i32
    %scan3A_381 = arith.constant 1 : i32
    scf.for %scan3A_405 = %scan3A_378 to %scan3A_380 step %scan3A_381  : i32 {
      %mul3A_406 = arith.constant 1 : i32
      %mul3A_407 = arith.muli %scan3A_405, %mul3A_406 : i32
      %add3A_408 = arith.constant 0 : i32
      %add3A_409 = arith.addi %add3A_408, %mul3A_407 : i32
      %mul3A_410 = arith.constant 2 : i32
      %mul3A_411 = arith.muli %add3A_409, %mul3A_410 : i32
      %add3A_412 = arith.constant 1 : i32
      %add3A_413 = arith.addi %mul3A_411, %add3A_412 : i32
      %mul3A_414 = arith.constant 32 : i32
      %mul3A_415 = arith.muli %add3A_413, %mul3A_414 : i32
      %add3A_416 = arith.addi %mul3A_2, %mul3A_415 : i32
      %dma_wait3A_417 = tpu.memref_slice %arg3[%add3A_416] : memref<321536xi32, #tpu.memory_space<hbm>> -> memref<32xi32, #tpu.memory_space<hbm>>
      %dma_wait3A_418 = tpu.memref_slice %arg3[%add3A_416] : memref<321536xi32, #tpu.memory_space<hbm>> -> memref<32xi32, #tpu.memory_space<hbm>>
      tpu.wait_dma2 semaphore(%arg24 : memref<!tpu.dma_semaphore, #tpu.memory_space<semaphore_mem>>) src(%dma_wait3A_418 : memref<32xi32, #tpu.memory_space<hbm>>) dst(%arg8 : memref<32xi32, #tpu.memory_space<vmem>>)
      %dma_wait3A_419 = tpu.memref_slice %arg4[%add3A_416] : memref<321536xi32, #tpu.memory_space<hbm>> -> memref<32xi32, #tpu.memory_space<hbm>>
      %dma_wait3A_420 = tpu.memref_slice %arg4[%add3A_416] : memref<321536xi32, #tpu.memory_space<hbm>> -> memref<32xi32, #tpu.memory_space<hbm>>
      tpu.wait_dma2 semaphore(%arg24 : memref<!tpu.dma_semaphore, #tpu.memory_space<semaphore_mem>>) src(%dma_wait3A_420 : memref<32xi32, #tpu.memory_space<hbm>>) dst(%arg10 : memref<32xi32, #tpu.memory_space<vmem>>)
      %ge3A = arith.constant 1 : i32
      %ge3A_421 = arith.cmpi sge, %mul3A_411, %ge3A : i32
      %convert_element_type3A = arith.extui %ge3A_421 : i1 to i32
      %cond3A = arith.constant 0 : i32
      %cond3A_422 = arith.cmpi ne, %convert_element_type3A, %cond3A : i32
      scf.if %cond3A_422 {
        %dma_wait3A_635 = arith.constant 0 : i32
        %dma_wait3A_636 = arith.constant 0 : i32
        %dma_wait3A_637 = tpu.memref_slice %arg22[%dma_wait3A_635, %dma_wait3A_636] : memref<10240x144xf32, #tpu.memory_space<vmem_shared>> -> memref<10240x144xf32, #tpu.memory_space<vmem_shared>>
        tpu.wait_indirect_dma semaphore(%arg30 : memref<!tpu.dma_semaphore, #tpu.memory_space<semaphore_mem>>) src(%arg14 : memref<32x144xf32, #tpu.memory_space<vmem>>) dst(%dma_wait3A_637 : memref<10240x144xf32, #tpu.memory_space<vmem_shared>>)
      } else {
      }
      %get3A_423 = arith.constant 0 : index
      %get3A_424 = tpu.vector_load %arg8[%get3A_423] {strides = array<i32>} : memref<32xi32, #tpu.memory_space<vmem>>, vector<16xi32>,
      %get3A_425 = arith.constant 0 : index
      %get3A_426 = tpu.vector_load %arg10[%get3A_425] {strides = array<i32>} : memref<32xi32, #tpu.memory_space<vmem>>, vector<16xi32>,
      %add3A_427 = arith.constant 20000 : i32
      %add3A_428 = vector.broadcast %add3A_427 : i32 to vector<16xi32>
      %add3A_429 = arith.addi %get3A_424, %add3A_428 : vector<16xi32>
      %swap3A_430 = arith.constant 0 : index
      %swap3A_431 = tpu.vector_load %arg17[%swap3A_430] {strides = array<i32>} : memref<32xi32, #tpu.memory_space<vmem>>, vector<16xi32>,
      tpu.vector_store %arg17[%swap3A_430], %add3A_429 {strides = array<i32>} : memref<32xi32, #tpu.memory_space<vmem>>, vector<16xi32>,
      %mul3A_432 = arith.constant 3 : i32
      %mul3A_433 = vector.broadcast %mul3A_432 : i32 to vector<16xi32>
      %mul3A_434 = arith.muli %get3A_426, %mul3A_433 : vector<16xi32>
      %add3A_435 = arith.constant 2 : i32
      %add3A_436 = vector.broadcast %add3A_435 : i32 to vector<16xi32>
      %add3A_437 = arith.addi %mul3A_434, %add3A_436 : vector<16xi32>
      %swap3A_438 = arith.constant 0 : index
      %swap3A_439 = tpu.vector_load %arg21[%swap3A_438] {strides = array<i32>} : memref<32xi32, #tpu.memory_space<vmem>>, vector<16xi32>,
      tpu.vector_store %arg21[%swap3A_438], %add3A_437 {strides = array<i32>} : memref<32xi32, #tpu.memory_space<vmem>>, vector<16xi32>,
      %swap3A_440 = arith.constant 0 : index
      %swap3A_441 = tpu.vector_load %arg12[%swap3A_440] {strides = array<i32>} : memref<32xi32, #tpu.memory_space<vmem>>, vector<16xi32>,
      tpu.vector_store %arg12[%swap3A_440], %get3A_426 {strides = array<i32>} : memref<32xi32, #tpu.memory_space<vmem>>, vector<16xi32>,
      %get3A_442 = arith.constant 16 : index
      %get3A_443 = tpu.vector_load %arg8[%get3A_442] {strides = array<i32>} : memref<32xi32, #tpu.memory_space<vmem>>, vector<16xi32>,
      %get3A_444 = arith.constant 16 : index
      %get3A_445 = tpu.vector_load %arg10[%get3A_444] {strides = array<i32>} : memref<32xi32, #tpu.memory_space<vmem>>, vector<16xi32>,
      %add3A_446 = arith.constant 20000 : i32
      %add3A_447 = vector.broadcast %add3A_446 : i32 to vector<16xi32>
      %add3A_448 = arith.addi %get3A_443, %add3A_447 : vector<16xi32>
      %swap3A_449 = arith.constant 16 : index
      %swap3A_450 = tpu.vector_load %arg17[%swap3A_449] {strides = array<i32>} : memref<32xi32, #tpu.memory_space<vmem>>, vector<16xi32>,
      tpu.vector_store %arg17[%swap3A_449], %add3A_448 {strides = array<i32>} : memref<32xi32, #tpu.memory_space<vmem>>, vector<16xi32>,
      %mul3A_451 = arith.constant 3 : i32
      %mul3A_452 = vector.broadcast %mul3A_451 : i32 to vector<16xi32>
      %mul3A_453 = arith.muli %get3A_445, %mul3A_452 : vector<16xi32>
      %add3A_454 = arith.constant 2 : i32
      %add3A_455 = vector.broadcast %add3A_454 : i32 to vector<16xi32>
      %add3A_456 = arith.addi %mul3A_453, %add3A_455 : vector<16xi32>
      %swap3A_457 = arith.constant 16 : index
      %swap3A_458 = tpu.vector_load %arg21[%swap3A_457] {strides = array<i32>} : memref<32xi32, #tpu.memory_space<vmem>>, vector<16xi32>,
      tpu.vector_store %arg21[%swap3A_457], %add3A_456 {strides = array<i32>} : memref<32xi32, #tpu.memory_space<vmem>>, vector<16xi32>,
      %swap3A_459 = arith.constant 16 : index
      %swap3A_460 = tpu.vector_load %arg12[%swap3A_459] {strides = array<i32>} : memref<32xi32, #tpu.memory_space<vmem>>, vector<16xi32>,
      tpu.vector_store %arg12[%swap3A_459], %get3A_445 {strides = array<i32>} : memref<32xi32, #tpu.memory_space<vmem>>, vector<16xi32>,
      %dma_start3A_461 = arith.constant 0 : i32
      %dma_start3A_462 = arith.constant 0 : i32
      %dma_start3A_463 = tpu.memref_slice %arg2[%dma_start3A_461, %dma_start3A_462] : memref<30000x144xf32, #tpu.memory_space<hbm>> -> memref<30000x144xf32, #tpu.memory_space<hbm>>
      tpu.enqueue_indirect_dma source(%dma_start3A_463 : memref<30000x144xf32, #tpu.memory_space<hbm>>) target(%arg14 : memref<32x144xf32, #tpu.memory_space<vmem>>) offsets(%arg17 : memref<32xi32, #tpu.memory_space<vmem>>) semaphore(%arg26 : memref<!tpu.dma_semaphore, #tpu.memory_space<semaphore_mem>>)
      %dma_start3A_464 = arith.constant 0 : i32
      %dma_start3A_465 = tpu.memref_slice %arg5[%dma_start3A_464] : memref<30000xf32, #tpu.memory_space<hbm>> -> memref<30000xf32, #tpu.memory_space<hbm>>
      tpu.enqueue_indirect_dma source(%dma_start3A_465 : memref<30000xf32, #tpu.memory_space<hbm>>) target(%arg19 : memref<32xf32, #tpu.memory_space<vmem>>) offsets(%arg21 : memref<32xi32, #tpu.memory_space<vmem>>) semaphore(%arg28 : memref<!tpu.dma_semaphore, #tpu.memory_space<semaphore_mem>>)
      %add3A_466 = arith.constant 2 : i32
      %add3A_467 = arith.addi %mul3A_411, %add3A_466 : i32
      %lt3A = arith.constant 314 : i32
      %lt3A_468 = arith.cmpi slt, %add3A_467, %lt3A : i32
      %convert_element_type3A_469 = arith.extui %lt3A_468 : i1 to i32
      %cond3A_470 = arith.constant 0 : i32
      %cond3A_471 = arith.cmpi ne, %convert_element_type3A_469, %cond3A_470 : i32
      scf.if %cond3A_471 {
        %add3A_635 = arith.constant 2 : i32
        %add3A_636 = arith.addi %mul3A_411, %add3A_635 : i32
        %mul3A_637 = arith.constant 32 : i32
        %mul3A_638 = arith.muli %add3A_636, %mul3A_637 : i32
        %add3A_639 = arith.addi %mul3A_2, %mul3A_638 : i32
        %dma_start3A_640 = tpu.memref_slice %arg3[%add3A_639] : memref<321536xi32, #tpu.memory_space<hbm>> -> memref<32xi32, #tpu.memory_space<hbm>>
        %dma_start3A_641 = tpu.memref_slice %arg3[%add3A_639] : memref<321536xi32, #tpu.memory_space<hbm>> -> memref<32xi32, #tpu.memory_space<hbm>>
        tpu.enqueue_dma source(%dma_start3A_641 : memref<32xi32, #tpu.memory_space<hbm>>) target(%arg7 : memref<32xi32, #tpu.memory_space<vmem>>) target_semaphore(%arg23 : memref<!tpu.dma_semaphore, #tpu.memory_space<semaphore_mem>>)
        %dma_start3A_642 = tpu.memref_slice %arg4[%add3A_639] : memref<321536xi32, #tpu.memory_space<hbm>> -> memref<32xi32, #tpu.memory_space<hbm>>
        %dma_start3A_643 = tpu.memref_slice %arg4[%add3A_639] : memref<321536xi32, #tpu.memory_space<hbm>> -> memref<32xi32, #tpu.memory_space<hbm>>
        tpu.enqueue_dma source(%dma_start3A_643 : memref<32xi32, #tpu.memory_space<hbm>>) target(%arg9 : memref<32xi32, #tpu.memory_space<vmem>>) target_semaphore(%arg23 : memref<!tpu.dma_semaphore, #tpu.memory_space<semaphore_mem>>)
      } else {
      }
      %dma_wait3A_472 = arith.constant 0 : i32
      %dma_wait3A_473 = arith.constant 0 : i32
      %dma_wait3A_474 = tpu.memref_slice %arg2[%dma_wait3A_472, %dma_wait3A_473] : memref<30000x144xf32, #tpu.memory_space<hbm>> -> memref<30000x144xf32, #tpu.memory_space<hbm>>
      tpu.wait_indirect_dma semaphore(%arg25 : memref<!tpu.dma_semaphore, #tpu.memory_space<semaphore_mem>>) src(%dma_wait3A_474 : memref<30000x144xf32, #tpu.memory_space<hbm>>) dst(%arg13 : memref<32x144xf32, #tpu.memory_space<vmem>>)
      %dma_wait3A_475 = arith.constant 0 : i32
      %dma_wait3A_476 = tpu.memref_slice %arg5[%dma_wait3A_475] : memref<30000xf32, #tpu.memory_space<hbm>> -> memref<30000xf32, #tpu.memory_space<hbm>>
      tpu.wait_indirect_dma semaphore(%arg27 : memref<!tpu.dma_semaphore, #tpu.memory_space<semaphore_mem>>) src(%dma_wait3A_476 : memref<30000xf32, #tpu.memory_space<hbm>>) dst(%arg18 : memref<32xf32, #tpu.memory_space<vmem>>)
      %iota3A = tpu.iota {dimensions = array<i32: 0>} : vector<16xi32>
      %add3A_477 = arith.constant 0 : i32
      %add3A_478 = vector.broadcast %add3A_477 : i32 to vector<16xi32>
      %add3A_479 = arith.addi %add3A_478, %iota3A : vector<16xi32>
      %broadcast_in_dim3A = arith.constant 129 : i32
      %broadcast_in_dim3A_480 = vector.broadcast %broadcast_in_dim3A : i32 to vector<16xi32>
      %gather3A = tpu.vector_load_idx %arg13[%add3A_479, %broadcast_in_dim3A_480] : memref<32x144xf32, #tpu.memory_space<vmem>>[vector<16xi32>, vector<16xi32>], vector<16xf32>,
      %get3A_481 = arith.constant 0 : index
      %get3A_482 = tpu.vector_load %arg18[%get3A_481] {strides = array<i32>} : memref<32xf32, #tpu.memory_space<vmem>>, vector<16xf32>,
      %add3A_483 = arith.addf %gather3A, %get3A_482 : vector<16xf32>
      %ge3A_484 = arith.constant 0.000000e+00 : f32
      %ge3A_485 = vector.broadcast %ge3A_484 : f32 to vector<16xf32>
      %ge3A_486 = arith.cmpf oge, %add3A_483, %ge3A_485 : vector<16xf32>
      %mul3A_487 = arith.constant 2.000000e-01 : f32
      %mul3A_488 = vector.broadcast %mul3A_487 : f32 to vector<16xf32>
      %mul3A_489 = arith.mulf %mul3A_488, %add3A_483 : vector<16xf32>
      %select_n3A = arith.select %ge3A_486, %add3A_483, %mul3A_489 : vector<16xi1>, vector<16xf32>
      %exp3A = math.exp %select_n3A : vector<16xf32>
      %mul3A_490 = arith.constant 32 : i32
      %mul3A_491 = arith.muli %mul3A_411, %mul3A_490 : i32
      %add3A_492 = arith.constant 0 : i32
      %add3A_493 = arith.addi %mul3A_491, %add3A_492 : i32
      %iota3A_494 = tpu.iota {dimensions = array<i32: 0>} : vector<16xi32>
      %add3A_495 = vector.broadcast %add3A_493 : i32 to vector<16xi32>
      %add3A_496 = arith.addi %add3A_495, %iota3A_494 : vector<16xi32>
      %lt3A_497 = arith.constant 10000 : i32
      %lt3A_498 = vector.broadcast %lt3A_497 : i32 to vector<16xi32>
      %lt3A_499 = arith.cmpi slt, %add3A_496, %lt3A_498 : vector<16xi32>
      %jit3A = arith.constant 0.000000e+00 : f32
      %broadcast_in_dim3A_500 = vector.broadcast %jit3A : f32 to vector<16xf32>
      %select_n3A_501 = arith.select %lt3A_499, %exp3A, %broadcast_in_dim3A_500 : vector<16xi1>, vector<16xf32>
      %swap3A_502 = arith.constant 0 : index
      %swap3A_503 = tpu.vector_load %arg15[%swap3A_502] {strides = array<i32>} : memref<32xf32, #tpu.memory_space<vmem>>, vector<16xf32>,
      tpu.vector_store %arg15[%swap3A_502], %select_n3A_501 {strides = array<i32>} : memref<32xf32, #tpu.memory_space<vmem>>, vector<16xf32>,
      %iota3A_504 = tpu.iota {dimensions = array<i32: 0>} : vector<16xi32>
      %add3A_505 = arith.constant 16 : i32
      %add3A_506 = vector.broadcast %add3A_505 : i32 to vector<16xi32>
      %add3A_507 = arith.addi %add3A_506, %iota3A_504 : vector<16xi32>
      %broadcast_in_dim3A_508 = arith.constant 129 : i32
      %broadcast_in_dim3A_509 = vector.broadcast %broadcast_in_dim3A_508 : i32 to vector<16xi32>
      %gather3A_510 = tpu.vector_load_idx %arg13[%add3A_507, %broadcast_in_dim3A_509] : memref<32x144xf32, #tpu.memory_space<vmem>>[vector<16xi32>, vector<16xi32>], vector<16xf32>,
      %get3A_511 = arith.constant 16 : index
      %get3A_512 = tpu.vector_load %arg18[%get3A_511] {strides = array<i32>} : memref<32xf32, #tpu.memory_space<vmem>>, vector<16xf32>,
      %add3A_513 = arith.addf %gather3A_510, %get3A_512 : vector<16xf32>
      %ge3A_514 = arith.constant 0.000000e+00 : f32
      %ge3A_515 = vector.broadcast %ge3A_514 : f32 to vector<16xf32>
      %ge3A_516 = arith.cmpf oge, %add3A_513, %ge3A_515 : vector<16xf32>
      %mul3A_517 = arith.constant 2.000000e-01 : f32
      %mul3A_518 = vector.broadcast %mul3A_517 : f32 to vector<16xf32>
      %mul3A_519 = arith.mulf %mul3A_518, %add3A_513 : vector<16xf32>
      %select_n3A_520 = arith.select %ge3A_516, %add3A_513, %mul3A_519 : vector<16xi1>, vector<16xf32>
      %exp3A_521 = math.exp %select_n3A_520 : vector<16xf32>
      %mul3A_522 = arith.constant 32 : i32
      %mul3A_523 = arith.muli %mul3A_411, %mul3A_522 : i32
      %add3A_524 = arith.constant 16 : i32
      %add3A_525 = arith.addi %mul3A_523, %add3A_524 : i32
      %iota3A_526 = tpu.iota {dimensions = array<i32: 0>} : vector<16xi32>
      %add3A_527 = vector.broadcast %add3A_525 : i32 to vector<16xi32>
      %add3A_528 = arith.addi %add3A_527, %iota3A_526 : vector<16xi32>
      %lt3A_529 = arith.constant 10000 : i32
      %lt3A_530 = vector.broadcast %lt3A_529 : i32 to vector<16xi32>
      %lt3A_531 = arith.cmpi slt, %add3A_528, %lt3A_530 : vector<16xi32>
      %jit3A_532 = arith.constant 0.000000e+00 : f32
      %broadcast_in_dim3A_533 = vector.broadcast %jit3A_532 : f32 to vector<16xf32>
      %select_n3A_534 = arith.select %lt3A_531, %exp3A_521, %broadcast_in_dim3A_533 : vector<16xi1>, vector<16xf32>
      %swap3A_535 = arith.constant 16 : index
      %swap3A_536 = tpu.vector_load %arg15[%swap3A_535] {strides = array<i32>} : memref<32xf32, #tpu.memory_space<vmem>>, vector<16xf32>,
      tpu.vector_store %arg15[%swap3A_535], %select_n3A_534 {strides = array<i32>} : memref<32xf32, #tpu.memory_space<vmem>>, vector<16xf32>,
      %parallel_loop3A = arith.constant 0 : i32
      %parallel_loop3A_537 = arith.constant 32 : i32
      %parallel_loop3A_538 = arith.constant 1 : i32
      scf.for %parallel_loop3A_635 = %parallel_loop3A to %parallel_loop3A_537 step %parallel_loop3A_538  : i32 {
        %parallel_loop3A_636 = vector.broadcast %parallel_loop3A_635 : i32 to vector<16xi32>
        %parallel_loop3A_637 = tpu.vector_load_idx %arg15[%parallel_loop3A_636] : memref<32xf32, #tpu.memory_space<vmem>>[vector<16xi32>], vector<16xf32>,
        %parallel_loop3A_638 = arith.index_cast %parallel_loop3A_635 : i32 to index
        %parallel_loop3A_639 = arith.constant 0 : index
        %parallel_loop3A_640 = tpu.vector_load %arg13[%parallel_loop3A_638, %parallel_loop3A_639] {strides = array<i32>} : memref<32x144xf32, #tpu.memory_space<vmem>>, vector<16xf32>,
        %parallel_loop3A_641 = arith.mulf %parallel_loop3A_640, %parallel_loop3A_637 : vector<16xf32>
        %parallel_loop3A_642 = arith.index_cast %parallel_loop3A_635 : i32 to index
        %parallel_loop3A_643 = arith.constant 0 : index
        %parallel_loop3A_644 = tpu.vector_load %arg13[%parallel_loop3A_642, %parallel_loop3A_643] {strides = array<i32>} : memref<32x144xf32, #tpu.memory_space<vmem>>, vector<16xf32>,
        tpu.vector_store %arg13[%parallel_loop3A_642, %parallel_loop3A_643], %parallel_loop3A_641 {strides = array<i32>} : memref<32x144xf32, #tpu.memory_space<vmem>>, vector<16xf32>,
        %parallel_loop3A_645 = arith.index_cast %parallel_loop3A_635 : i32 to index
        %parallel_loop3A_646 = arith.constant 16 : index
        %parallel_loop3A_647 = tpu.vector_load %arg13[%parallel_loop3A_645, %parallel_loop3A_646] {strides = array<i32>} : memref<32x144xf32, #tpu.memory_space<vmem>>, vector<16xf32>,
        %parallel_loop3A_648 = arith.mulf %parallel_loop3A_647, %parallel_loop3A_637 : vector<16xf32>
        %parallel_loop3A_649 = arith.index_cast %parallel_loop3A_635 : i32 to index
        %parallel_loop3A_650 = arith.constant 16 : index
        %parallel_loop3A_651 = tpu.vector_load %arg13[%parallel_loop3A_649, %parallel_loop3A_650] {strides = array<i32>} : memref<32x144xf32, #tpu.memory_space<vmem>>, vector<16xf32>,
        tpu.vector_store %arg13[%parallel_loop3A_649, %parallel_loop3A_650], %parallel_loop3A_648 {strides = array<i32>} : memref<32x144xf32, #tpu.memory_space<vmem>>, vector<16xf32>,
        %parallel_loop3A_652 = arith.index_cast %parallel_loop3A_635 : i32 to index
        %parallel_loop3A_653 = arith.constant 32 : index
        %parallel_loop3A_654 = tpu.vector_load %arg13[%parallel_loop3A_652, %parallel_loop3A_653] {strides = array<i32>} : memref<32x144xf32, #tpu.memory_space<vmem>>, vector<16xf32>,
        %parallel_loop3A_655 = arith.mulf %parallel_loop3A_654, %parallel_loop3A_637 : vector<16xf32>
        %parallel_loop3A_656 = arith.index_cast %parallel_loop3A_635 : i32 to index
        %parallel_loop3A_657 = arith.constant 32 : index
        %parallel_loop3A_658 = tpu.vector_load %arg13[%parallel_loop3A_656, %parallel_loop3A_657] {strides = array<i32>} : memref<32x144xf32, #tpu.memory_space<vmem>>, vector<16xf32>,
        tpu.vector_store %arg13[%parallel_loop3A_656, %parallel_loop3A_657], %parallel_loop3A_655 {strides = array<i32>} : memref<32x144xf32, #tpu.memory_space<vmem>>, vector<16xf32>,
        %parallel_loop3A_659 = arith.index_cast %parallel_loop3A_635 : i32 to index
        %parallel_loop3A_660 = arith.constant 48 : index
        %parallel_loop3A_661 = tpu.vector_load %arg13[%parallel_loop3A_659, %parallel_loop3A_660] {strides = array<i32>} : memref<32x144xf32, #tpu.memory_space<vmem>>, vector<16xf32>,
        %parallel_loop3A_662 = arith.mulf %parallel_loop3A_661, %parallel_loop3A_637 : vector<16xf32>
        %parallel_loop3A_663 = arith.index_cast %parallel_loop3A_635 : i32 to index
        %parallel_loop3A_664 = arith.constant 48 : index
        %parallel_loop3A_665 = tpu.vector_load %arg13[%parallel_loop3A_663, %parallel_loop3A_664] {strides = array<i32>} : memref<32x144xf32, #tpu.memory_space<vmem>>, vector<16xf32>,
        tpu.vector_store %arg13[%parallel_loop3A_663, %parallel_loop3A_664], %parallel_loop3A_662 {strides = array<i32>} : memref<32x144xf32, #tpu.memory_space<vmem>>, vector<16xf32>,
        %parallel_loop3A_666 = arith.index_cast %parallel_loop3A_635 : i32 to index
        %parallel_loop3A_667 = arith.constant 64 : index
        %parallel_loop3A_668 = tpu.vector_load %arg13[%parallel_loop3A_666, %parallel_loop3A_667] {strides = array<i32>} : memref<32x144xf32, #tpu.memory_space<vmem>>, vector<16xf32>,
        %parallel_loop3A_669 = arith.mulf %parallel_loop3A_668, %parallel_loop3A_637 : vector<16xf32>
        %parallel_loop3A_670 = arith.index_cast %parallel_loop3A_635 : i32 to index
        %parallel_loop3A_671 = arith.constant 64 : index
        %parallel_loop3A_672 = tpu.vector_load %arg13[%parallel_loop3A_670, %parallel_loop3A_671] {strides = array<i32>} : memref<32x144xf32, #tpu.memory_space<vmem>>, vector<16xf32>,
        tpu.vector_store %arg13[%parallel_loop3A_670, %parallel_loop3A_671], %parallel_loop3A_669 {strides = array<i32>} : memref<32x144xf32, #tpu.memory_space<vmem>>, vector<16xf32>,
        %parallel_loop3A_673 = arith.index_cast %parallel_loop3A_635 : i32 to index
        %parallel_loop3A_674 = arith.constant 80 : index
        %parallel_loop3A_675 = tpu.vector_load %arg13[%parallel_loop3A_673, %parallel_loop3A_674] {strides = array<i32>} : memref<32x144xf32, #tpu.memory_space<vmem>>, vector<16xf32>,
        %parallel_loop3A_676 = arith.mulf %parallel_loop3A_675, %parallel_loop3A_637 : vector<16xf32>
        %parallel_loop3A_677 = arith.index_cast %parallel_loop3A_635 : i32 to index
        %parallel_loop3A_678 = arith.constant 80 : index
        %parallel_loop3A_679 = tpu.vector_load %arg13[%parallel_loop3A_677, %parallel_loop3A_678] {strides = array<i32>} : memref<32x144xf32, #tpu.memory_space<vmem>>, vector<16xf32>,
        tpu.vector_store %arg13[%parallel_loop3A_677, %parallel_loop3A_678], %parallel_loop3A_676 {strides = array<i32>} : memref<32x144xf32, #tpu.memory_space<vmem>>, vector<16xf32>,
        %parallel_loop3A_680 = arith.index_cast %parallel_loop3A_635 : i32 to index
        %parallel_loop3A_681 = arith.constant 96 : index
        %parallel_loop3A_682 = tpu.vector_load %arg13[%parallel_loop3A_680, %parallel_loop3A_681] {strides = array<i32>} : memref<32x144xf32, #tpu.memory_space<vmem>>, vector<16xf32>,
        %parallel_loop3A_683 = arith.mulf %parallel_loop3A_682, %parallel_loop3A_637 : vector<16xf32>
        %parallel_loop3A_684 = arith.index_cast %parallel_loop3A_635 : i32 to index
        %parallel_loop3A_685 = arith.constant 96 : index
        %parallel_loop3A_686 = tpu.vector_load %arg13[%parallel_loop3A_684, %parallel_loop3A_685] {strides = array<i32>} : memref<32x144xf32, #tpu.memory_space<vmem>>, vector<16xf32>,
        tpu.vector_store %arg13[%parallel_loop3A_684, %parallel_loop3A_685], %parallel_loop3A_683 {strides = array<i32>} : memref<32x144xf32, #tpu.memory_space<vmem>>, vector<16xf32>,
        %parallel_loop3A_687 = arith.index_cast %parallel_loop3A_635 : i32 to index
        %parallel_loop3A_688 = arith.constant 112 : index
        %parallel_loop3A_689 = tpu.vector_load %arg13[%parallel_loop3A_687, %parallel_loop3A_688] {strides = array<i32>} : memref<32x144xf32, #tpu.memory_space<vmem>>, vector<16xf32>,
        %parallel_loop3A_690 = arith.mulf %parallel_loop3A_689, %parallel_loop3A_637 : vector<16xf32>
        %parallel_loop3A_691 = arith.index_cast %parallel_loop3A_635 : i32 to index
        %parallel_loop3A_692 = arith.constant 112 : index
        %parallel_loop3A_693 = tpu.vector_load %arg13[%parallel_loop3A_691, %parallel_loop3A_692] {strides = array<i32>} : memref<32x144xf32, #tpu.memory_space<vmem>>, vector<16xf32>,
        tpu.vector_store %arg13[%parallel_loop3A_691, %parallel_loop3A_692], %parallel_loop3A_690 {strides = array<i32>} : memref<32x144xf32, #tpu.memory_space<vmem>>, vector<16xf32>,
        %parallel_loop3A_694 = arith.index_cast %parallel_loop3A_635 : i32 to index
        %parallel_loop3A_695 = arith.constant 128 : index
        %parallel_loop3A_696 = tpu.vector_load %arg13[%parallel_loop3A_694, %parallel_loop3A_695] {strides = array<i32>} : memref<32x144xf32, #tpu.memory_space<vmem>>, vector<16xf32>,
        %parallel_loop3A_697 = arith.mulf %parallel_loop3A_696, %parallel_loop3A_637 : vector<16xf32>
        %parallel_loop3A_698 = arith.index_cast %parallel_loop3A_635 : i32 to index
        %parallel_loop3A_699 = arith.constant 128 : index
        %parallel_loop3A_700 = tpu.vector_load %arg13[%parallel_loop3A_698, %parallel_loop3A_699] {strides = array<i32>} : memref<32x144xf32, #tpu.memory_space<vmem>>, vector<16xf32>,
        tpu.vector_store %arg13[%parallel_loop3A_698, %parallel_loop3A_699], %parallel_loop3A_697 {strides = array<i32>} : memref<32x144xf32, #tpu.memory_space<vmem>>, vector<16xf32>,
      } {sc.loop_unroll_factor = 4 : i64, sc.parallel_access}
      %dma_start3A_539 = arith.constant 0 : i32
      %dma_start3A_540 = arith.constant 0 : i32
      %dma_start3A_541 = tpu.memref_slice %arg22[%dma_start3A_539, %dma_start3A_540] : memref<10240x144xf32, #tpu.memory_space<vmem_shared>> -> memref<10240x144xf32, #tpu.memory_space<vmem_shared>>
      tpu.enqueue_indirect_dma source(%arg13 : memref<32x144xf32, #tpu.memory_space<vmem>>) target(%dma_start3A_541 : memref<10240x144xf32, #tpu.memory_space<vmem_shared>>) offsets(%arg11 : memref<32xi32, #tpu.memory_space<vmem>>) semaphore(%arg29 : memref<!tpu.dma_semaphore, #tpu.memory_space<semaphore_mem>>) {add = true}
      %add3A_542 = arith.constant 2 : i32
      %add3A_543 = arith.addi %mul3A_411, %add3A_542 : i32
      %lt3A_544 = arith.constant 314 : i32
      %lt3A_545 = arith.cmpi slt, %add3A_543, %lt3A_544 : i32
      %convert_element_type3A_546 = arith.extui %lt3A_545 : i1 to i32
      %cond3A_547 = arith.constant 0 : i32
      %cond3A_548 = arith.cmpi ne, %convert_element_type3A_546, %cond3A_547 : i32
      scf.if %cond3A_548 {
        %add3A_635 = arith.constant 2 : i32
        %add3A_636 = arith.addi %mul3A_411, %add3A_635 : i32
        %mul3A_637 = arith.constant 32 : i32
        %mul3A_638 = arith.muli %add3A_636, %mul3A_637 : i32
        %add3A_639 = arith.addi %mul3A_2, %mul3A_638 : i32
        %dma_wait3A_640 = tpu.memref_slice %arg3[%add3A_639] : memref<321536xi32, #tpu.memory_space<hbm>> -> memref<32xi32, #tpu.memory_space<hbm>>
        %dma_wait3A_641 = tpu.memref_slice %arg3[%add3A_639] : memref<321536xi32, #tpu.memory_space<hbm>> -> memref<32xi32, #tpu.memory_space<hbm>>
        tpu.wait_dma2 semaphore(%arg23 : memref<!tpu.dma_semaphore, #tpu.memory_space<semaphore_mem>>) src(%dma_wait3A_641 : memref<32xi32, #tpu.memory_space<hbm>>) dst(%arg7 : memref<32xi32, #tpu.memory_space<vmem>>)
        %dma_wait3A_642 = tpu.memref_slice %arg4[%add3A_639] : memref<321536xi32, #tpu.memory_space<hbm>> -> memref<32xi32, #tpu.memory_space<hbm>>
        %dma_wait3A_643 = tpu.memref_slice %arg4[%add3A_639] : memref<321536xi32, #tpu.memory_space<hbm>> -> memref<32xi32, #tpu.memory_space<hbm>>
        tpu.wait_dma2 semaphore(%arg23 : memref<!tpu.dma_semaphore, #tpu.memory_space<semaphore_mem>>) src(%dma_wait3A_643 : memref<32xi32, #tpu.memory_space<hbm>>) dst(%arg9 : memref<32xi32, #tpu.memory_space<vmem>>)
        %dma_wait3A_644 = arith.constant 0 : i32
        %dma_wait3A_645 = arith.constant 0 : i32
        %dma_wait3A_646 = tpu.memref_slice %arg22[%dma_wait3A_644, %dma_wait3A_645] : memref<10240x144xf32, #tpu.memory_space<vmem_shared>> -> memref<10240x144xf32, #tpu.memory_space<vmem_shared>>
        tpu.wait_indirect_dma semaphore(%arg29 : memref<!tpu.dma_semaphore, #tpu.memory_space<semaphore_mem>>) src(%arg13 : memref<32x144xf32, #tpu.memory_space<vmem>>) dst(%dma_wait3A_646 : memref<10240x144xf32, #tpu.memory_space<vmem_shared>>)
        %get3A_647 = arith.constant 0 : index
        %get3A_648 = tpu.vector_load %arg7[%get3A_647] {strides = array<i32>} : memref<32xi32, #tpu.memory_space<vmem>>, vector<16xi32>,
        %get3A_649 = arith.constant 0 : index
        %get3A_650 = tpu.vector_load %arg9[%get3A_649] {strides = array<i32>} : memref<32xi32, #tpu.memory_space<vmem>>, vector<16xi32>,
        %add3A_651 = arith.constant 20000 : i32
        %add3A_652 = vector.broadcast %add3A_651 : i32 to vector<16xi32>
        %add3A_653 = arith.addi %get3A_648, %add3A_652 : vector<16xi32>
        %swap3A_654 = arith.constant 0 : index
        %swap3A_655 = tpu.vector_load %arg16[%swap3A_654] {strides = array<i32>} : memref<32xi32, #tpu.memory_space<vmem>>, vector<16xi32>,
        tpu.vector_store %arg16[%swap3A_654], %add3A_653 {strides = array<i32>} : memref<32xi32, #tpu.memory_space<vmem>>, vector<16xi32>,
        %mul3A_656 = arith.constant 3 : i32
        %mul3A_657 = vector.broadcast %mul3A_656 : i32 to vector<16xi32>
        %mul3A_658 = arith.muli %get3A_650, %mul3A_657 : vector<16xi32>
        %add3A_659 = arith.constant 2 : i32
        %add3A_660 = vector.broadcast %add3A_659 : i32 to vector<16xi32>
        %add3A_661 = arith.addi %mul3A_658, %add3A_660 : vector<16xi32>
        %swap3A_662 = arith.constant 0 : index
        %swap3A_663 = tpu.vector_load %arg20[%swap3A_662] {strides = array<i32>} : memref<32xi32, #tpu.memory_space<vmem>>, vector<16xi32>,
        tpu.vector_store %arg20[%swap3A_662], %add3A_661 {strides = array<i32>} : memref<32xi32, #tpu.memory_space<vmem>>, vector<16xi32>,
        %swap3A_664 = arith.constant 0 : index
        %swap3A_665 = tpu.vector_load %arg11[%swap3A_664] {strides = array<i32>} : memref<32xi32, #tpu.memory_space<vmem>>, vector<16xi32>,
        tpu.vector_store %arg11[%swap3A_664], %get3A_650 {strides = array<i32>} : memref<32xi32, #tpu.memory_space<vmem>>, vector<16xi32>,
        %get3A_666 = arith.constant 16 : index
        %get3A_667 = tpu.vector_load %arg7[%get3A_666] {strides = array<i32>} : memref<32xi32, #tpu.memory_space<vmem>>, vector<16xi32>,
        %get3A_668 = arith.constant 16 : index
        %get3A_669 = tpu.vector_load %arg9[%get3A_668] {strides = array<i32>} : memref<32xi32, #tpu.memory_space<vmem>>, vector<16xi32>,
        %add3A_670 = arith.constant 20000 : i32
        %add3A_671 = vector.broadcast %add3A_670 : i32 to vector<16xi32>
        %add3A_672 = arith.addi %get3A_667, %add3A_671 : vector<16xi32>
        %swap3A_673 = arith.constant 16 : index
        %swap3A_674 = tpu.vector_load %arg16[%swap3A_673] {strides = array<i32>} : memref<32xi32, #tpu.memory_space<vmem>>, vector<16xi32>,
        tpu.vector_store %arg16[%swap3A_673], %add3A_672 {strides = array<i32>} : memref<32xi32, #tpu.memory_space<vmem>>, vector<16xi32>,
        %mul3A_675 = arith.constant 3 : i32
        %mul3A_676 = vector.broadcast %mul3A_675 : i32 to vector<16xi32>
        %mul3A_677 = arith.muli %get3A_669, %mul3A_676 : vector<16xi32>
        %add3A_678 = arith.constant 2 : i32
        %add3A_679 = vector.broadcast %add3A_678 : i32 to vector<16xi32>
        %add3A_680 = arith.addi %mul3A_677, %add3A_679 : vector<16xi32>
        %swap3A_681 = arith.constant 16 : index
        %swap3A_682 = tpu.vector_load %arg20[%swap3A_681] {strides = array<i32>} : memref<32xi32, #tpu.memory_space<vmem>>, vector<16xi32>,
        tpu.vector_store %arg20[%swap3A_681], %add3A_680 {strides = array<i32>} : memref<32xi32, #tpu.memory_space<vmem>>, vector<16xi32>,
        %swap3A_683 = arith.constant 16 : index
        %swap3A_684 = tpu.vector_load %arg11[%swap3A_683] {strides = array<i32>} : memref<32xi32, #tpu.memory_space<vmem>>, vector<16xi32>,
        tpu.vector_store %arg11[%swap3A_683], %get3A_669 {strides = array<i32>} : memref<32xi32, #tpu.memory_space<vmem>>, vector<16xi32>,
        %dma_start3A_685 = arith.constant 0 : i32
        %dma_start3A_686 = arith.constant 0 : i32
        %dma_start3A_687 = tpu.memref_slice %arg2[%dma_start3A_685, %dma_start3A_686] : memref<30000x144xf32, #tpu.memory_space<hbm>> -> memref<30000x144xf32, #tpu.memory_space<hbm>>
        tpu.enqueue_indirect_dma source(%dma_start3A_687 : memref<30000x144xf32, #tpu.memory_space<hbm>>) target(%arg13 : memref<32x144xf32, #tpu.memory_space<vmem>>) offsets(%arg16 : memref<32xi32, #tpu.memory_space<vmem>>) semaphore(%arg25 : memref<!tpu.dma_semaphore, #tpu.memory_space<semaphore_mem>>)
        %dma_start3A_688 = arith.constant 0 : i32
        %dma_start3A_689 = tpu.memref_slice %arg5[%dma_start3A_688] : memref<30000xf32, #tpu.memory_space<hbm>> -> memref<30000xf32, #tpu.memory_space<hbm>>
        tpu.enqueue_indirect_dma source(%dma_start3A_689 : memref<30000xf32, #tpu.memory_space<hbm>>) target(%arg18 : memref<32xf32, #tpu.memory_space<vmem>>) offsets(%arg20 : memref<32xi32, #tpu.memory_space<vmem>>) semaphore(%arg27 : memref<!tpu.dma_semaphore, #tpu.memory_space<semaphore_mem>>)
      } else {
      }
      %add3A_549 = arith.constant 3 : i32
      %add3A_550 = arith.addi %mul3A_411, %add3A_549 : i32
      %lt3A_551 = arith.constant 314 : i32
      %lt3A_552 = arith.cmpi slt, %add3A_550, %lt3A_551 : i32
      %convert_element_type3A_553 = arith.extui %lt3A_552 : i1 to i32
      %cond3A_554 = arith.constant 0 : i32
      %cond3A_555 = arith.cmpi ne, %convert_element_type3A_553, %cond3A_554 : i32
      scf.if %cond3A_555 {
        %add3A_635 = arith.constant 3 : i32
        %add3A_636 = arith.addi %mul3A_411, %add3A_635 : i32
        %mul3A_637 = arith.constant 32 : i32
        %mul3A_638 = arith.muli %add3A_636, %mul3A_637 : i32
        %add3A_639 = arith.addi %mul3A_2, %mul3A_638 : i32
        %dma_start3A_640 = tpu.memref_slice %arg3[%add3A_639] : memref<321536xi32, #tpu.memory_space<hbm>> -> memref<32xi32, #tpu.memory_space<hbm>>
        %dma_start3A_641 = tpu.memref_slice %arg3[%add3A_639] : memref<321536xi32, #tpu.memory_space<hbm>> -> memref<32xi32, #tpu.memory_space<hbm>>
        tpu.enqueue_dma source(%dma_start3A_641 : memref<32xi32, #tpu.memory_space<hbm>>) target(%arg8 : memref<32xi32, #tpu.memory_space<vmem>>) target_semaphore(%arg24 : memref<!tpu.dma_semaphore, #tpu.memory_space<semaphore_mem>>)
        %dma_start3A_642 = tpu.memref_slice %arg4[%add3A_639] : memref<321536xi32, #tpu.memory_space<hbm>> -> memref<32xi32, #tpu.memory_space<hbm>>
        %dma_start3A_643 = tpu.memref_slice %arg4[%add3A_639] : memref<321536xi32, #tpu.memory_space<hbm>> -> memref<32xi32, #tpu.memory_space<hbm>>
        tpu.enqueue_dma source(%dma_start3A_643 : memref<32xi32, #tpu.memory_space<hbm>>) target(%arg10 : memref<32xi32, #tpu.memory_space<vmem>>) target_semaphore(%arg24 : memref<!tpu.dma_semaphore, #tpu.memory_space<semaphore_mem>>)
      } else {
      }
      %dma_wait3A_556 = arith.constant 0 : i32
      %dma_wait3A_557 = arith.constant 0 : i32
      %dma_wait3A_558 = tpu.memref_slice %arg2[%dma_wait3A_556, %dma_wait3A_557] : memref<30000x144xf32, #tpu.memory_space<hbm>> -> memref<30000x144xf32, #tpu.memory_space<hbm>>
      tpu.wait_indirect_dma semaphore(%arg26 : memref<!tpu.dma_semaphore, #tpu.memory_space<semaphore_mem>>) src(%dma_wait3A_558 : memref<30000x144xf32, #tpu.memory_space<hbm>>) dst(%arg14 : memref<32x144xf32, #tpu.memory_space<vmem>>)
      %dma_wait3A_559 = arith.constant 0 : i32
      %dma_wait3A_560 = tpu.memref_slice %arg5[%dma_wait3A_559] : memref<30000xf32, #tpu.memory_space<hbm>> -> memref<30000xf32, #tpu.memory_space<hbm>>
      tpu.wait_indirect_dma semaphore(%arg28 : memref<!tpu.dma_semaphore, #tpu.memory_space<semaphore_mem>>) src(%dma_wait3A_560 : memref<30000xf32, #tpu.memory_space<hbm>>) dst(%arg19 : memref<32xf32, #tpu.memory_space<vmem>>)
      %add3A_561 = arith.constant 1 : i32
      %add3A_562 = arith.addi %mul3A_411, %add3A_561 : i32
      %iota3A_563 = tpu.iota {dimensions = array<i32: 0>} : vector<16xi32>
      %add3A_564 = arith.constant 0 : i32
      %add3A_565 = vector.broadcast %add3A_564 : i32 to vector<16xi32>
      %add3A_566 = arith.addi %add3A_565, %iota3A_563 : vector<16xi32>
      %broadcast_in_dim3A_567 = arith.constant 129 : i32
      %broadcast_in_dim3A_568 = vector.broadcast %broadcast_in_dim3A_567 : i32 to vector<16xi32>
      %gather3A_569 = tpu.vector_load_idx %arg14[%add3A_566, %broadcast_in_dim3A_568] : memref<32x144xf32, #tpu.memory_space<vmem>>[vector<16xi32>, vector<16xi32>], vector<16xf32>,
      %get3A_570 = arith.constant 0 : index
      %get3A_571 = tpu.vector_load %arg19[%get3A_570] {strides = array<i32>} : memref<32xf32, #tpu.memory_space<vmem>>, vector<16xf32>,
      %add3A_572 = arith.addf %gather3A_569, %get3A_571 : vector<16xf32>
      %ge3A_573 = arith.constant 0.000000e+00 : f32
      %ge3A_574 = vector.broadcast %ge3A_573 : f32 to vector<16xf32>
      %ge3A_575 = arith.cmpf oge, %add3A_572, %ge3A_574 : vector<16xf32>
      %mul3A_576 = arith.constant 2.000000e-01 : f32
      %mul3A_577 = vector.broadcast %mul3A_576 : f32 to vector<16xf32>
      %mul3A_578 = arith.mulf %mul3A_577, %add3A_572 : vector<16xf32>
      %select_n3A_579 = arith.select %ge3A_575, %add3A_572, %mul3A_578 : vector<16xi1>, vector<16xf32>
      %exp3A_580 = math.exp %select_n3A_579 : vector<16xf32>
      %mul3A_581 = arith.constant 32 : i32
      %mul3A_582 = arith.muli %add3A_562, %mul3A_581 : i32
      %add3A_583 = arith.constant 0 : i32
      %add3A_584 = arith.addi %mul3A_582, %add3A_583 : i32
      %iota3A_585 = tpu.iota {dimensions = array<i32: 0>} : vector<16xi32>
      %add3A_586 = vector.broadcast %add3A_584 : i32 to vector<16xi32>
      %add3A_587 = arith.addi %add3A_586, %iota3A_585 : vector<16xi32>
      %lt3A_588 = arith.constant 10000 : i32
      %lt3A_589 = vector.broadcast %lt3A_588 : i32 to vector<16xi32>
      %lt3A_590 = arith.cmpi slt, %add3A_587, %lt3A_589 : vector<16xi32>
      %jit3A_591 = arith.constant 0.000000e+00 : f32
      %broadcast_in_dim3A_592 = vector.broadcast %jit3A_591 : f32 to vector<16xf32>
      %select_n3A_593 = arith.select %lt3A_590, %exp3A_580, %broadcast_in_dim3A_592 : vector<16xi1>, vector<16xf32>
      %swap3A_594 = arith.constant 0 : index
      %swap3A_595 = tpu.vector_load %arg15[%swap3A_594] {strides = array<i32>} : memref<32xf32, #tpu.memory_space<vmem>>, vector<16xf32>,
      tpu.vector_store %arg15[%swap3A_594], %select_n3A_593 {strides = array<i32>} : memref<32xf32, #tpu.memory_space<vmem>>, vector<16xf32>,
      %iota3A_596 = tpu.iota {dimensions = array<i32: 0>} : vector<16xi32>
      %add3A_597 = arith.constant 16 : i32
      %add3A_598 = vector.broadcast %add3A_597 : i32 to vector<16xi32>
      %add3A_599 = arith.addi %add3A_598, %iota3A_596 : vector<16xi32>
      %broadcast_in_dim3A_600 = arith.constant 129 : i32
      %broadcast_in_dim3A_601 = vector.broadcast %broadcast_in_dim3A_600 : i32 to vector<16xi32>
      %gather3A_602 = tpu.vector_load_idx %arg14[%add3A_599, %broadcast_in_dim3A_601] : memref<32x144xf32, #tpu.memory_space<vmem>>[vector<16xi32>, vector<16xi32>], vector<16xf32>,
      %get3A_603 = arith.constant 16 : index
      %get3A_604 = tpu.vector_load %arg19[%get3A_603] {strides = array<i32>} : memref<32xf32, #tpu.memory_space<vmem>>, vector<16xf32>,
      %add3A_605 = arith.addf %gather3A_602, %get3A_604 : vector<16xf32>
      %ge3A_606 = arith.constant 0.000000e+00 : f32
      %ge3A_607 = vector.broadcast %ge3A_606 : f32 to vector<16xf32>
      %ge3A_608 = arith.cmpf oge, %add3A_605, %ge3A_607 : vector<16xf32>
      %mul3A_609 = arith.constant 2.000000e-01 : f32
      %mul3A_610 = vector.broadcast %mul3A_609 : f32 to vector<16xf32>
      %mul3A_611 = arith.mulf %mul3A_610, %add3A_605 : vector<16xf32>
      %select_n3A_612 = arith.select %ge3A_608, %add3A_605, %mul3A_611 : vector<16xi1>, vector<16xf32>
      %exp3A_613 = math.exp %select_n3A_612 : vector<16xf32>
      %mul3A_614 = arith.constant 32 : i32
      %mul3A_615 = arith.muli %add3A_562, %mul3A_614 : i32
      %add3A_616 = arith.constant 16 : i32
      %add3A_617 = arith.addi %mul3A_615, %add3A_616 : i32
      %iota3A_618 = tpu.iota {dimensions = array<i32: 0>} : vector<16xi32>
      %add3A_619 = vector.broadcast %add3A_617 : i32 to vector<16xi32>
      %add3A_620 = arith.addi %add3A_619, %iota3A_618 : vector<16xi32>
      %lt3A_621 = arith.constant 10000 : i32
      %lt3A_622 = vector.broadcast %lt3A_621 : i32 to vector<16xi32>
      %lt3A_623 = arith.cmpi slt, %add3A_620, %lt3A_622 : vector<16xi32>
      %jit3A_624 = arith.constant 0.000000e+00 : f32
      %broadcast_in_dim3A_625 = vector.broadcast %jit3A_624 : f32 to vector<16xf32>
      %select_n3A_626 = arith.select %lt3A_623, %exp3A_613, %broadcast_in_dim3A_625 : vector<16xi1>, vector<16xf32>
      %swap3A_627 = arith.constant 16 : index
      %swap3A_628 = tpu.vector_load %arg15[%swap3A_627] {strides = array<i32>} : memref<32xf32, #tpu.memory_space<vmem>>, vector<16xf32>,
      tpu.vector_store %arg15[%swap3A_627], %select_n3A_626 {strides = array<i32>} : memref<32xf32, #tpu.memory_space<vmem>>, vector<16xf32>,
      %parallel_loop3A_629 = arith.constant 0 : i32
      %parallel_loop3A_630 = arith.constant 32 : i32
      %parallel_loop3A_631 = arith.constant 1 : i32
      scf.for %parallel_loop3A_635 = %parallel_loop3A_629 to %parallel_loop3A_630 step %parallel_loop3A_631  : i32 {
        %parallel_loop3A_636 = vector.broadcast %parallel_loop3A_635 : i32 to vector<16xi32>
        %parallel_loop3A_637 = tpu.vector_load_idx %arg15[%parallel_loop3A_636] : memref<32xf32, #tpu.memory_space<vmem>>[vector<16xi32>], vector<16xf32>,
        %parallel_loop3A_638 = arith.index_cast %parallel_loop3A_635 : i32 to index
        %parallel_loop3A_639 = arith.constant 0 : index
        %parallel_loop3A_640 = tpu.vector_load %arg14[%parallel_loop3A_638, %parallel_loop3A_639] {strides = array<i32>} : memref<32x144xf32, #tpu.memory_space<vmem>>, vector<16xf32>,
        %parallel_loop3A_641 = arith.mulf %parallel_loop3A_640, %parallel_loop3A_637 : vector<16xf32>
        %parallel_loop3A_642 = arith.index_cast %parallel_loop3A_635 : i32 to index
        %parallel_loop3A_643 = arith.constant 0 : index
        %parallel_loop3A_644 = tpu.vector_load %arg14[%parallel_loop3A_642, %parallel_loop3A_643] {strides = array<i32>} : memref<32x144xf32, #tpu.memory_space<vmem>>, vector<16xf32>,
        tpu.vector_store %arg14[%parallel_loop3A_642, %parallel_loop3A_643], %parallel_loop3A_641 {strides = array<i32>} : memref<32x144xf32, #tpu.memory_space<vmem>>, vector<16xf32>,
        %parallel_loop3A_645 = arith.index_cast %parallel_loop3A_635 : i32 to index
        %parallel_loop3A_646 = arith.constant 16 : index
        %parallel_loop3A_647 = tpu.vector_load %arg14[%parallel_loop3A_645, %parallel_loop3A_646] {strides = array<i32>} : memref<32x144xf32, #tpu.memory_space<vmem>>, vector<16xf32>,
        %parallel_loop3A_648 = arith.mulf %parallel_loop3A_647, %parallel_loop3A_637 : vector<16xf32>
        %parallel_loop3A_649 = arith.index_cast %parallel_loop3A_635 : i32 to index
        %parallel_loop3A_650 = arith.constant 16 : index
        %parallel_loop3A_651 = tpu.vector_load %arg14[%parallel_loop3A_649, %parallel_loop3A_650] {strides = array<i32>} : memref<32x144xf32, #tpu.memory_space<vmem>>, vector<16xf32>,
        tpu.vector_store %arg14[%parallel_loop3A_649, %parallel_loop3A_650], %parallel_loop3A_648 {strides = array<i32>} : memref<32x144xf32, #tpu.memory_space<vmem>>, vector<16xf32>,
        %parallel_loop3A_652 = arith.index_cast %parallel_loop3A_635 : i32 to index
        %parallel_loop3A_653 = arith.constant 32 : index
        %parallel_loop3A_654 = tpu.vector_load %arg14[%parallel_loop3A_652, %parallel_loop3A_653] {strides = array<i32>} : memref<32x144xf32, #tpu.memory_space<vmem>>, vector<16xf32>,
        %parallel_loop3A_655 = arith.mulf %parallel_loop3A_654, %parallel_loop3A_637 : vector<16xf32>
        %parallel_loop3A_656 = arith.index_cast %parallel_loop3A_635 : i32 to index
        %parallel_loop3A_657 = arith.constant 32 : index
        %parallel_loop3A_658 = tpu.vector_load %arg14[%parallel_loop3A_656, %parallel_loop3A_657] {strides = array<i32>} : memref<32x144xf32, #tpu.memory_space<vmem>>, vector<16xf32>,
        tpu.vector_store %arg14[%parallel_loop3A_656, %parallel_loop3A_657], %parallel_loop3A_655 {strides = array<i32>} : memref<32x144xf32, #tpu.memory_space<vmem>>, vector<16xf32>,
        %parallel_loop3A_659 = arith.index_cast %parallel_loop3A_635 : i32 to index
        %parallel_loop3A_660 = arith.constant 48 : index
        %parallel_loop3A_661 = tpu.vector_load %arg14[%parallel_loop3A_659, %parallel_loop3A_660] {strides = array<i32>} : memref<32x144xf32, #tpu.memory_space<vmem>>, vector<16xf32>,
        %parallel_loop3A_662 = arith.mulf %parallel_loop3A_661, %parallel_loop3A_637 : vector<16xf32>
        %parallel_loop3A_663 = arith.index_cast %parallel_loop3A_635 : i32 to index
        %parallel_loop3A_664 = arith.constant 48 : index
        %parallel_loop3A_665 = tpu.vector_load %arg14[%parallel_loop3A_663, %parallel_loop3A_664] {strides = array<i32>} : memref<32x144xf32, #tpu.memory_space<vmem>>, vector<16xf32>,
        tpu.vector_store %arg14[%parallel_loop3A_663, %parallel_loop3A_664], %parallel_loop3A_662 {strides = array<i32>} : memref<32x144xf32, #tpu.memory_space<vmem>>, vector<16xf32>,
        %parallel_loop3A_666 = arith.index_cast %parallel_loop3A_635 : i32 to index
        %parallel_loop3A_667 = arith.constant 64 : index
        %parallel_loop3A_668 = tpu.vector_load %arg14[%parallel_loop3A_666, %parallel_loop3A_667] {strides = array<i32>} : memref<32x144xf32, #tpu.memory_space<vmem>>, vector<16xf32>,
        %parallel_loop3A_669 = arith.mulf %parallel_loop3A_668, %parallel_loop3A_637 : vector<16xf32>
        %parallel_loop3A_670 = arith.index_cast %parallel_loop3A_635 : i32 to index
        %parallel_loop3A_671 = arith.constant 64 : index
        %parallel_loop3A_672 = tpu.vector_load %arg14[%parallel_loop3A_670, %parallel_loop3A_671] {strides = array<i32>} : memref<32x144xf32, #tpu.memory_space<vmem>>, vector<16xf32>,
        tpu.vector_store %arg14[%parallel_loop3A_670, %parallel_loop3A_671], %parallel_loop3A_669 {strides = array<i32>} : memref<32x144xf32, #tpu.memory_space<vmem>>, vector<16xf32>,
        %parallel_loop3A_673 = arith.index_cast %parallel_loop3A_635 : i32 to index
        %parallel_loop3A_674 = arith.constant 80 : index
        %parallel_loop3A_675 = tpu.vector_load %arg14[%parallel_loop3A_673, %parallel_loop3A_674] {strides = array<i32>} : memref<32x144xf32, #tpu.memory_space<vmem>>, vector<16xf32>,
        %parallel_loop3A_676 = arith.mulf %parallel_loop3A_675, %parallel_loop3A_637 : vector<16xf32>
        %parallel_loop3A_677 = arith.index_cast %parallel_loop3A_635 : i32 to index
        %parallel_loop3A_678 = arith.constant 80 : index
        %parallel_loop3A_679 = tpu.vector_load %arg14[%parallel_loop3A_677, %parallel_loop3A_678] {strides = array<i32>} : memref<32x144xf32, #tpu.memory_space<vmem>>, vector<16xf32>,
        tpu.vector_store %arg14[%parallel_loop3A_677, %parallel_loop3A_678], %parallel_loop3A_676 {strides = array<i32>} : memref<32x144xf32, #tpu.memory_space<vmem>>, vector<16xf32>,
        %parallel_loop3A_680 = arith.index_cast %parallel_loop3A_635 : i32 to index
        %parallel_loop3A_681 = arith.constant 96 : index
        %parallel_loop3A_682 = tpu.vector_load %arg14[%parallel_loop3A_680, %parallel_loop3A_681] {strides = array<i32>} : memref<32x144xf32, #tpu.memory_space<vmem>>, vector<16xf32>,
        %parallel_loop3A_683 = arith.mulf %parallel_loop3A_682, %parallel_loop3A_637 : vector<16xf32>
        %parallel_loop3A_684 = arith.index_cast %parallel_loop3A_635 : i32 to index
        %parallel_loop3A_685 = arith.constant 96 : index
        %parallel_loop3A_686 = tpu.vector_load %arg14[%parallel_loop3A_684, %parallel_loop3A_685] {strides = array<i32>} : memref<32x144xf32, #tpu.memory_space<vmem>>, vector<16xf32>,
        tpu.vector_store %arg14[%parallel_loop3A_684, %parallel_loop3A_685], %parallel_loop3A_683 {strides = array<i32>} : memref<32x144xf32, #tpu.memory_space<vmem>>, vector<16xf32>,
        %parallel_loop3A_687 = arith.index_cast %parallel_loop3A_635 : i32 to index
        %parallel_loop3A_688 = arith.constant 112 : index
        %parallel_loop3A_689 = tpu.vector_load %arg14[%parallel_loop3A_687, %parallel_loop3A_688] {strides = array<i32>} : memref<32x144xf32, #tpu.memory_space<vmem>>, vector<16xf32>,
        %parallel_loop3A_690 = arith.mulf %parallel_loop3A_689, %parallel_loop3A_637 : vector<16xf32>
        %parallel_loop3A_691 = arith.index_cast %parallel_loop3A_635 : i32 to index
        %parallel_loop3A_692 = arith.constant 112 : index
        %parallel_loop3A_693 = tpu.vector_load %arg14[%parallel_loop3A_691, %parallel_loop3A_692] {strides = array<i32>} : memref<32x144xf32, #tpu.memory_space<vmem>>, vector<16xf32>,
        tpu.vector_store %arg14[%parallel_loop3A_691, %parallel_loop3A_692], %parallel_loop3A_690 {strides = array<i32>} : memref<32x144xf32, #tpu.memory_space<vmem>>, vector<16xf32>,
        %parallel_loop3A_694 = arith.index_cast %parallel_loop3A_635 : i32 to index
        %parallel_loop3A_695 = arith.constant 128 : index
        %parallel_loop3A_696 = tpu.vector_load %arg14[%parallel_loop3A_694, %parallel_loop3A_695] {strides = array<i32>} : memref<32x144xf32, #tpu.memory_space<vmem>>, vector<16xf32>,
        %parallel_loop3A_697 = arith.mulf %parallel_loop3A_696, %parallel_loop3A_637 : vector<16xf32>
        %parallel_loop3A_698 = arith.index_cast %parallel_loop3A_635 : i32 to index
        %parallel_loop3A_699 = arith.constant 128 : index
        %parallel_loop3A_700 = tpu.vector_load %arg14[%parallel_loop3A_698, %parallel_loop3A_699] {strides = array<i32>} : memref<32x144xf32, #tpu.memory_space<vmem>>, vector<16xf32>,
        tpu.vector_store %arg14[%parallel_loop3A_698, %parallel_loop3A_699], %parallel_loop3A_697 {strides = array<i32>} : memref<32x144xf32, #tpu.memory_space<vmem>>, vector<16xf32>,
      } {sc.loop_unroll_factor = 4 : i64, sc.parallel_access}
      %dma_start3A_632 = arith.constant 0 : i32
      %dma_start3A_633 = arith.constant 0 : i32
      %dma_start3A_634 = tpu.memref_slice %arg22[%dma_start3A_632, %dma_start3A_633] : memref<10240x144xf32, #tpu.memory_space<vmem_shared>> -> memref<10240x144xf32, #tpu.memory_space<vmem_shared>>
      tpu.enqueue_indirect_dma source(%arg14 : memref<32x144xf32, #tpu.memory_space<vmem>>) target(%dma_start3A_634 : memref<10240x144xf32, #tpu.memory_space<vmem_shared>>) offsets(%arg12 : memref<32xi32, #tpu.memory_space<vmem>>) semaphore(%arg30 : memref<!tpu.dma_semaphore, #tpu.memory_space<semaphore_mem>>) {add = true}
    }
    %scan3A_382 = arith.constant 157 : i32
    %dma_wait3A_383 = arith.constant 0 : i32
    %dma_wait3A_384 = arith.constant 0 : i32
    %dma_wait3A_385 = tpu.memref_slice %arg22[%dma_wait3A_383, %dma_wait3A_384] : memref<10240x144xf32, #tpu.memory_space<vmem_shared>> -> memref<10240x144xf32, #tpu.memory_space<vmem_shared>>
    tpu.wait_indirect_dma semaphore(%arg29 : memref<!tpu.dma_semaphore, #tpu.memory_space<semaphore_mem>>) src(%arg13 : memref<32x144xf32, #tpu.memory_space<vmem>>) dst(%dma_wait3A_385 : memref<10240x144xf32, #tpu.memory_space<vmem_shared>>)
    %dma_wait3A_386 = arith.constant 0 : i32
    %dma_wait3A_387 = arith.constant 0 : i32
    %dma_wait3A_388 = tpu.memref_slice %arg22[%dma_wait3A_386, %dma_wait3A_387] : memref<10240x144xf32, #tpu.memory_space<vmem_shared>> -> memref<10240x144xf32, #tpu.memory_space<vmem_shared>>
    tpu.wait_indirect_dma semaphore(%arg30 : memref<!tpu.dma_semaphore, #tpu.memory_space<semaphore_mem>>) src(%arg14 : memref<32x144xf32, #tpu.memory_space<vmem>>) dst(%dma_wait3A_388 : memref<10240x144xf32, #tpu.memory_space<vmem_shared>>)
    %barrier3A_389 = arith.constant 0 : index
    tpu.barrier barrier_id(%barrier3A_389)
    %mul3A_390 = arith.constant 640 : i32
    %mul3A_391 = arith.muli %arg1, %mul3A_390 : i32
    %dma_start3A_392 = arith.constant 2 : i32
    %dma_start3A_393 = arith.constant 0 : i32
    %dma_start3A_394 = tpu.memref_slice %arg6[%arg0, %dma_start3A_392, %mul3A_391, %dma_start3A_393] : memref<2x3x10240x144xf32, #tpu.memory_space<hbm>> -> memref<1x1x640x144xf32, #tpu.memory_space<hbm>>
    %dma_start3A_395 = tpu.memref_squeeze %dma_start3A_394 : memref<1x1x640x144xf32, #tpu.memory_space<hbm>> -> memref<640x144xf32, #tpu.memory_space<hbm>>
    %dma_start3A_396 = arith.constant 0 : i32
    %dma_start3A_397 = tpu.memref_slice %arg22[%mul3A_391, %dma_start3A_396] : memref<10240x144xf32, #tpu.memory_space<vmem_shared>> -> memref<640x144xf32, #tpu.memory_space<vmem_shared>>
    tpu.enqueue_dma source(%dma_start3A_397 : memref<640x144xf32, #tpu.memory_space<vmem_shared>>) target(%dma_start3A_395 : memref<640x144xf32, #tpu.memory_space<hbm>>) target_semaphore(%arg31 : memref<!tpu.dma_semaphore, #tpu.memory_space<semaphore_mem>>)
    %dma_wait3A_398 = arith.constant 2 : i32
    %dma_wait3A_399 = arith.constant 0 : i32
    %dma_wait3A_400 = tpu.memref_slice %arg6[%arg0, %dma_wait3A_398, %mul3A_391, %dma_wait3A_399] : memref<2x3x10240x144xf32, #tpu.memory_space<hbm>> -> memref<1x1x640x144xf32, #tpu.memory_space<hbm>>
    %dma_wait3A_401 = tpu.memref_squeeze %dma_wait3A_400 : memref<1x1x640x144xf32, #tpu.memory_space<hbm>> -> memref<640x144xf32, #tpu.memory_space<hbm>>
    %dma_wait3A_402 = arith.constant 0 : i32
    %dma_wait3A_403 = tpu.memref_slice %arg22[%mul3A_391, %dma_wait3A_402] : memref<10240x144xf32, #tpu.memory_space<vmem_shared>> -> memref<640x144xf32, #tpu.memory_space<vmem_shared>>
    tpu.wait_dma2 semaphore(%arg31 : memref<!tpu.dma_semaphore, #tpu.memory_space<semaphore_mem>>) src(%dma_wait3A_403 : memref<640x144xf32, #tpu.memory_space<vmem_shared>>) dst(%dma_wait3A_401 : memref<640x144xf32, #tpu.memory_space<hbm>>)
    %barrier3A_404 = arith.constant 0 : index
    tpu.barrier barrier_id(%barrier3A_404)
    return
  }
}

module attributes {stable_mosaic.version = 14 : i64} {
  func.func @_proj_kernel(%arg0: i32, %arg1: memref<1000x128xf32, #tpu.memory_space<vmem>>, %arg2: memref<128x384xf32, #tpu.memory_space<vmem>>, %arg3: memref<3x1x128xf32, #tpu.memory_space<vmem>>, %arg4: memref<3x1x128xf32, #tpu.memory_space<vmem>>, %arg5: memref<3x1000x144xf32, #tpu.memory_space<vmem>>, %arg6: memref<1000x3xf32, #tpu.memory_space<vmem>>) attributes {dimension_semantics = [#tpu.dimension_semantics<arbitrary>], iteration_bounds = array<i64: 10>, scalar_prefetch = 0 : i64, scratch_operands = 0 : i64, tpu.core_type = #tpu.core_type<tc>, window_params = [{transform_indices = @transform_0, window_bounds = array<i64: 1000, 128>}, {pipeline_mode = #tpu.pipeline_mode<synchronous>, transform_indices = @transform_1, window_bounds = array<i64: 128, 384>}, {pipeline_mode = #tpu.pipeline_mode<synchronous>, transform_indices = @transform_2, window_bounds = array<i64: 3, 1, 128>}, {pipeline_mode = #tpu.pipeline_mode<synchronous>, transform_indices = @transform_3, window_bounds = array<i64: 3, 1, 128>}, {transform_indices = @transform_4, window_bounds = array<i64: 3, 1000, 144>}, {transform_indices = @transform_5, window_bounds = array<i64: 1000, 3>}]} {
    %get3A = arith.constant 0 : index
    %get3A_0 = arith.constant 0 : index
    %get3A_1 = vector.load %arg1[%get3A, %get3A_0] : memref<1000x128xf32, #tpu.memory_space<vmem>>, vector<1000x128xf32>
    %get3A_2 = arith.constant 0 : index
    %get3A_3 = arith.constant 0 : index
    %get3A_4 = vector.load %arg2[%get3A_2, %get3A_3] : memref<128x384xf32, #tpu.memory_space<vmem>>, vector<128x384xf32>
    %dot_general3A = arith.constant dense<0.000000e+00> : vector<1000x384xf32>
    %dot_general3A_5 = tpu.matmul %get3A_1, %get3A_4, %dot_general3A {dimension_numbers = #tpu.dot_dimension_numbers<[1], [0], [0], [1], [0, 0, 1, 1], [], []>, transpose_lhs_hint = false} : vector<1000x128xf32>, vector<128x384xf32>, vector<1000x384xf32> -> vector<1000x384xf32>
    %reshape3A = vector.shape_cast %get3A_4 : vector<128x384xf32> to vector<128x3x128xf32>
    %get3A_6 = arith.constant 0 : index
    %get3A_7 = arith.constant 0 : index
    %get3A_8 = arith.constant 0 : index
    %get3A_9 = vector.load %arg3[%get3A_6, %get3A_7, %get3A_8] : memref<3x1x128xf32, #tpu.memory_space<vmem>>, vector<3x1x128xf32>
    %reshape3A_10 = vector.shape_cast %get3A_9 : vector<3x1x128xf32> to vector<1x3x128xf32>
    %mul3A = vector.broadcast %reshape3A_10 : vector<1x3x128xf32> to vector<128x3x128xf32>
    %mul3A_11 = arith.mulf %reshape3A, %mul3A : vector<128x3x128xf32>
    %reduce_sum3A = arith.constant dense<0.000000e+00> : vector<128x3xf32>
    %reduce_sum3A_12 = vector.multi_reduction <add>, %mul3A_11, %reduce_sum3A [2] : vector<128x3x128xf32> to vector<128x3xf32>
    %get3A_13 = arith.constant 0 : index
    %get3A_14 = arith.constant 0 : index
    %get3A_15 = arith.constant 0 : index
    %get3A_16 = vector.load %arg4[%get3A_13, %get3A_14, %get3A_15] : memref<3x1x128xf32, #tpu.memory_space<vmem>>, vector<3x1x128xf32>
    %reshape3A_17 = vector.shape_cast %get3A_16 : vector<3x1x128xf32> to vector<1x3x128xf32>
    %mul3A_18 = vector.broadcast %reshape3A_17 : vector<1x3x128xf32> to vector<128x3x128xf32>
    %mul3A_19 = arith.mulf %reshape3A, %mul3A_18 : vector<128x3x128xf32>
    %reduce_sum3A_20 = arith.constant dense<0.000000e+00> : vector<128x3xf32>
    %reduce_sum3A_21 = vector.multi_reduction <add>, %mul3A_19, %reduce_sum3A_20 [2] : vector<128x3x128xf32> to vector<128x3xf32>
    %dot_general3A_22 = arith.constant dense<0.000000e+00> : vector<1000x3xf32>
    %dot_general3A_23 = tpu.matmul %get3A_1, %reduce_sum3A_21, %dot_general3A_22 {dimension_numbers = #tpu.dot_dimension_numbers<[1], [0], [0], [1], [0, 0, 1, 1], [], []>, transpose_lhs_hint = false} : vector<1000x128xf32>, vector<128x3xf32>, vector<1000x3xf32> -> vector<1000x3xf32>
    %swap3A = arith.constant 0 : index
    %swap3A_24 = arith.constant 0 : index
    %swap3A_25 = vector.load %arg6[%swap3A, %swap3A_24] : memref<1000x3xf32, #tpu.memory_space<vmem>>, vector<1000x3xf32>
    tpu.vector_store %arg6[%swap3A, %swap3A_24], %dot_general3A_23 {strides = array<i32>} : memref<1000x3xf32, #tpu.memory_space<vmem>>, vector<1000x3xf32>,
    %dot_general3A_26 = arith.constant dense<0.000000e+00> : vector<1000x3xf32>
    %dot_general3A_27 = tpu.matmul %get3A_1, %reduce_sum3A_12, %dot_general3A_26 {dimension_numbers = #tpu.dot_dimension_numbers<[1], [0], [0], [1], [0, 0, 1, 1], [], []>, transpose_lhs_hint = false} : vector<1000x128xf32>, vector<128x3xf32>, vector<1000x3xf32> -> vector<1000x3xf32>
    %broadcast_in_dim3A = arith.constant 1.000000e+00 : f32
    %broadcast_in_dim3A_28 = vector.broadcast %broadcast_in_dim3A : f32 to vector<1000x1xf32>
    %broadcast_in_dim3A_29 = arith.constant 0.000000e+00 : f32
    %broadcast_in_dim3A_30 = vector.broadcast %broadcast_in_dim3A_29 : f32 to vector<1000x14xf32>
    %slice3A = vector.extract_strided_slice %dot_general3A_5 {offsets = [0, 0], sizes = [1000, 128], strides = [1, 1]} : vector<1000x384xf32> to vector<1000x128xf32>
    %slice3A_31 = vector.extract_strided_slice %dot_general3A_27 {offsets = [0, 0], sizes = [1000, 1], strides = [1, 1]} : vector<1000x3xf32> to vector<1000x1xf32>
    %concatenate3A = tpu.concatenate %slice3A, %broadcast_in_dim3A_28, %slice3A_31, %broadcast_in_dim3A_30 in 1 : vector<1000x128xf32>, vector<1000x1xf32>, vector<1000x1xf32>, vector<1000x14xf32> -> vector<1000x144xf32>
    %swap3A_32 = arith.constant 0 : index
    %swap3A_33 = arith.constant 0 : index
    %swap3A_34 = arith.constant 0 : index
    %swap3A_35 = vector.load %arg5[%swap3A_32, %swap3A_33, %swap3A_34] : memref<3x1000x144xf32, #tpu.memory_space<vmem>>, vector<1x1000x144xf32>
    %swap3A_36 = vector.shape_cast %swap3A_35 : vector<1x1000x144xf32> to vector<1000x144xf32>
    %swap3A_37 = vector.shape_cast %concatenate3A : vector<1000x144xf32> to vector<1x1000x144xf32>
    tpu.vector_store %arg5[%swap3A_32, %swap3A_33, %swap3A_34], %swap3A_37 {strides = array<i32>} : memref<3x1000x144xf32, #tpu.memory_space<vmem>>, vector<1x1000x144xf32>,
    %slice3A_38 = vector.extract_strided_slice %dot_general3A_5 {offsets = [0, 128], sizes = [1000, 128], strides = [1, 1]} : vector<1000x384xf32> to vector<1000x128xf32>
    %slice3A_39 = vector.extract_strided_slice %dot_general3A_27 {offsets = [0, 1], sizes = [1000, 1], strides = [1, 1]} : vector<1000x3xf32> to vector<1000x1xf32>
    %concatenate3A_40 = tpu.concatenate %slice3A_38, %broadcast_in_dim3A_28, %slice3A_39, %broadcast_in_dim3A_30 in 1 : vector<1000x128xf32>, vector<1000x1xf32>, vector<1000x1xf32>, vector<1000x14xf32> -> vector<1000x144xf32>
    %swap3A_41 = arith.constant 1 : index
    %swap3A_42 = arith.constant 0 : index
    %swap3A_43 = arith.constant 0 : index
    %swap3A_44 = vector.load %arg5[%swap3A_41, %swap3A_42, %swap3A_43] : memref<3x1000x144xf32, #tpu.memory_space<vmem>>, vector<1x1000x144xf32>
    %swap3A_45 = vector.shape_cast %swap3A_44 : vector<1x1000x144xf32> to vector<1000x144xf32>
    %swap3A_46 = vector.shape_cast %concatenate3A_40 : vector<1000x144xf32> to vector<1x1000x144xf32>
    tpu.vector_store %arg5[%swap3A_41, %swap3A_42, %swap3A_43], %swap3A_46 {strides = array<i32>} : memref<3x1000x144xf32, #tpu.memory_space<vmem>>, vector<1x1000x144xf32>,
    %slice3A_47 = vector.extract_strided_slice %dot_general3A_5 {offsets = [0, 256], sizes = [1000, 128], strides = [1, 1]} : vector<1000x384xf32> to vector<1000x128xf32>
    %slice3A_48 = vector.extract_strided_slice %dot_general3A_27 {offsets = [0, 2], sizes = [1000, 1], strides = [1, 1]} : vector<1000x3xf32> to vector<1000x1xf32>
    %concatenate3A_49 = tpu.concatenate %slice3A_47, %broadcast_in_dim3A_28, %slice3A_48, %broadcast_in_dim3A_30 in 1 : vector<1000x128xf32>, vector<1000x1xf32>, vector<1000x1xf32>, vector<1000x14xf32> -> vector<1000x144xf32>
    %swap3A_50 = arith.constant 2 : index
    %swap3A_51 = arith.constant 0 : index
    %swap3A_52 = arith.constant 0 : index
    %swap3A_53 = vector.load %arg5[%swap3A_50, %swap3A_51, %swap3A_52] : memref<3x1000x144xf32, #tpu.memory_space<vmem>>, vector<1x1000x144xf32>
    %swap3A_54 = vector.shape_cast %swap3A_53 : vector<1x1000x144xf32> to vector<1000x144xf32>
    %swap3A_55 = vector.shape_cast %concatenate3A_49 : vector<1000x144xf32> to vector<1x1000x144xf32>
    tpu.vector_store %arg5[%swap3A_50, %swap3A_51, %swap3A_52], %swap3A_55 {strides = array<i32>} : memref<3x1000x144xf32, #tpu.memory_space<vmem>>, vector<1x1000x144xf32>,
    return
  }
  func.func @transform_0(%arg0: i32) -> (i32, i32) {
    %c0_i32 = arith.constant 0 : i32
    %c0_i32_0 = arith.constant 0 : i32
    return %arg0, %c0_i32 : i32, i32
  }
  func.func @transform_1(%arg0: i32) -> (i32, i32) {
    %c0_i32 = arith.constant 0 : i32
    %c0_i32_0 = arith.constant 0 : i32
    %c0_i32_1 = arith.constant 0 : i32
    return %c0_i32, %c0_i32_0 : i32, i32
  }
  func.func @transform_2(%arg0: i32) -> (i32, i32, i32) {
    %c0_i32 = arith.constant 0 : i32
    %c0_i32_0 = arith.constant 0 : i32
    %c0_i32_1 = arith.constant 0 : i32
    %c0_i32_2 = arith.constant 0 : i32
    return %c0_i32, %c0_i32_0, %c0_i32_1 : i32, i32, i32
  }
  func.func @transform_3(%arg0: i32) -> (i32, i32, i32) {
    %c0_i32 = arith.constant 0 : i32
    %c0_i32_0 = arith.constant 0 : i32
    %c0_i32_1 = arith.constant 0 : i32
    %c0_i32_2 = arith.constant 0 : i32
    return %c0_i32, %c0_i32_0, %c0_i32_1 : i32, i32, i32
  }
  func.func @transform_4(%arg0: i32) -> (i32, i32, i32) {
    %c0_i32 = arith.constant 0 : i32
    %c0_i32_0 = arith.constant 0 : i32
    %c0_i32_1 = arith.constant 0 : i32
    return %c0_i32, %arg0, %c0_i32_0 : i32, i32, i32
  }
  func.func @transform_5(%arg0: i32) -> (i32, i32) {
    %c0_i32 = arith.constant 0 : i32
    %c0_i32_0 = arith.constant 0 : i32
    return %arg0, %c0_i32 : i32, i32
  }
}

module attributes {stable_mosaic.version = 14 : i64} {
  func.func @_combine_kernel(%arg0: i32, %arg1: memref<2x3x1000x144xf32, #tpu.memory_space<vmem>>, %arg2: memref<1000x384xf32, #tpu.memory_space<vmem>>) attributes {dimension_semantics = [#tpu.dimension_semantics<arbitrary>], iteration_bounds = array<i64: 10>, scalar_prefetch = 0 : i64, scratch_operands = 0 : i64, tpu.core_type = #tpu.core_type<tc>, window_params = [{transform_indices = @transform_0, window_bounds = array<i64: 2, 3, 1000, 144>}, {transform_indices = @transform_1, window_bounds = array<i64: 1000, 384>}]} {
    %get3A = arith.constant 0 : index
    %get3A_0 = arith.constant 0 : index
    %get3A_1 = arith.constant 0 : index
    %get3A_2 = arith.constant 0 : index
    %get3A_3 = vector.load %arg1[%get3A, %get3A_0, %get3A_1, %get3A_2] : memref<2x3x1000x144xf32, #tpu.memory_space<vmem>>, vector<1x3x1000x144xf32>
    %get3A_4 = vector.shape_cast %get3A_3 : vector<1x3x1000x144xf32> to vector<3x1000x144xf32>
    %get3A_5 = arith.constant 1 : index
    %get3A_6 = arith.constant 0 : index
    %get3A_7 = arith.constant 0 : index
    %get3A_8 = arith.constant 0 : index
    %get3A_9 = vector.load %arg1[%get3A_5, %get3A_6, %get3A_7, %get3A_8] : memref<2x3x1000x144xf32, #tpu.memory_space<vmem>>, vector<1x3x1000x144xf32>
    %get3A_10 = vector.shape_cast %get3A_9 : vector<1x3x1000x144xf32> to vector<3x1000x144xf32>
    %add3A = arith.addf %get3A_4, %get3A_10 : vector<3x1000x144xf32>
    %slice3A = vector.extract_strided_slice %add3A {offsets = [0, 0, 128], sizes = [3, 1000, 1], strides = [1, 1, 1]} : vector<3x1000x144xf32> to vector<3x1000x1xf32>
    %slice3A_11 = vector.extract_strided_slice %add3A {offsets = [0, 0, 0], sizes = [3, 1000, 128], strides = [1, 1, 1]} : vector<3x1000x144xf32> to vector<3x1000x128xf32>
    %gt3A = arith.constant 0.000000e+00 : f32
    %gt3A_12 = vector.broadcast %gt3A : f32 to vector<3x1000x1xf32>
    %gt3A_13 = arith.cmpf ogt, %slice3A, %gt3A_12 : vector<3x1000x1xf32>
    %jit3A = arith.constant 1.000000e+00 : f32
    %broadcast_in_dim3A = vector.broadcast %jit3A : f32 to vector<3x1000x1xf32>
    %select_n3A = arith.select %gt3A_13, %slice3A, %broadcast_in_dim3A : vector<3x1000x1xi1>, vector<3x1000x1xf32>
    %div3A = vector.broadcast %select_n3A : vector<3x1000x1xf32> to vector<3x1000x128xf32>
    %div3A_14 = arith.divf %slice3A_11, %div3A : vector<3x1000x128xf32>
    %jit3A_15 = arith.constant 0.000000e+00 : f32
    %broadcast_in_dim3A_16 = vector.shape_cast %gt3A_13 : vector<3x1000x1xi1> to vector<3x1000x1xi1>
    %broadcast_in_dim3A_17 = vector.broadcast %broadcast_in_dim3A_16 : vector<3x1000x1xi1> to vector<3x1000x128xi1>
    %broadcast_in_dim3A_18 = vector.broadcast %jit3A_15 : f32 to vector<3x1000x128xf32>
    %select_n3A_19 = arith.select %broadcast_in_dim3A_17, %div3A_14, %broadcast_in_dim3A_18 : vector<3x1000x128xi1>, vector<3x1000x128xf32>
    %gt3A_20 = arith.constant 0.000000e+00 : f32
    %gt3A_21 = vector.broadcast %gt3A_20 : f32 to vector<3x1000x128xf32>
    %gt3A_22 = arith.cmpf ogt, %select_n3A_19, %gt3A_21 : vector<3x1000x128xf32>
    %exp3A = math.exp %select_n3A_19 : vector<3x1000x128xf32>
    %sub3A = arith.constant 1.000000e+00 : f32
    %sub3A_23 = vector.broadcast %sub3A : f32 to vector<3x1000x128xf32>
    %sub3A_24 = arith.subf %exp3A, %sub3A_23 : vector<3x1000x128xf32>
    %select_n3A_25 = arith.select %gt3A_22, %select_n3A_19, %sub3A_24 : vector<3x1000x128xi1>, vector<3x1000x128xf32>
    %slice3A_26 = vector.extract_strided_slice %select_n3A_25 {offsets = [0, 0, 0], sizes = [1, 1000, 128], strides = [1, 1, 1]} : vector<3x1000x128xf32> to vector<1x1000x128xf32>
    %squeeze3A = vector.shape_cast %slice3A_26 : vector<1x1000x128xf32> to vector<1000x128xf32>
    %swap3A = arith.constant 0 : index
    %swap3A_27 = arith.constant 0 : index
    %swap3A_28 = vector.load %arg2[%swap3A, %swap3A_27] : memref<1000x384xf32, #tpu.memory_space<vmem>>, vector<1000x128xf32>
    tpu.vector_store %arg2[%swap3A, %swap3A_27], %squeeze3A {strides = array<i32>} : memref<1000x384xf32, #tpu.memory_space<vmem>>, vector<1000x128xf32>,
    %slice3A_29 = vector.extract_strided_slice %select_n3A_25 {offsets = [1, 0, 0], sizes = [1, 1000, 128], strides = [1, 1, 1]} : vector<3x1000x128xf32> to vector<1x1000x128xf32>
    %squeeze3A_30 = vector.shape_cast %slice3A_29 : vector<1x1000x128xf32> to vector<1000x128xf32>
    %swap3A_31 = arith.constant 0 : index
    %swap3A_32 = arith.constant 128 : index
    %swap3A_33 = vector.load %arg2[%swap3A_31, %swap3A_32] : memref<1000x384xf32, #tpu.memory_space<vmem>>, vector<1000x128xf32>
    tpu.vector_store %arg2[%swap3A_31, %swap3A_32], %squeeze3A_30 {strides = array<i32>} : memref<1000x384xf32, #tpu.memory_space<vmem>>, vector<1000x128xf32>,
    %slice3A_34 = vector.extract_strided_slice %select_n3A_25 {offsets = [2, 0, 0], sizes = [1, 1000, 128], strides = [1, 1, 1]} : vector<3x1000x128xf32> to vector<1x1000x128xf32>
    %squeeze3A_35 = vector.shape_cast %slice3A_34 : vector<1x1000x128xf32> to vector<1000x128xf32>
    %swap3A_36 = arith.constant 0 : index
    %swap3A_37 = arith.constant 256 : index
    %swap3A_38 = vector.load %arg2[%swap3A_36, %swap3A_37] : memref<1000x384xf32, #tpu.memory_space<vmem>>, vector<1000x128xf32>
    tpu.vector_store %arg2[%swap3A_36, %swap3A_37], %squeeze3A_35 {strides = array<i32>} : memref<1000x384xf32, #tpu.memory_space<vmem>>, vector<1000x128xf32>,
    return
  }
  func.func @transform_0(%arg0: i32) -> (i32, i32, i32, i32) {
    %c0_i32 = arith.constant 0 : i32
    %c0_i32_0 = arith.constant 0 : i32
    %c0_i32_1 = arith.constant 0 : i32
    %c0_i32_2 = arith.constant 0 : i32
    return %c0_i32, %c0_i32_0, %arg0, %c0_i32_1 : i32, i32, i32, i32
  }
  func.func @transform_1(%arg0: i32) -> (i32, i32) {
    %c0_i32 = arith.constant 0 : i32
    %c0_i32_0 = arith.constant 0 : i32
    return %arg0, %c0_i32 : i32, i32
  }
}

</mosaic_0001>

<sc_bundles>
// kernel: kernel.5.cloned.1.call-start
scs
__scs_entry_jumppad:
0x0: {  	(pc) =	sbr.rel $0x88, $3  }
0x1: {  	(tag) =	ssettag $0x0;
	lr =	simm.s32 $0x1  }
0x2: {  	[smem:$0x3F9C] =	sst lr;
	_ =	strace $0xD0000000  }
0x3: {  	_ = 	snop  }
0x4: {  	_ = 	snop  }
0x5: {  	_ = 	snop  }
0x6: {  	_ = 	snop  }
0x7: {  	_ = 	snop  }
__scs_overlays_trampoline_lowered:
0x8: {  	[smem:$0x3FAB] =	sst s0  }
0x9: {  	[smem:$0x3FAC] =	sst s1  }
0xa: {  	[smem:$0x3FAD] =	sst s2  }
0xb: {  	[smem:$0x3FAE] =	sst s3  }
0xc: {  	[smem:$0x3FAF] =	sst s4  }
0xd: {  	[smem:$0x3FB0] =	sst s5  }
0xe: {  	[smem:$0x3FB1] =	sst s6  }
0xf: {  	[smem:$0x3FB2] =	sst s7  }
0x10: {  	[smem:$0x3FB3] =	sst s8  }
0x11: {  	[smem:$0x3FB4] =	sst s9;
	s0 =	simm.s32 @!p0 $0x0  }
0x12: {  	s1 =	sld [smem:$0x3F9A];
	s0 =	simm.s32 @p0 $0x1  }
0x13: {  	[smem:$0x3FB5] =	sst s0;
	s0 =	simm.s32 @!p1 $0x0  }
0x14: {  	s2 =	sld [smem:$0x3F99];
	s0 =	simm.s32 @p1 $0x1  }
0x15: {  	[smem:$0x3FB6] =	sst s0;
	s0 =	simm.s32 @!p2 $0x0  }
0x16: {  	s3 =	sld [smem:$0x3FDB];
	s0 =	simm.s32 @p2 $0x1  }
0x17: {  	s4 =	simm.s32 $0x1BF5;
	[smem:$0x3FB8] =	sst s0  }
0x18: {  	s0 =	sld [smem:$0x3F9B];
	_ =	swait.ge [sflag:s4], $0x0  }
0x19: {  	s7 =	sld [smem:$0x3F9C]  }
0x1a: {  	s8 =	sadd.s32 $0xFFFFE003, lr  }
0x1b: {  	s9 =	sadd.s32 $0xFFFFFEF7, lr;
	s5 =	simm.s32 $0xFFFFFFFF;
	p2 =	slt.u32 s8, $0xFFFFF086  }
0x1c: {  	p1 =	slt.u32 s9, $0xF7A;
	s5 =	simm.s32 @!p2 $0x0  }
0x1d: {  	s5 =	simm.s32 @p1 $0x1;
	p0 =	seq.s32 s7, s2  }
0x1e: {  	s7 =	smul.u32 @!p0 $0xF7A, s2;
	p2 =	seq.s32 @!p0 s5, $0x0  }
0x1f: {  	s9 =	smul.u32 $0xF7A, s1;
	s8 =	simm.s32 @!p0 $0x1BF5;
	p2 =	por !p2, p0  }
0x20: {  	[sflag:s8] =	ssyncset.s32 @!p0 $0xFFFFF086;
	s6 =	sadd.s32 @!p0 s3, s7;
	s7 =	simm.s32 @!p0 $0x108  }
0x21: {  	s3 =	sadd.s32 s3, s9;
	s6 =	sadd.s32 @!p0 $0x88, s6;
	s7 =	simm.s32 @p2 $0x1082  }
0x22: {  	[simem:s7], [sflag:s8] =	dma.local @!p0 [hbm:s6], $0xF7A  }
0x23: {  	s9 =	sor.u32 $0xD0000000, s2;
	s6 =	simm.s32 $0x108;
	_ =	swait.ge @!p0 [sflag:s8], $0x0  }
0x24: {  	s3 =	sadd.s32 $0x88, s3;
	s6 =	simm.s32 @!p1 $0x1082;
	[sflag:s4] =	ssyncset.s32 $0xFFFFF086  }
0x25: {  	[simem:s6], [sflag:s4] =	dma.local [hbm:s3], $0xF7A  }
0x26: {  	[smem:$0x3F9C] =	sst s1;
	(tag) =	ssettag s2;
	_ =	strace s9  }
0x27: {  	s1 =	sld [smem:$0x3FAC]  }
0x28: {  	s2 =	sld [smem:$0x3FAD]  }
0x29: {  	s4 =	sld [smem:$0x3FAF]  }
0x2a: {  	p0 =	seq.s32 s5, $0x0;
	s5 =	sld [smem:$0x3FB0]  }
0x2b: {  	s6 =	sld [smem:$0x3FB1]  }
0x2c: {  	s7 =	sld [smem:$0x3FB2]  }
0x2d: {  	s3 =	simm.s32 $0x108;
	s8 =	sld [smem:$0x3FB3]  }
0x2e: {  	s3 =	simm.s32 @!p0 $0x1082;
	s9 =	sld [smem:$0x3FB4]  }
0x2f: {  	lr =	sadd.s32 s0, s3;
	s0 =	sld [smem:$0x3FAB]  }
0x30: {  	s3 =	sld [smem:$0x3FAE]  }
0x31: {  	[smem:$0x3FB7] =	sst s10  }
0x32: {  	s10 =	sld [smem:$0x3FB5];
	_ =	sdelay $0x3  }
0x33: {  	p0 =	seq.s32 s10, $0x1;
	s10 =	sld [smem:$0x3FB7];
	_ =	sdelay $0x3  }
0x34: {  	[smem:$0x3FB7] =	sst s10  }
0x35: {  	s10 =	sld [smem:$0x3FB6];
	_ =	sdelay $0x3  }
0x36: {  	p1 =	seq.s32 s10, $0x1;
	s10 =	sld [smem:$0x3FB7];
	_ =	sdelay $0x3  }
0x37: {  	[smem:$0x3FB7] =	sst s10  }
0x38: {  	s10 =	sld [smem:$0x3FB8]  }
0x39: {  	_ = 	snop;
	(pc) =	sbr.ind lr, $3  }
0x3a: {  	_ = 	snop  }
0x3b: {  	_ = 	snop  }
0x3c: {  	p2 =	seq.s32 s10, $0x1;
	s10 =	sld [smem:$0x3FB7]  }
0x3d: {  	_ =	shalt  }
0x3e: {  	_ =	shalt  }
0x3f: {  	_ =	shalt  }
0x40: {  	_ =	shalt  }
0x41: {  	_ =	shalt  }
0x42: {  	_ =	shalt  }
0x43: {  	_ =	shalt  }
0x44: {  	_ =	shalt  }
0x45: {  	_ =	shalt  }
0x46: {  	_ =	shalt  }
0x47: {  	_ =	shalt  }
0x48: {  	_ =	shalt  }
0x49: {  	_ =	shalt  }
0x4a: {  	_ =	shalt  }
0x4b: {  	_ =	shalt  }
0x4c: {  	_ =	shalt  }
0x4d: {  	_ =	shalt  }
0x4e: {  	_ =	shalt  }
0x4f: {  	_ =	shalt  }
0x50: {  	_ =	shalt  }
0x51: {  	_ =	shalt  }
0x52: {  	_ =	shalt  }
0x53: {  	_ =	shalt  }
0x54: {  	_ =	shalt  }
0x55: {  	_ =	shalt  }
0x56: {  	_ =	shalt  }
0x57: {  	_ =	shalt  }
0x58: {  	_ =	shalt  }
0x59: {  	_ =	shalt  }
0x5a: {  	_ =	shalt  }
0x5b: {  	_ =	shalt  }
0x5c: {  	_ =	shalt  }
0x5d: {  	_ =	shalt  }
0x5e: {  	_ =	shalt  }
0x5f: {  	_ =	shalt  }
0x60: {  	_ =	shalt  }
0x61: {  	_ =	shalt  }
0x62: {  	_ =	shalt  }
0x63: {  	_ =	shalt  }
0x64: {  	_ =	shalt  }
0x65: {  	_ =	shalt  }
0x66: {  	_ =	shalt  }
0x67: {  	_ =	shalt  }
0x68: {  	_ =	shalt  }
0x69: {  	_ =	shalt  }
0x6a: {  	_ =	shalt  }
0x6b: {  	_ =	shalt  }
0x6c: {  	_ =	shalt  }
0x6d: {  	_ =	shalt  }
0x6e: {  	_ =	shalt  }
0x6f: {  	_ =	shalt  }
0x70: {  	_ =	shalt  }
0x71: {  	_ =	shalt  }
0x72: {  	_ =	shalt  }
0x73: {  	_ =	shalt  }
0x74: {  	_ =	shalt  }
0x75: {  	_ =	shalt  }
0x76: {  	_ =	shalt  }
0x77: {  	_ =	shalt  }
0x78: {  	_ =	shalt  }
0x79: {  	_ =	shalt  }
0x7a: {  	_ =	shalt  }
0x7b: {  	_ =	shalt  }
0x7c: {  	_ =	shalt  }
0x7d: {  	_ =	shalt  }
0x7e: {  	_ =	shalt  }
0x7f: {  	_ =	shalt  }
0x80: {  	_ =	shalt  }
0x81: {  	_ =	shalt  }
0x82: {  	_ =	shalt  }
0x83: {  	_ =	shalt  }
0x84: {  	_ =	shalt  }
0x85: {  	_ =	shalt  }
0x86: {  	_ =	shalt  }
0x87: {  	_ =	shalt  }
.Lfunc_end0:
.L_simem_size_0:
called_computation_lowered:
.L_overlay_start_0:
0x88: {  	s2 =	sld [smem:$0x3FD9]  }
0x89: {  	s3 =	sld [smem:$0x3FFE];
	_ =	sdelay $0x1  }
0x8a: {  	s1 =	srdreg.scid  }
0x8b: {  	s0 =	sand.u32 $0x1, s1  }
0x8c: {  	s17 =	sshll.u32 s0, $0xA;
	s2 =	sadd.s32 s3, s2  }
0x8d: {  	s2 =	sadd.s32 s2, s17  }
0x8e: {  	[smem:$0x3FC3] =	sst s2  }
0x8f: {  	_ = 	snop  }
0x90: {  	s2 =	sld [smem:$0x3FD0];
	(tm) =	ssettm $0x1  }
0x91: {  	s18 =	sld [smem:$0x3FFB];
	_ =	sdelay $0x3  }
0x92: {  	_ =	strace s18  }
0x93: {  	s3 =	sld [smem:$0x3FFC];
	_ =	sdelay $0x3  }
0x94: {  	_ =	strace s3  }
0x95: {  	s3 =	sld [smem:$0x3FFD];
	_ =	sdelay $0x3  }
0x96: {  	_ =	strace s3  }
0x97: {  	_ =	strace $0x8FFFFFFF  }
0x98: {  	s19 =	sld [smem:$0x3FDB];
	_ =	sdelay $0x1  }
0x99: {  	s4 =	simm.s32 $_scs_section_size  }
0x9a: {  	s5 =	simm.s32 $_size__tile_overlayer_lowered;
	s6 =	simm.s32 $_tile_overlayer_lowered  }
0x9b: {  	s22 =	simm.s32 $0x1BFF;
	s21 =	sshll.u32 s6, $0x1;
	s3 =	sadd.s32 s4, s19  }
0x9c: {  	s7 =	simm.s32 $0x0;
	s20 =	sshll.u32 s5, $0x1;
	s5 =	sadd.s32 s21, s3  }
0x9d: {  	[timem:s7], [sflag:s22] =	dma.local [hbm:s5], s20  }
0x9e: {  	_ =	swait.ge [sflag:s22], s20  }
0x9f: {  	s4 =	ssub.s32 $0x0, s20;
	[sflag:s22] =	ssyncset.done $0x0  }
0xa0: {  	[sflag:s22] =	ssyncadd.s32 s4;
	_ =	sdelay $0x1  }
0xa1: {  	s23 =	simm.s32 $0x1B8B  }
0xa2: {  	_ =	swait.ge [sflag:s23], $0x1  }
0xa3: {  	[sflag:s23] =	ssyncset.done $0x0  }
0xa4: {  	s25 =	simm.s32 $0x1B8E;
	s24 =	sld [smem:$0x3FFE];
	[sflag:s23] =	ssyncadd.s32 $0xFFFFFFFF  }
0xa5: {  	s26 =	simm.s32 $execute0_lowered;
	[smem:$0x3FD2] =	sst s25  }
0xa6: {  	s5 =	sshll.u32 s26, $0x1;
	_ =	strace $0x80000046;
	[dreg:$0x1] =	wrdreg $0xFFFFFFFF  }
0xa7: {  	s28 =	simm.s32 $_size_execute0_lowered;
	s3 =	sadd.s32 s3, s5;
	[dreg:$0x0] =	wrdreg $0x0  }
0xa8: {  	s5 =	sshll.u32 s28, $0x1;
	[dreg:$0x2] =	wrdreg s3  }
0xa9: {  	[dreg:$0x3] =	wrdreg s5  }
0xaa: {  	[dreg:$0x4] =	wrdreg $0xC0  }
0xab: {  	_ =	task [dreg:s7], $0x5FFFF  }
0xac: {  	[dreg:$0x1] =	wrdreg $0xFFFFFFFF  }
0xad: {  	[dreg:$0x0] =	wrdreg $0x60  }
0xae: {  	[dreg:$0x2] =	wrdreg s24  }
0xaf: {  	[dreg:$0x3] =	wrdreg s2  }
0xb0: {  	[dreg:$0x4] =	wrdreg $0x25A00  }
0xb1: {  	[dreg:$0x5] =	wrdreg $0x9  }
0xb2: {  	_ =	task.clear_ibuf [dreg:s7], $0x6FFFF;
	_ =	strace $0x90000046  }
0xb3: {  	s29 =	simm.s32 $0x9;
	_ =	strace $0x80000048  }
0xb4: {  	_ =	swait.ge [sflag:s29], $0x1  }
0xb5: {  	[sflag:s29] =	ssyncadd.s32 $0xFFFFFFFF  }
0xb6: {  	_ =	strace $0x90000048  }
0xb7: {  	_ =	sfence  }
0xb8: {  	s30 =	sld [smem:$0x0];
	_ =	sdelay $0x2  }
0xb9: {  	s31 =	sshll.u32 s1, $0xD;
	s1 =	sshrl.u32 s1, $0x2  }
0xba: {  	s3 =	sand.u32 $0x4000, s31;
	s1 =	sadd.s32 s1, s30  }
0xbb: {  	s0 =	sor.u32 s3, s0;
	s1 =	sshll.u32 s1, $0x11  }
0xbc: {  	s0 =	sor.u32 s1, s0  }
0xbd: {  	s0 =	sadd.s32 $0x8F2B, s0  }
0xbe: {  	[sflag:s0] =	ssyncadd.remote.s32 $0x1  }
0xbf: {  	_ =	sfence.sel $0xFFFF  }
0xc0: {  	[dreg:$0x0] =	wrdreg $0xFFFFFFFF;
	(pc) =	sbr.abs _section_cstart, $3  }
0xc1: {  	[dreg:$0x1] =	wrdreg $0xFFFFFFFF  }
0xc2: {  	_ =	task.clear_ibuf [dreg:s7], $0x2FFFF;
	_ =	strace $0x9FFFFFFF  }
0xc3: {  	(tm) =	ssettm $0x7FFFFFFF  }
tec
execute0_lowered:
.L_overlay_start_1:
0x0: {  	(tag) =	ssettag $0x1  }
0x1: {  	s0 =	rddreg [dreg:$0x0]  }
0x2: {  	s2 =	rddreg [dreg:$0x1]  }
0x3: {  	s1 =	srdreg.scid;
	s11 =	stileid.u32  }
0x4: {  	s3 =	rddreg [dreg:$0x2];
	s4 =	smul.u32 $0x16800, s11  }
0x5: {  	s12 =	simm.s32 $0x0;
	s1 =	sand.u32 $0x1, s1;
	s9 =	smul.u32 $0x5A000, s11  }
0x6: {  	[smem:$0x7FF] =	sst s12;
	s6 =	smul.u32 $0x438000, s1  }
0x7: {  	s21 =	ssub.s32 $0x2, s1;
	s1 =	sshll.u32 s1, $0x4;
	s9 =	sshrl.u32 s9, $0x2  }
0x8: {  	s22 =	sor.u32 s11, s1;
	s23 =	sadd.s32 s4, s3;
	s1 =	sadd.s32 s9, s3  }
0x9: {  	_ =	strace $0x80000047;
	[dreg:$0x5] =	wrdreg s23;
	s24 =	sadd.s32 $0x1200, s1  }
0xa: {  	s25 =	sadd.s32 $0x2400, s1;
	[dreg:$0x6] =	wrdreg s24  }
0xb: {  	s26 =	sadd.s32 $0x3600, s1;
	[dreg:$0x7] =	wrdreg s25  }
0xc: {  	s28 =	sadd.s32 $0x4800, s1;
	[dreg:$0x8] =	wrdreg s26  }
0xd: {  	s29 =	sadd.s32 $0x5A00, s1;
	[dreg:$0x9] =	wrdreg s28  }
0xe: {  	s30 =	sadd.s32 $0x6C00, s1;
	[dreg:$0xa] =	wrdreg s29  }
0xf: {  	s31 =	sadd.s32 $0x7E00, s1;
	[dreg:$0xb] =	wrdreg s30  }
0x10: {  	s7 =	sadd.s32 s4, s6;
	s4 =	sadd.s32 $0x9000, s1;
	[dreg:$0xc] =	wrdreg s31  }
0x11: {  	s11 =	sadd.s32 $0xA200, s1;
	[dreg:$0xd] =	wrdreg s4  }
0x12: {  	s13 =	sadd.s32 $0xB400, s1;
	[dreg:$0xe] =	wrdreg s11  }
0x13: {  	s14 =	sadd.s32 $0xC600, s1;
	[dreg:$0xf] =	wrdreg s13  }
0x14: {  	s5 =	sadd.s32 $0xF5000, s0;
	s15 =	sadd.s32 $0xD800, s1;
	[dreg:$0x10] =	wrdreg s14  }
0x15: {  	s10 =	sshrl.u32 s21, $0x1;
	s16 =	sadd.s32 $0xEA00, s1;
	[dreg:$0x11] =	wrdreg s15  }
0x16: {  	s6 =	sadd.s32 $0xC00, s0;
	s17 =	sadd.s32 $0xFC00, s1;
	[dreg:$0x12] =	wrdreg s16  }
0x17: {  	s10 =	ssub.s32 s21, s10;
	s18 =	sadd.s32 $0x10E00, s1;
	[dreg:$0x13] =	wrdreg s17  }
0x18: {  	s9 =	smul.u32 $0x2740, s22;
	s19 =	sadd.s32 $0x12000, s1;
	[dreg:$0x14] =	wrdreg s18  }
0x19: {  	s8 =	sshrl.u32 s7, $0x3;
	s20 =	sadd.s32 $0x13200, s1;
	[dreg:$0x15] =	wrdreg s19  }
0x1a: {  	s7 =	sadd.s32 $0xAA00, s0;
	s21 =	sadd.s32 $0x14400, s1;
	[dreg:$0x16] =	wrdreg s20  }
0x1b: {  	s1 =	sadd.s32 $0x15600, s1;
	s8 =	sadd.s32 s8, s0;
	[dreg:$0x17] =	wrdreg s21  }
0x1c: {  	s22 =	sshrl.u32 s9, $0x3;
	[dreg:$0x18] =	wrdreg s1;
	s31 =	smax.u32 s10, $0x1  }
0x1d: {  	s10 =	simm.s32 $0xC0;
	s11 =	simm.s32 $0xA;
	s13 =	simm.s32 $0x20  }
0x1e: {  	s14 =	simm.s32 $0x2;
	s15 =	simm.s32 $0x2500;
	s16 =	simm.s32 $0x12C0  }
0x1f: {  	s17 =	simm.s32 $0x2580;
	s18 =	simm.s32 $0x2540;
	s19 =	simm.s32 $0x3  }
0x20: {  	s20 =	simm.s32 $0x5;
	s23 =	sadd.s32 s2, s22;
	[smem:$0x7FD] =	sst s31  }
0x21: {  	s21 =	simm.s32 $0x24C0;
	s0 =	sadd.s32 s6, s22;
	[dreg:$0x19] =	wrdreg s23  }
0x22: {  	s24 =	sor.u32 $0x4, s22;
	s28 =	sadd.s32 $0x178E00, s8;
	[dreg:$0x1a] =	wrdreg s0  }
0x23: {  	s29 =	sadd.s32 $0x1A5E00, s8;
	s30 =	sadd.s32 $0x1D2E00, s8;
	[dreg:$0x1d] =	wrdreg s28  }
0x24: {  	v0 =	vlaneseq.u32;
	s22 =	simm.s32 $0x80;
	s25 =	sadd.s32 s2, s24;
	[dreg:$0x1e] =	wrdreg s29  }
0x25: {  	v2 =	vmul.u32 $0x90, v0;
	s26 =	sadd.s32 s6, s24;
	s0 =	sadd.s32 $0x40, s9;
	[dreg:$0x1f] =	wrdreg s30  }
0x26: {  	s9 =	sadd.s32 $0x60, s9;
	s23 =	simm.s32 $0x4;
	[dreg:$0x1b] =	wrdreg s25  }
0x27: {  	v0 =	vimm.f32 $0.0e+00;
	v1 =	vadd.s32 $0x81, v2;
	v2 =	vadd.s32 $0x981, v2;
	s24 =	simm.s32 $0x6;
	[dreg:$0x1c] =	wrdreg s26;
	s25 =	simm.s32 $0xA0  }
.LBB2_1:
0x28: {  	[dreg:$0x4] =	wrdreg s12;
	s1 =	simm.s32 $0x0;
	s8 =	simm.s32 $0x240  }
.LBB2_2:
0x29: {  	p0 =	sne.s32 s8, $0x45C0;
	[tilespmem:s1+$0x140] =	vst v0  }
0x2a: {  	[tilespmem:s1+$0xC0] =	vst v0  }
0x2b: {  	[tilespmem:s1+$0xD0] =	vst v0  }
0x2c: {  	[tilespmem:s1+$0xE0] =	vst v0  }
.Ltmp0:
0x2d: {  	[tilespmem:s1+$0xF0] =	vst v0;
	(pc) =	sbr.rel @p0 .LBB2_2-.Ltmp0, $4  }
0x2e: {  	[tilespmem:s1+$0x100] =	vst v0  }
0x2f: {  	[tilespmem:s1+$0x110] =	vst v0  }
0x30: {  	[tilespmem:s1+$0x120] =	vst v0  }
0x31: {  	[tilespmem:s1+$0x130] =	vst v0;
	s1 =	sshra.s32 s8, $0x2;
	s8 =	sadd.s32 $0x240, s8  }
0x32: {  	[tilespmem:s1+$0x140] =	vst v0  }
0x33: {  	[tilespmem:s1+$0xC0] =	vst v0  }
0x34: {  	[tilespmem:s1+$0xD0] =	vst v0  }
0x35: {  	[tilespmem:s1+$0xE0] =	vst v0  }
0x36: {  	[tilespmem:s1+$0xF0] =	vst v0  }
0x37: {  	[tilespmem:s1+$0x100] =	vst v0  }
0x38: {  	[tilespmem:s1+$0x110] =	vst v0  }
0x39: {  	[tilespmem:s1+$0x120] =	vst v0  }
0x3a: {  	[tilespmem:s1+$0x130] =	vst v0;
	s26 =	rddreg [dreg:$0x5]  }
0x3b: {  	[spmem:s26] =	stream.linear.scatter [tilespmem:s10], [sflag:$0xA], $0x1200, $0x38;
	[tilespmem:$0x18DA0] =	vst v63  }
0x3c: {  	_ =	swait.ge [sflag:s11], $0x1200  }
0x3d: {  	[sflag:s11] =	ssyncset.done $0x0  }
0x3e: {  	s28 =	rddreg [dreg:$0x6];
	[sflag:s11] =	ssyncadd.s32 $0xFFFFEE00  }
0x3f: {  	[spmem:s28] =	stream.linear.scatter [tilespmem:s10], [sflag:$0xA], $0x1200, $0x38;
	[tilespmem:$0x18DA0] =	vst v63  }
0x40: {  	_ =	swait.ge [sflag:s11], $0x1200  }
0x41: {  	[sflag:s11] =	ssyncset.done $0x0  }
0x42: {  	s29 =	rddreg [dreg:$0x7];
	[sflag:s11] =	ssyncadd.s32 $0xFFFFEE00  }
0x43: {  	[spmem:s29] =	stream.linear.scatter [tilespmem:s10], [sflag:$0xA], $0x1200, $0x38;
	[tilespmem:$0x18DA0] =	vst v63  }
0x44: {  	_ =	swait.ge [sflag:s11], $0x1200  }
0x45: {  	[sflag:s11] =	ssyncset.done $0x0  }
0x46: {  	s30 =	rddreg [dreg:$0x8];
	[sflag:s11] =	ssyncadd.s32 $0xFFFFEE00  }
0x47: {  	[spmem:s30] =	stream.linear.scatter [tilespmem:s10], [sflag:$0xA], $0x1200, $0x38;
	[tilespmem:$0x18DA0] =	vst v63  }
0x48: {  	_ =	swait.ge [sflag:s11], $0x1200  }
0x49: {  	[sflag:s11] =	ssyncset.done $0x0  }
0x4a: {  	s31 =	rddreg [dreg:$0x9];
	[sflag:s11] =	ssyncadd.s32 $0xFFFFEE00  }
0x4b: {  	[spmem:s31] =	stream.linear.scatter [tilespmem:s10], [sflag:$0xA], $0x1200, $0x38;
	[tilespmem:$0x18DA0] =	vst v63  }
0x4c: {  	_ =	swait.ge [sflag:s11], $0x1200  }
0x4d: {  	[sflag:s11] =	ssyncset.done $0x0  }
0x4e: {  	s4 =	rddreg [dreg:$0xa];
	[sflag:s11] =	ssyncadd.s32 $0xFFFFEE00  }
0x4f: {  	[spmem:s4] =	stream.linear.scatter [tilespmem:s10], [sflag:$0xA], $0x1200, $0x38;
	[tilespmem:$0x18DA0] =	vst v63  }
0x50: {  	_ =	swait.ge [sflag:s11], $0x1200  }
0x51: {  	[sflag:s11] =	ssyncset.done $0x0  }
0x52: {  	s8 =	rddreg [dreg:$0xb];
	[sflag:s11] =	ssyncadd.s32 $0xFFFFEE00  }
0x53: {  	[spmem:s8] =	stream.linear.scatter [tilespmem:s10], [sflag:$0xA], $0x1200, $0x38;
	[tilespmem:$0x18DA0] =	vst v63  }
0x54: {  	_ =	swait.ge [sflag:s11], $0x1200  }
0x55: {  	[sflag:s11] =	ssyncset.done $0x0  }
0x56: {  	s12 =	rddreg [dreg:$0xc];
	[sflag:s11] =	ssyncadd.s32 $0xFFFFEE00  }
0x57: {  	[spmem:s12] =	stream.linear.scatter [tilespmem:s10], [sflag:$0xA], $0x1200, $0x38;
	[tilespmem:$0x18DA0] =	vst v63  }
0x58: {  	_ =	swait.ge [sflag:s11], $0x1200  }
0x59: {  	[sflag:s11] =	ssyncset.done $0x0  }
0x5a: {  	s26 =	rddreg [dreg:$0xd];
	[sflag:s11] =	ssyncadd.s32 $0xFFFFEE00  }
0x5b: {  	[spmem:s26] =	stream.linear.scatter [tilespmem:s10], [sflag:$0xA], $0x1200, $0x38;
	[tilespmem:$0x18DA0] =	vst v63  }
0x5c: {  	_ =	swait.ge [sflag:s11], $0x1200  }
0x5d: {  	[sflag:s11] =	ssyncset.done $0x0  }
0x5e: {  	s28 =	rddreg [dreg:$0xe];
	[sflag:s11] =	ssyncadd.s32 $0xFFFFEE00  }
0x5f: {  	[spmem:s28] =	stream.linear.scatter [tilespmem:s10], [sflag:$0xA], $0x1200, $0x38;
	[tilespmem:$0x18DA0] =	vst v63  }
0x60: {  	_ =	swait.ge [sflag:s11], $0x1200  }
0x61: {  	[sflag:s11] =	ssyncset.done $0x0  }
0x62: {  	s29 =	rddreg [dreg:$0xf];
	[sflag:s11] =	ssyncadd.s32 $0xFFFFEE00  }
0x63: {  	[spmem:s29] =	stream.linear.scatter [tilespmem:s10], [sflag:$0xA], $0x1200, $0x38;
	[tilespmem:$0x18DA0] =	vst v63  }
0x64: {  	_ =	swait.ge [sflag:s11], $0x1200  }
0x65: {  	[sflag:s11] =	ssyncset.done $0x0  }
0x66: {  	s30 =	rddreg [dreg:$0x10];
	[sflag:s11] =	ssyncadd.s32 $0xFFFFEE00  }
0x67: {  	[spmem:s30] =	stream.linear.scatter [tilespmem:s10], [sflag:$0xA], $0x1200, $0x38;
	[tilespmem:$0x18DA0] =	vst v63  }
0x68: {  	_ =	swait.ge [sflag:s11], $0x1200  }
0x69: {  	[sflag:s11] =	ssyncset.done $0x0  }
0x6a: {  	s31 =	rddreg [dreg:$0x11];
	[sflag:s11] =	ssyncadd.s32 $0xFFFFEE00  }
0x6b: {  	[spmem:s31] =	stream.linear.scatter [tilespmem:s10], [sflag:$0xA], $0x1200, $0x38;
	[tilespmem:$0x18DA0] =	vst v63  }
0x6c: {  	_ =	swait.ge [sflag:s11], $0x1200  }
0x6d: {  	[sflag:s11] =	ssyncset.done $0x0  }
0x6e: {  	s4 =	rddreg [dreg:$0x12];
	[sflag:s11] =	ssyncadd.s32 $0xFFFFEE00  }
0x6f: {  	[spmem:s4] =	stream.linear.scatter [tilespmem:s10], [sflag:$0xA], $0x1200, $0x38;
	[tilespmem:$0x18DA0] =	vst v63  }
0x70: {  	_ =	swait.ge [sflag:s11], $0x1200  }
0x71: {  	[sflag:s11] =	ssyncset.done $0x0  }
0x72: {  	s8 =	rddreg [dreg:$0x13];
	[sflag:s11] =	ssyncadd.s32 $0xFFFFEE00  }
0x73: {  	[spmem:s8] =	stream.linear.scatter [tilespmem:s10], [sflag:$0xA], $0x1200, $0x38;
	[tilespmem:$0x18DA0] =	vst v63  }
0x74: {  	_ =	swait.ge [sflag:s11], $0x1200  }
0x75: {  	[sflag:s11] =	ssyncset.done $0x0  }
0x76: {  	s12 =	rddreg [dreg:$0x14];
	[sflag:s11] =	ssyncadd.s32 $0xFFFFEE00  }
0x77: {  	[spmem:s12] =	stream.linear.scatter [tilespmem:s10], [sflag:$0xA], $0x1200, $0x38;
	[tilespmem:$0x18DA0] =	vst v63  }
0x78: {  	_ =	swait.ge [sflag:s11], $0x1200  }
0x79: {  	[sflag:s11] =	ssyncset.done $0x0  }
0x7a: {  	s26 =	rddreg [dreg:$0x15];
	[sflag:s11] =	ssyncadd.s32 $0xFFFFEE00  }
0x7b: {  	[spmem:s26] =	stream.linear.scatter [tilespmem:s10], [sflag:$0xA], $0x1200, $0x38;
	[tilespmem:$0x18DA0] =	vst v63  }
0x7c: {  	_ =	swait.ge [sflag:s11], $0x1200  }
0x7d: {  	[sflag:s11] =	ssyncset.done $0x0  }
0x7e: {  	s28 =	rddreg [dreg:$0x16];
	[sflag:s11] =	ssyncadd.s32 $0xFFFFEE00  }
0x7f: {  	[spmem:s28] =	stream.linear.scatter [tilespmem:s10], [sflag:$0xA], $0x1200, $0x38;
	[tilespmem:$0x18DA0] =	vst v63  }
0x80: {  	_ =	swait.ge [sflag:s11], $0x1200  }
0x81: {  	[sflag:s11] =	ssyncset.done $0x0  }
0x82: {  	s29 =	rddreg [dreg:$0x17];
	[sflag:s11] =	ssyncadd.s32 $0xFFFFEE00  }
0x83: {  	[spmem:s29] =	stream.linear.scatter [tilespmem:s10], [sflag:$0xA], $0x1200, $0x38;
	[tilespmem:$0x18DA0] =	vst v63  }
0x84: {  	_ =	swait.ge [sflag:s11], $0x1200  }
0x85: {  	[sflag:s11] =	ssyncset.done $0x0  }
0x86: {  	s30 =	rddreg [dreg:$0x18];
	[sflag:s11] =	ssyncadd.s32 $0xFFFFEE00  }
0x87: {  	[spmem:s30] =	stream.linear.scatter [tilespmem:s10], [sflag:$0xA], $0x1200, $0x38;
	[tilespmem:$0x18DA0] =	vst v63  }
0x88: {  	_ =	swait.ge [sflag:s11], $0x1200  }
0x89: {  	[sflag:s11] =	ssyncset.done $0x0  }
0x8a: {  	[sflag:s11] =	ssyncadd.s32 $0xFFFFEE00  }
0x8b: {  	[bflag:$0x0] =	sbarrier.arrive $0xFFFF  }
0x8c: {  	s1 =	simm.s32 $0x0;
	s4 =	rddreg [dreg:$0x19]  }
0x8d: {  	[tilespmem:s1], [sflag:$0x1] =	stream.linear.gather [hbm4b:s4+s1], $0x20, $0x38;
	[tilespmem:$0x18DA0] =	vst v63  }
0x8e: {  	s8 =	simm.s32 $0x40;
	s31 =	rddreg [dreg:$0x1a]  }
0x8f: {  	[tilespmem:s8], [sflag:$0x1] =	stream.linear.gather [hbm4b:s31+s1], $0x20, $0x38;
	[tilespmem:$0x18DA0] =	vst v63  }
0x90: {  	s8 =	simm.s32 $0x1  }
0x91: {  	_ =	swait.ge [sflag:s8], $0x20  }
0x92: {  	[sflag:s8] =	ssyncset.done $0x0  }
0x93: {  	[sflag:s8] =	ssyncadd.s32 $0xFFFFFFE0  }
0x94: {  	_ =	swait.ge [sflag:s8], $0x20  }
0x95: {  	[sflag:s8] =	ssyncset.done $0x0  }
0x96: {  	[sflag:s8] =	ssyncadd.s32 $0xFFFFFFE0  }
0x97: {  	v4 =	vld [tilespmem:$0x0]  }
0x98: {  	v3 =	vld [tilespmem:$0x40]  }
0x99: {  	v6 =	vld [tilespmem:$0x10]  }
0x9a: {  	v5 =	vld [tilespmem:$0x50];
	_ =	sdelay $0x1  }
0x9b: {  	[tilespmem:$0x24E0] =	vst v4  }
0x9c: {  	[tilespmem:$0x80] =	vst v3  }
0x9d: {  	v7 =	vmul.u32 $0x3, v3;
	[tilespmem:$0x24F0] =	vst v6  }
0x9e: {  	v3 =	vmul.u32 $0x3, v5;
	[tilespmem:$0x90] =	vst v5  }
0x9f: {  	[tilespmem:$0x2560] =	vst v7  }
0xa0: {  	s12 =	simm.s32 $0x24E0;
	[tilespmem:$0x2570] =	vst v3  }
0xa1: {  	[tilespmem:s10], [sflag:$0x3] =	stream.indirect.gather [hbm4b:s5+s13], $0x90, s12, s13, $0xb8;
	[tilespmem:$0x18DA0] =	vst v63  }
0xa2: {  	s26 =	simm.s32 $0x2560;
	s28 =	simm.s32 $0x2520  }
0xa3: {  	[tilespmem:s28], [sflag:$0x5] =	stream.indirect.gather [hbm4b:s7+s13], $0x1, s26, s13, $0xb8;
	[tilespmem:$0x18DA0] =	vst v63  }
0xa4: {  	s29 =	rddreg [dreg:$0x1b]  }
0xa5: {  	[tilespmem:s13], [sflag:$0x2] =	stream.linear.gather [hbm4b:s29+s1], $0x20, $0x38;
	[tilespmem:$0x18DA0] =	vst v63  }
0xa6: {  	s31 =	simm.s32 $0x60;
	s30 =	rddreg [dreg:$0x1c];
	s8 =	simm.s32 $0x0  }
0xa7: {  	[tilespmem:s31], [sflag:$0x2] =	stream.linear.gather [hbm4b:s30+s1], $0x20, $0x38;
	[tilespmem:$0x18DA0] =	vst v63  }
.LBB2_4:
0xa8: {  	_ =	swait.ge [sflag:s14], $0x20  }
0xa9: {  	[sflag:s14] =	ssyncset.done $0x0  }
0xaa: {  	[sflag:s14] =	ssyncadd.s32 $0xFFFFFFE0  }
0xab: {  	_ =	swait.ge [sflag:s14], $0x20  }
0xac: {  	p0 =	seq.s32 s8, $0x0;
	[sflag:s14] =	ssyncset.done $0x0  }
0xad: {  	s4 =	simm.s32 @!p0 $0x8;
	[sflag:s14] =	ssyncadd.s32 $0xFFFFFFE0  }
0xae: {  	_ =	swait.ge @!p0 [sflag:s4], $0x1200  }
0xaf: {  	[sflag:s4] =	ssyncset.done @!p0 $0x0  }
0xb0: {  	[sflag:s4] =	ssyncadd.s32 @!p0 $0xFFFFEE00  }
0xb1: {  	v4 =	vld [tilespmem:$0x20]  }
0xb2: {  	v3 =	vld [tilespmem:$0x60]  }
0xb3: {  	v6 =	vld [tilespmem:$0x30]  }
0xb4: {  	v5 =	vld [tilespmem:$0x70];
	_ =	sdelay $0x1  }
0xb5: {  	[tilespmem:$0x2500] =	vst v4  }
0xb6: {  	[tilespmem:$0xA0] =	vst v3  }
0xb7: {  	v7 =	vmul.u32 $0x3, v3;
	[tilespmem:$0x2510] =	vst v6  }
0xb8: {  	v3 =	vmul.u32 $0x3, v5;
	[tilespmem:$0xB0] =	vst v5  }
0xb9: {  	s26 =	sshll.u32 s8, $0x6;
	p0 =	seq.s32 s8, $0x9C;
	[tilespmem:$0x2580] =	vst v7  }
0xba: {  	s4 =	sadd.s32 @!p0 s26, s0;
	[tilespmem:$0x2590] =	vst v3  }
0xbb: {  	[tilespmem:s16], [sflag:$0x4] =	stream.indirect.gather [hbm4b:s5+s13], $0x90, s15, s13, $0xb8;
	[tilespmem:$0x18DA0] =	vst v63  }
0xbc: {  	s4 =	sshrl.u32 @!p0 s4, $0x3  }
0xbd: {  	[tilespmem:s18], [sflag:$0x6] =	stream.indirect.gather [hbm4b:s7+s13], $0x1, s17, s13, $0xb8;
	[tilespmem:$0x18DA0] =	vst v63  }
0xbe: {  	s29 =	simm.s32 @!p0 $0x0;
	s28 =	sadd.s32 @!p0 s2, s4  }
0xbf: {  	[tilespmem:s29], [sflag:$0x1] =	stream.linear.gather @!p0 [hbm4b:s28+s29], $0x20, $0x38;
	[tilespmem:$0x18DA0] =	vst v63  }
0xc0: {  	s4 =	sadd.s32 @!p0 s6, s4;
	s28 =	simm.s32 @!p0 $0x40  }
0xc1: {  	[tilespmem:s28], [sflag:$0x1] =	stream.linear.gather @!p0 [hbm4b:s4+s29], $0x20, $0x38;
	[tilespmem:$0x18DA0] =	vst v63  }
0xc2: {  	_ =	swait.ge [sflag:s19], $0x1200  }
0xc3: {  	[sflag:s19] =	ssyncset.done $0x0  }
0xc4: {  	[sflag:s19] =	ssyncadd.s32 $0xFFFFEE00  }
0xc5: {  	_ =	swait.ge [sflag:s20], $0x20  }
0xc6: {  	[sflag:s20] =	ssyncset.done $0x0  }
0xc7: {  	[sflag:s20] =	ssyncadd.s32 $0xFFFFFFE0  }
0xc8: {  	v3 =	vld.idx.msk [tilespmem:v1+s10+$0x0], $0xffff  }
0xc9: {  	v4 =	vld [tilespmem:$0x2520];
	_ =	sdelay $0x4  }
0xca: {  	v3 =	vadd.f32 v4, v3;
	_ =	sdelay $0x1  }
0xcb: {  	v4 =	vmul.f32 $2.000000030e-01, v3  }
0xcc: {  	vm0 =	vge.f32 v3, $0.0e+00  }
0xcd: {  	v3 =	vsel vm0, v3, v4  }
0xce: {  	v3 =	vmul.f32 $1.442695020e+00, v3;
	_ =	sdelay $0x1  }
0xcf: {  	(erf) = vpow2.f32 v3;
	_ =	sdelay $0x8  }
0xd0: {  	v3 =	vpop (erf)  }
0xd1: {  	v4 =	vld [tilespmem:$0x2530];
	[tilespmem:$0x24C0] =	vst v3  }
0xd2: {  	v3 =	vld.idx.msk [tilespmem:v2+s10+$0x0], $0xffff;
	_ =	sdelay $0x4  }
0xd3: {  	v3 =	vadd.f32 v4, v3;
	_ =	sdelay $0x1  }
0xd4: {  	v4 =	vmul.f32 $2.000000030e-01, v3  }
0xd5: {  	vm15 =	vge.f32 v3, $0.0e+00  }
0xd6: {  	v3 =	vsel vm15, v3, v4  }
0xd7: {  	v3 =	vmul.f32 $1.442695020e+00, v3;
	_ =	sdelay $0x1  }
0xd8: {  	(erf) = vpow2.f32 v3;
	_ =	sdelay $0x3  }
0xd9: {  	s12 =	simm.s32 $0x2;
	v3 =	vmov s1  }
0xda: {  	v4 =	vmov s12;
	v3 =	vand.u32 $0xFFFFFFFC, v3  }
0xdb: {  	v4 =	vand.u32 $0xFFFFFFFE, v4;
	v3 =	vbroadcast v3, $0x0  }
0xdc: {  	v4 =	vbroadcast v4, $0x0  }
0xdd: {  	s12 =	sor.u32 $0x10, s26  }
0xde: {  	p1 =	slt.u32 s12, $0x2710;
	v5 =	vpop (erf)  }
0xdf: {  	v5 =	vpsel !p1, $0x0, v5  }
0xe0: {  	[tilespmem:$0x24D0] =	vst v5  }
0xe1: {  	v5 =	vld.idx.msk [tilespmem:v3+s21+$0x0], $0xffff  }
0xe2: {  	s30 =	simm.s32 $0x1E0;
	s12 =	simm.s32 $0x1;
	v3 =	vld.idx.msk [tilespmem:v4+s21+$0x0], $0xffff  }
0xe3: {  	v7 =	vmov s12;
	v4 =	vld [tilespmem:s30+$0x80]  }
0xe4: {  	v7 =	vand.u32 $0xFFFFFFFD, v7;
	v6 =	vld [tilespmem:s30+$0xFFFFFEE0]  }
0xe5: {  	v7 =	vbroadcast v7, $0x0;
	v8 =	vld [tilespmem:s30+$0xFFFFFEF0]  }
0xe6: {  	v9 =	vld [tilespmem:s30+$0xFFFFFF00]  }
0xe7: {  	v10 =	vld [tilespmem:s30+$0xFFFFFF10]  }
0xe8: {  	v11 =	vld [tilespmem:s30+$0xFFFFFF20]  }
0xe9: {  	v13 =	vld [tilespmem:s30+$0xFFFFFF40]  }
0xea: {  	v12 =	vld [tilespmem:s30+$0xFFFFFF30];
	v6 =	vmul.f32 v6, v5  }
0xeb: {  	v7 =	vld.idx.msk [tilespmem:v7+s21+$0x0], $0xffff;
	v8 =	vmul.f32 v8, v5  }
0xec: {  	v14 =	vld [tilespmem:s30+$0xFFFFFF70];
	v4 =	vmul.f32 v4, v3;
	[tilespmem:s30+$0xFFFFFEE0] =	vst v6  }
0xed: {  	v15 =	vld [tilespmem:s30+$0xFFFFFF80];
	v9 =	vmul.f32 v9, v5;
	[tilespmem:s30+$0xFFFFFEF0] =	vst v8  }
0xee: {  	v13 =	vmul.f32 v13, v5;
	v6 =	vld [tilespmem:s30+$0xFFFFFF50];
	[tilespmem:s30+$0x80] =	vst v4  }
0xef: {  	v8 =	vld [tilespmem:s30+$0xFFFFFF60];
	[tilespmem:s30+$0xFFFFFF00] =	vst v9;
	v9 =	vmul.f32 v11, v5  }
0xf0: {  	v4 =	vmul.f32 v10, v5;
	v10 =	vld [tilespmem:s30+$0xFFFFFF90];
	[tilespmem:s30+$0xFFFFFF40] =	vst v13  }
0xf1: {  	v11 =	vld [tilespmem:s30+$0xFFFFFFA0];
	[tilespmem:s30+$0xFFFFFF20] =	vst v9;
	v9 =	vmul.f32 v14, v7  }
0xf2: {  	v13 =	vld [tilespmem:s30+$0xFFFFFFE0];
	[tilespmem:s30+$0xFFFFFF10] =	vst v4;
	v4 =	vmul.f32 v12, v5  }
0xf3: {  	v12 =	vld [tilespmem:s30+$0xFFFFFFB0];
	[tilespmem:s30+$0xFFFFFF70] =	vst v9;
	v9 =	vmul.f32 v15, v7  }
0xf4: {  	v14 =	vld [tilespmem:s30+$0xFFFFFFC0];
	[tilespmem:s30+$0xFFFFFF30] =	vst v4;
	v6 =	vmul.f32 v6, v5  }
0xf5: {  	v4 =	vld [tilespmem:s30+$0xFFFFFFD0];
	v5 =	vmul.f32 v8, v5;
	[tilespmem:s30+$0xFFFFFF80] =	vst v9  }
0xf6: {  	v15 =	vld [tilespmem:s30+$0x60];
	[tilespmem:s30+$0xFFFFFF50] =	vst v6;
	v6 =	vmul.f32 v10, v7  }
0xf7: {  	v9 =	vld [tilespmem:s30+$0x0];
	[tilespmem:s30+$0xFFFFFF60] =	vst v5;
	v5 =	vmul.f32 v11, v7  }
0xf8: {  	s12 =	simm.s32 $0x3;
	v8 =	vld [tilespmem:s30+$0xFFFFFFF0];
	[tilespmem:s30+$0xFFFFFF90] =	vst v6;
	v6 =	vmul.f32 v12, v7  }
0xf9: {  	v10 =	vld [tilespmem:s30+$0x10];
	v11 =	vmov s12;
	[tilespmem:s30+$0xFFFFFFA0] =	vst v5;
	v5 =	vmul.f32 v14, v7  }
0xfa: {  	v12 =	vld [tilespmem:s30+$0x20];
	v4 =	vmul.f32 v4, v7;
	[tilespmem:s30+$0xFFFFFFB0] =	vst v6  }
0xfb: {  	v6 =	vld [tilespmem:s30+$0x30];
	[tilespmem:s30+$0xFFFFFFC0] =	vst v5;
	v5 =	vmul.f32 v13, v7  }
0xfc: {  	v13 =	vld [tilespmem:s30+$0x40];
	[tilespmem:s30+$0xFFFFFFD0] =	vst v4;
	v9 =	vmul.f32 v9, v3  }
0xfd: {  	v14 =	vld [tilespmem:s30+$0x50];
	v7 =	vmul.f32 v8, v7;
	[tilespmem:s30+$0xFFFFFFE0] =	vst v5  }
0xfe: {  	v4 =	vld.idx.msk [tilespmem:v11+s21+$0x0], $0xffff;
	v8 =	vmul.f32 v10, v3;
	[tilespmem:s30+$0x0] =	vst v9  }
0xff: {  	[tilespmem:s30+$0xFFFFFFF0] =	vst v7;
	v5 =	vld [tilespmem:s30+$0x70];
	v7 =	vmul.f32 v12, v3  }
0x100: {  	s12 =	simm.s32 $0x4;
	v10 =	vld [tilespmem:s30+$0x90];
	[tilespmem:s30+$0x10] =	vst v8;
	v8 =	vmul.f32 v6, v3  }
0x101: {  	s29 =	simm.s32 $0x5;
	v9 =	vld [tilespmem:s30+$0xA0];
	v6 =	vmov s12;
	[tilespmem:s30+$0x20] =	vst v7;
	v11 =	vmul.f32 v13, v3  }
0x102: {  	s31 =	simm.s32 $0x8;
	v12 =	vmul.f32 v14, v3;
	v14 =	vmov s29;
	s12 =	simm.s32 $0x7;
	v7 =	vand.u32 $0xFFFFFFFC, v6;
	[tilespmem:s30+$0x30] =	vst v8;
	v8 =	vld [tilespmem:s30+$0xB0]  }
0x103: {  	s28 =	sor.u32 $0x20, s26;
	s4 =	simm.s32 $0x6;
	s29 =	simm.s32 $0x1E0;
	v13 =	vmul.f32 v15, v3;
	v6 =	vmov s12;
	v7 =	vbroadcast v7, $0x0;
	[tilespmem:s30+$0x40] =	vst v11;
	v11 =	vld [tilespmem:s30+$0xC0]  }
.LBB2_5:
0x104: {  	p1 =	slt.u32 s31, $0x1C;
	v14 =	vand.u32 $0xFFFFFFFD, v14;
	v15 =	vmov s4;
	[tilespmem:s30+$0x50] =	vst v12;
	v3 =	vmul.f32 v5, v3;
	v5 =	vld [tilespmem:s30+$0xD0]  }
0x105: {  	v12 =	vbroadcast v14, $0x0;
	v14 =	vand.u32 $0xFFFFFFFE, v15;
	[tilespmem:s30+$0x60] =	vst v13;
	v10 =	vmul.f32 v10, v4;
	v13 =	vld [tilespmem:s30+$0xE0]  }
0x106: {  	v14 =	vbroadcast v14, $0x0;
	[tilespmem:s30+$0x70] =	vst v3;
	v3 =	vmul.f32 v9, v4;
	v9 =	vld [tilespmem:s30+$0xF0]  }
0x107: {  	[tilespmem:s30+$0x90] =	vst v10;
	v8 =	vmul.f32 v8, v4;
	v10 =	vld [tilespmem:s30+$0x100]  }
0x108: {  	[tilespmem:s30+$0xA0] =	vst v3;
	v3 =	vmul.f32 v11, v4;
	v11 =	vld [tilespmem:s30+$0x110]  }
0x109: {  	v6 =	vld.idx.msk [tilespmem:v6+s21+$0x0], $0xffff;
	[tilespmem:s30+$0xB0] =	vst v8;
	v5 =	vmul.f32 v5, v4  }
0x10a: {  	v7 =	vld.idx.msk [tilespmem:v7+s21+$0x0], $0xffff;
	[tilespmem:s30+$0xC0] =	vst v3;
	v8 =	vmul.f32 v13, v4  }
0x10b: {  	v12 =	vld.idx.msk [tilespmem:v12+s21+$0x0], $0xffff;
	[tilespmem:s30+$0xD0] =	vst v5;
	v5 =	vmul.f32 v9, v4  }
0x10c: {  	s30 =	sadd.s32 $0x240, s30;
	v3 =	vld.idx.msk [tilespmem:v14+s21+$0x0], $0xffff;
	[tilespmem:s29+$0xE0] =	vst v8;
	v8 =	vmul.f32 v10, v4  }
0x10d: {  	v9 =	vld [tilespmem:s30+$0x80];
	[tilespmem:s29+$0xF0] =	vst v5;
	v10 =	vmul.f32 v11, v4  }
0x10e: {  	v5 =	vld [tilespmem:s30+$0xFFFFFEE0];
	[tilespmem:s29+$0x100] =	vst v8  }
0x10f: {  	v4 =	vmov v6;
	v8 =	vld [tilespmem:s30+$0xFFFFFEF0];
	[tilespmem:s29+$0x110] =	vst v10;
	s29 =	smov.u32 s30  }
0x110: {  	v6 =	vld [tilespmem:s30+$0xFFFFFF00]  }
0x111: {  	v10 =	vld [tilespmem:s30+$0xFFFFFF10]  }
0x112: {  	v11 =	vld [tilespmem:s30+$0xFFFFFF20];
	v9 =	vmul.f32 v9, v3  }
0x113: {  	v5 =	vmul.f32 v5, v7;
	v13 =	vld [tilespmem:s30+$0xFFFFFF30]  }
0x114: {  	v8 =	vmul.f32 v8, v7;
	v14 =	vld [tilespmem:s30+$0xFFFFFF40];
	[tilespmem:s30+$0x80] =	vst v9  }
0x115: {  	[tilespmem:s30+$0xFFFFFEE0] =	vst v5;
	v5 =	vmul.f32 v6, v7;
	v6 =	vld [tilespmem:s30+$0xFFFFFF50]  }
0x116: {  	[tilespmem:s30+$0xFFFFFEF0] =	vst v8;
	v8 =	vmul.f32 v10, v7;
	v9 =	vld [tilespmem:s30+$0xFFFFFF60]  }
0x117: {  	[tilespmem:s30+$0xFFFFFF00] =	vst v5;
	v5 =	vmul.f32 v11, v7;
	v10 =	vld [tilespmem:s30+$0xFFFFFF70]  }
0x118: {  	[tilespmem:s30+$0xFFFFFF10] =	vst v8;
	v8 =	vmul.f32 v13, v7;
	v11 =	vld [tilespmem:s30+$0xFFFFFF80]  }
0x119: {  	[tilespmem:s30+$0xFFFFFF20] =	vst v5;
	v5 =	vmul.f32 v14, v7;
	v13 =	vld [tilespmem:s30+$0xFFFFFF90]  }
0x11a: {  	[tilespmem:s30+$0xFFFFFF30] =	vst v8;
	v6 =	vmul.f32 v6, v7;
	v8 =	vld [tilespmem:s30+$0xFFFFFFA0]  }
0x11b: {  	[tilespmem:s30+$0xFFFFFF40] =	vst v5;
	v5 =	vmul.f32 v9, v7;
	v7 =	vld [tilespmem:s30+$0xFFFFFFB0]  }
0x11c: {  	[tilespmem:s30+$0xFFFFFF50] =	vst v6;
	v6 =	vmul.f32 v10, v12;
	v9 =	vld [tilespmem:s30+$0xFFFFFFC0]  }
0x11d: {  	[tilespmem:s30+$0xFFFFFF60] =	vst v5;
	v5 =	vmul.f32 v11, v12;
	v10 =	vld [tilespmem:s30+$0xFFFFFFD0]  }
0x11e: {  	[tilespmem:s30+$0xFFFFFF70] =	vst v6;
	v6 =	vmul.f32 v13, v12;
	v11 =	vld [tilespmem:s30+$0xFFFFFFE0]  }
0x11f: {  	[tilespmem:s30+$0xFFFFFF80] =	vst v5;
	v5 =	vmul.f32 v8, v12;
	v8 =	vld [tilespmem:s30+$0xFFFFFFF0]  }
0x120: {  	[tilespmem:s30+$0xFFFFFF90] =	vst v6;
	v6 =	vmul.f32 v7, v12;
	v7 =	vld [tilespmem:s30+$0x0]  }
0x121: {  	[tilespmem:s30+$0xFFFFFFA0] =	vst v5;
	v5 =	vmul.f32 v9, v12;
	v9 =	vld [tilespmem:s30+$0x10]  }
0x122: {  	[tilespmem:s30+$0xFFFFFFB0] =	vst v6;
	v6 =	vmul.f32 v10, v12;
	v10 =	vld [tilespmem:s30+$0x20]  }
0x123: {  	[tilespmem:s30+$0xFFFFFFC0] =	vst v5;
	v5 =	vmul.f32 v11, v12;
	v11 =	vld [tilespmem:s30+$0x30]  }
0x124: {  	[tilespmem:s30+$0xFFFFFFD0] =	vst v6;
	v6 =	vmul.f32 v8, v12;
	v8 =	vld [tilespmem:s30+$0x40]  }
0x125: {  	[tilespmem:s30+$0xFFFFFFE0] =	vst v5;
	v5 =	vmul.f32 v7, v3;
	v7 =	vld [tilespmem:s30+$0x50]  }
0x126: {  	[tilespmem:s30+$0xFFFFFFF0] =	vst v6;
	v6 =	vmul.f32 v9, v3;
	v13 =	vld [tilespmem:s30+$0x60]  }
.Ltmp1:
0x127: {  	[tilespmem:s30+$0x0] =	vst v5;
	v9 =	vmul.f32 v10, v3;
	v5 =	vld [tilespmem:s30+$0x70];
	(pc) =	sbr.rel @p1 .LBB2_5-.Ltmp1, $4  }
0x128: {  	[tilespmem:s30+$0x10] =	vst v6;
	v11 =	vmul.f32 v11, v3;
	v10 =	vld [tilespmem:s30+$0x90]  }
0x129: {  	s4 =	sadd.s32 $0x3, s31;
	v6 =	vmov s31;
	[tilespmem:s30+$0x20] =	vst v9;
	v15 =	vmul.f32 v8, v3;
	v9 =	vld [tilespmem:s30+$0xA0]  }
0x12a: {  	s12 =	sadd.s32 $0x1, s31;
	v14 =	vand.u32 $0xFFFFFFFC, v6;
	v6 =	vmov s4;
	[tilespmem:s30+$0x30] =	vst v11;
	v12 =	vmul.f32 v7, v3;
	v8 =	vld [tilespmem:s30+$0xB0]  }
0x12b: {  	s4 =	sadd.s32 $0x2, s31;
	s31 =	sadd.s32 $0x4, s31;
	v7 =	vbroadcast v14, $0x0;
	v14 =	vmov s12;
	[tilespmem:s30+$0x40] =	vst v15;
	v13 =	vmul.f32 v13, v3;
	v11 =	vld [tilespmem:s30+$0xC0]  }
0x12c: {  	v15 =	vld [tilespmem:s30+$0xD0]  }
0x12d: {  	v16 =	vld [tilespmem:s30+$0xE0]  }
0x12e: {  	v17 =	vmov s4;
	v18 =	vld [tilespmem:s30+$0xF0];
	v10 =	vmul.f32 v10, v4  }
0x12f: {  	v63 =	vld [tilespmem:s30+$0x100];
	[tilespmem:s30+$0x50] =	vst v12;
	v17 =	vand.u32 $0xFFFFFFFE, v17  }
0x130: {  	v14 =	vand.u32 $0xFFFFFFFD, v14;
	v6 =	vld.idx.msk [tilespmem:v6+s21+$0x0], $0xffff;
	v3 =	vmul.f32 v5, v3;
	[tilespmem:s30+$0x90] =	vst v10;
	v10 =	vbroadcast v17, $0x0  }
0x131: {  	s31 =	sadd.s32 $0x240, s30;
	v14 =	vbroadcast v14, $0x0;
	v5 =	vld.idx.msk [tilespmem:v7+s21+$0x0], $0xffff;
	[tilespmem:s30+$0x60] =	vst v13;
	v9 =	vmul.f32 v9, v4  }
0x132: {  	v12 =	vld [tilespmem:s31+$0xFFFFFEE0];
	[tilespmem:s30+$0x70] =	vst v3;
	v7 =	vmul.f32 v8, v4  }
0x133: {  	[tilespmem:s30+$0xA0] =	vst v9;
	v9 =	vld [tilespmem:s30+$0x110];
	v3 =	vmul.f32 v11, v4  }
0x134: {  	v13 =	vld [tilespmem:s31+$0xFFFFFEF0];
	[tilespmem:s30+$0xB0] =	vst v7;
	v7 =	vmul.f32 v15, v4  }
0x135: {  	v11 =	vld [tilespmem:s31+$0x80];
	[tilespmem:s30+$0xC0] =	vst v3;
	v3 =	vmul.f32 v16, v4  }
0x136: {  	[tilespmem:s30+$0xD0] =	vst v7;
	v7 =	vmul.f32 v18, v4;
	v10 =	vld.idx.msk [tilespmem:v10+s21+$0x0], $0xffff  }
0x137: {  	v8 =	vld.idx.msk [tilespmem:v14+s21+$0x0], $0xffff;
	[tilespmem:s29+$0xE0] =	vst v3;
	v3 =	vmul.f32 v63, v4  }
0x138: {  	v14 =	vld [tilespmem:s31+$0xFFFFFF00];
	[tilespmem:s29+$0xF0] =	vst v7;
	v4 =	vmul.f32 v9, v4  }
0x139: {  	v7 =	vld [tilespmem:s31+$0xFFFFFF10];
	[tilespmem:s29+$0x100] =	vst v3  }
0x13a: {  	v3 =	vld [tilespmem:s31+$0xFFFFFF20];
	[tilespmem:s29+$0x110] =	vst v4;
	v4 =	vmul.f32 v12, v5  }
0x13b: {  	v9 =	vmul.f32 v11, v10;
	v11 =	vld [tilespmem:s31+$0xFFFFFF30]  }
0x13c: {  	v12 =	vmul.f32 v13, v5;
	v13 =	vld [tilespmem:s31+$0xFFFFFF40];
	[tilespmem:s31+$0xFFFFFEE0] =	vst v4  }
0x13d: {  	v4 =	vmul.f32 v14, v5;
	[tilespmem:s31+$0x80] =	vst v9;
	v9 =	vld [tilespmem:s31+$0xFFFFFF50]  }
0x13e: {  	[tilespmem:s31+$0xFFFFFEF0] =	vst v12;
	v12 =	vld [tilespmem:s31+$0xFFFFFF60];
	v7 =	vmul.f32 v7, v5  }
0x13f: {  	[tilespmem:s31+$0xFFFFFF00] =	vst v4;
	v3 =	vmul.f32 v3, v5;
	v4 =	vld [tilespmem:s31+$0xFFFFFF70]  }
0x140: {  	[tilespmem:s31+$0xFFFFFF10] =	vst v7;
	v7 =	vmul.f32 v11, v5;
	v11 =	vld [tilespmem:s31+$0xFFFFFF80]  }
0x141: {  	[tilespmem:s31+$0xFFFFFF20] =	vst v3;
	v3 =	vmul.f32 v13, v5;
	v13 =	vld [tilespmem:s31+$0xFFFFFF90]  }
0x142: {  	[tilespmem:s31+$0xFFFFFF30] =	vst v7;
	v7 =	vmul.f32 v9, v5;
	v9 =	vld [tilespmem:s31+$0xFFFFFFA0]  }
0x143: {  	[tilespmem:s31+$0xFFFFFF40] =	vst v3;
	v3 =	vmul.f32 v12, v5;
	v5 =	vld [tilespmem:s31+$0xFFFFFFB0]  }
0x144: {  	v4 =	vmul.f32 v4, v8;
	[tilespmem:s31+$0xFFFFFF50] =	vst v7;
	v7 =	vld [tilespmem:s31+$0xFFFFFFC0]  }
0x145: {  	[tilespmem:s31+$0xFFFFFF60] =	vst v3;
	v3 =	vmul.f32 v11, v8;
	v11 =	vld [tilespmem:s31+$0xFFFFFFD0]  }
0x146: {  	v12 =	vld [tilespmem:s31+$0xFFFFFFE0];
	[tilespmem:s31+$0xFFFFFF70] =	vst v4;
	v4 =	vmul.f32 v13, v8  }
0x147: {  	[tilespmem:s31+$0xFFFFFF80] =	vst v3;
	v3 =	vmul.f32 v9, v8;
	v9 =	vld [tilespmem:s31+$0xFFFFFFF0]  }
0x148: {  	[tilespmem:s31+$0xFFFFFF90] =	vst v4;
	v4 =	vmul.f32 v5, v8;
	v5 =	vld [tilespmem:s31+$0x0]  }
0x149: {  	[tilespmem:s31+$0xFFFFFFA0] =	vst v3;
	v3 =	vmul.f32 v7, v8;
	v7 =	vld [tilespmem:s31+$0x10]  }
0x14a: {  	[tilespmem:s31+$0xFFFFFFB0] =	vst v4;
	v4 =	vmul.f32 v11, v8;
	v11 =	vld [tilespmem:s31+$0x20]  }
0x14b: {  	[tilespmem:s31+$0xFFFFFFC0] =	vst v3;
	v3 =	vmul.f32 v12, v8;
	v12 =	vld [tilespmem:s31+$0x30]  }
0x14c: {  	[tilespmem:s31+$0xFFFFFFD0] =	vst v4;
	v4 =	vmul.f32 v9, v8;
	v8 =	vld [tilespmem:s31+$0x40]  }
0x14d: {  	[tilespmem:s31+$0xFFFFFFE0] =	vst v3;
	v3 =	vmul.f32 v5, v10;
	v5 =	vld [tilespmem:s31+$0x50]  }
0x14e: {  	[tilespmem:s31+$0xFFFFFFF0] =	vst v4;
	v4 =	vmul.f32 v7, v10;
	v7 =	vld [tilespmem:s31+$0x60]  }
0x14f: {  	v9 =	vld [tilespmem:s31+$0x70];
	[tilespmem:s31+$0x0] =	vst v3;
	v3 =	vmul.f32 v11, v10  }
0x150: {  	v11 =	vld [tilespmem:s31+$0x90];
	[tilespmem:s31+$0x10] =	vst v4;
	v4 =	vmul.f32 v12, v10  }
0x151: {  	[tilespmem:s31+$0x20] =	vst v3;
	v3 =	vmul.f32 v8, v10;
	v8 =	vld [tilespmem:s31+$0xA0]  }
0x152: {  	[tilespmem:s31+$0x30] =	vst v4;
	v4 =	vmul.f32 v5, v10;
	v5 =	vld [tilespmem:s31+$0xB0]  }
0x153: {  	[tilespmem:s31+$0x40] =	vst v3;
	v3 =	vmul.f32 v7, v10;
	v7 =	vld [tilespmem:s31+$0xC0]  }
0x154: {  	[tilespmem:s31+$0x50] =	vst v4;
	v4 =	vmul.f32 v9, v10;
	v9 =	vld [tilespmem:s31+$0xD0]  }
0x155: {  	v10 =	vld [tilespmem:s31+$0xE0];
	[tilespmem:s31+$0x60] =	vst v3;
	v3 =	vmul.f32 v11, v6  }
0x156: {  	[tilespmem:s31+$0x70] =	vst v4;
	v4 =	vmul.f32 v8, v6;
	v8 =	vld [tilespmem:s31+$0xF0]  }
0x157: {  	[tilespmem:s31+$0x90] =	vst v3;
	v3 =	vmul.f32 v5, v6;
	v5 =	vld [tilespmem:s31+$0x100]  }
0x158: {  	[tilespmem:s31+$0xA0] =	vst v4;
	v4 =	vmul.f32 v7, v6;
	v7 =	vld [tilespmem:s31+$0x110]  }
0x159: {  	[tilespmem:s31+$0xB0] =	vst v3;
	v3 =	vmul.f32 v9, v6  }
0x15a: {  	[tilespmem:s31+$0xC0] =	vst v4;
	v4 =	vmul.f32 v10, v6  }
0x15b: {  	[tilespmem:s31+$0xD0] =	vst v3;
	v3 =	vmul.f32 v8, v6  }
0x15c: {  	[tilespmem:s31+$0xE0] =	vst v4;
	v4 =	vmul.f32 v5, v6  }
0x15d: {  	[tilespmem:s31+$0xF0] =	vst v3;
	v3 =	vmul.f32 v7, v6  }
0x15e: {  	[tilespmem:s31+$0x100] =	vst v4  }
0x15f: {  	s4 =	simm.s32 @!p0 $0x1;
	[tilespmem:s31+$0x110] =	vst v3  }
0x160: {  	[spmem:s3] =	stream.indirect.scatter.add.f32 [tilespmem:s10], [sflag:$0x7], $0x90, s22, s13, $0xb8;
	[tilespmem:$0x18DA0] =	vst v63  }
0x161: {  	_ =	swait.ge @!p0 [sflag:s4], $0x20  }
0x162: {  	[sflag:s4] =	ssyncset.done @!p0 $0x0  }
0x163: {  	[sflag:s4] =	ssyncadd.s32 @!p0 $0xFFFFFFE0  }
0x164: {  	_ =	swait.ge @!p0 [sflag:s4], $0x20  }
0x165: {  	[sflag:s4] =	ssyncset.done @!p0 $0x0  }
0x166: {  	[sflag:s4] =	ssyncadd.s32 @!p0 $0xFFFFFFE0;
	s4 =	simm.s32 @!p0 $0x7  }
0x167: {  	_ =	swait.ge @!p0 [sflag:s4], $0x1200  }
0x168: {  	[sflag:s4] =	ssyncset.done @!p0 $0x0  }
0x169: {  	[sflag:s4] =	ssyncadd.s32 @!p0 $0xFFFFEE00  }
0x16a: {  	v4 =	vld @!p0 [tilespmem:$0x0]  }
0x16b: {  	v3 =	vld @!p0 [tilespmem:$0x40]  }
0x16c: {  	v6 =	vld @!p0 [tilespmem:$0x10]  }
0x16d: {  	v5 =	vld @!p0 [tilespmem:$0x50];
	_ =	sdelay $0x1  }
0x16e: {  	[tilespmem:$0x24E0] =	vst @!p0 v4  }
0x16f: {  	[tilespmem:$0x80] =	vst @!p0 v3  }
0x170: {  	v7 =	vmul.u32 @!p0 $0x3, v3;
	[tilespmem:$0x24F0] =	vst @!p0 v6  }
0x171: {  	v3 =	vmul.u32 @!p0 $0x3, v5;
	[tilespmem:$0x90] =	vst @!p0 v5  }
0x172: {  	[tilespmem:$0x2560] =	vst @!p0 v7  }
0x173: {  	s12 =	simm.s32 @!p0 $0x24E0;
	s29 =	simm.s32 @!p0 $0xC0;
	s4 =	simm.s32 @!p0 $0x20;
	[tilespmem:$0x2570] =	vst @!p0 v3  }
0x174: {  	[tilespmem:s29], [sflag:$0x3] =	stream.indirect.gather @!p0 [hbm4b:s5+s4], $0x90, s12, s4, $0xb8;
	[tilespmem:$0x18DA0] =	vst v63  }
0x175: {  	s12 =	simm.s32 @!p0 $0x2560;
	s29 =	simm.s32 @!p0 $0x2520  }
0x176: {  	[tilespmem:s29], [sflag:$0x5] =	stream.indirect.gather @!p0 [hbm4b:s7+s4], $0x1, s12, s4, $0xb8;
	[tilespmem:$0x18DA0] =	vst v63  }
0x177: {  	s12 =	sadd.s32 @!p0 s26, s9  }
0x178: {  	s12 =	sshrl.u32 @!p0 s12, $0x3  }
0x179: {  	s30 =	simm.s32 @!p0 $0x0;
	s29 =	sadd.s32 @!p0 s2, s12  }
0x17a: {  	[tilespmem:s4], [sflag:$0x2] =	stream.linear.gather @!p0 [hbm4b:s29+s30], $0x20, $0x38;
	[tilespmem:$0x18DA0] =	vst v63  }
0x17b: {  	s4 =	sadd.s32 @!p0 s6, s12;
	s12 =	simm.s32 @!p0 $0x60  }
0x17c: {  	[tilespmem:s12], [sflag:$0x2] =	stream.linear.gather @!p0 [hbm4b:s4+s30], $0x20, $0x38;
	[tilespmem:$0x18DA0] =	vst v63  }
0x17d: {  	_ =	swait.ge [sflag:s23], $0x1200  }
0x17e: {  	[sflag:s23] =	ssyncset.done $0x0  }
0x17f: {  	[sflag:s23] =	ssyncadd.s32 $0xFFFFEE00  }
0x180: {  	_ =	swait.ge [sflag:s24], $0x20  }
0x181: {  	[sflag:s24] =	ssyncset.done $0x0  }
0x182: {  	[sflag:s24] =	ssyncadd.s32 $0xFFFFFFE0  }
0x183: {  	v3 =	vld.idx.msk [tilespmem:v1+s16+$0x0], $0xffff  }
0x184: {  	v4 =	vld [tilespmem:$0x2540];
	_ =	sdelay $0x4  }
0x185: {  	v3 =	vadd.f32 v4, v3;
	_ =	sdelay $0x1  }
0x186: {  	v4 =	vmul.f32 $2.000000030e-01, v3  }
0x187: {  	vm0 =	vge.f32 v3, $0.0e+00  }
0x188: {  	v3 =	vsel vm0, v3, v4  }
0x189: {  	v3 =	vmul.f32 $1.442695020e+00, v3;
	_ =	sdelay $0x1  }
0x18a: {  	(erf) = vpow2.f32 v3;
	_ =	sdelay $0x8  }
0x18b: {  	p5 =	slt.u32 s28, $0x2710;
	v3 =	vpop (erf)  }
0x18c: {  	v3 =	vpsel !p5, $0x0, v3  }
0x18d: {  	v4 =	vld [tilespmem:$0x2550];
	[tilespmem:$0x24C0] =	vst v3  }
0x18e: {  	v3 =	vld.idx.msk [tilespmem:v2+s16+$0x0], $0xffff;
	_ =	sdelay $0x4  }
0x18f: {  	v3 =	vadd.f32 v4, v3;
	_ =	sdelay $0x1  }
0x190: {  	v4 =	vmul.f32 $2.000000030e-01, v3  }
0x191: {  	vm15 =	vge.f32 v3, $0.0e+00  }
0x192: {  	v3 =	vsel vm15, v3, v4  }
0x193: {  	v3 =	vmul.f32 $1.442695020e+00, v3;
	_ =	sdelay $0x1  }
0x194: {  	(erf) = vpow2.f32 v3;
	_ =	sdelay $0x2  }
0x195: {  	s31 =	simm.s32 $0x0  }
0x196: {  	s12 =	simm.s32 $0x2;
	v3 =	vmov s31  }
0x197: {  	v4 =	vmov s12;
	v3 =	vand.u32 $0xFFFFFFFC, v3  }
0x198: {  	v4 =	vand.u32 $0xFFFFFFFE, v4;
	v3 =	vbroadcast v3, $0x0  }
0x199: {  	v4 =	vbroadcast v4, $0x0  }
0x19a: {  	s26 =	sor.u32 $0x30, s26  }
0x19b: {  	p6 =	slt.u32 s26, $0x2710;
	v5 =	vpop (erf)  }
0x19c: {  	v5 =	vpsel !p6, $0x0, v5  }
0x19d: {  	s30 =	simm.s32 $0x1;
	[tilespmem:$0x24D0] =	vst v5  }
0x19e: {  	v7 =	vmov s30;
	v5 =	vld.idx.msk [tilespmem:v3+s21+$0x0], $0xffff  }
0x19f: {  	s26 =	simm.s32 $0x13E0;
	v7 =	vand.u32 $0xFFFFFFFD, v7;
	v3 =	vld.idx.msk [tilespmem:v4+s21+$0x0], $0xffff  }
0x1a0: {  	v7 =	vbroadcast v7, $0x0;
	v4 =	vld [tilespmem:s26+$0x80]  }
0x1a1: {  	v6 =	vld [tilespmem:s26+$0xFFFFFEE0]  }
0x1a2: {  	v8 =	vld [tilespmem:s26+$0xFFFFFEF0]  }
0x1a3: {  	v9 =	vld [tilespmem:s26+$0xFFFFFF00]  }
0x1a4: {  	v10 =	vld [tilespmem:s26+$0xFFFFFF10]  }
0x1a5: {  	v13 =	vld [tilespmem:s26+$0xFFFFFF40]  }
0x1a6: {  	v7 =	vld.idx.msk [tilespmem:v7+s21+$0x0], $0xffff  }
0x1a7: {  	v15 =	vld [tilespmem:s26+$0xFFFFFF80];
	v6 =	vmul.f32 v6, v5  }
0x1a8: {  	v11 =	vld [tilespmem:s26+$0xFFFFFF20];
	v8 =	vmul.f32 v8, v5  }
0x1a9: {  	v12 =	vld [tilespmem:s26+$0xFFFFFF30];
	v4 =	vmul.f32 v4, v3;
	[tilespmem:s26+$0xFFFFFEE0] =	vst v6  }
0x1aa: {  	v14 =	vld [tilespmem:s26+$0xFFFFFF70];
	v9 =	vmul.f32 v9, v5;
	[tilespmem:s26+$0xFFFFFEF0] =	vst v8  }
0x1ab: {  	v13 =	vmul.f32 v13, v5;
	v6 =	vld [tilespmem:s26+$0xFFFFFF50];
	[tilespmem:s26+$0x80] =	vst v4  }
0x1ac: {  	v15 =	vmul.f32 v15, v7;
	v8 =	vld [tilespmem:s26+$0xFFFFFF60];
	[tilespmem:s26+$0xFFFFFF00] =	vst v9  }
0x1ad: {  	v4 =	vmul.f32 v10, v5;
	v10 =	vld [tilespmem:s26+$0xFFFFFF90];
	[tilespmem:s26+$0xFFFFFF40] =	vst v13  }
0x1ae: {  	v9 =	vmul.f32 v11, v5;
	v11 =	vld [tilespmem:s26+$0xFFFFFFA0];
	[tilespmem:s26+$0xFFFFFF80] =	vst v15  }
0x1af: {  	v13 =	vld [tilespmem:s26+$0x20];
	[tilespmem:s26+$0xFFFFFF10] =	vst v4;
	v4 =	vmul.f32 v12, v5  }
0x1b0: {  	v12 =	vld [tilespmem:s26+$0xFFFFFFB0];
	[tilespmem:s26+$0xFFFFFF20] =	vst v9;
	v9 =	vmul.f32 v14, v7  }
0x1b1: {  	v14 =	vld [tilespmem:s26+$0xFFFFFFC0];
	[tilespmem:s26+$0xFFFFFF30] =	vst v4;
	v6 =	vmul.f32 v6, v5  }
0x1b2: {  	v4 =	vld [tilespmem:s26+$0xFFFFFFD0];
	[tilespmem:s26+$0xFFFFFF70] =	vst v9;
	v5 =	vmul.f32 v8, v5  }
0x1b3: {  	v9 =	vld [tilespmem:s26+$0xFFFFFFE0];
	[tilespmem:s26+$0xFFFFFF50] =	vst v6;
	v6 =	vmul.f32 v10, v7  }
0x1b4: {  	v8 =	vld [tilespmem:s26+$0xFFFFFFF0];
	[tilespmem:s26+$0xFFFFFF60] =	vst v5;
	v5 =	vmul.f32 v11, v7  }
0x1b5: {  	v10 =	vld [tilespmem:s26+$0x0];
	[tilespmem:s26+$0xFFFFFF90] =	vst v6;
	v6 =	vmul.f32 v12, v7  }
0x1b6: {  	s31 =	simm.s32 $0x3;
	v11 =	vld [tilespmem:s26+$0x10];
	[tilespmem:s26+$0xFFFFFFA0] =	vst v5;
	v5 =	vmul.f32 v14, v7  }
0x1b7: {  	v15 =	vld [tilespmem:s26+$0x60];
	v12 =	vmov s31;
	v4 =	vmul.f32 v4, v7;
	[tilespmem:s26+$0xFFFFFFB0] =	vst v6  }
0x1b8: {  	v6 =	vld [tilespmem:s26+$0x30];
	[tilespmem:s26+$0xFFFFFFC0] =	vst v5;
	v5 =	vmul.f32 v9, v7  }
0x1b9: {  	v9 =	vld [tilespmem:s26+$0x40];
	[tilespmem:s26+$0xFFFFFFD0] =	vst v4;
	v7 =	vmul.f32 v8, v7  }
0x1ba: {  	v14 =	vld [tilespmem:s26+$0x50];
	v10 =	vmul.f32 v10, v3;
	[tilespmem:s26+$0xFFFFFFE0] =	vst v5  }
0x1bb: {  	v8 =	vmul.f32 v11, v3;
	[tilespmem:s26+$0xFFFFFFF0] =	vst v7;
	v5 =	vld [tilespmem:s26+$0x70]  }
0x1bc: {  	v7 =	vmul.f32 v13, v3;
	v4 =	vld.idx.msk [tilespmem:v12+s21+$0x0], $0xffff;
	[tilespmem:s26+$0x0] =	vst v10  }
0x1bd: {  	s12 =	simm.s32 $0x4;
	[tilespmem:s26+$0x10] =	vst v8;
	v10 =	vld [tilespmem:s26+$0x90];
	v8 =	vmul.f32 v6, v3  }
0x1be: {  	[tilespmem:s26+$0x20] =	vst v7;
	v6 =	vmov s12;
	v11 =	vmul.f32 v9, v3;
	v9 =	vld [tilespmem:s26+$0xA0]  }
0x1bf: {  	s30 =	simm.s32 $0x7;
	s31 =	simm.s32 $0x5;
	v13 =	vmul.f32 v15, v3;
	v12 =	vmul.f32 v14, v3;
	v7 =	vand.u32 $0xFFFFFFFC, v6;
	[tilespmem:s26+$0x30] =	vst v8;
	v8 =	vld [tilespmem:s26+$0xB0]  }
0x1c0: {  	s28 =	simm.s32 $0x13E0;
	s29 =	simm.s32 $0x8;
	s4 =	simm.s32 $0x6;
	v14 =	vmov s31;
	v6 =	vmov s30;
	v7 =	vbroadcast v7, $0x0;
	[tilespmem:s26+$0x40] =	vst v11;
	v11 =	vld [tilespmem:s26+$0xC0]  }
.LBB2_7:
0x1c1: {  	p0 =	slt.u32 s29, $0x1C;
	v14 =	vand.u32 $0xFFFFFFFD, v14;
	v15 =	vmov s4;
	[tilespmem:s26+$0x50] =	vst v12;
	v3 =	vmul.f32 v5, v3;
	v5 =	vld [tilespmem:s26+$0xD0]  }
0x1c2: {  	v12 =	vbroadcast v14, $0x0;
	v14 =	vand.u32 $0xFFFFFFFE, v15;
	[tilespmem:s26+$0x60] =	vst v13;
	v10 =	vmul.f32 v10, v4;
	v13 =	vld [tilespmem:s26+$0xE0]  }
0x1c3: {  	v14 =	vbroadcast v14, $0x0;
	[tilespmem:s26+$0x70] =	vst v3;
	v3 =	vmul.f32 v9, v4;
	v9 =	vld [tilespmem:s26+$0xF0]  }
0x1c4: {  	[tilespmem:s26+$0x90] =	vst v10;
	v8 =	vmul.f32 v8, v4;
	v10 =	vld [tilespmem:s26+$0x100]  }
0x1c5: {  	[tilespmem:s26+$0xA0] =	vst v3;
	v3 =	vmul.f32 v11, v4;
	v11 =	vld [tilespmem:s26+$0x110]  }
0x1c6: {  	v6 =	vld.idx.msk [tilespmem:v6+s21+$0x0], $0xffff;
	[tilespmem:s26+$0xB0] =	vst v8;
	v5 =	vmul.f32 v5, v4  }
0x1c7: {  	v7 =	vld.idx.msk [tilespmem:v7+s21+$0x0], $0xffff;
	[tilespmem:s26+$0xC0] =	vst v3;
	v8 =	vmul.f32 v13, v4  }
0x1c8: {  	v12 =	vld.idx.msk [tilespmem:v12+s21+$0x0], $0xffff;
	[tilespmem:s26+$0xD0] =	vst v5;
	v5 =	vmul.f32 v9, v4  }
0x1c9: {  	s26 =	sadd.s32 $0x240, s26;
	v3 =	vld.idx.msk [tilespmem:v14+s21+$0x0], $0xffff;
	[tilespmem:s28+$0xE0] =	vst v8;
	v8 =	vmul.f32 v10, v4  }
0x1ca: {  	v9 =	vld [tilespmem:s26+$0x80];
	[tilespmem:s28+$0xF0] =	vst v5;
	v10 =	vmul.f32 v11, v4  }
0x1cb: {  	v5 =	vld [tilespmem:s26+$0xFFFFFEE0];
	[tilespmem:s28+$0x100] =	vst v8  }
0x1cc: {  	v4 =	vmov v6;
	v8 =	vld [tilespmem:s26+$0xFFFFFEF0];
	[tilespmem:s28+$0x110] =	vst v10;
	s28 =	smov.u32 s26  }
0x1cd: {  	v6 =	vld [tilespmem:s26+$0xFFFFFF00]  }
0x1ce: {  	v10 =	vld [tilespmem:s26+$0xFFFFFF10]  }
0x1cf: {  	v11 =	vld [tilespmem:s26+$0xFFFFFF20];
	v9 =	vmul.f32 v9, v3  }
0x1d0: {  	v5 =	vmul.f32 v5, v7;
	v13 =	vld [tilespmem:s26+$0xFFFFFF30]  }
0x1d1: {  	v8 =	vmul.f32 v8, v7;
	v14 =	vld [tilespmem:s26+$0xFFFFFF40];
	[tilespmem:s26+$0x80] =	vst v9  }
0x1d2: {  	[tilespmem:s26+$0xFFFFFEE0] =	vst v5;
	v5 =	vmul.f32 v6, v7;
	v6 =	vld [tilespmem:s26+$0xFFFFFF50]  }
0x1d3: {  	[tilespmem:s26+$0xFFFFFEF0] =	vst v8;
	v8 =	vmul.f32 v10, v7;
	v9 =	vld [tilespmem:s26+$0xFFFFFF60]  }
0x1d4: {  	[tilespmem:s26+$0xFFFFFF00] =	vst v5;
	v5 =	vmul.f32 v11, v7;
	v10 =	vld [tilespmem:s26+$0xFFFFFF70]  }
0x1d5: {  	[tilespmem:s26+$0xFFFFFF10] =	vst v8;
	v8 =	vmul.f32 v13, v7;
	v11 =	vld [tilespmem:s26+$0xFFFFFF80]  }
0x1d6: {  	[tilespmem:s26+$0xFFFFFF20] =	vst v5;
	v5 =	vmul.f32 v14, v7;
	v13 =	vld [tilespmem:s26+$0xFFFFFF90]  }
0x1d7: {  	[tilespmem:s26+$0xFFFFFF30] =	vst v8;
	v6 =	vmul.f32 v6, v7;
	v8 =	vld [tilespmem:s26+$0xFFFFFFA0]  }
0x1d8: {  	[tilespmem:s26+$0xFFFFFF40] =	vst v5;
	v5 =	vmul.f32 v9, v7;
	v7 =	vld [tilespmem:s26+$0xFFFFFFB0]  }
0x1d9: {  	[tilespmem:s26+$0xFFFFFF50] =	vst v6;
	v6 =	vmul.f32 v10, v12;
	v9 =	vld [tilespmem:s26+$0xFFFFFFC0]  }
0x1da: {  	[tilespmem:s26+$0xFFFFFF60] =	vst v5;
	v5 =	vmul.f32 v11, v12;
	v10 =	vld [tilespmem:s26+$0xFFFFFFD0]  }
0x1db: {  	[tilespmem:s26+$0xFFFFFF70] =	vst v6;
	v6 =	vmul.f32 v13, v12;
	v11 =	vld [tilespmem:s26+$0xFFFFFFE0]  }
0x1dc: {  	[tilespmem:s26+$0xFFFFFF80] =	vst v5;
	v5 =	vmul.f32 v8, v12;
	v8 =	vld [tilespmem:s26+$0xFFFFFFF0]  }
0x1dd: {  	[tilespmem:s26+$0xFFFFFF90] =	vst v6;
	v6 =	vmul.f32 v7, v12;
	v7 =	vld [tilespmem:s26+$0x0]  }
0x1de: {  	[tilespmem:s26+$0xFFFFFFA0] =	vst v5;
	v5 =	vmul.f32 v9, v12;
	v9 =	vld [tilespmem:s26+$0x10]  }
0x1df: {  	[tilespmem:s26+$0xFFFFFFB0] =	vst v6;
	v6 =	vmul.f32 v10, v12;
	v10 =	vld [tilespmem:s26+$0x20]  }
0x1e0: {  	[tilespmem:s26+$0xFFFFFFC0] =	vst v5;
	v5 =	vmul.f32 v11, v12;
	v11 =	vld [tilespmem:s26+$0x30]  }
0x1e1: {  	[tilespmem:s26+$0xFFFFFFD0] =	vst v6;
	v6 =	vmul.f32 v8, v12;
	v8 =	vld [tilespmem:s26+$0x40]  }
0x1e2: {  	[tilespmem:s26+$0xFFFFFFE0] =	vst v5;
	v5 =	vmul.f32 v7, v3;
	v7 =	vld [tilespmem:s26+$0x50]  }
0x1e3: {  	[tilespmem:s26+$0xFFFFFFF0] =	vst v6;
	v6 =	vmul.f32 v9, v3;
	v13 =	vld [tilespmem:s26+$0x60]  }
.Ltmp2:
0x1e4: {  	[tilespmem:s26+$0x0] =	vst v5;
	v9 =	vmul.f32 v10, v3;
	v5 =	vld [tilespmem:s26+$0x70];
	(pc) =	sbr.rel @p0 .LBB2_7-.Ltmp2, $4  }
0x1e5: {  	[tilespmem:s26+$0x10] =	vst v6;
	v11 =	vmul.f32 v11, v3;
	v10 =	vld [tilespmem:s26+$0x90]  }
0x1e6: {  	s4 =	sadd.s32 $0x3, s29;
	v6 =	vmov s29;
	[tilespmem:s26+$0x20] =	vst v9;
	v15 =	vmul.f32 v8, v3;
	v9 =	vld [tilespmem:s26+$0xA0]  }
0x1e7: {  	s12 =	sadd.s32 $0x1, s29;
	v14 =	vand.u32 $0xFFFFFFFC, v6;
	v6 =	vmov s4;
	[tilespmem:s26+$0x30] =	vst v11;
	v12 =	vmul.f32 v7, v3;
	v8 =	vld [tilespmem:s26+$0xB0]  }
0x1e8: {  	s4 =	sadd.s32 $0x2, s29;
	s29 =	sadd.s32 $0x4, s29;
	v7 =	vbroadcast v14, $0x0;
	v14 =	vmov s12;
	[tilespmem:s26+$0x40] =	vst v15;
	v13 =	vmul.f32 v13, v3;
	v11 =	vld [tilespmem:s26+$0xC0]  }
0x1e9: {  	v15 =	vld [tilespmem:s26+$0xD0]  }
0x1ea: {  	v16 =	vld [tilespmem:s26+$0xE0]  }
0x1eb: {  	v18 =	vld [tilespmem:s26+$0xF0]  }
0x1ec: {  	v51 =	vld [tilespmem:s26+$0x100]  }
0x1ed: {  	v52 =	vld [tilespmem:s26+$0x110];
	[tilespmem:s26+$0x50] =	vst v12;
	v3 =	vmul.f32 v5, v3  }
0x1ee: {  	v6 =	vld.idx.msk [tilespmem:v6+s21+$0x0], $0xffff;
	v10 =	vmul.f32 v10, v4;
	[tilespmem:s26+$0x60] =	vst v13  }
0x1ef: {  	s29 =	sadd.s32 $0x240, s26;
	v53 =	vld.idx.msk [tilespmem:v7+s21+$0x0], $0xffff;
	v9 =	vmul.f32 v9, v4;
	[tilespmem:s26+$0x70] =	vst v3  }
0x1f0: {  	v58 =	vld [tilespmem:s29+$0xFFFFFEE0];
	[tilespmem:s26+$0x90] =	vst v10;
	v54 =	vmul.f32 v8, v4  }
0x1f1: {  	v60 =	vld [tilespmem:s29+$0xFFFFFEF0];
	[tilespmem:s26+$0xA0] =	vst v9;
	v3 =	vmul.f32 v11, v4  }
0x1f2: {  	v61 =	vld [tilespmem:s29+$0xFFFFFF00];
	[tilespmem:s26+$0xB0] =	vst v54;
	v56 =	vmul.f32 v15, v4  }
0x1f3: {  	v14 =	vand.u32 $0xFFFFFFFD, v14;
	v63 =	vld [tilespmem:s29+$0xFFFFFF10];
	[tilespmem:s26+$0xC0] =	vst v3;
	v3 =	vmul.f32 v16, v4  }
0x1f4: {  	v14 =	vbroadcast v14, $0x0;
	v20 =	vld [tilespmem:s29+$0xFFFFFF40];
	v59 =	vmul.f32 v18, v4;
	[tilespmem:s26+$0xD0] =	vst v56  }
0x1f5: {  	v17 =	vmov s4;
	v22 =	vld [tilespmem:s29+$0xFFFFFF50];
	[tilespmem:s28+$0xE0] =	vst v3;
	v3 =	vmul.f32 v51, v4  }
0x1f6: {  	v17 =	vand.u32 $0xFFFFFFFE, v17;
	v23 =	vld [tilespmem:s29+$0xFFFFFF60];
	v62 =	vmul.f32 v52, v4;
	[tilespmem:s28+$0xF0] =	vst v59  }
0x1f7: {  	v50 =	vbroadcast v17, $0x0;
	v17 =	vmul.f32 v58, v53;
	[tilespmem:s28+$0x100] =	vst v3;
	v3 =	vld [tilespmem:s29+$0xFFFFFF20]  }
0x1f8: {  	v18 =	vld [tilespmem:s29+$0xFFFFFF30];
	v19 =	vmul.f32 v60, v53;
	[tilespmem:s28+$0x110] =	vst v62  }
0x1f9: {  	v24 =	vld [tilespmem:s29+$0xFFFFFF70];
	v21 =	vmul.f32 v61, v53;
	[tilespmem:s29+$0xFFFFFEE0] =	vst v17  }
0x1fa: {  	v7 =	vmul.f32 v63, v53;
	v55 =	vld.idx.msk [tilespmem:v14+s21+$0x0], $0xffff;
	[tilespmem:s29+$0xFFFFFEF0] =	vst v19  }
0x1fb: {  	v26 =	vld [tilespmem:s29+$0xFFFFFF80];
	v28 =	vmul.f32 v22, v53;
	[tilespmem:s29+$0xFFFFFF00] =	vst v21  }
0x1fc: {  	v27 =	vld [tilespmem:s29+$0xFFFFFF90];
	[tilespmem:s29+$0xFFFFFF10] =	vst v7;
	v3 =	vmul.f32 v3, v53  }
0x1fd: {  	v29 =	vld [tilespmem:s29+$0xFFFFFFA0];
	[tilespmem:s29+$0xFFFFFF50] =	vst v28;
	v25 =	vmul.f32 v18, v53  }
0x1fe: {  	v30 =	vld [tilespmem:s29+$0xFFFFFFB0];
	[tilespmem:s29+$0xFFFFFF20] =	vst v3;
	v3 =	vmul.f32 v20, v53  }
0x1ff: {  	v31 =	vld [tilespmem:s29+$0xFFFFFFC0];
	[tilespmem:s29+$0xFFFFFF30] =	vst v25;
	v4 =	vmul.f32 v24, v55  }
0x200: {  	v32 =	vld [tilespmem:s29+$0xFFFFFFD0];
	[tilespmem:s29+$0xFFFFFF40] =	vst v3;
	v3 =	vmul.f32 v23, v53  }
0x201: {  	v34 =	vld [tilespmem:s29+$0xFFFFFFE0];
	v33 =	vmul.f32 v27, v55;
	[tilespmem:s29+$0xFFFFFF70] =	vst v4  }
0x202: {  	v35 =	vld [tilespmem:s29+$0xFFFFFFF0];
	[tilespmem:s29+$0xFFFFFF60] =	vst v3;
	v3 =	vmul.f32 v26, v55  }
0x203: {  	v37 =	vld [tilespmem:s29+$0x0];
	v36 =	vmul.f32 v30, v55;
	[tilespmem:s29+$0xFFFFFF90] =	vst v33  }
0x204: {  	v56 =	vld [tilespmem:s29+$0xE0];
	[tilespmem:s29+$0xFFFFFF80] =	vst v3;
	v3 =	vmul.f32 v29, v55  }
0x205: {  	v10 =	vld.idx.msk [tilespmem:v50+s21+$0x0], $0xffff;
	v39 =	vmul.f32 v32, v55;
	[tilespmem:s29+$0xFFFFFFB0] =	vst v36  }
0x206: {  	v57 =	vld [tilespmem:s29+$0x80];
	[tilespmem:s29+$0xFFFFFFA0] =	vst v3;
	v3 =	vmul.f32 v31, v55  }
0x207: {  	v40 =	vld [tilespmem:s29+$0x20];
	v42 =	vmul.f32 v35, v55;
	[tilespmem:s29+$0xFFFFFFD0] =	vst v39  }
0x208: {  	v38 =	vld [tilespmem:s29+$0x10];
	[tilespmem:s29+$0xFFFFFFC0] =	vst v3;
	v3 =	vmul.f32 v34, v55  }
0x209: {  	v43 =	vld [tilespmem:s29+$0x40];
	v62 =	vmul.f32 v56, v6;
	[tilespmem:s29+$0xFFFFFFF0] =	vst v42  }
0x20a: {  	v41 =	vld [tilespmem:s29+$0x30];
	[tilespmem:s29+$0xFFFFFFE0] =	vst v3;
	v3 =	vmul.f32 v37, v10  }
0x20b: {  	v46 =	vld [tilespmem:s29+$0x60];
	v16 =	vmul.f32 v57, v10;
	[tilespmem:s29+$0xE0] =	vst v62  }
0x20c: {  	v44 =	vld [tilespmem:s29+$0x50];
	[tilespmem:s29+$0x0] =	vst v3;
	v3 =	vmul.f32 v40, v10  }
0x20d: {  	v49 =	vld [tilespmem:s29+$0x90];
	v45 =	vmul.f32 v38, v10;
	[tilespmem:s29+$0x80] =	vst v16  }
0x20e: {  	v47 =	vld [tilespmem:s29+$0x70];
	[tilespmem:s29+$0x20] =	vst v3;
	v3 =	vmul.f32 v43, v10  }
0x20f: {  	v52 =	vld [tilespmem:s29+$0xB0];
	v48 =	vmul.f32 v41, v10;
	[tilespmem:s29+$0x10] =	vst v45  }
0x210: {  	v50 =	vld [tilespmem:s29+$0xA0];
	[tilespmem:s29+$0x40] =	vst v3;
	v3 =	vmul.f32 v46, v10  }
0x211: {  	v51 =	vmul.f32 v44, v10;
	[tilespmem:s29+$0x30] =	vst v48;
	v55 =	vld [tilespmem:s29+$0xD0]  }
0x212: {  	v59 =	vld [tilespmem:s29+$0x100];
	[tilespmem:s29+$0x60] =	vst v3;
	v3 =	vmul.f32 v49, v6  }
0x213: {  	v58 =	vld [tilespmem:s29+$0xF0];
	v54 =	vmul.f32 v47, v10;
	[tilespmem:s29+$0x50] =	vst v51  }
0x214: {  	v53 =	vld [tilespmem:s29+$0xC0];
	[tilespmem:s29+$0x90] =	vst v3;
	v3 =	vmul.f32 v52, v6  }
0x215: {  	v61 =	vld [tilespmem:s29+$0x110];
	v57 =	vmul.f32 v50, v6;
	[tilespmem:s29+$0x70] =	vst v54  }
0x216: {  	[tilespmem:s29+$0xB0] =	vst v3;
	v3 =	vmul.f32 v55, v6  }
0x217: {  	s8 =	sadd.s32 $0x1, s8;
	v63 =	vmul.f32 v59, v6;
	[tilespmem:s29+$0xA0] =	vst v57  }
0x218: {  	p0 =	sne.s32 s8, $0x9D;
	[tilespmem:s29+$0xD0] =	vst v3;
	v3 =	vmul.f32 v58, v6  }
.Ltmp3:
0x219: {  	[tilespmem:s29+$0x100] =	vst v63;
	v60 =	vmul.f32 v53, v6;
	(pc) =	sbr.rel @p0 .LBB2_4-.Ltmp3, $4  }
0x21a: {  	[tilespmem:s29+$0xF0] =	vst v3;
	v3 =	vmul.f32 v61, v6  }
0x21b: {  	[tilespmem:s29+$0xC0] =	vst v60  }
0x21c: {  	[tilespmem:s29+$0x110] =	vst v3  }
0x21d: {  	[spmem:s3] =	stream.indirect.scatter.add.f32 [tilespmem:s16], [sflag:$0x8], $0x90, s25, s13, $0xb8;
	[tilespmem:$0x18DA0] =	vst v63  }
0x21e: {  	s1 =	simm.s32 $0x7  }
0x21f: {  	_ =	swait.ge [sflag:s1], $0x1200  }
0x220: {  	[sflag:s1] =	ssyncset.done $0x0  }
0x221: {  	s26 =	simm.s32 $0x8;
	[sflag:s1] =	ssyncadd.s32 $0xFFFFEE00  }
0x222: {  	_ =	swait.ge [sflag:s26], $0x1200  }
0x223: {  	[sflag:s26] =	ssyncset.done $0x0  }
0x224: {  	[sflag:s26] =	ssyncadd.s32 $0xFFFFEE00  }
0x225: {  	s28 =	stileid.u32;
	[bflag:$0x0] =	sbarrier.arrive $0xFFFF  }
0x226: {  	s1 =	sshll.u32 s28, $0x6;
	s29 =	rddreg [dreg:$0x5]  }
0x227: {  	s4 =	sor.u32 $0x1C09, s1;
	s30 =	rddreg [dreg:$0x1d]  }
0x228: {  	[smem:$0x7FB] =	sst s4;
	s8 =	sshrl.u32 s29, $0x3  }
0x229: {  	s31 =	simm.s32 $0x9;
	[smem:$0x7FC] =	sst s8  }
0x22a: {  	[hbm:s30], [sflag:s4] =	dma.local [spmem:s8], $0x2D00  }
0x22b: {  	_ =	swait.ge [sflag:s31], $0x2D00  }
0x22c: {  	[sflag:s31] =	ssyncset.done $0x0  }
0x22d: {  	[sflag:s31] =	ssyncadd.s32 $0xFFFFD300  }
0x22e: {  	s1 =	simm.s32 $0x0;
	s8 =	simm.s32 $0x240;
	[bflag:$0x0] =	sbarrier.arrive $0xFFFF  }
.LBB2_10:
0x22f: {  	p0 =	sne.s32 s8, $0x45C0;
	[tilespmem:s1+$0x140] =	vst v0  }
0x230: {  	[tilespmem:s1+$0xC0] =	vst v0  }
0x231: {  	[tilespmem:s1+$0xD0] =	vst v0  }
0x232: {  	[tilespmem:s1+$0xE0] =	vst v0  }
.Ltmp4:
0x233: {  	[tilespmem:s1+$0xF0] =	vst v0;
	(pc) =	sbr.rel @p0 .LBB2_10-.Ltmp4, $4  }
0x234: {  	[tilespmem:s1+$0x100] =	vst v0  }
0x235: {  	[tilespmem:s1+$0x110] =	vst v0  }
0x236: {  	[tilespmem:s1+$0x120] =	vst v0  }
0x237: {  	[tilespmem:s1+$0x130] =	vst v0;
	s1 =	sshra.s32 s8, $0x2;
	s8 =	sadd.s32 $0x240, s8  }
0x238: {  	[tilespmem:s1+$0x140] =	vst v0  }
0x239: {  	[tilespmem:s1+$0xC0] =	vst v0  }
0x23a: {  	[tilespmem:s1+$0xD0] =	vst v0  }
0x23b: {  	[tilespmem:s1+$0xE0] =	vst v0  }
0x23c: {  	[tilespmem:s1+$0xF0] =	vst v0  }
0x23d: {  	[tilespmem:s1+$0x100] =	vst v0  }
0x23e: {  	[tilespmem:s1+$0x110] =	vst v0  }
0x23f: {  	[tilespmem:s1+$0x120] =	vst v0  }
0x240: {  	[tilespmem:s1+$0x130] =	vst v0;
	s26 =	rddreg [dreg:$0x5]  }
0x241: {  	[spmem:s26] =	stream.linear.scatter [tilespmem:s10], [sflag:$0xA], $0x1200, $0x38;
	[tilespmem:$0x18DA0] =	vst v63  }
0x242: {  	_ =	swait.ge [sflag:s11], $0x1200  }
0x243: {  	[sflag:s11] =	ssyncset.done $0x0  }
0x244: {  	s28 =	rddreg [dreg:$0x6];
	[sflag:s11] =	ssyncadd.s32 $0xFFFFEE00  }
0x245: {  	[spmem:s28] =	stream.linear.scatter [tilespmem:s10], [sflag:$0xA], $0x1200, $0x38;
	[tilespmem:$0x18DA0] =	vst v63  }
0x246: {  	_ =	swait.ge [sflag:s11], $0x1200  }
0x247: {  	[sflag:s11] =	ssyncset.done $0x0  }
0x248: {  	s29 =	rddreg [dreg:$0x7];
	[sflag:s11] =	ssyncadd.s32 $0xFFFFEE00  }
0x249: {  	[spmem:s29] =	stream.linear.scatter [tilespmem:s10], [sflag:$0xA], $0x1200, $0x38;
	[tilespmem:$0x18DA0] =	vst v63  }
0x24a: {  	_ =	swait.ge [sflag:s11], $0x1200  }
0x24b: {  	[sflag:s11] =	ssyncset.done $0x0  }
0x24c: {  	s30 =	rddreg [dreg:$0x8];
	[sflag:s11] =	ssyncadd.s32 $0xFFFFEE00  }
0x24d: {  	[spmem:s30] =	stream.linear.scatter [tilespmem:s10], [sflag:$0xA], $0x1200, $0x38;
	[tilespmem:$0x18DA0] =	vst v63  }
0x24e: {  	_ =	swait.ge [sflag:s11], $0x1200  }
0x24f: {  	[sflag:s11] =	ssyncset.done $0x0  }
0x250: {  	s31 =	rddreg [dreg:$0x9];
	[sflag:s11] =	ssyncadd.s32 $0xFFFFEE00  }
0x251: {  	[spmem:s31] =	stream.linear.scatter [tilespmem:s10], [sflag:$0xA], $0x1200, $0x38;
	[tilespmem:$0x18DA0] =	vst v63  }
0x252: {  	_ =	swait.ge [sflag:s11], $0x1200  }
0x253: {  	[sflag:s11] =	ssyncset.done $0x0  }
0x254: {  	s4 =	rddreg [dreg:$0xa];
	[sflag:s11] =	ssyncadd.s32 $0xFFFFEE00  }
0x255: {  	[spmem:s4] =	stream.linear.scatter [tilespmem:s10], [sflag:$0xA], $0x1200, $0x38;
	[tilespmem:$0x18DA0] =	vst v63  }
0x256: {  	_ =	swait.ge [sflag:s11], $0x1200  }
0x257: {  	[sflag:s11] =	ssyncset.done $0x0  }
0x258: {  	s8 =	rddreg [dreg:$0xb];
	[sflag:s11] =	ssyncadd.s32 $0xFFFFEE00  }
0x259: {  	[spmem:s8] =	stream.linear.scatter [tilespmem:s10], [sflag:$0xA], $0x1200, $0x38;
	[tilespmem:$0x18DA0] =	vst v63  }
0x25a: {  	_ =	swait.ge [sflag:s11], $0x1200  }
0x25b: {  	[sflag:s11] =	ssyncset.done $0x0  }
0x25c: {  	s12 =	rddreg [dreg:$0xc];
	[sflag:s11] =	ssyncadd.s32 $0xFFFFEE00  }
0x25d: {  	[spmem:s12] =	stream.linear.scatter [tilespmem:s10], [sflag:$0xA], $0x1200, $0x38;
	[tilespmem:$0x18DA0] =	vst v63  }
0x25e: {  	_ =	swait.ge [sflag:s11], $0x1200  }
0x25f: {  	[sflag:s11] =	ssyncset.done $0x0  }
0x260: {  	s26 =	rddreg [dreg:$0xd];
	[sflag:s11] =	ssyncadd.s32 $0xFFFFEE00  }
0x261: {  	[spmem:s26] =	stream.linear.scatter [tilespmem:s10], [sflag:$0xA], $0x1200, $0x38;
	[tilespmem:$0x18DA0] =	vst v63  }
0x262: {  	_ =	swait.ge [sflag:s11], $0x1200  }
0x263: {  	[sflag:s11] =	ssyncset.done $0x0  }
0x264: {  	s28 =	rddreg [dreg:$0xe];
	[sflag:s11] =	ssyncadd.s32 $0xFFFFEE00  }
0x265: {  	[spmem:s28] =	stream.linear.scatter [tilespmem:s10], [sflag:$0xA], $0x1200, $0x38;
	[tilespmem:$0x18DA0] =	vst v63  }
0x266: {  	_ =	swait.ge [sflag:s11], $0x1200  }
0x267: {  	[sflag:s11] =	ssyncset.done $0x0  }
0x268: {  	s29 =	rddreg [dreg:$0xf];
	[sflag:s11] =	ssyncadd.s32 $0xFFFFEE00  }
0x269: {  	[spmem:s29] =	stream.linear.scatter [tilespmem:s10], [sflag:$0xA], $0x1200, $0x38;
	[tilespmem:$0x18DA0] =	vst v63  }
0x26a: {  	_ =	swait.ge [sflag:s11], $0x1200  }
0x26b: {  	[sflag:s11] =	ssyncset.done $0x0  }
0x26c: {  	s30 =	rddreg [dreg:$0x10];
	[sflag:s11] =	ssyncadd.s32 $0xFFFFEE00  }
0x26d: {  	[spmem:s30] =	stream.linear.scatter [tilespmem:s10], [sflag:$0xA], $0x1200, $0x38;
	[tilespmem:$0x18DA0] =	vst v63  }
0x26e: {  	_ =	swait.ge [sflag:s11], $0x1200  }
0x26f: {  	[sflag:s11] =	ssyncset.done $0x0  }
0x270: {  	s31 =	rddreg [dreg:$0x11];
	[sflag:s11] =	ssyncadd.s32 $0xFFFFEE00  }
0x271: {  	[spmem:s31] =	stream.linear.scatter [tilespmem:s10], [sflag:$0xA], $0x1200, $0x38;
	[tilespmem:$0x18DA0] =	vst v63  }
0x272: {  	_ =	swait.ge [sflag:s11], $0x1200  }
0x273: {  	[sflag:s11] =	ssyncset.done $0x0  }
0x274: {  	s4 =	rddreg [dreg:$0x12];
	[sflag:s11] =	ssyncadd.s32 $0xFFFFEE00  }
0x275: {  	[spmem:s4] =	stream.linear.scatter [tilespmem:s10], [sflag:$0xA], $0x1200, $0x38;
	[tilespmem:$0x18DA0] =	vst v63  }
0x276: {  	_ =	swait.ge [sflag:s11], $0x1200  }
0x277: {  	[sflag:s11] =	ssyncset.done $0x0  }
0x278: {  	s8 =	rddreg [dreg:$0x13];
	[sflag:s11] =	ssyncadd.s32 $0xFFFFEE00  }
0x279: {  	[spmem:s8] =	stream.linear.scatter [tilespmem:s10], [sflag:$0xA], $0x1200, $0x38;
	[tilespmem:$0x18DA0] =	vst v63  }
0x27a: {  	_ =	swait.ge [sflag:s11], $0x1200  }
0x27b: {  	[sflag:s11] =	ssyncset.done $0x0  }
0x27c: {  	s12 =	rddreg [dreg:$0x14];
	[sflag:s11] =	ssyncadd.s32 $0xFFFFEE00  }
0x27d: {  	[spmem:s12] =	stream.linear.scatter [tilespmem:s10], [sflag:$0xA], $0x1200, $0x38;
	[tilespmem:$0x18DA0] =	vst v63  }
0x27e: {  	_ =	swait.ge [sflag:s11], $0x1200  }
0x27f: {  	[sflag:s11] =	ssyncset.done $0x0  }
0x280: {  	s26 =	rddreg [dreg:$0x15];
	[sflag:s11] =	ssyncadd.s32 $0xFFFFEE00  }
0x281: {  	[spmem:s26] =	stream.linear.scatter [tilespmem:s10], [sflag:$0xA], $0x1200, $0x38;
	[tilespmem:$0x18DA0] =	vst v63  }
0x282: {  	_ =	swait.ge [sflag:s11], $0x1200  }
0x283: {  	[sflag:s11] =	ssyncset.done $0x0  }
0x284: {  	s28 =	rddreg [dreg:$0x16];
	[sflag:s11] =	ssyncadd.s32 $0xFFFFEE00  }
0x285: {  	[spmem:s28] =	stream.linear.scatter [tilespmem:s10], [sflag:$0xA], $0x1200, $0x38;
	[tilespmem:$0x18DA0] =	vst v63  }
0x286: {  	_ =	swait.ge [sflag:s11], $0x1200  }
0x287: {  	[sflag:s11] =	ssyncset.done $0x0  }
0x288: {  	s29 =	rddreg [dreg:$0x17];
	[sflag:s11] =	ssyncadd.s32 $0xFFFFEE00  }
0x289: {  	[spmem:s29] =	stream.linear.scatter [tilespmem:s10], [sflag:$0xA], $0x1200, $0x38;
	[tilespmem:$0x18DA0] =	vst v63  }
0x28a: {  	_ =	swait.ge [sflag:s11], $0x1200  }
0x28b: {  	[sflag:s11] =	ssyncset.done $0x0  }
0x28c: {  	s30 =	rddreg [dreg:$0x18];
	[sflag:s11] =	ssyncadd.s32 $0xFFFFEE00  }
0x28d: {  	[spmem:s30] =	stream.linear.scatter [tilespmem:s10], [sflag:$0xA], $0x1200, $0x38;
	[tilespmem:$0x18DA0] =	vst v63  }
0x28e: {  	_ =	swait.ge [sflag:s11], $0x1200  }
0x28f: {  	[sflag:s11] =	ssyncset.done $0x0  }
0x290: {  	[sflag:s11] =	ssyncadd.s32 $0xFFFFEE00  }
0x291: {  	[bflag:$0x0] =	sbarrier.arrive $0xFFFF  }
0x292: {  	s1 =	simm.s32 $0x0;
	s4 =	rddreg [dreg:$0x19]  }
0x293: {  	[tilespmem:s1], [sflag:$0x1] =	stream.linear.gather [hbm4b:s4+s1], $0x20, $0x38;
	[tilespmem:$0x18DA0] =	vst v63  }
0x294: {  	s8 =	simm.s32 $0x40;
	s31 =	rddreg [dreg:$0x1a]  }
0x295: {  	[tilespmem:s8], [sflag:$0x1] =	stream.linear.gather [hbm4b:s31+s1], $0x20, $0x38;
	[tilespmem:$0x18DA0] =	vst v63  }
0x296: {  	s8 =	simm.s32 $0x1  }
0x297: {  	_ =	swait.ge [sflag:s8], $0x20  }
0x298: {  	[sflag:s8] =	ssyncset.done $0x0  }
0x299: {  	[sflag:s8] =	ssyncadd.s32 $0xFFFFFFE0  }
0x29a: {  	_ =	swait.ge [sflag:s8], $0x20  }
0x29b: {  	[sflag:s8] =	ssyncset.done $0x0  }
0x29c: {  	[sflag:s8] =	ssyncadd.s32 $0xFFFFFFE0  }
0x29d: {  	v3 =	vld [tilespmem:$0x40]  }
0x29e: {  	v4 =	vld [tilespmem:$0x0]  }
0x29f: {  	v5 =	vld [tilespmem:$0x50]  }
0x2a0: {  	v6 =	vld [tilespmem:$0x10];
	_ =	sdelay $0x2  }
0x2a1: {  	[tilespmem:$0x80] =	vst v3  }
0x2a2: {  	v7 =	vmul.u32 $0x3, v3;
	v4 =	vadd.s32 $0x2710, v4;
	[tilespmem:$0x90] =	vst v5  }
0x2a3: {  	v63 =	vmul.u32 $0x3, v5;
	v3 =	vadd.s32 $0x2710, v6;
	[tilespmem:$0x24E0] =	vst v4  }
0x2a4: {  	[tilespmem:$0x24F0] =	vst v3;
	v62 =	vadd.s32 $0x1, v7  }
0x2a5: {  	v3 =	vadd.s32 $0x1, v63;
	[tilespmem:$0x2560] =	vst v62  }
0x2a6: {  	s12 =	simm.s32 $0x24E0;
	[tilespmem:$0x2570] =	vst v3  }
0x2a7: {  	[tilespmem:s10], [sflag:$0x3] =	stream.indirect.gather [hbm4b:s5+s13], $0x90, s12, s13, $0xb8;
	[tilespmem:$0x18DA0] =	vst v63  }
0x2a8: {  	s26 =	simm.s32 $0x2560;
	s28 =	simm.s32 $0x2520  }
0x2a9: {  	[tilespmem:s28], [sflag:$0x5] =	stream.indirect.gather [hbm4b:s7+s13], $0x1, s26, s13, $0xb8;
	[tilespmem:$0x18DA0] =	vst v63  }
0x2aa: {  	s29 =	rddreg [dreg:$0x1b]  }
0x2ab: {  	[tilespmem:s13], [sflag:$0x2] =	stream.linear.gather [hbm4b:s29+s1], $0x20, $0x38;
	[tilespmem:$0x18DA0] =	vst v63  }
0x2ac: {  	s31 =	simm.s32 $0x60;
	s30 =	rddreg [dreg:$0x1c];
	s8 =	simm.s32 $0x0  }
0x2ad: {  	[tilespmem:s31], [sflag:$0x2] =	stream.linear.gather [hbm4b:s30+s1], $0x20, $0x38;
	[tilespmem:$0x18DA0] =	vst v63  }
.LBB2_12:
0x2ae: {  	_ =	swait.ge [sflag:s14], $0x20  }
0x2af: {  	[sflag:s14] =	ssyncset.done $0x0  }
0x2b0: {  	[sflag:s14] =	ssyncadd.s32 $0xFFFFFFE0  }
0x2b1: {  	_ =	swait.ge [sflag:s14], $0x20  }
0x2b2: {  	p0 =	seq.s32 s8, $0x0;
	[sflag:s14] =	ssyncset.done $0x0  }
0x2b3: {  	s4 =	simm.s32 @!p0 $0x8;
	[sflag:s14] =	ssyncadd.s32 $0xFFFFFFE0  }
0x2b4: {  	_ =	swait.ge @!p0 [sflag:s4], $0x1200  }
0x2b5: {  	[sflag:s4] =	ssyncset.done @!p0 $0x0  }
0x2b6: {  	[sflag:s4] =	ssyncadd.s32 @!p0 $0xFFFFEE00  }
0x2b7: {  	v3 =	vld [tilespmem:$0x60]  }
0x2b8: {  	v4 =	vld [tilespmem:$0x20];
	_ =	sdelay $0x1  }
0x2b9: {  	v5 =	vld [tilespmem:$0x70]  }
0x2ba: {  	v6 =	vld [tilespmem:$0x30]  }
0x2bb: {  	v7 =	vmul.u32 $0x3, v3  }
0x2bc: {  	v4 =	vadd.s32 $0x2710, v4;
	[tilespmem:$0xA0] =	vst v3  }
0x2bd: {  	[tilespmem:$0x2500] =	vst v4;
	v4 =	vadd.s32 $0x1, v7  }
0x2be: {  	[tilespmem:$0x2580] =	vst v4;
	v4 =	vmul.u32 $0x3, v5  }
0x2bf: {  	v3 =	vadd.s32 $0x2710, v6;
	[tilespmem:$0xB0] =	vst v5  }
0x2c0: {  	s26 =	sshll.u32 s8, $0x6;
	p0 =	seq.s32 s8, $0x9C;
	[tilespmem:$0x2510] =	vst v3;
	v3 =	vadd.s32 $0x1, v4  }
0x2c1: {  	s4 =	sadd.s32 @!p0 s26, s0;
	[tilespmem:$0x2590] =	vst v3  }
0x2c2: {  	[tilespmem:s16], [sflag:$0x4] =	stream.indirect.gather [hbm4b:s5+s13], $0x90, s15, s13, $0xb8;
	[tilespmem:$0x18DA0] =	vst v63  }
0x2c3: {  	s4 =	sshrl.u32 @!p0 s4, $0x3  }
0x2c4: {  	[tilespmem:s18], [sflag:$0x6] =	stream.indirect.gather [hbm4b:s7+s13], $0x1, s17, s13, $0xb8;
	[tilespmem:$0x18DA0] =	vst v63  }
0x2c5: {  	s28 =	simm.s32 @!p0 $0x0;
	s12 =	sadd.s32 @!p0 s2, s4  }
0x2c6: {  	[tilespmem:s28], [sflag:$0x1] =	stream.linear.gather @!p0 [hbm4b:s12+s28], $0x20, $0x38;
	[tilespmem:$0x18DA0] =	vst v63  }
0x2c7: {  	s4 =	sadd.s32 @!p0 s6, s4;
	s12 =	simm.s32 @!p0 $0x40  }
0x2c8: {  	[tilespmem:s12], [sflag:$0x1] =	stream.linear.gather @!p0 [hbm4b:s4+s28], $0x20, $0x38;
	[tilespmem:$0x18DA0] =	vst v63  }
0x2c9: {  	_ =	swait.ge [sflag:s19], $0x1200  }
0x2ca: {  	[sflag:s19] =	ssyncset.done $0x0  }
0x2cb: {  	[sflag:s19] =	ssyncadd.s32 $0xFFFFEE00  }
0x2cc: {  	_ =	swait.ge [sflag:s20], $0x20  }
0x2cd: {  	[sflag:s20] =	ssyncset.done $0x0  }
0x2ce: {  	[sflag:s20] =	ssyncadd.s32 $0xFFFFFFE0  }
0x2cf: {  	v3 =	vld.idx.msk [tilespmem:v1+s10+$0x0], $0xffff  }
0x2d0: {  	v4 =	vld [tilespmem:$0x2520];
	_ =	sdelay $0x4  }
0x2d1: {  	v3 =	vadd.f32 v4, v3;
	_ =	sdelay $0x1  }
0x2d2: {  	v4 =	vmul.f32 $2.000000030e-01, v3  }
0x2d3: {  	vm0 =	vge.f32 v3, $0.0e+00  }
0x2d4: {  	v3 =	vsel vm0, v3, v4  }
0x2d5: {  	v3 =	vmul.f32 $1.442695020e+00, v3;
	_ =	sdelay $0x1  }
0x2d6: {  	(erf) = vpow2.f32 v3;
	_ =	sdelay $0x8  }
0x2d7: {  	v3 =	vpop (erf)  }
0x2d8: {  	v4 =	vld [tilespmem:$0x2530];
	[tilespmem:$0x24C0] =	vst v3  }
0x2d9: {  	v3 =	vld.idx.msk [tilespmem:v2+s10+$0x0], $0xffff;
	_ =	sdelay $0x4  }
0x2da: {  	v3 =	vadd.f32 v4, v3;
	_ =	sdelay $0x1  }
0x2db: {  	v4 =	vmul.f32 $2.000000030e-01, v3  }
0x2dc: {  	vm15 =	vge.f32 v3, $0.0e+00  }
0x2dd: {  	v3 =	vsel vm15, v3, v4  }
0x2de: {  	v3 =	vmul.f32 $1.442695020e+00, v3;
	_ =	sdelay $0x1  }
0x2df: {  	(erf) = vpow2.f32 v3;
	_ =	sdelay $0x3  }
0x2e0: {  	s12 =	simm.s32 $0x2;
	v3 =	vmov s1  }
0x2e1: {  	v4 =	vmov s12;
	v3 =	vand.u32 $0xFFFFFFFC, v3  }
0x2e2: {  	v4 =	vand.u32 $0xFFFFFFFE, v4;
	v3 =	vbroadcast v3, $0x0  }
0x2e3: {  	v4 =	vbroadcast v4, $0x0  }
0x2e4: {  	s12 =	sor.u32 $0x10, s26  }
0x2e5: {  	p1 =	slt.u32 s12, $0x2710;
	v5 =	vpop (erf)  }
0x2e6: {  	v5 =	vpsel !p1, $0x0, v5  }
0x2e7: {  	[tilespmem:$0x24D0] =	vst v5  }
0x2e8: {  	v5 =	vld.idx.msk [tilespmem:v3+s21+$0x0], $0xffff  }
0x2e9: {  	s29 =	simm.s32 $0x1E0;
	s12 =	simm.s32 $0x1;
	v3 =	vld.idx.msk [tilespmem:v4+s21+$0x0], $0xffff  }
0x2ea: {  	v7 =	vmov s12;
	v4 =	vld [tilespmem:s29+$0x80]  }
0x2eb: {  	v7 =	vand.u32 $0xFFFFFFFD, v7;
	v6 =	vld [tilespmem:s29+$0xFFFFFEE0]  }
0x2ec: {  	v7 =	vbroadcast v7, $0x0;
	v8 =	vld [tilespmem:s29+$0xFFFFFEF0]  }
0x2ed: {  	v9 =	vld [tilespmem:s29+$0xFFFFFF00]  }
0x2ee: {  	v10 =	vld [tilespmem:s29+$0xFFFFFF10]  }
0x2ef: {  	v11 =	vld [tilespmem:s29+$0xFFFFFF20]  }
0x2f0: {  	v13 =	vld [tilespmem:s29+$0xFFFFFF40]  }
0x2f1: {  	v12 =	vld [tilespmem:s29+$0xFFFFFF30];
	v6 =	vmul.f32 v6, v5  }
0x2f2: {  	v7 =	vld.idx.msk [tilespmem:v7+s21+$0x0], $0xffff;
	v8 =	vmul.f32 v8, v5  }
0x2f3: {  	v14 =	vld [tilespmem:s29+$0xFFFFFF70];
	v4 =	vmul.f32 v4, v3;
	[tilespmem:s29+$0xFFFFFEE0] =	vst v6  }
0x2f4: {  	v15 =	vld [tilespmem:s29+$0xFFFFFF80];
	v9 =	vmul.f32 v9, v5;
	[tilespmem:s29+$0xFFFFFEF0] =	vst v8  }
0x2f5: {  	v13 =	vmul.f32 v13, v5;
	v6 =	vld [tilespmem:s29+$0xFFFFFF50];
	[tilespmem:s29+$0x80] =	vst v4  }
0x2f6: {  	v8 =	vld [tilespmem:s29+$0xFFFFFF60];
	[tilespmem:s29+$0xFFFFFF00] =	vst v9;
	v9 =	vmul.f32 v11, v5  }
0x2f7: {  	v4 =	vmul.f32 v10, v5;
	v10 =	vld [tilespmem:s29+$0xFFFFFF90];
	[tilespmem:s29+$0xFFFFFF40] =	vst v13  }
0x2f8: {  	v11 =	vld [tilespmem:s29+$0xFFFFFFA0];
	[tilespmem:s29+$0xFFFFFF20] =	vst v9;
	v9 =	vmul.f32 v14, v7  }
0x2f9: {  	v13 =	vld [tilespmem:s29+$0xFFFFFFE0];
	[tilespmem:s29+$0xFFFFFF10] =	vst v4;
	v4 =	vmul.f32 v12, v5  }
0x2fa: {  	v12 =	vld [tilespmem:s29+$0xFFFFFFB0];
	[tilespmem:s29+$0xFFFFFF70] =	vst v9;
	v9 =	vmul.f32 v15, v7  }
0x2fb: {  	v14 =	vld [tilespmem:s29+$0xFFFFFFC0];
	[tilespmem:s29+$0xFFFFFF30] =	vst v4;
	v6 =	vmul.f32 v6, v5  }
0x2fc: {  	v4 =	vld [tilespmem:s29+$0xFFFFFFD0];
	v5 =	vmul.f32 v8, v5;
	[tilespmem:s29+$0xFFFFFF80] =	vst v9  }
0x2fd: {  	v15 =	vld [tilespmem:s29+$0x60];
	[tilespmem:s29+$0xFFFFFF50] =	vst v6;
	v6 =	vmul.f32 v10, v7  }
0x2fe: {  	v9 =	vld [tilespmem:s29+$0x0];
	[tilespmem:s29+$0xFFFFFF60] =	vst v5;
	v5 =	vmul.f32 v11, v7  }
0x2ff: {  	s12 =	simm.s32 $0x3;
	v8 =	vld [tilespmem:s29+$0xFFFFFFF0];
	[tilespmem:s29+$0xFFFFFF90] =	vst v6;
	v6 =	vmul.f32 v12, v7  }
0x300: {  	v10 =	vld [tilespmem:s29+$0x10];
	v11 =	vmov s12;
	[tilespmem:s29+$0xFFFFFFA0] =	vst v5;
	v5 =	vmul.f32 v14, v7  }
0x301: {  	v12 =	vld [tilespmem:s29+$0x20];
	v4 =	vmul.f32 v4, v7;
	[tilespmem:s29+$0xFFFFFFB0] =	vst v6  }
0x302: {  	v6 =	vld [tilespmem:s29+$0x30];
	[tilespmem:s29+$0xFFFFFFC0] =	vst v5;
	v5 =	vmul.f32 v13, v7  }
0x303: {  	v13 =	vld [tilespmem:s29+$0x40];
	[tilespmem:s29+$0xFFFFFFD0] =	vst v4;
	v9 =	vmul.f32 v9, v3  }
0x304: {  	v14 =	vld [tilespmem:s29+$0x50];
	v7 =	vmul.f32 v8, v7;
	[tilespmem:s29+$0xFFFFFFE0] =	vst v5  }
0x305: {  	v4 =	vld.idx.msk [tilespmem:v11+s21+$0x0], $0xffff;
	v8 =	vmul.f32 v10, v3;
	[tilespmem:s29+$0x0] =	vst v9  }
0x306: {  	[tilespmem:s29+$0xFFFFFFF0] =	vst v7;
	v5 =	vld [tilespmem:s29+$0x70];
	v7 =	vmul.f32 v12, v3  }
0x307: {  	s12 =	simm.s32 $0x4;
	v10 =	vld [tilespmem:s29+$0x90];
	[tilespmem:s29+$0x10] =	vst v8;
	v8 =	vmul.f32 v6, v3  }
0x308: {  	v9 =	vld [tilespmem:s29+$0xA0];
	v6 =	vmov s12;
	[tilespmem:s29+$0x20] =	vst v7;
	v11 =	vmul.f32 v13, v3  }
0x309: {  	s31 =	simm.s32 $0x8;
	s4 =	simm.s32 $0x7;
	v12 =	vmul.f32 v14, v3;
	s12 =	simm.s32 $0x5;
	v13 =	vmul.f32 v15, v3;
	v7 =	vand.u32 $0xFFFFFFFC, v6;
	[tilespmem:s29+$0x30] =	vst v8;
	v8 =	vld [tilespmem:s29+$0xB0]  }
0x30a: {  	s30 =	simm.s32 $0x1E0;
	s28 =	sor.u32 $0x20, s26;
	v6 =	vmov s4;
	v14 =	vmov s12;
	s4 =	simm.s32 $0x6;
	v7 =	vbroadcast v7, $0x0;
	[tilespmem:s29+$0x40] =	vst v11;
	v11 =	vld [tilespmem:s29+$0xC0]  }
.LBB2_13:
0x30b: {  	p1 =	slt.u32 s31, $0x1C;
	v14 =	vand.u32 $0xFFFFFFFD, v14;
	v15 =	vmov s4;
	[tilespmem:s29+$0x50] =	vst v12;
	v3 =	vmul.f32 v5, v3;
	v5 =	vld [tilespmem:s29+$0xD0]  }
0x30c: {  	v12 =	vbroadcast v14, $0x0;
	v14 =	vand.u32 $0xFFFFFFFE, v15;
	[tilespmem:s29+$0x60] =	vst v13;
	v10 =	vmul.f32 v10, v4;
	v13 =	vld [tilespmem:s29+$0xE0]  }
0x30d: {  	v14 =	vbroadcast v14, $0x0;
	[tilespmem:s29+$0x70] =	vst v3;
	v3 =	vmul.f32 v9, v4;
	v9 =	vld [tilespmem:s29+$0xF0]  }
0x30e: {  	[tilespmem:s29+$0x90] =	vst v10;
	v8 =	vmul.f32 v8, v4;
	v10 =	vld [tilespmem:s29+$0x100]  }
0x30f: {  	[tilespmem:s29+$0xA0] =	vst v3;
	v3 =	vmul.f32 v11, v4;
	v11 =	vld [tilespmem:s29+$0x110]  }
0x310: {  	v6 =	vld.idx.msk [tilespmem:v6+s21+$0x0], $0xffff;
	[tilespmem:s29+$0xB0] =	vst v8;
	v5 =	vmul.f32 v5, v4  }
0x311: {  	v7 =	vld.idx.msk [tilespmem:v7+s21+$0x0], $0xffff;
	[tilespmem:s29+$0xC0] =	vst v3;
	v8 =	vmul.f32 v13, v4  }
0x312: {  	v12 =	vld.idx.msk [tilespmem:v12+s21+$0x0], $0xffff;
	[tilespmem:s29+$0xD0] =	vst v5;
	v5 =	vmul.f32 v9, v4  }
0x313: {  	s29 =	sadd.s32 $0x240, s29;
	v3 =	vld.idx.msk [tilespmem:v14+s21+$0x0], $0xffff;
	[tilespmem:s30+$0xE0] =	vst v8;
	v8 =	vmul.f32 v10, v4  }
0x314: {  	v9 =	vld [tilespmem:s29+$0x80];
	[tilespmem:s30+$0xF0] =	vst v5;
	v10 =	vmul.f32 v11, v4  }
0x315: {  	v5 =	vld [tilespmem:s29+$0xFFFFFEE0];
	[tilespmem:s30+$0x100] =	vst v8  }
0x316: {  	v4 =	vmov v6;
	v8 =	vld [tilespmem:s29+$0xFFFFFEF0];
	[tilespmem:s30+$0x110] =	vst v10;
	s30 =	smov.u32 s29  }
0x317: {  	v6 =	vld [tilespmem:s29+$0xFFFFFF00]  }
0x318: {  	v10 =	vld [tilespmem:s29+$0xFFFFFF10]  }
0x319: {  	v11 =	vld [tilespmem:s29+$0xFFFFFF20];
	v9 =	vmul.f32 v9, v3  }
0x31a: {  	v5 =	vmul.f32 v5, v7;
	v13 =	vld [tilespmem:s29+$0xFFFFFF30]  }
0x31b: {  	v8 =	vmul.f32 v8, v7;
	v14 =	vld [tilespmem:s29+$0xFFFFFF40];
	[tilespmem:s29+$0x80] =	vst v9  }
0x31c: {  	[tilespmem:s29+$0xFFFFFEE0] =	vst v5;
	v5 =	vmul.f32 v6, v7;
	v6 =	vld [tilespmem:s29+$0xFFFFFF50]  }
0x31d: {  	[tilespmem:s29+$0xFFFFFEF0] =	vst v8;
	v8 =	vmul.f32 v10, v7;
	v9 =	vld [tilespmem:s29+$0xFFFFFF60]  }
0x31e: {  	[tilespmem:s29+$0xFFFFFF00] =	vst v5;
	v5 =	vmul.f32 v11, v7;
	v10 =	vld [tilespmem:s29+$0xFFFFFF70]  }
0x31f: {  	[tilespmem:s29+$0xFFFFFF10] =	vst v8;
	v8 =	vmul.f32 v13, v7;
	v11 =	vld [tilespmem:s29+$0xFFFFFF80]  }
0x320: {  	[tilespmem:s29+$0xFFFFFF20] =	vst v5;
	v5 =	vmul.f32 v14, v7;
	v13 =	vld [tilespmem:s29+$0xFFFFFF90]  }
0x321: {  	[tilespmem:s29+$0xFFFFFF30] =	vst v8;
	v6 =	vmul.f32 v6, v7;
	v8 =	vld [tilespmem:s29+$0xFFFFFFA0]  }
0x322: {  	[tilespmem:s29+$0xFFFFFF40] =	vst v5;
	v5 =	vmul.f32 v9, v7;
	v7 =	vld [tilespmem:s29+$0xFFFFFFB0]  }
0x323: {  	[tilespmem:s29+$0xFFFFFF50] =	vst v6;
	v6 =	vmul.f32 v10, v12;
	v9 =	vld [tilespmem:s29+$0xFFFFFFC0]  }
0x324: {  	[tilespmem:s29+$0xFFFFFF60] =	vst v5;
	v5 =	vmul.f32 v11, v12;
	v10 =	vld [tilespmem:s29+$0xFFFFFFD0]  }
0x325: {  	[tilespmem:s29+$0xFFFFFF70] =	vst v6;
	v6 =	vmul.f32 v13, v12;
	v11 =	vld [tilespmem:s29+$0xFFFFFFE0]  }
0x326: {  	[tilespmem:s29+$0xFFFFFF80] =	vst v5;
	v5 =	vmul.f32 v8, v12;
	v8 =	vld [tilespmem:s29+$0xFFFFFFF0]  }
0x327: {  	[tilespmem:s29+$0xFFFFFF90] =	vst v6;
	v6 =	vmul.f32 v7, v12;
	v7 =	vld [tilespmem:s29+$0x0]  }
0x328: {  	[tilespmem:s29+$0xFFFFFFA0] =	vst v5;
	v5 =	vmul.f32 v9, v12;
	v9 =	vld [tilespmem:s29+$0x10]  }
0x329: {  	[tilespmem:s29+$0xFFFFFFB0] =	vst v6;
	v6 =	vmul.f32 v10, v12;
	v10 =	vld [tilespmem:s29+$0x20]  }
0x32a: {  	[tilespmem:s29+$0xFFFFFFC0] =	vst v5;
	v5 =	vmul.f32 v11, v12;
	v11 =	vld [tilespmem:s29+$0x30]  }
0x32b: {  	[tilespmem:s29+$0xFFFFFFD0] =	vst v6;
	v6 =	vmul.f32 v8, v12;
	v8 =	vld [tilespmem:s29+$0x40]  }
0x32c: {  	[tilespmem:s29+$0xFFFFFFE0] =	vst v5;
	v5 =	vmul.f32 v7, v3;
	v7 =	vld [tilespmem:s29+$0x50]  }
0x32d: {  	[tilespmem:s29+$0xFFFFFFF0] =	vst v6;
	v6 =	vmul.f32 v9, v3;
	v13 =	vld [tilespmem:s29+$0x60]  }
.Ltmp5:
0x32e: {  	[tilespmem:s29+$0x0] =	vst v5;
	v9 =	vmul.f32 v10, v3;
	v5 =	vld [tilespmem:s29+$0x70];
	(pc) =	sbr.rel @p1 .LBB2_13-.Ltmp5, $4  }
0x32f: {  	[tilespmem:s29+$0x10] =	vst v6;
	v11 =	vmul.f32 v11, v3;
	v10 =	vld [tilespmem:s29+$0x90]  }
0x330: {  	s4 =	sadd.s32 $0x3, s31;
	v6 =	vmov s31;
	[tilespmem:s29+$0x20] =	vst v9;
	v15 =	vmul.f32 v8, v3;
	v9 =	vld [tilespmem:s29+$0xA0]  }
0x331: {  	s12 =	sadd.s32 $0x1, s31;
	v14 =	vand.u32 $0xFFFFFFFC, v6;
	v6 =	vmov s4;
	[tilespmem:s29+$0x30] =	vst v11;
	v12 =	vmul.f32 v7, v3;
	v8 =	vld [tilespmem:s29+$0xB0]  }
0x332: {  	s4 =	sadd.s32 $0x2, s31;
	s31 =	sadd.s32 $0x4, s31;
	v7 =	vbroadcast v14, $0x0;
	v14 =	vmov s12;
	[tilespmem:s29+$0x40] =	vst v15;
	v13 =	vmul.f32 v13, v3;
	v11 =	vld [tilespmem:s29+$0xC0]  }
0x333: {  	v15 =	vld [tilespmem:s29+$0xD0]  }
0x334: {  	v16 =	vld [tilespmem:s29+$0xE0]  }
0x335: {  	v17 =	vmov s4;
	v18 =	vld [tilespmem:s29+$0xF0];
	v10 =	vmul.f32 v10, v4  }
0x336: {  	v63 =	vld [tilespmem:s29+$0x100];
	[tilespmem:s29+$0x50] =	vst v12;
	v17 =	vand.u32 $0xFFFFFFFE, v17  }
0x337: {  	v14 =	vand.u32 $0xFFFFFFFD, v14;
	v6 =	vld.idx.msk [tilespmem:v6+s21+$0x0], $0xffff;
	v3 =	vmul.f32 v5, v3;
	[tilespmem:s29+$0x90] =	vst v10;
	v10 =	vbroadcast v17, $0x0  }
0x338: {  	s31 =	sadd.s32 $0x240, s29;
	v14 =	vbroadcast v14, $0x0;
	v5 =	vld.idx.msk [tilespmem:v7+s21+$0x0], $0xffff;
	[tilespmem:s29+$0x60] =	vst v13;
	v9 =	vmul.f32 v9, v4  }
0x339: {  	v12 =	vld [tilespmem:s31+$0xFFFFFEE0];
	[tilespmem:s29+$0x70] =	vst v3;
	v7 =	vmul.f32 v8, v4  }
0x33a: {  	[tilespmem:s29+$0xA0] =	vst v9;
	v9 =	vld [tilespmem:s29+$0x110];
	v3 =	vmul.f32 v11, v4  }
0x33b: {  	v13 =	vld [tilespmem:s31+$0xFFFFFEF0];
	[tilespmem:s29+$0xB0] =	vst v7;
	v7 =	vmul.f32 v15, v4  }
0x33c: {  	v11 =	vld [tilespmem:s31+$0x80];
	[tilespmem:s29+$0xC0] =	vst v3;
	v3 =	vmul.f32 v16, v4  }
0x33d: {  	[tilespmem:s29+$0xD0] =	vst v7;
	v7 =	vmul.f32 v18, v4;
	v10 =	vld.idx.msk [tilespmem:v10+s21+$0x0], $0xffff  }
0x33e: {  	v8 =	vld.idx.msk [tilespmem:v14+s21+$0x0], $0xffff;
	[tilespmem:s30+$0xE0] =	vst v3;
	v3 =	vmul.f32 v63, v4  }
0x33f: {  	v14 =	vld [tilespmem:s31+$0xFFFFFF00];
	[tilespmem:s30+$0xF0] =	vst v7;
	v4 =	vmul.f32 v9, v4  }
0x340: {  	v7 =	vld [tilespmem:s31+$0xFFFFFF10];
	[tilespmem:s30+$0x100] =	vst v3  }
0x341: {  	v3 =	vld [tilespmem:s31+$0xFFFFFF20];
	[tilespmem:s30+$0x110] =	vst v4;
	v4 =	vmul.f32 v12, v5  }
0x342: {  	v9 =	vmul.f32 v11, v10;
	v11 =	vld [tilespmem:s31+$0xFFFFFF30]  }
0x343: {  	v12 =	vmul.f32 v13, v5;
	v13 =	vld [tilespmem:s31+$0xFFFFFF40];
	[tilespmem:s31+$0xFFFFFEE0] =	vst v4  }
0x344: {  	v4 =	vmul.f32 v14, v5;
	[tilespmem:s31+$0x80] =	vst v9;
	v9 =	vld [tilespmem:s31+$0xFFFFFF50]  }
0x345: {  	[tilespmem:s31+$0xFFFFFEF0] =	vst v12;
	v12 =	vld [tilespmem:s31+$0xFFFFFF60];
	v7 =	vmul.f32 v7, v5  }
0x346: {  	[tilespmem:s31+$0xFFFFFF00] =	vst v4;
	v3 =	vmul.f32 v3, v5;
	v4 =	vld [tilespmem:s31+$0xFFFFFF70]  }
0x347: {  	[tilespmem:s31+$0xFFFFFF10] =	vst v7;
	v7 =	vmul.f32 v11, v5;
	v11 =	vld [tilespmem:s31+$0xFFFFFF80]  }
0x348: {  	[tilespmem:s31+$0xFFFFFF20] =	vst v3;
	v3 =	vmul.f32 v13, v5;
	v13 =	vld [tilespmem:s31+$0xFFFFFF90]  }
0x349: {  	[tilespmem:s31+$0xFFFFFF30] =	vst v7;
	v7 =	vmul.f32 v9, v5;
	v9 =	vld [tilespmem:s31+$0xFFFFFFA0]  }
0x34a: {  	[tilespmem:s31+$0xFFFFFF40] =	vst v3;
	v3 =	vmul.f32 v12, v5;
	v5 =	vld [tilespmem:s31+$0xFFFFFFB0]  }
0x34b: {  	v4 =	vmul.f32 v4, v8;
	[tilespmem:s31+$0xFFFFFF50] =	vst v7;
	v7 =	vld [tilespmem:s31+$0xFFFFFFC0]  }
0x34c: {  	[tilespmem:s31+$0xFFFFFF60] =	vst v3;
	v3 =	vmul.f32 v11, v8;
	v11 =	vld [tilespmem:s31+$0xFFFFFFD0]  }
0x34d: {  	v12 =	vld [tilespmem:s31+$0xFFFFFFE0];
	[tilespmem:s31+$0xFFFFFF70] =	vst v4;
	v4 =	vmul.f32 v13, v8  }
0x34e: {  	[tilespmem:s31+$0xFFFFFF80] =	vst v3;
	v3 =	vmul.f32 v9, v8;
	v9 =	vld [tilespmem:s31+$0xFFFFFFF0]  }
0x34f: {  	[tilespmem:s31+$0xFFFFFF90] =	vst v4;
	v4 =	vmul.f32 v5, v8;
	v5 =	vld [tilespmem:s31+$0x0]  }
0x350: {  	[tilespmem:s31+$0xFFFFFFA0] =	vst v3;
	v3 =	vmul.f32 v7, v8;
	v7 =	vld [tilespmem:s31+$0x10]  }
0x351: {  	[tilespmem:s31+$0xFFFFFFB0] =	vst v4;
	v4 =	vmul.f32 v11, v8;
	v11 =	vld [tilespmem:s31+$0x20]  }
0x352: {  	[tilespmem:s31+$0xFFFFFFC0] =	vst v3;
	v3 =	vmul.f32 v12, v8;
	v12 =	vld [tilespmem:s31+$0x30]  }
0x353: {  	[tilespmem:s31+$0xFFFFFFD0] =	vst v4;
	v4 =	vmul.f32 v9, v8;
	v8 =	vld [tilespmem:s31+$0x40]  }
0x354: {  	[tilespmem:s31+$0xFFFFFFE0] =	vst v3;
	v3 =	vmul.f32 v5, v10;
	v5 =	vld [tilespmem:s31+$0x50]  }
0x355: {  	[tilespmem:s31+$0xFFFFFFF0] =	vst v4;
	v4 =	vmul.f32 v7, v10;
	v7 =	vld [tilespmem:s31+$0x60]  }
0x356: {  	v9 =	vld [tilespmem:s31+$0x70];
	[tilespmem:s31+$0x0] =	vst v3;
	v3 =	vmul.f32 v11, v10  }
0x357: {  	v11 =	vld [tilespmem:s31+$0x90];
	[tilespmem:s31+$0x10] =	vst v4;
	v4 =	vmul.f32 v12, v10  }
0x358: {  	[tilespmem:s31+$0x20] =	vst v3;
	v3 =	vmul.f32 v8, v10;
	v8 =	vld [tilespmem:s31+$0xA0]  }
0x359: {  	[tilespmem:s31+$0x30] =	vst v4;
	v4 =	vmul.f32 v5, v10;
	v5 =	vld [tilespmem:s31+$0xB0]  }
0x35a: {  	[tilespmem:s31+$0x40] =	vst v3;
	v3 =	vmul.f32 v7, v10;
	v7 =	vld [tilespmem:s31+$0xC0]  }
0x35b: {  	[tilespmem:s31+$0x50] =	vst v4;
	v4 =	vmul.f32 v9, v10;
	v9 =	vld [tilespmem:s31+$0xD0]  }
0x35c: {  	v10 =	vld [tilespmem:s31+$0xE0];
	[tilespmem:s31+$0x60] =	vst v3;
	v3 =	vmul.f32 v11, v6  }
0x35d: {  	[tilespmem:s31+$0x70] =	vst v4;
	v4 =	vmul.f32 v8, v6;
	v8 =	vld [tilespmem:s31+$0xF0]  }
0x35e: {  	[tilespmem:s31+$0x90] =	vst v3;
	v3 =	vmul.f32 v5, v6;
	v5 =	vld [tilespmem:s31+$0x100]  }
0x35f: {  	[tilespmem:s31+$0xA0] =	vst v4;
	v4 =	vmul.f32 v7, v6;
	v7 =	vld [tilespmem:s31+$0x110]  }
0x360: {  	[tilespmem:s31+$0xB0] =	vst v3;
	v3 =	vmul.f32 v9, v6  }
0x361: {  	[tilespmem:s31+$0xC0] =	vst v4;
	v4 =	vmul.f32 v10, v6  }
0x362: {  	[tilespmem:s31+$0xD0] =	vst v3;
	v3 =	vmul.f32 v8, v6  }
0x363: {  	[tilespmem:s31+$0xE0] =	vst v4;
	v4 =	vmul.f32 v5, v6  }
0x364: {  	[tilespmem:s31+$0xF0] =	vst v3;
	v3 =	vmul.f32 v7, v6  }
0x365: {  	[tilespmem:s31+$0x100] =	vst v4  }
0x366: {  	s4 =	simm.s32 @!p0 $0x1;
	[tilespmem:s31+$0x110] =	vst v3  }
0x367: {  	[spmem:s3] =	stream.indirect.scatter.add.f32 [tilespmem:s10], [sflag:$0x7], $0x90, s22, s13, $0xb8;
	[tilespmem:$0x18DA0] =	vst v63  }
0x368: {  	_ =	swait.ge @!p0 [sflag:s4], $0x20  }
0x369: {  	[sflag:s4] =	ssyncset.done @!p0 $0x0  }
0x36a: {  	[sflag:s4] =	ssyncadd.s32 @!p0 $0xFFFFFFE0  }
0x36b: {  	_ =	swait.ge @!p0 [sflag:s4], $0x20  }
0x36c: {  	[sflag:s4] =	ssyncset.done @!p0 $0x0  }
0x36d: {  	[sflag:s4] =	ssyncadd.s32 @!p0 $0xFFFFFFE0;
	s4 =	simm.s32 @!p0 $0x7  }
0x36e: {  	_ =	swait.ge @!p0 [sflag:s4], $0x1200  }
0x36f: {  	[sflag:s4] =	ssyncset.done @!p0 $0x0  }
0x370: {  	[sflag:s4] =	ssyncadd.s32 @!p0 $0xFFFFEE00  }
0x371: {  	v3 =	vld @!p0 [tilespmem:$0x40]  }
0x372: {  	v4 =	vld @!p0 [tilespmem:$0x0];
	_ =	sdelay $0x1  }
0x373: {  	v5 =	vld @!p0 [tilespmem:$0x50]  }
0x374: {  	v6 =	vld @!p0 [tilespmem:$0x10]  }
0x375: {  	v7 =	vmul.u32 @!p0 $0x3, v3  }
0x376: {  	v4 =	vadd.s32 @!p0 $0x2710, v4;
	[tilespmem:$0x80] =	vst @!p0 v3  }
0x377: {  	[tilespmem:$0x24E0] =	vst @!p0 v4;
	v4 =	vadd.s32 @!p0 $0x1, v7  }
0x378: {  	[tilespmem:$0x2560] =	vst @!p0 v4;
	v4 =	vmul.u32 @!p0 $0x3, v5  }
0x379: {  	v3 =	vadd.s32 @!p0 $0x2710, v6;
	[tilespmem:$0x90] =	vst @!p0 v5  }
0x37a: {  	[tilespmem:$0x24F0] =	vst @!p0 v3;
	v3 =	vadd.s32 @!p0 $0x1, v4  }
0x37b: {  	s12 =	simm.s32 @!p0 $0x24E0;
	s29 =	simm.s32 @!p0 $0xC0;
	s4 =	simm.s32 @!p0 $0x20;
	[tilespmem:$0x2570] =	vst @!p0 v3  }
0x37c: {  	[tilespmem:s29], [sflag:$0x3] =	stream.indirect.gather @!p0 [hbm4b:s5+s4], $0x90, s12, s4, $0xb8;
	[tilespmem:$0x18DA0] =	vst v63  }
0x37d: {  	s12 =	simm.s32 @!p0 $0x2560;
	s29 =	simm.s32 @!p0 $0x2520  }
0x37e: {  	[tilespmem:s29], [sflag:$0x5] =	stream.indirect.gather @!p0 [hbm4b:s7+s4], $0x1, s12, s4, $0xb8;
	[tilespmem:$0x18DA0] =	vst v63  }
0x37f: {  	s12 =	sadd.s32 @!p0 s26, s9  }
0x380: {  	s12 =	sshrl.u32 @!p0 s12, $0x3  }
0x381: {  	s30 =	simm.s32 @!p0 $0x0;
	s29 =	sadd.s32 @!p0 s2, s12  }
0x382: {  	[tilespmem:s4], [sflag:$0x2] =	stream.linear.gather @!p0 [hbm4b:s29+s30], $0x20, $0x38;
	[tilespmem:$0x18DA0] =	vst v63  }
0x383: {  	s4 =	sadd.s32 @!p0 s6, s12;
	s12 =	simm.s32 @!p0 $0x60  }
0x384: {  	[tilespmem:s12], [sflag:$0x2] =	stream.linear.gather @!p0 [hbm4b:s4+s30], $0x20, $0x38;
	[tilespmem:$0x18DA0] =	vst v63  }
0x385: {  	_ =	swait.ge [sflag:s23], $0x1200  }
0x386: {  	[sflag:s23] =	ssyncset.done $0x0  }
0x387: {  	[sflag:s23] =	ssyncadd.s32 $0xFFFFEE00  }
0x388: {  	_ =	swait.ge [sflag:s24], $0x20  }
0x389: {  	[sflag:s24] =	ssyncset.done $0x0  }
0x38a: {  	[sflag:s24] =	ssyncadd.s32 $0xFFFFFFE0  }
0x38b: {  	v3 =	vld.idx.msk [tilespmem:v1+s16+$0x0], $0xffff  }
0x38c: {  	v4 =	vld [tilespmem:$0x2540];
	_ =	sdelay $0x4  }
0x38d: {  	v3 =	vadd.f32 v4, v3;
	_ =	sdelay $0x1  }
0x38e: {  	v4 =	vmul.f32 $2.000000030e-01, v3  }
0x38f: {  	vm0 =	vge.f32 v3, $0.0e+00  }
0x390: {  	v3 =	vsel vm0, v3, v4  }
0x391: {  	v3 =	vmul.f32 $1.442695020e+00, v3;
	_ =	sdelay $0x1  }
0x392: {  	(erf) = vpow2.f32 v3;
	_ =	sdelay $0x8  }
0x393: {  	p5 =	slt.u32 s28, $0x2710;
	v3 =	vpop (erf)  }
0x394: {  	v3 =	vpsel !p5, $0x0, v3  }
0x395: {  	v4 =	vld [tilespmem:$0x2550];
	[tilespmem:$0x24C0] =	vst v3  }
0x396: {  	v3 =	vld.idx.msk [tilespmem:v2+s16+$0x0], $0xffff;
	_ =	sdelay $0x4  }
0x397: {  	v3 =	vadd.f32 v4, v3;
	_ =	sdelay $0x1  }
0x398: {  	v4 =	vmul.f32 $2.000000030e-01, v3  }
0x399: {  	vm15 =	vge.f32 v3, $0.0e+00  }
0x39a: {  	v3 =	vsel vm15, v3, v4  }
0x39b: {  	v3 =	vmul.f32 $1.442695020e+00, v3;
	_ =	sdelay $0x1  }
0x39c: {  	(erf) = vpow2.f32 v3;
	_ =	sdelay $0x2  }
0x39d: {  	s31 =	simm.s32 $0x0  }
0x39e: {  	s12 =	simm.s32 $0x2;
	v3 =	vmov s31  }
0x39f: {  	v4 =	vmov s12;
	v3 =	vand.u32 $0xFFFFFFFC, v3  }
0x3a0: {  	v4 =	vand.u32 $0xFFFFFFFE, v4;
	v3 =	vbroadcast v3, $0x0  }
0x3a1: {  	v4 =	vbroadcast v4, $0x0  }
0x3a2: {  	s26 =	sor.u32 $0x30, s26  }
0x3a3: {  	p6 =	slt.u32 s26, $0x2710;
	v5 =	vpop (erf)  }
0x3a4: {  	v5 =	vpsel !p6, $0x0, v5  }
0x3a5: {  	s30 =	simm.s32 $0x1;
	[tilespmem:$0x24D0] =	vst v5  }
0x3a6: {  	v7 =	vmov s30;
	v5 =	vld.idx.msk [tilespmem:v3+s21+$0x0], $0xffff  }
0x3a7: {  	s26 =	simm.s32 $0x13E0;
	v7 =	vand.u32 $0xFFFFFFFD, v7;
	v3 =	vld.idx.msk [tilespmem:v4+s21+$0x0], $0xffff  }
0x3a8: {  	v7 =	vbroadcast v7, $0x0;
	v4 =	vld [tilespmem:s26+$0x80]  }
0x3a9: {  	v6 =	vld [tilespmem:s26+$0xFFFFFEE0]  }
0x3aa: {  	v8 =	vld [tilespmem:s26+$0xFFFFFEF0]  }
0x3ab: {  	v9 =	vld [tilespmem:s26+$0xFFFFFF00]  }
0x3ac: {  	v10 =	vld [tilespmem:s26+$0xFFFFFF10]  }
0x3ad: {  	v13 =	vld [tilespmem:s26+$0xFFFFFF40]  }
0x3ae: {  	v7 =	vld.idx.msk [tilespmem:v7+s21+$0x0], $0xffff  }
0x3af: {  	v15 =	vld [tilespmem:s26+$0xFFFFFF80];
	v6 =	vmul.f32 v6, v5  }
0x3b0: {  	v11 =	vld [tilespmem:s26+$0xFFFFFF20];
	v8 =	vmul.f32 v8, v5  }
0x3b1: {  	v12 =	vld [tilespmem:s26+$0xFFFFFF30];
	v4 =	vmul.f32 v4, v3;
	[tilespmem:s26+$0xFFFFFEE0] =	vst v6  }
0x3b2: {  	v14 =	vld [tilespmem:s26+$0xFFFFFF70];
	v9 =	vmul.f32 v9, v5;
	[tilespmem:s26+$0xFFFFFEF0] =	vst v8  }
0x3b3: {  	v13 =	vmul.f32 v13, v5;
	v6 =	vld [tilespmem:s26+$0xFFFFFF50];
	[tilespmem:s26+$0x80] =	vst v4  }
0x3b4: {  	v15 =	vmul.f32 v15, v7;
	v8 =	vld [tilespmem:s26+$0xFFFFFF60];
	[tilespmem:s26+$0xFFFFFF00] =	vst v9  }
0x3b5: {  	v4 =	vmul.f32 v10, v5;
	v10 =	vld [tilespmem:s26+$0xFFFFFF90];
	[tilespmem:s26+$0xFFFFFF40] =	vst v13  }
0x3b6: {  	v9 =	vmul.f32 v11, v5;
	v11 =	vld [tilespmem:s26+$0xFFFFFFA0];
	[tilespmem:s26+$0xFFFFFF80] =	vst v15  }
0x3b7: {  	v13 =	vld [tilespmem:s26+$0x20];
	[tilespmem:s26+$0xFFFFFF10] =	vst v4;
	v4 =	vmul.f32 v12, v5  }
0x3b8: {  	v12 =	vld [tilespmem:s26+$0xFFFFFFB0];
	[tilespmem:s26+$0xFFFFFF20] =	vst v9;
	v9 =	vmul.f32 v14, v7  }
0x3b9: {  	v14 =	vld [tilespmem:s26+$0xFFFFFFC0];
	[tilespmem:s26+$0xFFFFFF30] =	vst v4;
	v6 =	vmul.f32 v6, v5  }
0x3ba: {  	v4 =	vld [tilespmem:s26+$0xFFFFFFD0];
	[tilespmem:s26+$0xFFFFFF70] =	vst v9;
	v5 =	vmul.f32 v8, v5  }
0x3bb: {  	v9 =	vld [tilespmem:s26+$0xFFFFFFE0];
	[tilespmem:s26+$0xFFFFFF50] =	vst v6;
	v6 =	vmul.f32 v10, v7  }
0x3bc: {  	v8 =	vld [tilespmem:s26+$0xFFFFFFF0];
	[tilespmem:s26+$0xFFFFFF60] =	vst v5;
	v5 =	vmul.f32 v11, v7  }
0x3bd: {  	v10 =	vld [tilespmem:s26+$0x0];
	[tilespmem:s26+$0xFFFFFF90] =	vst v6;
	v6 =	vmul.f32 v12, v7  }
0x3be: {  	s31 =	simm.s32 $0x3;
	v11 =	vld [tilespmem:s26+$0x10];
	[tilespmem:s26+$0xFFFFFFA0] =	vst v5;
	v5 =	vmul.f32 v14, v7  }
0x3bf: {  	v15 =	vld [tilespmem:s26+$0x60];
	v12 =	vmov s31;
	v4 =	vmul.f32 v4, v7;
	[tilespmem:s26+$0xFFFFFFB0] =	vst v6  }
0x3c0: {  	v6 =	vld [tilespmem:s26+$0x30];
	[tilespmem:s26+$0xFFFFFFC0] =	vst v5;
	v5 =	vmul.f32 v9, v7  }
0x3c1: {  	v9 =	vld [tilespmem:s26+$0x40];
	[tilespmem:s26+$0xFFFFFFD0] =	vst v4;
	v7 =	vmul.f32 v8, v7  }
0x3c2: {  	v14 =	vld [tilespmem:s26+$0x50];
	v10 =	vmul.f32 v10, v3;
	[tilespmem:s26+$0xFFFFFFE0] =	vst v5  }
0x3c3: {  	v8 =	vmul.f32 v11, v3;
	[tilespmem:s26+$0xFFFFFFF0] =	vst v7;
	v5 =	vld [tilespmem:s26+$0x70]  }
0x3c4: {  	v7 =	vmul.f32 v13, v3;
	v4 =	vld.idx.msk [tilespmem:v12+s21+$0x0], $0xffff;
	[tilespmem:s26+$0x0] =	vst v10  }
0x3c5: {  	s12 =	simm.s32 $0x4;
	[tilespmem:s26+$0x10] =	vst v8;
	v10 =	vld [tilespmem:s26+$0x90];
	v8 =	vmul.f32 v6, v3  }
0x3c6: {  	[tilespmem:s26+$0x20] =	vst v7;
	v6 =	vmov s12;
	v11 =	vmul.f32 v9, v3;
	v9 =	vld [tilespmem:s26+$0xA0]  }
0x3c7: {  	s30 =	simm.s32 $0x7;
	s31 =	simm.s32 $0x5;
	v13 =	vmul.f32 v15, v3;
	v12 =	vmul.f32 v14, v3;
	v7 =	vand.u32 $0xFFFFFFFC, v6;
	[tilespmem:s26+$0x30] =	vst v8;
	v8 =	vld [tilespmem:s26+$0xB0]  }
0x3c8: {  	s28 =	simm.s32 $0x13E0;
	s29 =	simm.s32 $0x8;
	s4 =	simm.s32 $0x6;
	v14 =	vmov s31;
	v6 =	vmov s30;
	v7 =	vbroadcast v7, $0x0;
	[tilespmem:s26+$0x40] =	vst v11;
	v11 =	vld [tilespmem:s26+$0xC0]  }
.LBB2_15:
0x3c9: {  	p0 =	slt.u32 s29, $0x1C;
	v14 =	vand.u32 $0xFFFFFFFD, v14;
	v15 =	vmov s4;
	[tilespmem:s26+$0x50] =	vst v12;
	v3 =	vmul.f32 v5, v3;
	v5 =	vld [tilespmem:s26+$0xD0]  }
0x3ca: {  	v12 =	vbroadcast v14, $0x0;
	v14 =	vand.u32 $0xFFFFFFFE, v15;
	[tilespmem:s26+$0x60] =	vst v13;
	v10 =	vmul.f32 v10, v4;
	v13 =	vld [tilespmem:s26+$0xE0]  }
0x3cb: {  	v14 =	vbroadcast v14, $0x0;
	[tilespmem:s26+$0x70] =	vst v3;
	v3 =	vmul.f32 v9, v4;
	v9 =	vld [tilespmem:s26+$0xF0]  }
0x3cc: {  	[tilespmem:s26+$0x90] =	vst v10;
	v8 =	vmul.f32 v8, v4;
	v10 =	vld [tilespmem:s26+$0x100]  }
0x3cd: {  	[tilespmem:s26+$0xA0] =	vst v3;
	v3 =	vmul.f32 v11, v4;
	v11 =	vld [tilespmem:s26+$0x110]  }
0x3ce: {  	v6 =	vld.idx.msk [tilespmem:v6+s21+$0x0], $0xffff;
	[tilespmem:s26+$0xB0] =	vst v8;
	v5 =	vmul.f32 v5, v4  }
0x3cf: {  	v7 =	vld.idx.msk [tilespmem:v7+s21+$0x0], $0xffff;
	[tilespmem:s26+$0xC0] =	vst v3;
	v8 =	vmul.f32 v13, v4  }
0x3d0: {  	v12 =	vld.idx.msk [tilespmem:v12+s21+$0x0], $0xffff;
	[tilespmem:s26+$0xD0] =	vst v5;
	v5 =	vmul.f32 v9, v4  }
0x3d1: {  	s26 =	sadd.s32 $0x240, s26;
	v3 =	vld.idx.msk [tilespmem:v14+s21+$0x0], $0xffff;
	[tilespmem:s28+$0xE0] =	vst v8;
	v8 =	vmul.f32 v10, v4  }
0x3d2: {  	v9 =	vld [tilespmem:s26+$0x80];
	[tilespmem:s28+$0xF0] =	vst v5;
	v10 =	vmul.f32 v11, v4  }
0x3d3: {  	v5 =	vld [tilespmem:s26+$0xFFFFFEE0];
	[tilespmem:s28+$0x100] =	vst v8  }
0x3d4: {  	v4 =	vmov v6;
	v8 =	vld [tilespmem:s26+$0xFFFFFEF0];
	[tilespmem:s28+$0x110] =	vst v10;
	s28 =	smov.u32 s26  }
0x3d5: {  	v6 =	vld [tilespmem:s26+$0xFFFFFF00]  }
0x3d6: {  	v10 =	vld [tilespmem:s26+$0xFFFFFF10]  }
0x3d7: {  	v11 =	vld [tilespmem:s26+$0xFFFFFF20];
	v9 =	vmul.f32 v9, v3  }
0x3d8: {  	v5 =	vmul.f32 v5, v7;
	v13 =	vld [tilespmem:s26+$0xFFFFFF30]  }
0x3d9: {  	v8 =	vmul.f32 v8, v7;
	v14 =	vld [tilespmem:s26+$0xFFFFFF40];
	[tilespmem:s26+$0x80] =	vst v9  }
0x3da: {  	[tilespmem:s26+$0xFFFFFEE0] =	vst v5;
	v5 =	vmul.f32 v6, v7;
	v6 =	vld [tilespmem:s26+$0xFFFFFF50]  }
0x3db: {  	[tilespmem:s26+$0xFFFFFEF0] =	vst v8;
	v8 =	vmul.f32 v10, v7;
	v9 =	vld [tilespmem:s26+$0xFFFFFF60]  }
0x3dc: {  	[tilespmem:s26+$0xFFFFFF00] =	vst v5;
	v5 =	vmul.f32 v11, v7;
	v10 =	vld [tilespmem:s26+$0xFFFFFF70]  }
0x3dd: {  	[tilespmem:s26+$0xFFFFFF10] =	vst v8;
	v8 =	vmul.f32 v13, v7;
	v11 =	vld [tilespmem:s26+$0xFFFFFF80]  }
0x3de: {  	[tilespmem:s26+$0xFFFFFF20] =	vst v5;
	v5 =	vmul.f32 v14, v7;
	v13 =	vld [tilespmem:s26+$0xFFFFFF90]  }
0x3df: {  	[tilespmem:s26+$0xFFFFFF30] =	vst v8;
	v6 =	vmul.f32 v6, v7;
	v8 =	vld [tilespmem:s26+$0xFFFFFFA0]  }
0x3e0: {  	[tilespmem:s26+$0xFFFFFF40] =	vst v5;
	v5 =	vmul.f32 v9, v7;
	v7 =	vld [tilespmem:s26+$0xFFFFFFB0]  }
0x3e1: {  	[tilespmem:s26+$0xFFFFFF50] =	vst v6;
	v6 =	vmul.f32 v10, v12;
	v9 =	vld [tilespmem:s26+$0xFFFFFFC0]  }
0x3e2: {  	[tilespmem:s26+$0xFFFFFF60] =	vst v5;
	v5 =	vmul.f32 v11, v12;
	v10 =	vld [tilespmem:s26+$0xFFFFFFD0]  }
0x3e3: {  	[tilespmem:s26+$0xFFFFFF70] =	vst v6;
	v6 =	vmul.f32 v13, v12;
	v11 =	vld [tilespmem:s26+$0xFFFFFFE0]  }
0x3e4: {  	[tilespmem:s26+$0xFFFFFF80] =	vst v5;
	v5 =	vmul.f32 v8, v12;
	v8 =	vld [tilespmem:s26+$0xFFFFFFF0]  }
0x3e5: {  	[tilespmem:s26+$0xFFFFFF90] =	vst v6;
	v6 =	vmul.f32 v7, v12;
	v7 =	vld [tilespmem:s26+$0x0]  }
0x3e6: {  	[tilespmem:s26+$0xFFFFFFA0] =	vst v5;
	v5 =	vmul.f32 v9, v12;
	v9 =	vld [tilespmem:s26+$0x10]  }
0x3e7: {  	[tilespmem:s26+$0xFFFFFFB0] =	vst v6;
	v6 =	vmul.f32 v10, v12;
	v10 =	vld [tilespmem:s26+$0x20]  }
0x3e8: {  	[tilespmem:s26+$0xFFFFFFC0] =	vst v5;
	v5 =	vmul.f32 v11, v12;
	v11 =	vld [tilespmem:s26+$0x30]  }
0x3e9: {  	[tilespmem:s26+$0xFFFFFFD0] =	vst v6;
	v6 =	vmul.f32 v8, v12;
	v8 =	vld [tilespmem:s26+$0x40]  }
0x3ea: {  	[tilespmem:s26+$0xFFFFFFE0] =	vst v5;
	v5 =	vmul.f32 v7, v3;
	v7 =	vld [tilespmem:s26+$0x50]  }
0x3eb: {  	[tilespmem:s26+$0xFFFFFFF0] =	vst v6;
	v6 =	vmul.f32 v9, v3;
	v13 =	vld [tilespmem:s26+$0x60]  }
.Ltmp6:
0x3ec: {  	[tilespmem:s26+$0x0] =	vst v5;
	v9 =	vmul.f32 v10, v3;
	v5 =	vld [tilespmem:s26+$0x70];
	(pc) =	sbr.rel @p0 .LBB2_15-.Ltmp6, $4  }
0x3ed: {  	[tilespmem:s26+$0x10] =	vst v6;
	v11 =	vmul.f32 v11, v3;
	v10 =	vld [tilespmem:s26+$0x90]  }
0x3ee: {  	s4 =	sadd.s32 $0x3, s29;
	v6 =	vmov s29;
	[tilespmem:s26+$0x20] =	vst v9;
	v15 =	vmul.f32 v8, v3;
	v9 =	vld [tilespmem:s26+$0xA0]  }
0x3ef: {  	s12 =	sadd.s32 $0x1, s29;
	v14 =	vand.u32 $0xFFFFFFFC, v6;
	v6 =	vmov s4;
	[tilespmem:s26+$0x30] =	vst v11;
	v12 =	vmul.f32 v7, v3;
	v8 =	vld [tilespmem:s26+$0xB0]  }
0x3f0: {  	s4 =	sadd.s32 $0x2, s29;
	s29 =	sadd.s32 $0x4, s29;
	v7 =	vbroadcast v14, $0x0;
	v14 =	vmov s12;
	[tilespmem:s26+$0x40] =	vst v15;
	v13 =	vmul.f32 v13, v3;
	v11 =	vld [tilespmem:s26+$0xC0]  }
0x3f1: {  	v15 =	vld [tilespmem:s26+$0xD0]  }
0x3f2: {  	v16 =	vld [tilespmem:s26+$0xE0]  }
0x3f3: {  	v18 =	vld [tilespmem:s26+$0xF0]  }
0x3f4: {  	v51 =	vld [tilespmem:s26+$0x100]  }
0x3f5: {  	v52 =	vld [tilespmem:s26+$0x110];
	[tilespmem:s26+$0x50] =	vst v12;
	v3 =	vmul.f32 v5, v3  }
0x3f6: {  	v6 =	vld.idx.msk [tilespmem:v6+s21+$0x0], $0xffff;
	v10 =	vmul.f32 v10, v4;
	[tilespmem:s26+$0x60] =	vst v13  }
0x3f7: {  	s29 =	sadd.s32 $0x240, s26;
	v53 =	vld.idx.msk [tilespmem:v7+s21+$0x0], $0xffff;
	v9 =	vmul.f32 v9, v4;
	[tilespmem:s26+$0x70] =	vst v3  }
0x3f8: {  	v58 =	vld [tilespmem:s29+$0xFFFFFEE0];
	[tilespmem:s26+$0x90] =	vst v10;
	v54 =	vmul.f32 v8, v4  }
0x3f9: {  	v60 =	vld [tilespmem:s29+$0xFFFFFEF0];
	[tilespmem:s26+$0xA0] =	vst v9;
	v3 =	vmul.f32 v11, v4  }
0x3fa: {  	v61 =	vld [tilespmem:s29+$0xFFFFFF00];
	[tilespmem:s26+$0xB0] =	vst v54;
	v56 =	vmul.f32 v15, v4  }
0x3fb: {  	v14 =	vand.u32 $0xFFFFFFFD, v14;
	v63 =	vld [tilespmem:s29+$0xFFFFFF10];
	[tilespmem:s26+$0xC0] =	vst v3;
	v3 =	vmul.f32 v16, v4  }
0x3fc: {  	v14 =	vbroadcast v14, $0x0;
	v20 =	vld [tilespmem:s29+$0xFFFFFF40];
	v59 =	vmul.f32 v18, v4;
	[tilespmem:s26+$0xD0] =	vst v56  }
0x3fd: {  	v17 =	vmov s4;
	v22 =	vld [tilespmem:s29+$0xFFFFFF50];
	[tilespmem:s28+$0xE0] =	vst v3;
	v3 =	vmul.f32 v51, v4  }
0x3fe: {  	v17 =	vand.u32 $0xFFFFFFFE, v17;
	v23 =	vld [tilespmem:s29+$0xFFFFFF60];
	v62 =	vmul.f32 v52, v4;
	[tilespmem:s28+$0xF0] =	vst v59  }
0x3ff: {  	v50 =	vbroadcast v17, $0x0;
	v17 =	vmul.f32 v58, v53;
	[tilespmem:s28+$0x100] =	vst v3;
	v3 =	vld [tilespmem:s29+$0xFFFFFF20]  }
0x400: {  	v18 =	vld [tilespmem:s29+$0xFFFFFF30];
	v19 =	vmul.f32 v60, v53;
	[tilespmem:s28+$0x110] =	vst v62  }
0x401: {  	v24 =	vld [tilespmem:s29+$0xFFFFFF70];
	v21 =	vmul.f32 v61, v53;
	[tilespmem:s29+$0xFFFFFEE0] =	vst v17  }
0x402: {  	v7 =	vmul.f32 v63, v53;
	v55 =	vld.idx.msk [tilespmem:v14+s21+$0x0], $0xffff;
	[tilespmem:s29+$0xFFFFFEF0] =	vst v19  }
0x403: {  	v26 =	vld [tilespmem:s29+$0xFFFFFF80];
	v28 =	vmul.f32 v22, v53;
	[tilespmem:s29+$0xFFFFFF00] =	vst v21  }
0x404: {  	v27 =	vld [tilespmem:s29+$0xFFFFFF90];
	[tilespmem:s29+$0xFFFFFF10] =	vst v7;
	v3 =	vmul.f32 v3, v53  }
0x405: {  	v29 =	vld [tilespmem:s29+$0xFFFFFFA0];
	[tilespmem:s29+$0xFFFFFF50] =	vst v28;
	v25 =	vmul.f32 v18, v53  }
0x406: {  	v30 =	vld [tilespmem:s29+$0xFFFFFFB0];
	[tilespmem:s29+$0xFFFFFF20] =	vst v3;
	v3 =	vmul.f32 v20, v53  }
0x407: {  	v31 =	vld [tilespmem:s29+$0xFFFFFFC0];
	[tilespmem:s29+$0xFFFFFF30] =	vst v25;
	v4 =	vmul.f32 v24, v55  }
0x408: {  	v32 =	vld [tilespmem:s29+$0xFFFFFFD0];
	[tilespmem:s29+$0xFFFFFF40] =	vst v3;
	v3 =	vmul.f32 v23, v53  }
0x409: {  	v34 =	vld [tilespmem:s29+$0xFFFFFFE0];
	v33 =	vmul.f32 v27, v55;
	[tilespmem:s29+$0xFFFFFF70] =	vst v4  }
0x40a: {  	v35 =	vld [tilespmem:s29+$0xFFFFFFF0];
	[tilespmem:s29+$0xFFFFFF60] =	vst v3;
	v3 =	vmul.f32 v26, v55  }
0x40b: {  	v37 =	vld [tilespmem:s29+$0x0];
	v36 =	vmul.f32 v30, v55;
	[tilespmem:s29+$0xFFFFFF90] =	vst v33  }
0x40c: {  	v56 =	vld [tilespmem:s29+$0xE0];
	[tilespmem:s29+$0xFFFFFF80] =	vst v3;
	v3 =	vmul.f32 v29, v55  }
0x40d: {  	v10 =	vld.idx.msk [tilespmem:v50+s21+$0x0], $0xffff;
	v39 =	vmul.f32 v32, v55;
	[tilespmem:s29+$0xFFFFFFB0] =	vst v36  }
0x40e: {  	v57 =	vld [tilespmem:s29+$0x80];
	[tilespmem:s29+$0xFFFFFFA0] =	vst v3;
	v3 =	vmul.f32 v31, v55  }
0x40f: {  	v40 =	vld [tilespmem:s29+$0x20];
	v42 =	vmul.f32 v35, v55;
	[tilespmem:s29+$0xFFFFFFD0] =	vst v39  }
0x410: {  	v38 =	vld [tilespmem:s29+$0x10];
	[tilespmem:s29+$0xFFFFFFC0] =	vst v3;
	v3 =	vmul.f32 v34, v55  }
0x411: {  	v43 =	vld [tilespmem:s29+$0x40];
	v62 =	vmul.f32 v56, v6;
	[tilespmem:s29+$0xFFFFFFF0] =	vst v42  }
0x412: {  	v41 =	vld [tilespmem:s29+$0x30];
	[tilespmem:s29+$0xFFFFFFE0] =	vst v3;
	v3 =	vmul.f32 v37, v10  }
0x413: {  	v46 =	vld [tilespmem:s29+$0x60];
	v16 =	vmul.f32 v57, v10;
	[tilespmem:s29+$0xE0] =	vst v62  }
0x414: {  	v44 =	vld [tilespmem:s29+$0x50];
	[tilespmem:s29+$0x0] =	vst v3;
	v3 =	vmul.f32 v40, v10  }
0x415: {  	v49 =	vld [tilespmem:s29+$0x90];
	v45 =	vmul.f32 v38, v10;
	[tilespmem:s29+$0x80] =	vst v16  }
0x416: {  	v47 =	vld [tilespmem:s29+$0x70];
	[tilespmem:s29+$0x20] =	vst v3;
	v3 =	vmul.f32 v43, v10  }
0x417: {  	v52 =	vld [tilespmem:s29+$0xB0];
	v48 =	vmul.f32 v41, v10;
	[tilespmem:s29+$0x10] =	vst v45  }
0x418: {  	v50 =	vld [tilespmem:s29+$0xA0];
	[tilespmem:s29+$0x40] =	vst v3;
	v3 =	vmul.f32 v46, v10  }
0x419: {  	v51 =	vmul.f32 v44, v10;
	[tilespmem:s29+$0x30] =	vst v48;
	v55 =	vld [tilespmem:s29+$0xD0]  }
0x41a: {  	v59 =	vld [tilespmem:s29+$0x100];
	[tilespmem:s29+$0x60] =	vst v3;
	v3 =	vmul.f32 v49, v6  }
0x41b: {  	v58 =	vld [tilespmem:s29+$0xF0];
	v54 =	vmul.f32 v47, v10;
	[tilespmem:s29+$0x50] =	vst v51  }
0x41c: {  	v53 =	vld [tilespmem:s29+$0xC0];
	[tilespmem:s29+$0x90] =	vst v3;
	v3 =	vmul.f32 v52, v6  }
0x41d: {  	v61 =	vld [tilespmem:s29+$0x110];
	v57 =	vmul.f32 v50, v6;
	[tilespmem:s29+$0x70] =	vst v54  }
0x41e: {  	[tilespmem:s29+$0xB0] =	vst v3;
	v3 =	vmul.f32 v55, v6  }
0x41f: {  	s8 =	sadd.s32 $0x1, s8;
	v63 =	vmul.f32 v59, v6;
	[tilespmem:s29+$0xA0] =	vst v57  }
0x420: {  	p0 =	sne.s32 s8, $0x9D;
	[tilespmem:s29+$0xD0] =	vst v3;
	v3 =	vmul.f32 v58, v6  }
.Ltmp7:
0x421: {  	[tilespmem:s29+$0x100] =	vst v63;
	v60 =	vmul.f32 v53, v6;
	(pc) =	sbr.rel @p0 .LBB2_12-.Ltmp7, $4  }
0x422: {  	[tilespmem:s29+$0xF0] =	vst v3;
	v3 =	vmul.f32 v61, v6  }
0x423: {  	[tilespmem:s29+$0xC0] =	vst v60  }
0x424: {  	[tilespmem:s29+$0x110] =	vst v3  }
0x425: {  	[spmem:s3] =	stream.indirect.scatter.add.f32 [tilespmem:s16], [sflag:$0x8], $0x90, s25, s13, $0xb8;
	[tilespmem:$0x18DA0] =	vst v63  }
0x426: {  	s1 =	simm.s32 $0x7  }
0x427: {  	_ =	swait.ge [sflag:s1], $0x1200  }
0x428: {  	[sflag:s1] =	ssyncset.done $0x0  }
0x429: {  	s29 =	simm.s32 $0x8;
	[sflag:s1] =	ssyncadd.s32 $0xFFFFEE00  }
0x42a: {  	_ =	swait.ge [sflag:s29], $0x1200  }
0x42b: {  	[sflag:s29] =	ssyncset.done $0x0  }
0x42c: {  	[sflag:s29] =	ssyncadd.s32 $0xFFFFEE00  }
0x42d: {  	[bflag:$0x0] =	sbarrier.arrive $0xFFFF  }
0x42e: {  	s4 =	sld [smem:$0x7FB]  }
0x42f: {  	s8 =	sld [smem:$0x7FC];
	_ =	sdelay $0x1  }
0x430: {  	s31 =	simm.s32 $0x9;
	s30 =	rddreg [dreg:$0x1e]  }
0x431: {  	[hbm:s30], [sflag:s4] =	dma.local [spmem:s8], $0x2D00  }
0x432: {  	_ =	swait.ge [sflag:s31], $0x2D00  }
0x433: {  	[sflag:s31] =	ssyncset.done $0x0  }
0x434: {  	[sflag:s31] =	ssyncadd.s32 $0xFFFFD300  }
0x435: {  	s1 =	simm.s32 $0x0;
	s8 =	simm.s32 $0x240;
	[bflag:$0x0] =	sbarrier.arrive $0xFFFF  }
.LBB2_18:
0x436: {  	p0 =	sne.s32 s8, $0x45C0;
	[tilespmem:s1+$0x140] =	vst v0  }
0x437: {  	[tilespmem:s1+$0xC0] =	vst v0  }
0x438: {  	[tilespmem:s1+$0xD0] =	vst v0  }
0x439: {  	[tilespmem:s1+$0xE0] =	vst v0  }
.Ltmp8:
0x43a: {  	[tilespmem:s1+$0xF0] =	vst v0;
	(pc) =	sbr.rel @p0 .LBB2_18-.Ltmp8, $4  }
0x43b: {  	[tilespmem:s1+$0x100] =	vst v0  }
0x43c: {  	[tilespmem:s1+$0x110] =	vst v0  }
0x43d: {  	[tilespmem:s1+$0x120] =	vst v0  }
0x43e: {  	[tilespmem:s1+$0x130] =	vst v0;
	s1 =	sshra.s32 s8, $0x2;
	s8 =	sadd.s32 $0x240, s8  }
0x43f: {  	[tilespmem:s1+$0x140] =	vst v0  }
0x440: {  	[tilespmem:s1+$0xC0] =	vst v0  }
0x441: {  	[tilespmem:s1+$0xD0] =	vst v0  }
0x442: {  	[tilespmem:s1+$0xE0] =	vst v0  }
0x443: {  	[tilespmem:s1+$0xF0] =	vst v0  }
0x444: {  	[tilespmem:s1+$0x100] =	vst v0  }
0x445: {  	[tilespmem:s1+$0x110] =	vst v0  }
0x446: {  	[tilespmem:s1+$0x120] =	vst v0  }
0x447: {  	[tilespmem:s1+$0x130] =	vst v0;
	s26 =	rddreg [dreg:$0x5]  }
0x448: {  	[spmem:s26] =	stream.linear.scatter [tilespmem:s10], [sflag:$0xA], $0x1200, $0x38;
	[tilespmem:$0x18DA0] =	vst v63  }
0x449: {  	_ =	swait.ge [sflag:s11], $0x1200  }
0x44a: {  	[sflag:s11] =	ssyncset.done $0x0  }
0x44b: {  	s28 =	rddreg [dreg:$0x6];
	[sflag:s11] =	ssyncadd.s32 $0xFFFFEE00  }
0x44c: {  	[spmem:s28] =	stream.linear.scatter [tilespmem:s10], [sflag:$0xA], $0x1200, $0x38;
	[tilespmem:$0x18DA0] =	vst v63  }
0x44d: {  	_ =	swait.ge [sflag:s11], $0x1200  }
0x44e: {  	[sflag:s11] =	ssyncset.done $0x0  }
0x44f: {  	s29 =	rddreg [dreg:$0x7];
	[sflag:s11] =	ssyncadd.s32 $0xFFFFEE00  }
0x450: {  	[spmem:s29] =	stream.linear.scatter [tilespmem:s10], [sflag:$0xA], $0x1200, $0x38;
	[tilespmem:$0x18DA0] =	vst v63  }
0x451: {  	_ =	swait.ge [sflag:s11], $0x1200  }
0x452: {  	[sflag:s11] =	ssyncset.done $0x0  }
0x453: {  	s30 =	rddreg [dreg:$0x8];
	[sflag:s11] =	ssyncadd.s32 $0xFFFFEE00  }
0x454: {  	[spmem:s30] =	stream.linear.scatter [tilespmem:s10], [sflag:$0xA], $0x1200, $0x38;
	[tilespmem:$0x18DA0] =	vst v63  }
0x455: {  	_ =	swait.ge [sflag:s11], $0x1200  }
0x456: {  	[sflag:s11] =	ssyncset.done $0x0  }
0x457: {  	s31 =	rddreg [dreg:$0x9];
	[sflag:s11] =	ssyncadd.s32 $0xFFFFEE00  }
0x458: {  	[spmem:s31] =	stream.linear.scatter [tilespmem:s10], [sflag:$0xA], $0x1200, $0x38;
	[tilespmem:$0x18DA0] =	vst v63  }
0x459: {  	_ =	swait.ge [sflag:s11], $0x1200  }
0x45a: {  	[sflag:s11] =	ssyncset.done $0x0  }
0x45b: {  	s4 =	rddreg [dreg:$0xa];
	[sflag:s11] =	ssyncadd.s32 $0xFFFFEE00  }
0x45c: {  	[spmem:s4] =	stream.linear.scatter [tilespmem:s10], [sflag:$0xA], $0x1200, $0x38;
	[tilespmem:$0x18DA0] =	vst v63  }
0x45d: {  	_ =	swait.ge [sflag:s11], $0x1200  }
0x45e: {  	[sflag:s11] =	ssyncset.done $0x0  }
0x45f: {  	s8 =	rddreg [dreg:$0xb];
	[sflag:s11] =	ssyncadd.s32 $0xFFFFEE00  }
0x460: {  	[spmem:s8] =	stream.linear.scatter [tilespmem:s10], [sflag:$0xA], $0x1200, $0x38;
	[tilespmem:$0x18DA0] =	vst v63  }
0x461: {  	_ =	swait.ge [sflag:s11], $0x1200  }
0x462: {  	[sflag:s11] =	ssyncset.done $0x0  }
0x463: {  	s12 =	rddreg [dreg:$0xc];
	[sflag:s11] =	ssyncadd.s32 $0xFFFFEE00  }
0x464: {  	[spmem:s12] =	stream.linear.scatter [tilespmem:s10], [sflag:$0xA], $0x1200, $0x38;
	[tilespmem:$0x18DA0] =	vst v63  }
0x465: {  	_ =	swait.ge [sflag:s11], $0x1200  }
0x466: {  	[sflag:s11] =	ssyncset.done $0x0  }
0x467: {  	s26 =	rddreg [dreg:$0xd];
	[sflag:s11] =	ssyncadd.s32 $0xFFFFEE00  }
0x468: {  	[spmem:s26] =	stream.linear.scatter [tilespmem:s10], [sflag:$0xA], $0x1200, $0x38;
	[tilespmem:$0x18DA0] =	vst v63  }
0x469: {  	_ =	swait.ge [sflag:s11], $0x1200  }
0x46a: {  	[sflag:s11] =	ssyncset.done $0x0  }
0x46b: {  	s28 =	rddreg [dreg:$0xe];
	[sflag:s11] =	ssyncadd.s32 $0xFFFFEE00  }
0x46c: {  	[spmem:s28] =	stream.linear.scatter [tilespmem:s10], [sflag:$0xA], $0x1200, $0x38;
	[tilespmem:$0x18DA0] =	vst v63  }
0x46d: {  	_ =	swait.ge [sflag:s11], $0x1200  }
0x46e: {  	[sflag:s11] =	ssyncset.done $0x0  }
0x46f: {  	s29 =	rddreg [dreg:$0xf];
	[sflag:s11] =	ssyncadd.s32 $0xFFFFEE00  }
0x470: {  	[spmem:s29] =	stream.linear.scatter [tilespmem:s10], [sflag:$0xA], $0x1200, $0x38;
	[tilespmem:$0x18DA0] =	vst v63  }
0x471: {  	_ =	swait.ge [sflag:s11], $0x1200  }
0x472: {  	[sflag:s11] =	ssyncset.done $0x0  }
0x473: {  	s30 =	rddreg [dreg:$0x10];
	[sflag:s11] =	ssyncadd.s32 $0xFFFFEE00  }
0x474: {  	[spmem:s30] =	stream.linear.scatter [tilespmem:s10], [sflag:$0xA], $0x1200, $0x38;
	[tilespmem:$0x18DA0] =	vst v63  }
0x475: {  	_ =	swait.ge [sflag:s11], $0x1200  }
0x476: {  	[sflag:s11] =	ssyncset.done $0x0  }
0x477: {  	s31 =	rddreg [dreg:$0x11];
	[sflag:s11] =	ssyncadd.s32 $0xFFFFEE00  }
0x478: {  	[spmem:s31] =	stream.linear.scatter [tilespmem:s10], [sflag:$0xA], $0x1200, $0x38;
	[tilespmem:$0x18DA0] =	vst v63  }
0x479: {  	_ =	swait.ge [sflag:s11], $0x1200  }
0x47a: {  	[sflag:s11] =	ssyncset.done $0x0  }
0x47b: {  	s4 =	rddreg [dreg:$0x12];
	[sflag:s11] =	ssyncadd.s32 $0xFFFFEE00  }
0x47c: {  	[spmem:s4] =	stream.linear.scatter [tilespmem:s10], [sflag:$0xA], $0x1200, $0x38;
	[tilespmem:$0x18DA0] =	vst v63  }
0x47d: {  	_ =	swait.ge [sflag:s11], $0x1200  }
0x47e: {  	[sflag:s11] =	ssyncset.done $0x0  }
0x47f: {  	s8 =	rddreg [dreg:$0x13];
	[sflag:s11] =	ssyncadd.s32 $0xFFFFEE00  }
0x480: {  	[spmem:s8] =	stream.linear.scatter [tilespmem:s10], [sflag:$0xA], $0x1200, $0x38;
	[tilespmem:$0x18DA0] =	vst v63  }
0x481: {  	_ =	swait.ge [sflag:s11], $0x1200  }
0x482: {  	[sflag:s11] =	ssyncset.done $0x0  }
0x483: {  	s12 =	rddreg [dreg:$0x14];
	[sflag:s11] =	ssyncadd.s32 $0xFFFFEE00  }
0x484: {  	[spmem:s12] =	stream.linear.scatter [tilespmem:s10], [sflag:$0xA], $0x1200, $0x38;
	[tilespmem:$0x18DA0] =	vst v63  }
0x485: {  	_ =	swait.ge [sflag:s11], $0x1200  }
0x486: {  	[sflag:s11] =	ssyncset.done $0x0  }
0x487: {  	s26 =	rddreg [dreg:$0x15];
	[sflag:s11] =	ssyncadd.s32 $0xFFFFEE00  }
0x488: {  	[spmem:s26] =	stream.linear.scatter [tilespmem:s10], [sflag:$0xA], $0x1200, $0x38;
	[tilespmem:$0x18DA0] =	vst v63  }
0x489: {  	_ =	swait.ge [sflag:s11], $0x1200  }
0x48a: {  	[sflag:s11] =	ssyncset.done $0x0  }
0x48b: {  	s28 =	rddreg [dreg:$0x16];
	[sflag:s11] =	ssyncadd.s32 $0xFFFFEE00  }
0x48c: {  	[spmem:s28] =	stream.linear.scatter [tilespmem:s10], [sflag:$0xA], $0x1200, $0x38;
	[tilespmem:$0x18DA0] =	vst v63  }
0x48d: {  	_ =	swait.ge [sflag:s11], $0x1200  }
0x48e: {  	[sflag:s11] =	ssyncset.done $0x0  }
0x48f: {  	s29 =	rddreg [dreg:$0x17];
	[sflag:s11] =	ssyncadd.s32 $0xFFFFEE00  }
0x490: {  	[spmem:s29] =	stream.linear.scatter [tilespmem:s10], [sflag:$0xA], $0x1200, $0x38;
	[tilespmem:$0x18DA0] =	vst v63  }
0x491: {  	_ =	swait.ge [sflag:s11], $0x1200  }
0x492: {  	[sflag:s11] =	ssyncset.done $0x0  }
0x493: {  	s30 =	rddreg [dreg:$0x18];
	[sflag:s11] =	ssyncadd.s32 $0xFFFFEE00  }
0x494: {  	[spmem:s30] =	stream.linear.scatter [tilespmem:s10], [sflag:$0xA], $0x1200, $0x38;
	[tilespmem:$0x18DA0] =	vst v63  }
0x495: {  	_ =	swait.ge [sflag:s11], $0x1200  }
0x496: {  	[sflag:s11] =	ssyncset.done $0x0  }
0x497: {  	[sflag:s11] =	ssyncadd.s32 $0xFFFFEE00  }
0x498: {  	[bflag:$0x0] =	sbarrier.arrive $0xFFFF  }
0x499: {  	s1 =	simm.s32 $0x0;
	s4 =	rddreg [dreg:$0x19]  }
0x49a: {  	[tilespmem:s1], [sflag:$0x1] =	stream.linear.gather [hbm4b:s4+s1], $0x20, $0x38;
	[tilespmem:$0x18DA0] =	vst v63  }
0x49b: {  	s8 =	simm.s32 $0x40;
	s31 =	rddreg [dreg:$0x1a]  }
0x49c: {  	[tilespmem:s8], [sflag:$0x1] =	stream.linear.gather [hbm4b:s31+s1], $0x20, $0x38;
	[tilespmem:$0x18DA0] =	vst v63  }
0x49d: {  	s8 =	simm.s32 $0x1  }
0x49e: {  	_ =	swait.ge [sflag:s8], $0x20  }
0x49f: {  	[sflag:s8] =	ssyncset.done $0x0  }
0x4a0: {  	[sflag:s8] =	ssyncadd.s32 $0xFFFFFFE0  }
0x4a1: {  	_ =	swait.ge [sflag:s8], $0x20  }
0x4a2: {  	[sflag:s8] =	ssyncset.done $0x0  }
0x4a3: {  	[sflag:s8] =	ssyncadd.s32 $0xFFFFFFE0  }
0x4a4: {  	v3 =	vld [tilespmem:$0x40]  }
0x4a5: {  	v4 =	vld [tilespmem:$0x0]  }
0x4a6: {  	v5 =	vld [tilespmem:$0x50]  }
0x4a7: {  	v6 =	vld [tilespmem:$0x10];
	_ =	sdelay $0x2  }
0x4a8: {  	[tilespmem:$0x80] =	vst v3  }
0x4a9: {  	v7 =	vmul.u32 $0x3, v3;
	v4 =	vadd.s32 $0x4E20, v4;
	[tilespmem:$0x90] =	vst v5  }
0x4aa: {  	v63 =	vmul.u32 $0x3, v5;
	v3 =	vadd.s32 $0x4E20, v6;
	[tilespmem:$0x24E0] =	vst v4  }
0x4ab: {  	[tilespmem:$0x24F0] =	vst v3;
	v62 =	vadd.s32 $0x2, v7  }
0x4ac: {  	v3 =	vadd.s32 $0x2, v63;
	[tilespmem:$0x2560] =	vst v62  }
0x4ad: {  	s12 =	simm.s32 $0x24E0;
	[tilespmem:$0x2570] =	vst v3  }
0x4ae: {  	[tilespmem:s10], [sflag:$0x3] =	stream.indirect.gather [hbm4b:s5+s13], $0x90, s12, s13, $0xb8;
	[tilespmem:$0x18DA0] =	vst v63  }
0x4af: {  	s26 =	simm.s32 $0x2560;
	s28 =	simm.s32 $0x2520  }
0x4b0: {  	[tilespmem:s28], [sflag:$0x5] =	stream.indirect.gather [hbm4b:s7+s13], $0x1, s26, s13, $0xb8;
	[tilespmem:$0x18DA0] =	vst v63  }
0x4b1: {  	s29 =	rddreg [dreg:$0x1b]  }
0x4b2: {  	[tilespmem:s13], [sflag:$0x2] =	stream.linear.gather [hbm4b:s29+s1], $0x20, $0x38;
	[tilespmem:$0x18DA0] =	vst v63  }
0x4b3: {  	s31 =	simm.s32 $0x60;
	s30 =	rddreg [dreg:$0x1c];
	s8 =	simm.s32 $0x0  }
0x4b4: {  	[tilespmem:s31], [sflag:$0x2] =	stream.linear.gather [hbm4b:s30+s1], $0x20, $0x38;
	[tilespmem:$0x18DA0] =	vst v63  }
.LBB2_20:
0x4b5: {  	_ =	swait.ge [sflag:s14], $0x20  }
0x4b6: {  	[sflag:s14] =	ssyncset.done $0x0  }
0x4b7: {  	[sflag:s14] =	ssyncadd.s32 $0xFFFFFFE0  }
0x4b8: {  	_ =	swait.ge [sflag:s14], $0x20  }
0x4b9: {  	p0 =	seq.s32 s8, $0x0;
	[sflag:s14] =	ssyncset.done $0x0  }
0x4ba: {  	s4 =	simm.s32 @!p0 $0x8;
	[sflag:s14] =	ssyncadd.s32 $0xFFFFFFE0  }
0x4bb: {  	_ =	swait.ge @!p0 [sflag:s4], $0x1200  }
0x4bc: {  	[sflag:s4] =	ssyncset.done @!p0 $0x0  }
0x4bd: {  	[sflag:s4] =	ssyncadd.s32 @!p0 $0xFFFFEE00  }
0x4be: {  	v3 =	vld [tilespmem:$0x60]  }
0x4bf: {  	v4 =	vld [tilespmem:$0x20];
	_ =	sdelay $0x1  }
0x4c0: {  	v5 =	vld [tilespmem:$0x70]  }
0x4c1: {  	v6 =	vld [tilespmem:$0x30]  }
0x4c2: {  	v7 =	vmul.u32 $0x3, v3  }
0x4c3: {  	v4 =	vadd.s32 $0x4E20, v4;
	[tilespmem:$0xA0] =	vst v3  }
0x4c4: {  	[tilespmem:$0x2500] =	vst v4;
	v4 =	vadd.s32 $0x2, v7  }
0x4c5: {  	[tilespmem:$0x2580] =	vst v4;
	v4 =	vmul.u32 $0x3, v5  }
0x4c6: {  	v3 =	vadd.s32 $0x4E20, v6;
	[tilespmem:$0xB0] =	vst v5  }
0x4c7: {  	s26 =	sshll.u32 s8, $0x6;
	p0 =	seq.s32 s8, $0x9C;
	[tilespmem:$0x2510] =	vst v3;
	v3 =	vadd.s32 $0x2, v4  }
0x4c8: {  	s4 =	sadd.s32 @!p0 s26, s0;
	[tilespmem:$0x2590] =	vst v3  }
0x4c9: {  	[tilespmem:s16], [sflag:$0x4] =	stream.indirect.gather [hbm4b:s5+s13], $0x90, s15, s13, $0xb8;
	[tilespmem:$0x18DA0] =	vst v63  }
0x4ca: {  	s4 =	sshrl.u32 @!p0 s4, $0x3  }
0x4cb: {  	[tilespmem:s18], [sflag:$0x6] =	stream.indirect.gather [hbm4b:s7+s13], $0x1, s17, s13, $0xb8;
	[tilespmem:$0x18DA0] =	vst v63  }
0x4cc: {  	s28 =	simm.s32 @!p0 $0x0;
	s12 =	sadd.s32 @!p0 s2, s4  }
0x4cd: {  	[tilespmem:s28], [sflag:$0x1] =	stream.linear.gather @!p0 [hbm4b:s12+s28], $0x20, $0x38;
	[tilespmem:$0x18DA0] =	vst v63  }
0x4ce: {  	s4 =	sadd.s32 @!p0 s6, s4;
	s12 =	simm.s32 @!p0 $0x40  }
0x4cf: {  	[tilespmem:s12], [sflag:$0x1] =	stream.linear.gather @!p0 [hbm4b:s4+s28], $0x20, $0x38;
	[tilespmem:$0x18DA0] =	vst v63  }
0x4d0: {  	_ =	swait.ge [sflag:s19], $0x1200  }
0x4d1: {  	[sflag:s19] =	ssyncset.done $0x0  }
0x4d2: {  	[sflag:s19] =	ssyncadd.s32 $0xFFFFEE00  }
0x4d3: {  	_ =	swait.ge [sflag:s20], $0x20  }
0x4d4: {  	[sflag:s20] =	ssyncset.done $0x0  }
0x4d5: {  	[sflag:s20] =	ssyncadd.s32 $0xFFFFFFE0  }
0x4d6: {  	v3 =	vld.idx.msk [tilespmem:v1+s10+$0x0], $0xffff  }
0x4d7: {  	v4 =	vld [tilespmem:$0x2520];
	_ =	sdelay $0x4  }
0x4d8: {  	v3 =	vadd.f32 v4, v3;
	_ =	sdelay $0x1  }
0x4d9: {  	v4 =	vmul.f32 $2.000000030e-01, v3  }
0x4da: {  	vm0 =	vge.f32 v3, $0.0e+00  }
0x4db: {  	v3 =	vsel vm0, v3, v4  }
0x4dc: {  	v3 =	vmul.f32 $1.442695020e+00, v3;
	_ =	sdelay $0x1  }
0x4dd: {  	(erf) = vpow2.f32 v3;
	_ =	sdelay $0x8  }
0x4de: {  	v3 =	vpop (erf)  }
0x4df: {  	v4 =	vld [tilespmem:$0x2530];
	[tilespmem:$0x24C0] =	vst v3  }
0x4e0: {  	v3 =	vld.idx.msk [tilespmem:v2+s10+$0x0], $0xffff;
	_ =	sdelay $0x4  }
0x4e1: {  	v3 =	vadd.f32 v4, v3;
	_ =	sdelay $0x1  }
0x4e2: {  	v4 =	vmul.f32 $2.000000030e-01, v3  }
0x4e3: {  	vm15 =	vge.f32 v3, $0.0e+00  }
0x4e4: {  	v3 =	vsel vm15, v3, v4  }
0x4e5: {  	v3 =	vmul.f32 $1.442695020e+00, v3;
	_ =	sdelay $0x1  }
0x4e6: {  	(erf) = vpow2.f32 v3;
	_ =	sdelay $0x3  }
0x4e7: {  	s12 =	simm.s32 $0x2;
	v3 =	vmov s1  }
0x4e8: {  	v4 =	vmov s12;
	v3 =	vand.u32 $0xFFFFFFFC, v3  }
0x4e9: {  	v4 =	vand.u32 $0xFFFFFFFE, v4;
	v3 =	vbroadcast v3, $0x0  }
0x4ea: {  	v4 =	vbroadcast v4, $0x0  }
0x4eb: {  	s12 =	sor.u32 $0x10, s26  }
0x4ec: {  	p1 =	slt.u32 s12, $0x2710;
	v5 =	vpop (erf)  }
0x4ed: {  	v5 =	vpsel !p1, $0x0, v5  }
0x4ee: {  	[tilespmem:$0x24D0] =	vst v5  }
0x4ef: {  	v5 =	vld.idx.msk [tilespmem:v3+s21+$0x0], $0xffff  }
0x4f0: {  	s29 =	simm.s32 $0x1E0;
	s12 =	simm.s32 $0x1;
	v3 =	vld.idx.msk [tilespmem:v4+s21+$0x0], $0xffff  }
0x4f1: {  	v7 =	vmov s12;
	v4 =	vld [tilespmem:s29+$0x80]  }
0x4f2: {  	v7 =	vand.u32 $0xFFFFFFFD, v7;
	v6 =	vld [tilespmem:s29+$0xFFFFFEE0]  }
0x4f3: {  	v7 =	vbroadcast v7, $0x0;
	v8 =	vld [tilespmem:s29+$0xFFFFFEF0]  }
0x4f4: {  	v9 =	vld [tilespmem:s29+$0xFFFFFF00]  }
0x4f5: {  	v10 =	vld [tilespmem:s29+$0xFFFFFF10]  }
0x4f6: {  	v11 =	vld [tilespmem:s29+$0xFFFFFF20]  }
0x4f7: {  	v13 =	vld [tilespmem:s29+$0xFFFFFF40]  }
0x4f8: {  	v12 =	vld [tilespmem:s29+$0xFFFFFF30];
	v6 =	vmul.f32 v6, v5  }
0x4f9: {  	v7 =	vld.idx.msk [tilespmem:v7+s21+$0x0], $0xffff;
	v8 =	vmul.f32 v8, v5  }
0x4fa: {  	v14 =	vld [tilespmem:s29+$0xFFFFFF70];
	v4 =	vmul.f32 v4, v3;
	[tilespmem:s29+$0xFFFFFEE0] =	vst v6  }
0x4fb: {  	v15 =	vld [tilespmem:s29+$0xFFFFFF80];
	v9 =	vmul.f32 v9, v5;
	[tilespmem:s29+$0xFFFFFEF0] =	vst v8  }
0x4fc: {  	v13 =	vmul.f32 v13, v5;
	v6 =	vld [tilespmem:s29+$0xFFFFFF50];
	[tilespmem:s29+$0x80] =	vst v4  }
0x4fd: {  	v8 =	vld [tilespmem:s29+$0xFFFFFF60];
	[tilespmem:s29+$0xFFFFFF00] =	vst v9;
	v9 =	vmul.f32 v11, v5  }
0x4fe: {  	v4 =	vmul.f32 v10, v5;
	v10 =	vld [tilespmem:s29+$0xFFFFFF90];
	[tilespmem:s29+$0xFFFFFF40] =	vst v13  }
0x4ff: {  	v11 =	vld [tilespmem:s29+$0xFFFFFFA0];
	[tilespmem:s29+$0xFFFFFF20] =	vst v9;
	v9 =	vmul.f32 v14, v7  }
0x500: {  	v13 =	vld [tilespmem:s29+$0xFFFFFFE0];
	[tilespmem:s29+$0xFFFFFF10] =	vst v4;
	v4 =	vmul.f32 v12, v5  }
0x501: {  	v12 =	vld [tilespmem:s29+$0xFFFFFFB0];
	[tilespmem:s29+$0xFFFFFF70] =	vst v9;
	v9 =	vmul.f32 v15, v7  }
0x502: {  	v14 =	vld [tilespmem:s29+$0xFFFFFFC0];
	[tilespmem:s29+$0xFFFFFF30] =	vst v4;
	v6 =	vmul.f32 v6, v5  }
0x503: {  	v4 =	vld [tilespmem:s29+$0xFFFFFFD0];
	v5 =	vmul.f32 v8, v5;
	[tilespmem:s29+$0xFFFFFF80] =	vst v9  }
0x504: {  	v15 =	vld [tilespmem:s29+$0x60];
	[tilespmem:s29+$0xFFFFFF50] =	vst v6;
	v6 =	vmul.f32 v10, v7  }
0x505: {  	v9 =	vld [tilespmem:s29+$0x0];
	[tilespmem:s29+$0xFFFFFF60] =	vst v5;
	v5 =	vmul.f32 v11, v7  }
0x506: {  	s12 =	simm.s32 $0x3;
	v8 =	vld [tilespmem:s29+$0xFFFFFFF0];
	[tilespmem:s29+$0xFFFFFF90] =	vst v6;
	v6 =	vmul.f32 v12, v7  }
0x507: {  	v10 =	vld [tilespmem:s29+$0x10];
	v11 =	vmov s12;
	[tilespmem:s29+$0xFFFFFFA0] =	vst v5;
	v5 =	vmul.f32 v14, v7  }
0x508: {  	v12 =	vld [tilespmem:s29+$0x20];
	v4 =	vmul.f32 v4, v7;
	[tilespmem:s29+$0xFFFFFFB0] =	vst v6  }
0x509: {  	v6 =	vld [tilespmem:s29+$0x30];
	[tilespmem:s29+$0xFFFFFFC0] =	vst v5;
	v5 =	vmul.f32 v13, v7  }
0x50a: {  	v13 =	vld [tilespmem:s29+$0x40];
	[tilespmem:s29+$0xFFFFFFD0] =	vst v4;
	v9 =	vmul.f32 v9, v3  }
0x50b: {  	v14 =	vld [tilespmem:s29+$0x50];
	v7 =	vmul.f32 v8, v7;
	[tilespmem:s29+$0xFFFFFFE0] =	vst v5  }
0x50c: {  	v4 =	vld.idx.msk [tilespmem:v11+s21+$0x0], $0xffff;
	v8 =	vmul.f32 v10, v3;
	[tilespmem:s29+$0x0] =	vst v9  }
0x50d: {  	[tilespmem:s29+$0xFFFFFFF0] =	vst v7;
	v5 =	vld [tilespmem:s29+$0x70];
	v7 =	vmul.f32 v12, v3  }
0x50e: {  	s12 =	simm.s32 $0x4;
	v10 =	vld [tilespmem:s29+$0x90];
	[tilespmem:s29+$0x10] =	vst v8;
	v8 =	vmul.f32 v6, v3  }
0x50f: {  	v9 =	vld [tilespmem:s29+$0xA0];
	v6 =	vmov s12;
	[tilespmem:s29+$0x20] =	vst v7;
	v11 =	vmul.f32 v13, v3  }
0x510: {  	s31 =	simm.s32 $0x8;
	s4 =	simm.s32 $0x7;
	v12 =	vmul.f32 v14, v3;
	s12 =	simm.s32 $0x5;
	v13 =	vmul.f32 v15, v3;
	v7 =	vand.u32 $0xFFFFFFFC, v6;
	[tilespmem:s29+$0x30] =	vst v8;
	v8 =	vld [tilespmem:s29+$0xB0]  }
0x511: {  	s30 =	simm.s32 $0x1E0;
	s28 =	sor.u32 $0x20, s26;
	v6 =	vmov s4;
	v14 =	vmov s12;
	s4 =	simm.s32 $0x6;
	v7 =	vbroadcast v7, $0x0;
	[tilespmem:s29+$0x40] =	vst v11;
	v11 =	vld [tilespmem:s29+$0xC0]  }
.LBB2_21:
0x512: {  	p1 =	slt.u32 s31, $0x1C;
	v14 =	vand.u32 $0xFFFFFFFD, v14;
	v15 =	vmov s4;
	[tilespmem:s29+$0x50] =	vst v12;
	v3 =	vmul.f32 v5, v3;
	v5 =	vld [tilespmem:s29+$0xD0]  }
0x513: {  	v12 =	vbroadcast v14, $0x0;
	v14 =	vand.u32 $0xFFFFFFFE, v15;
	[tilespmem:s29+$0x60] =	vst v13;
	v10 =	vmul.f32 v10, v4;
	v13 =	vld [tilespmem:s29+$0xE0]  }
0x514: {  	v14 =	vbroadcast v14, $0x0;
	[tilespmem:s29+$0x70] =	vst v3;
	v3 =	vmul.f32 v9, v4;
	v9 =	vld [tilespmem:s29+$0xF0]  }
0x515: {  	[tilespmem:s29+$0x90] =	vst v10;
	v8 =	vmul.f32 v8, v4;
	v10 =	vld [tilespmem:s29+$0x100]  }
0x516: {  	[tilespmem:s29+$0xA0] =	vst v3;
	v3 =	vmul.f32 v11, v4;
	v11 =	vld [tilespmem:s29+$0x110]  }
0x517: {  	v6 =	vld.idx.msk [tilespmem:v6+s21+$0x0], $0xffff;
	[tilespmem:s29+$0xB0] =	vst v8;
	v5 =	vmul.f32 v5, v4  }
0x518: {  	v7 =	vld.idx.msk [tilespmem:v7+s21+$0x0], $0xffff;
	[tilespmem:s29+$0xC0] =	vst v3;
	v8 =	vmul.f32 v13, v4  }
0x519: {  	v12 =	vld.idx.msk [tilespmem:v12+s21+$0x0], $0xffff;
	[tilespmem:s29+$0xD0] =	vst v5;
	v5 =	vmul.f32 v9, v4  }
0x51a: {  	s29 =	sadd.s32 $0x240, s29;
	v3 =	vld.idx.msk [tilespmem:v14+s21+$0x0], $0xffff;
	[tilespmem:s30+$0xE0] =	vst v8;
	v8 =	vmul.f32 v10, v4  }
0x51b: {  	v9 =	vld [tilespmem:s29+$0x80];
	[tilespmem:s30+$0xF0] =	vst v5;
	v10 =	vmul.f32 v11, v4  }
0x51c: {  	v5 =	vld [tilespmem:s29+$0xFFFFFEE0];
	[tilespmem:s30+$0x100] =	vst v8  }
0x51d: {  	v4 =	vmov v6;
	v8 =	vld [tilespmem:s29+$0xFFFFFEF0];
	[tilespmem:s30+$0x110] =	vst v10;
	s30 =	smov.u32 s29  }
0x51e: {  	v6 =	vld [tilespmem:s29+$0xFFFFFF00]  }
0x51f: {  	v10 =	vld [tilespmem:s29+$0xFFFFFF10]  }
0x520: {  	v11 =	vld [tilespmem:s29+$0xFFFFFF20];
	v9 =	vmul.f32 v9, v3  }
0x521: {  	v5 =	vmul.f32 v5, v7;
	v13 =	vld [tilespmem:s29+$0xFFFFFF30]  }
0x522: {  	v8 =	vmul.f32 v8, v7;
	v14 =	vld [tilespmem:s29+$0xFFFFFF40];
	[tilespmem:s29+$0x80] =	vst v9  }
0x523: {  	[tilespmem:s29+$0xFFFFFEE0] =	vst v5;
	v5 =	vmul.f32 v6, v7;
	v6 =	vld [tilespmem:s29+$0xFFFFFF50]  }
0x524: {  	[tilespmem:s29+$0xFFFFFEF0] =	vst v8;
	v8 =	vmul.f32 v10, v7;
	v9 =	vld [tilespmem:s29+$0xFFFFFF60]  }
0x525: {  	[tilespmem:s29+$0xFFFFFF00] =	vst v5;
	v5 =	vmul.f32 v11, v7;
	v10 =	vld [tilespmem:s29+$0xFFFFFF70]  }
0x526: {  	[tilespmem:s29+$0xFFFFFF10] =	vst v8;
	v8 =	vmul.f32 v13, v7;
	v11 =	vld [tilespmem:s29+$0xFFFFFF80]  }
0x527: {  	[tilespmem:s29+$0xFFFFFF20] =	vst v5;
	v5 =	vmul.f32 v14, v7;
	v13 =	vld [tilespmem:s29+$0xFFFFFF90]  }
0x528: {  	[tilespmem:s29+$0xFFFFFF30] =	vst v8;
	v6 =	vmul.f32 v6, v7;
	v8 =	vld [tilespmem:s29+$0xFFFFFFA0]  }
0x529: {  	[tilespmem:s29+$0xFFFFFF40] =	vst v5;
	v5 =	vmul.f32 v9, v7;
	v7 =	vld [tilespmem:s29+$0xFFFFFFB0]  }
0x52a: {  	[tilespmem:s29+$0xFFFFFF50] =	vst v6;
	v6 =	vmul.f32 v10, v12;
	v9 =	vld [tilespmem:s29+$0xFFFFFFC0]  }
0x52b: {  	[tilespmem:s29+$0xFFFFFF60] =	vst v5;
	v5 =	vmul.f32 v11, v12;
	v10 =	vld [tilespmem:s29+$0xFFFFFFD0]  }
0x52c: {  	[tilespmem:s29+$0xFFFFFF70] =	vst v6;
	v6 =	vmul.f32 v13, v12;
	v11 =	vld [tilespmem:s29+$0xFFFFFFE0]  }
0x52d: {  	[tilespmem:s29+$0xFFFFFF80] =	vst v5;
	v5 =	vmul.f32 v8, v12;
	v8 =	vld [tilespmem:s29+$0xFFFFFFF0]  }
0x52e: {  	[tilespmem:s29+$0xFFFFFF90] =	vst v6;
	v6 =	vmul.f32 v7, v12;
	v7 =	vld [tilespmem:s29+$0x0]  }
0x52f: {  	[tilespmem:s29+$0xFFFFFFA0] =	vst v5;
	v5 =	vmul.f32 v9, v12;
	v9 =	vld [tilespmem:s29+$0x10]  }
0x530: {  	[tilespmem:s29+$0xFFFFFFB0] =	vst v6;
	v6 =	vmul.f32 v10, v12;
	v10 =	vld [tilespmem:s29+$0x20]  }
0x531: {  	[tilespmem:s29+$0xFFFFFFC0] =	vst v5;
	v5 =	vmul.f32 v11, v12;
	v11 =	vld [tilespmem:s29+$0x30]  }
0x532: {  	[tilespmem:s29+$0xFFFFFFD0] =	vst v6;
	v6 =	vmul.f32 v8, v12;
	v8 =	vld [tilespmem:s29+$0x40]  }
0x533: {  	[tilespmem:s29+$0xFFFFFFE0] =	vst v5;
	v5 =	vmul.f32 v7, v3;
	v7 =	vld [tilespmem:s29+$0x50]  }
0x534: {  	[tilespmem:s29+$0xFFFFFFF0] =	vst v6;
	v6 =	vmul.f32 v9, v3;
	v13 =	vld [tilespmem:s29+$0x60]  }
.Ltmp9:
0x535: {  	[tilespmem:s29+$0x0] =	vst v5;
	v9 =	vmul.f32 v10, v3;
	v5 =	vld [tilespmem:s29+$0x70];
	(pc) =	sbr.rel @p1 .LBB2_21-.Ltmp9, $4  }
0x536: {  	[tilespmem:s29+$0x10] =	vst v6;
	v11 =	vmul.f32 v11, v3;
	v10 =	vld [tilespmem:s29+$0x90]  }
0x537: {  	s4 =	sadd.s32 $0x3, s31;
	v6 =	vmov s31;
	[tilespmem:s29+$0x20] =	vst v9;
	v15 =	vmul.f32 v8, v3;
	v9 =	vld [tilespmem:s29+$0xA0]  }
0x538: {  	s12 =	sadd.s32 $0x1, s31;
	v14 =	vand.u32 $0xFFFFFFFC, v6;
	v6 =	vmov s4;
	[tilespmem:s29+$0x30] =	vst v11;
	v12 =	vmul.f32 v7, v3;
	v8 =	vld [tilespmem:s29+$0xB0]  }
0x539: {  	s4 =	sadd.s32 $0x2, s31;
	s31 =	sadd.s32 $0x4, s31;
	v7 =	vbroadcast v14, $0x0;
	v14 =	vmov s12;
	[tilespmem:s29+$0x40] =	vst v15;
	v13 =	vmul.f32 v13, v3;
	v11 =	vld [tilespmem:s29+$0xC0]  }
0x53a: {  	v15 =	vld [tilespmem:s29+$0xD0]  }
0x53b: {  	v16 =	vld [tilespmem:s29+$0xE0]  }
0x53c: {  	v17 =	vmov s4;
	v18 =	vld [tilespmem:s29+$0xF0];
	v10 =	vmul.f32 v10, v4  }
0x53d: {  	v63 =	vld [tilespmem:s29+$0x100];
	[tilespmem:s29+$0x50] =	vst v12;
	v17 =	vand.u32 $0xFFFFFFFE, v17  }
0x53e: {  	v14 =	vand.u32 $0xFFFFFFFD, v14;
	v6 =	vld.idx.msk [tilespmem:v6+s21+$0x0], $0xffff;
	v3 =	vmul.f32 v5, v3;
	[tilespmem:s29+$0x90] =	vst v10;
	v10 =	vbroadcast v17, $0x0  }
0x53f: {  	s31 =	sadd.s32 $0x240, s29;
	v14 =	vbroadcast v14, $0x0;
	v5 =	vld.idx.msk [tilespmem:v7+s21+$0x0], $0xffff;
	[tilespmem:s29+$0x60] =	vst v13;
	v9 =	vmul.f32 v9, v4  }
0x540: {  	v12 =	vld [tilespmem:s31+$0xFFFFFEE0];
	[tilespmem:s29+$0x70] =	vst v3;
	v7 =	vmul.f32 v8, v4  }
0x541: {  	[tilespmem:s29+$0xA0] =	vst v9;
	v9 =	vld [tilespmem:s29+$0x110];
	v3 =	vmul.f32 v11, v4  }
0x542: {  	v13 =	vld [tilespmem:s31+$0xFFFFFEF0];
	[tilespmem:s29+$0xB0] =	vst v7;
	v7 =	vmul.f32 v15, v4  }
0x543: {  	v11 =	vld [tilespmem:s31+$0x80];
	[tilespmem:s29+$0xC0] =	vst v3;
	v3 =	vmul.f32 v16, v4  }
0x544: {  	[tilespmem:s29+$0xD0] =	vst v7;
	v7 =	vmul.f32 v18, v4;
	v10 =	vld.idx.msk [tilespmem:v10+s21+$0x0], $0xffff  }
0x545: {  	v8 =	vld.idx.msk [tilespmem:v14+s21+$0x0], $0xffff;
	[tilespmem:s30+$0xE0] =	vst v3;
	v3 =	vmul.f32 v63, v4  }
0x546: {  	v14 =	vld [tilespmem:s31+$0xFFFFFF00];
	[tilespmem:s30+$0xF0] =	vst v7;
	v4 =	vmul.f32 v9, v4  }
0x547: {  	v7 =	vld [tilespmem:s31+$0xFFFFFF10];
	[tilespmem:s30+$0x100] =	vst v3  }
0x548: {  	v3 =	vld [tilespmem:s31+$0xFFFFFF20];
	[tilespmem:s30+$0x110] =	vst v4;
	v4 =	vmul.f32 v12, v5  }
0x549: {  	v9 =	vmul.f32 v11, v10;
	v11 =	vld [tilespmem:s31+$0xFFFFFF30]  }
0x54a: {  	v12 =	vmul.f32 v13, v5;
	v13 =	vld [tilespmem:s31+$0xFFFFFF40];
	[tilespmem:s31+$0xFFFFFEE0] =	vst v4  }
0x54b: {  	v4 =	vmul.f32 v14, v5;
	[tilespmem:s31+$0x80] =	vst v9;
	v9 =	vld [tilespmem:s31+$0xFFFFFF50]  }
0x54c: {  	[tilespmem:s31+$0xFFFFFEF0] =	vst v12;
	v12 =	vld [tilespmem:s31+$0xFFFFFF60];
	v7 =	vmul.f32 v7, v5  }
0x54d: {  	[tilespmem:s31+$0xFFFFFF00] =	vst v4;
	v3 =	vmul.f32 v3, v5;
	v4 =	vld [tilespmem:s31+$0xFFFFFF70]  }
0x54e: {  	[tilespmem:s31+$0xFFFFFF10] =	vst v7;
	v7 =	vmul.f32 v11, v5;
	v11 =	vld [tilespmem:s31+$0xFFFFFF80]  }
0x54f: {  	[tilespmem:s31+$0xFFFFFF20] =	vst v3;
	v3 =	vmul.f32 v13, v5;
	v13 =	vld [tilespmem:s31+$0xFFFFFF90]  }
0x550: {  	[tilespmem:s31+$0xFFFFFF30] =	vst v7;
	v7 =	vmul.f32 v9, v5;
	v9 =	vld [tilespmem:s31+$0xFFFFFFA0]  }
0x551: {  	[tilespmem:s31+$0xFFFFFF40] =	vst v3;
	v3 =	vmul.f32 v12, v5;
	v5 =	vld [tilespmem:s31+$0xFFFFFFB0]  }
0x552: {  	v4 =	vmul.f32 v4, v8;
	[tilespmem:s31+$0xFFFFFF50] =	vst v7;
	v7 =	vld [tilespmem:s31+$0xFFFFFFC0]  }
0x553: {  	[tilespmem:s31+$0xFFFFFF60] =	vst v3;
	v3 =	vmul.f32 v11, v8;
	v11 =	vld [tilespmem:s31+$0xFFFFFFD0]  }
0x554: {  	v12 =	vld [tilespmem:s31+$0xFFFFFFE0];
	[tilespmem:s31+$0xFFFFFF70] =	vst v4;
	v4 =	vmul.f32 v13, v8  }
0x555: {  	[tilespmem:s31+$0xFFFFFF80] =	vst v3;
	v3 =	vmul.f32 v9, v8;
	v9 =	vld [tilespmem:s31+$0xFFFFFFF0]  }
0x556: {  	[tilespmem:s31+$0xFFFFFF90] =	vst v4;
	v4 =	vmul.f32 v5, v8;
	v5 =	vld [tilespmem:s31+$0x0]  }
0x557: {  	[tilespmem:s31+$0xFFFFFFA0] =	vst v3;
	v3 =	vmul.f32 v7, v8;
	v7 =	vld [tilespmem:s31+$0x10]  }
0x558: {  	[tilespmem:s31+$0xFFFFFFB0] =	vst v4;
	v4 =	vmul.f32 v11, v8;
	v11 =	vld [tilespmem:s31+$0x20]  }
0x559: {  	[tilespmem:s31+$0xFFFFFFC0] =	vst v3;
	v3 =	vmul.f32 v12, v8;
	v12 =	vld [tilespmem:s31+$0x30]  }
0x55a: {  	[tilespmem:s31+$0xFFFFFFD0] =	vst v4;
	v4 =	vmul.f32 v9, v8;
	v8 =	vld [tilespmem:s31+$0x40]  }
0x55b: {  	[tilespmem:s31+$0xFFFFFFE0] =	vst v3;
	v3 =	vmul.f32 v5, v10;
	v5 =	vld [tilespmem:s31+$0x50]  }
0x55c: {  	[tilespmem:s31+$0xFFFFFFF0] =	vst v4;
	v4 =	vmul.f32 v7, v10;
	v7 =	vld [tilespmem:s31+$0x60]  }
0x55d: {  	v9 =	vld [tilespmem:s31+$0x70];
	[tilespmem:s31+$0x0] =	vst v3;
	v3 =	vmul.f32 v11, v10  }
0x55e: {  	v11 =	vld [tilespmem:s31+$0x90];
	[tilespmem:s31+$0x10] =	vst v4;
	v4 =	vmul.f32 v12, v10  }
0x55f: {  	[tilespmem:s31+$0x20] =	vst v3;
	v3 =	vmul.f32 v8, v10;
	v8 =	vld [tilespmem:s31+$0xA0]  }
0x560: {  	[tilespmem:s31+$0x30] =	vst v4;
	v4 =	vmul.f32 v5, v10;
	v5 =	vld [tilespmem:s31+$0xB0]  }
0x561: {  	[tilespmem:s31+$0x40] =	vst v3;
	v3 =	vmul.f32 v7, v10;
	v7 =	vld [tilespmem:s31+$0xC0]  }
0x562: {  	[tilespmem:s31+$0x50] =	vst v4;
	v4 =	vmul.f32 v9, v10;
	v9 =	vld [tilespmem:s31+$0xD0]  }
0x563: {  	v10 =	vld [tilespmem:s31+$0xE0];
	[tilespmem:s31+$0x60] =	vst v3;
	v3 =	vmul.f32 v11, v6  }
0x564: {  	[tilespmem:s31+$0x70] =	vst v4;
	v4 =	vmul.f32 v8, v6;
	v8 =	vld [tilespmem:s31+$0xF0]  }
0x565: {  	[tilespmem:s31+$0x90] =	vst v3;
	v3 =	vmul.f32 v5, v6;
	v5 =	vld [tilespmem:s31+$0x100]  }
0x566: {  	[tilespmem:s31+$0xA0] =	vst v4;
	v4 =	vmul.f32 v7, v6;
	v7 =	vld [tilespmem:s31+$0x110]  }
0x567: {  	[tilespmem:s31+$0xB0] =	vst v3;
	v3 =	vmul.f32 v9, v6  }
0x568: {  	[tilespmem:s31+$0xC0] =	vst v4;
	v4 =	vmul.f32 v10, v6  }
0x569: {  	[tilespmem:s31+$0xD0] =	vst v3;
	v3 =	vmul.f32 v8, v6  }
0x56a: {  	[tilespmem:s31+$0xE0] =	vst v4;
	v4 =	vmul.f32 v5, v6  }
0x56b: {  	[tilespmem:s31+$0xF0] =	vst v3;
	v3 =	vmul.f32 v7, v6  }
0x56c: {  	[tilespmem:s31+$0x100] =	vst v4  }
0x56d: {  	s4 =	simm.s32 @!p0 $0x1;
	[tilespmem:s31+$0x110] =	vst v3  }
0x56e: {  	[spmem:s3] =	stream.indirect.scatter.add.f32 [tilespmem:s10], [sflag:$0x7], $0x90, s22, s13, $0xb8;
	[tilespmem:$0x18DA0] =	vst v63  }
0x56f: {  	_ =	swait.ge @!p0 [sflag:s4], $0x20  }
0x570: {  	[sflag:s4] =	ssyncset.done @!p0 $0x0  }
0x571: {  	[sflag:s4] =	ssyncadd.s32 @!p0 $0xFFFFFFE0  }
0x572: {  	_ =	swait.ge @!p0 [sflag:s4], $0x20  }
0x573: {  	[sflag:s4] =	ssyncset.done @!p0 $0x0  }
0x574: {  	[sflag:s4] =	ssyncadd.s32 @!p0 $0xFFFFFFE0;
	s4 =	simm.s32 @!p0 $0x7  }
0x575: {  	_ =	swait.ge @!p0 [sflag:s4], $0x1200  }
0x576: {  	[sflag:s4] =	ssyncset.done @!p0 $0x0  }
0x577: {  	[sflag:s4] =	ssyncadd.s32 @!p0 $0xFFFFEE00  }
0x578: {  	v3 =	vld @!p0 [tilespmem:$0x40]  }
0x579: {  	v4 =	vld @!p0 [tilespmem:$0x0];
	_ =	sdelay $0x1  }
0x57a: {  	v5 =	vld @!p0 [tilespmem:$0x50]  }
0x57b: {  	v6 =	vld @!p0 [tilespmem:$0x10]  }
0x57c: {  	v7 =	vmul.u32 @!p0 $0x3, v3  }
0x57d: {  	v4 =	vadd.s32 @!p0 $0x4E20, v4;
	[tilespmem:$0x80] =	vst @!p0 v3  }
0x57e: {  	[tilespmem:$0x24E0] =	vst @!p0 v4;
	v4 =	vadd.s32 @!p0 $0x2, v7  }
0x57f: {  	[tilespmem:$0x2560] =	vst @!p0 v4;
	v4 =	vmul.u32 @!p0 $0x3, v5  }
0x580: {  	v3 =	vadd.s32 @!p0 $0x4E20, v6;
	[tilespmem:$0x90] =	vst @!p0 v5  }
0x581: {  	[tilespmem:$0x24F0] =	vst @!p0 v3;
	v3 =	vadd.s32 @!p0 $0x2, v4  }
0x582: {  	s12 =	simm.s32 @!p0 $0x24E0;
	s29 =	simm.s32 @!p0 $0xC0;
	s4 =	simm.s32 @!p0 $0x20;
	[tilespmem:$0x2570] =	vst @!p0 v3  }
0x583: {  	[tilespmem:s29], [sflag:$0x3] =	stream.indirect.gather @!p0 [hbm4b:s5+s4], $0x90, s12, s4, $0xb8;
	[tilespmem:$0x18DA0] =	vst v63  }
0x584: {  	s12 =	simm.s32 @!p0 $0x2560;
	s29 =	simm.s32 @!p0 $0x2520  }
0x585: {  	[tilespmem:s29], [sflag:$0x5] =	stream.indirect.gather @!p0 [hbm4b:s7+s4], $0x1, s12, s4, $0xb8;
	[tilespmem:$0x18DA0] =	vst v63  }
0x586: {  	s12 =	sadd.s32 @!p0 s26, s9  }
0x587: {  	s12 =	sshrl.u32 @!p0 s12, $0x3  }
0x588: {  	s30 =	simm.s32 @!p0 $0x0;
	s29 =	sadd.s32 @!p0 s2, s12  }
0x589: {  	[tilespmem:s4], [sflag:$0x2] =	stream.linear.gather @!p0 [hbm4b:s29+s30], $0x20, $0x38;
	[tilespmem:$0x18DA0] =	vst v63  }
0x58a: {  	s4 =	sadd.s32 @!p0 s6, s12;
	s12 =	simm.s32 @!p0 $0x60  }
0x58b: {  	[tilespmem:s12], [sflag:$0x2] =	stream.linear.gather @!p0 [hbm4b:s4+s30], $0x20, $0x38;
	[tilespmem:$0x18DA0] =	vst v63  }
0x58c: {  	_ =	swait.ge [sflag:s23], $0x1200  }
0x58d: {  	[sflag:s23] =	ssyncset.done $0x0  }
0x58e: {  	[sflag:s23] =	ssyncadd.s32 $0xFFFFEE00  }
0x58f: {  	_ =	swait.ge [sflag:s24], $0x20  }
0x590: {  	[sflag:s24] =	ssyncset.done $0x0  }
0x591: {  	[sflag:s24] =	ssyncadd.s32 $0xFFFFFFE0  }
0x592: {  	v3 =	vld.idx.msk [tilespmem:v1+s16+$0x0], $0xffff  }
0x593: {  	v4 =	vld [tilespmem:$0x2540];
	_ =	sdelay $0x4  }
0x594: {  	v3 =	vadd.f32 v4, v3;
	_ =	sdelay $0x1  }
0x595: {  	v4 =	vmul.f32 $2.000000030e-01, v3  }
0x596: {  	vm0 =	vge.f32 v3, $0.0e+00  }
0x597: {  	v3 =	vsel vm0, v3, v4  }
0x598: {  	v3 =	vmul.f32 $1.442695020e+00, v3;
	_ =	sdelay $0x1  }
0x599: {  	(erf) = vpow2.f32 v3;
	_ =	sdelay $0x8  }
0x59a: {  	p5 =	slt.u32 s28, $0x2710;
	v3 =	vpop (erf)  }
0x59b: {  	v3 =	vpsel !p5, $0x0, v3  }
0x59c: {  	v4 =	vld [tilespmem:$0x2550];
	[tilespmem:$0x24C0] =	vst v3  }
0x59d: {  	v3 =	vld.idx.msk [tilespmem:v2+s16+$0x0], $0xffff;
	_ =	sdelay $0x4  }
0x59e: {  	v3 =	vadd.f32 v4, v3;
	_ =	sdelay $0x1  }
0x59f: {  	v4 =	vmul.f32 $2.000000030e-01, v3  }
0x5a0: {  	vm15 =	vge.f32 v3, $0.0e+00  }
0x5a1: {  	v3 =	vsel vm15, v3, v4  }
0x5a2: {  	v3 =	vmul.f32 $1.442695020e+00, v3;
	_ =	sdelay $0x1  }
0x5a3: {  	(erf) = vpow2.f32 v3;
	_ =	sdelay $0x2  }
0x5a4: {  	s31 =	simm.s32 $0x0  }
0x5a5: {  	s12 =	simm.s32 $0x2;
	v3 =	vmov s31  }
0x5a6: {  	v4 =	vmov s12;
	v3 =	vand.u32 $0xFFFFFFFC, v3  }
0x5a7: {  	v4 =	vand.u32 $0xFFFFFFFE, v4;
	v3 =	vbroadcast v3, $0x0  }
0x5a8: {  	v4 =	vbroadcast v4, $0x0  }
0x5a9: {  	s26 =	sor.u32 $0x30, s26  }
0x5aa: {  	p6 =	slt.u32 s26, $0x2710;
	v5 =	vpop (erf)  }
0x5ab: {  	v5 =	vpsel !p6, $0x0, v5  }
0x5ac: {  	s30 =	simm.s32 $0x1;
	[tilespmem:$0x24D0] =	vst v5  }
0x5ad: {  	v7 =	vmov s30;
	v5 =	vld.idx.msk [tilespmem:v3+s21+$0x0], $0xffff  }
0x5ae: {  	s26 =	simm.s32 $0x13E0;
	v7 =	vand.u32 $0xFFFFFFFD, v7;
	v3 =	vld.idx.msk [tilespmem:v4+s21+$0x0], $0xffff  }
0x5af: {  	v7 =	vbroadcast v7, $0x0;
	v4 =	vld [tilespmem:s26+$0x80]  }
0x5b0: {  	v6 =	vld [tilespmem:s26+$0xFFFFFEE0]  }
0x5b1: {  	v8 =	vld [tilespmem:s26+$0xFFFFFEF0]  }
0x5b2: {  	v9 =	vld [tilespmem:s26+$0xFFFFFF00]  }
0x5b3: {  	v10 =	vld [tilespmem:s26+$0xFFFFFF10]  }
0x5b4: {  	v13 =	vld [tilespmem:s26+$0xFFFFFF40]  }
0x5b5: {  	v7 =	vld.idx.msk [tilespmem:v7+s21+$0x0], $0xffff  }
0x5b6: {  	v15 =	vld [tilespmem:s26+$0xFFFFFF80];
	v6 =	vmul.f32 v6, v5  }
0x5b7: {  	v11 =	vld [tilespmem:s26+$0xFFFFFF20];
	v8 =	vmul.f32 v8, v5  }
0x5b8: {  	v12 =	vld [tilespmem:s26+$0xFFFFFF30];
	v4 =	vmul.f32 v4, v3;
	[tilespmem:s26+$0xFFFFFEE0] =	vst v6  }
0x5b9: {  	v14 =	vld [tilespmem:s26+$0xFFFFFF70];
	v9 =	vmul.f32 v9, v5;
	[tilespmem:s26+$0xFFFFFEF0] =	vst v8  }
0x5ba: {  	v13 =	vmul.f32 v13, v5;
	v6 =	vld [tilespmem:s26+$0xFFFFFF50];
	[tilespmem:s26+$0x80] =	vst v4  }
0x5bb: {  	v15 =	vmul.f32 v15, v7;
	v8 =	vld [tilespmem:s26+$0xFFFFFF60];
	[tilespmem:s26+$0xFFFFFF00] =	vst v9  }
0x5bc: {  	v4 =	vmul.f32 v10, v5;
	v10 =	vld [tilespmem:s26+$0xFFFFFF90];
	[tilespmem:s26+$0xFFFFFF40] =	vst v13  }
0x5bd: {  	v9 =	vmul.f32 v11, v5;
	v11 =	vld [tilespmem:s26+$0xFFFFFFA0];
	[tilespmem:s26+$0xFFFFFF80] =	vst v15  }
0x5be: {  	v13 =	vld [tilespmem:s26+$0x20];
	[tilespmem:s26+$0xFFFFFF10] =	vst v4;
	v4 =	vmul.f32 v12, v5  }
0x5bf: {  	v12 =	vld [tilespmem:s26+$0xFFFFFFB0];
	[tilespmem:s26+$0xFFFFFF20] =	vst v9;
	v9 =	vmul.f32 v14, v7  }
0x5c0: {  	v14 =	vld [tilespmem:s26+$0xFFFFFFC0];
	[tilespmem:s26+$0xFFFFFF30] =	vst v4;
	v6 =	vmul.f32 v6, v5  }
0x5c1: {  	v4 =	vld [tilespmem:s26+$0xFFFFFFD0];
	[tilespmem:s26+$0xFFFFFF70] =	vst v9;
	v5 =	vmul.f32 v8, v5  }
0x5c2: {  	v9 =	vld [tilespmem:s26+$0xFFFFFFE0];
	[tilespmem:s26+$0xFFFFFF50] =	vst v6;
	v6 =	vmul.f32 v10, v7  }
0x5c3: {  	v8 =	vld [tilespmem:s26+$0xFFFFFFF0];
	[tilespmem:s26+$0xFFFFFF60] =	vst v5;
	v5 =	vmul.f32 v11, v7  }
0x5c4: {  	v10 =	vld [tilespmem:s26+$0x0];
	[tilespmem:s26+$0xFFFFFF90] =	vst v6;
	v6 =	vmul.f32 v12, v7  }
0x5c5: {  	s31 =	simm.s32 $0x3;
	v11 =	vld [tilespmem:s26+$0x10];
	[tilespmem:s26+$0xFFFFFFA0] =	vst v5;
	v5 =	vmul.f32 v14, v7  }
0x5c6: {  	v15 =	vld [tilespmem:s26+$0x60];
	v12 =	vmov s31;
	v4 =	vmul.f32 v4, v7;
	[tilespmem:s26+$0xFFFFFFB0] =	vst v6  }
0x5c7: {  	v6 =	vld [tilespmem:s26+$0x30];
	[tilespmem:s26+$0xFFFFFFC0] =	vst v5;
	v5 =	vmul.f32 v9, v7  }
0x5c8: {  	v9 =	vld [tilespmem:s26+$0x40];
	[tilespmem:s26+$0xFFFFFFD0] =	vst v4;
	v7 =	vmul.f32 v8, v7  }
0x5c9: {  	v14 =	vld [tilespmem:s26+$0x50];
	v10 =	vmul.f32 v10, v3;
	[tilespmem:s26+$0xFFFFFFE0] =	vst v5  }
0x5ca: {  	v8 =	vmul.f32 v11, v3;
	[tilespmem:s26+$0xFFFFFFF0] =	vst v7;
	v5 =	vld [tilespmem:s26+$0x70]  }
0x5cb: {  	v7 =	vmul.f32 v13, v3;
	v4 =	vld.idx.msk [tilespmem:v12+s21+$0x0], $0xffff;
	[tilespmem:s26+$0x0] =	vst v10  }
0x5cc: {  	s12 =	simm.s32 $0x4;
	[tilespmem:s26+$0x10] =	vst v8;
	v10 =	vld [tilespmem:s26+$0x90];
	v8 =	vmul.f32 v6, v3  }
0x5cd: {  	[tilespmem:s26+$0x20] =	vst v7;
	v6 =	vmov s12;
	v11 =	vmul.f32 v9, v3;
	v9 =	vld [tilespmem:s26+$0xA0]  }
0x5ce: {  	s30 =	simm.s32 $0x7;
	s31 =	simm.s32 $0x5;
	v13 =	vmul.f32 v15, v3;
	v12 =	vmul.f32 v14, v3;
	v7 =	vand.u32 $0xFFFFFFFC, v6;
	[tilespmem:s26+$0x30] =	vst v8;
	v8 =	vld [tilespmem:s26+$0xB0]  }
0x5cf: {  	s28 =	simm.s32 $0x13E0;
	s29 =	simm.s32 $0x8;
	s4 =	simm.s32 $0x6;
	v14 =	vmov s31;
	v6 =	vmov s30;
	v7 =	vbroadcast v7, $0x0;
	[tilespmem:s26+$0x40] =	vst v11;
	v11 =	vld [tilespmem:s26+$0xC0]  }
.LBB2_23:
0x5d0: {  	p0 =	slt.u32 s29, $0x1C;
	v14 =	vand.u32 $0xFFFFFFFD, v14;
	v15 =	vmov s4;
	[tilespmem:s26+$0x50] =	vst v12;
	v3 =	vmul.f32 v5, v3;
	v5 =	vld [tilespmem:s26+$0xD0]  }
0x5d1: {  	v12 =	vbroadcast v14, $0x0;
	v14 =	vand.u32 $0xFFFFFFFE, v15;
	[tilespmem:s26+$0x60] =	vst v13;
	v10 =	vmul.f32 v10, v4;
	v13 =	vld [tilespmem:s26+$0xE0]  }
0x5d2: {  	v14 =	vbroadcast v14, $0x0;
	[tilespmem:s26+$0x70] =	vst v3;
	v3 =	vmul.f32 v9, v4;
	v9 =	vld [tilespmem:s26+$0xF0]  }
0x5d3: {  	[tilespmem:s26+$0x90] =	vst v10;
	v8 =	vmul.f32 v8, v4;
	v10 =	vld [tilespmem:s26+$0x100]  }
0x5d4: {  	[tilespmem:s26+$0xA0] =	vst v3;
	v3 =	vmul.f32 v11, v4;
	v11 =	vld [tilespmem:s26+$0x110]  }
0x5d5: {  	v6 =	vld.idx.msk [tilespmem:v6+s21+$0x0], $0xffff;
	[tilespmem:s26+$0xB0] =	vst v8;
	v5 =	vmul.f32 v5, v4  }
0x5d6: {  	v7 =	vld.idx.msk [tilespmem:v7+s21+$0x0], $0xffff;
	[tilespmem:s26+$0xC0] =	vst v3;
	v8 =	vmul.f32 v13, v4  }
0x5d7: {  	v12 =	vld.idx.msk [tilespmem:v12+s21+$0x0], $0xffff;
	[tilespmem:s26+$0xD0] =	vst v5;
	v5 =	vmul.f32 v9, v4  }
0x5d8: {  	s26 =	sadd.s32 $0x240, s26;
	v3 =	vld.idx.msk [tilespmem:v14+s21+$0x0], $0xffff;
	[tilespmem:s28+$0xE0] =	vst v8;
	v8 =	vmul.f32 v10, v4  }
0x5d9: {  	v9 =	vld [tilespmem:s26+$0x80];
	[tilespmem:s28+$0xF0] =	vst v5;
	v10 =	vmul.f32 v11, v4  }
0x5da: {  	v5 =	vld [tilespmem:s26+$0xFFFFFEE0];
	[tilespmem:s28+$0x100] =	vst v8  }
0x5db: {  	v4 =	vmov v6;
	v8 =	vld [tilespmem:s26+$0xFFFFFEF0];
	[tilespmem:s28+$0x110] =	vst v10;
	s28 =	smov.u32 s26  }
0x5dc: {  	v6 =	vld [tilespmem:s26+$0xFFFFFF00]  }
0x5dd: {  	v10 =	vld [tilespmem:s26+$0xFFFFFF10]  }
0x5de: {  	v11 =	vld [tilespmem:s26+$0xFFFFFF20];
	v9 =	vmul.f32 v9, v3  }
0x5df: {  	v5 =	vmul.f32 v5, v7;
	v13 =	vld [tilespmem:s26+$0xFFFFFF30]  }
0x5e0: {  	v8 =	vmul.f32 v8, v7;
	v14 =	vld [tilespmem:s26+$0xFFFFFF40];
	[tilespmem:s26+$0x80] =	vst v9  }
0x5e1: {  	[tilespmem:s26+$0xFFFFFEE0] =	vst v5;
	v5 =	vmul.f32 v6, v7;
	v6 =	vld [tilespmem:s26+$0xFFFFFF50]  }
0x5e2: {  	[tilespmem:s26+$0xFFFFFEF0] =	vst v8;
	v8 =	vmul.f32 v10, v7;
	v9 =	vld [tilespmem:s26+$0xFFFFFF60]  }
0x5e3: {  	[tilespmem:s26+$0xFFFFFF00] =	vst v5;
	v5 =	vmul.f32 v11, v7;
	v10 =	vld [tilespmem:s26+$0xFFFFFF70]  }
0x5e4: {  	[tilespmem:s26+$0xFFFFFF10] =	vst v8;
	v8 =	vmul.f32 v13, v7;
	v11 =	vld [tilespmem:s26+$0xFFFFFF80]  }
0x5e5: {  	[tilespmem:s26+$0xFFFFFF20] =	vst v5;
	v5 =	vmul.f32 v14, v7;
	v13 =	vld [tilespmem:s26+$0xFFFFFF90]  }
0x5e6: {  	[tilespmem:s26+$0xFFFFFF30] =	vst v8;
	v6 =	vmul.f32 v6, v7;
	v8 =	vld [tilespmem:s26+$0xFFFFFFA0]  }
0x5e7: {  	[tilespmem:s26+$0xFFFFFF40] =	vst v5;
	v5 =	vmul.f32 v9, v7;
	v7 =	vld [tilespmem:s26+$0xFFFFFFB0]  }
0x5e8: {  	[tilespmem:s26+$0xFFFFFF50] =	vst v6;
	v6 =	vmul.f32 v10, v12;
	v9 =	vld [tilespmem:s26+$0xFFFFFFC0]  }
0x5e9: {  	[tilespmem:s26+$0xFFFFFF60] =	vst v5;
	v5 =	vmul.f32 v11, v12;
	v10 =	vld [tilespmem:s26+$0xFFFFFFD0]  }
0x5ea: {  	[tilespmem:s26+$0xFFFFFF70] =	vst v6;
	v6 =	vmul.f32 v13, v12;
	v11 =	vld [tilespmem:s26+$0xFFFFFFE0]  }
0x5eb: {  	[tilespmem:s26+$0xFFFFFF80] =	vst v5;
	v5 =	vmul.f32 v8, v12;
	v8 =	vld [tilespmem:s26+$0xFFFFFFF0]  }
0x5ec: {  	[tilespmem:s26+$0xFFFFFF90] =	vst v6;
	v6 =	vmul.f32 v7, v12;
	v7 =	vld [tilespmem:s26+$0x0]  }
0x5ed: {  	[tilespmem:s26+$0xFFFFFFA0] =	vst v5;
	v5 =	vmul.f32 v9, v12;
	v9 =	vld [tilespmem:s26+$0x10]  }
0x5ee: {  	[tilespmem:s26+$0xFFFFFFB0] =	vst v6;
	v6 =	vmul.f32 v10, v12;
	v10 =	vld [tilespmem:s26+$0x20]  }
0x5ef: {  	[tilespmem:s26+$0xFFFFFFC0] =	vst v5;
	v5 =	vmul.f32 v11, v12;
	v11 =	vld [tilespmem:s26+$0x30]  }
0x5f0: {  	[tilespmem:s26+$0xFFFFFFD0] =	vst v6;
	v6 =	vmul.f32 v8, v12;
	v8 =	vld [tilespmem:s26+$0x40]  }
0x5f1: {  	[tilespmem:s26+$0xFFFFFFE0] =	vst v5;
	v5 =	vmul.f32 v7, v3;
	v7 =	vld [tilespmem:s26+$0x50]  }
0x5f2: {  	[tilespmem:s26+$0xFFFFFFF0] =	vst v6;
	v6 =	vmul.f32 v9, v3;
	v13 =	vld [tilespmem:s26+$0x60]  }
.Ltmp10:
0x5f3: {  	[tilespmem:s26+$0x0] =	vst v5;
	v9 =	vmul.f32 v10, v3;
	v5 =	vld [tilespmem:s26+$0x70];
	(pc) =	sbr.rel @p0 .LBB2_23-.Ltmp10, $4  }
0x5f4: {  	[tilespmem:s26+$0x10] =	vst v6;
	v11 =	vmul.f32 v11, v3;
	v10 =	vld [tilespmem:s26+$0x90]  }
0x5f5: {  	s4 =	sadd.s32 $0x3, s29;
	v6 =	vmov s29;
	[tilespmem:s26+$0x20] =	vst v9;
	v15 =	vmul.f32 v8, v3;
	v9 =	vld [tilespmem:s26+$0xA0]  }
0x5f6: {  	s12 =	sadd.s32 $0x1, s29;
	v14 =	vand.u32 $0xFFFFFFFC, v6;
	v6 =	vmov s4;
	[tilespmem:s26+$0x30] =	vst v11;
	v12 =	vmul.f32 v7, v3;
	v8 =	vld [tilespmem:s26+$0xB0]  }
0x5f7: {  	s4 =	sadd.s32 $0x2, s29;
	s29 =	sadd.s32 $0x4, s29;
	v7 =	vbroadcast v14, $0x0;
	v14 =	vmov s12;
	[tilespmem:s26+$0x40] =	vst v15;
	v13 =	vmul.f32 v13, v3;
	v11 =	vld [tilespmem:s26+$0xC0]  }
0x5f8: {  	v15 =	vld [tilespmem:s26+$0xD0]  }
0x5f9: {  	v16 =	vld [tilespmem:s26+$0xE0]  }
0x5fa: {  	v18 =	vld [tilespmem:s26+$0xF0]  }
0x5fb: {  	v51 =	vld [tilespmem:s26+$0x100]  }
0x5fc: {  	v52 =	vld [tilespmem:s26+$0x110];
	[tilespmem:s26+$0x50] =	vst v12;
	v3 =	vmul.f32 v5, v3  }
0x5fd: {  	v6 =	vld.idx.msk [tilespmem:v6+s21+$0x0], $0xffff;
	v10 =	vmul.f32 v10, v4;
	[tilespmem:s26+$0x60] =	vst v13  }
0x5fe: {  	s29 =	sadd.s32 $0x240, s26;
	v53 =	vld.idx.msk [tilespmem:v7+s21+$0x0], $0xffff;
	v9 =	vmul.f32 v9, v4;
	[tilespmem:s26+$0x70] =	vst v3  }
0x5ff: {  	v58 =	vld [tilespmem:s29+$0xFFFFFEE0];
	[tilespmem:s26+$0x90] =	vst v10;
	v54 =	vmul.f32 v8, v4  }
0x600: {  	v60 =	vld [tilespmem:s29+$0xFFFFFEF0];
	[tilespmem:s26+$0xA0] =	vst v9;
	v3 =	vmul.f32 v11, v4  }
0x601: {  	v61 =	vld [tilespmem:s29+$0xFFFFFF00];
	[tilespmem:s26+$0xB0] =	vst v54;
	v56 =	vmul.f32 v15, v4  }
0x602: {  	v14 =	vand.u32 $0xFFFFFFFD, v14;
	v63 =	vld [tilespmem:s29+$0xFFFFFF10];
	[tilespmem:s26+$0xC0] =	vst v3;
	v3 =	vmul.f32 v16, v4  }
0x603: {  	v14 =	vbroadcast v14, $0x0;
	v20 =	vld [tilespmem:s29+$0xFFFFFF40];
	v59 =	vmul.f32 v18, v4;
	[tilespmem:s26+$0xD0] =	vst v56  }
0x604: {  	v17 =	vmov s4;
	v22 =	vld [tilespmem:s29+$0xFFFFFF50];
	[tilespmem:s28+$0xE0] =	vst v3;
	v3 =	vmul.f32 v51, v4  }
0x605: {  	v17 =	vand.u32 $0xFFFFFFFE, v17;
	v23 =	vld [tilespmem:s29+$0xFFFFFF60];
	v62 =	vmul.f32 v52, v4;
	[tilespmem:s28+$0xF0] =	vst v59  }
0x606: {  	v50 =	vbroadcast v17, $0x0;
	v17 =	vmul.f32 v58, v53;
	[tilespmem:s28+$0x100] =	vst v3;
	v3 =	vld [tilespmem:s29+$0xFFFFFF20]  }
0x607: {  	v18 =	vld [tilespmem:s29+$0xFFFFFF30];
	v19 =	vmul.f32 v60, v53;
	[tilespmem:s28+$0x110] =	vst v62  }
0x608: {  	v24 =	vld [tilespmem:s29+$0xFFFFFF70];
	v21 =	vmul.f32 v61, v53;
	[tilespmem:s29+$0xFFFFFEE0] =	vst v17  }
0x609: {  	v7 =	vmul.f32 v63, v53;
	v55 =	vld.idx.msk [tilespmem:v14+s21+$0x0], $0xffff;
	[tilespmem:s29+$0xFFFFFEF0] =	vst v19  }
0x60a: {  	v26 =	vld [tilespmem:s29+$0xFFFFFF80];
	v28 =	vmul.f32 v22, v53;
	[tilespmem:s29+$0xFFFFFF00] =	vst v21  }
0x60b: {  	v27 =	vld [tilespmem:s29+$0xFFFFFF90];
	[tilespmem:s29+$0xFFFFFF10] =	vst v7;
	v3 =	vmul.f32 v3, v53  }
0x60c: {  	v29 =	vld [tilespmem:s29+$0xFFFFFFA0];
	[tilespmem:s29+$0xFFFFFF50] =	vst v28;
	v25 =	vmul.f32 v18, v53  }
0x60d: {  	v30 =	vld [tilespmem:s29+$0xFFFFFFB0];
	[tilespmem:s29+$0xFFFFFF20] =	vst v3;
	v3 =	vmul.f32 v20, v53  }
0x60e: {  	v31 =	vld [tilespmem:s29+$0xFFFFFFC0];
	[tilespmem:s29+$0xFFFFFF30] =	vst v25;
	v4 =	vmul.f32 v24, v55  }
0x60f: {  	v32 =	vld [tilespmem:s29+$0xFFFFFFD0];
	[tilespmem:s29+$0xFFFFFF40] =	vst v3;
	v3 =	vmul.f32 v23, v53  }
0x610: {  	v34 =	vld [tilespmem:s29+$0xFFFFFFE0];
	v33 =	vmul.f32 v27, v55;
	[tilespmem:s29+$0xFFFFFF70] =	vst v4  }
0x611: {  	v35 =	vld [tilespmem:s29+$0xFFFFFFF0];
	[tilespmem:s29+$0xFFFFFF60] =	vst v3;
	v3 =	vmul.f32 v26, v55  }
0x612: {  	v37 =	vld [tilespmem:s29+$0x0];
	v36 =	vmul.f32 v30, v55;
	[tilespmem:s29+$0xFFFFFF90] =	vst v33  }
0x613: {  	v56 =	vld [tilespmem:s29+$0xE0];
	[tilespmem:s29+$0xFFFFFF80] =	vst v3;
	v3 =	vmul.f32 v29, v55  }
0x614: {  	v10 =	vld.idx.msk [tilespmem:v50+s21+$0x0], $0xffff;
	v39 =	vmul.f32 v32, v55;
	[tilespmem:s29+$0xFFFFFFB0] =	vst v36  }
0x615: {  	v57 =	vld [tilespmem:s29+$0x80];
	[tilespmem:s29+$0xFFFFFFA0] =	vst v3;
	v3 =	vmul.f32 v31, v55  }
0x616: {  	v40 =	vld [tilespmem:s29+$0x20];
	v42 =	vmul.f32 v35, v55;
	[tilespmem:s29+$0xFFFFFFD0] =	vst v39  }
0x617: {  	v38 =	vld [tilespmem:s29+$0x10];
	[tilespmem:s29+$0xFFFFFFC0] =	vst v3;
	v3 =	vmul.f32 v34, v55  }
0x618: {  	v43 =	vld [tilespmem:s29+$0x40];
	v62 =	vmul.f32 v56, v6;
	[tilespmem:s29+$0xFFFFFFF0] =	vst v42  }
0x619: {  	v41 =	vld [tilespmem:s29+$0x30];
	[tilespmem:s29+$0xFFFFFFE0] =	vst v3;
	v3 =	vmul.f32 v37, v10  }
0x61a: {  	v46 =	vld [tilespmem:s29+$0x60];
	v16 =	vmul.f32 v57, v10;
	[tilespmem:s29+$0xE0] =	vst v62  }
0x61b: {  	v44 =	vld [tilespmem:s29+$0x50];
	[tilespmem:s29+$0x0] =	vst v3;
	v3 =	vmul.f32 v40, v10  }
0x61c: {  	v49 =	vld [tilespmem:s29+$0x90];
	v45 =	vmul.f32 v38, v10;
	[tilespmem:s29+$0x80] =	vst v16  }
0x61d: {  	v47 =	vld [tilespmem:s29+$0x70];
	[tilespmem:s29+$0x20] =	vst v3;
	v3 =	vmul.f32 v43, v10  }
0x61e: {  	v52 =	vld [tilespmem:s29+$0xB0];
	v48 =	vmul.f32 v41, v10;
	[tilespmem:s29+$0x10] =	vst v45  }
0x61f: {  	v50 =	vld [tilespmem:s29+$0xA0];
	[tilespmem:s29+$0x40] =	vst v3;
	v3 =	vmul.f32 v46, v10  }
0x620: {  	v51 =	vmul.f32 v44, v10;
	[tilespmem:s29+$0x30] =	vst v48;
	v55 =	vld [tilespmem:s29+$0xD0]  }
0x621: {  	v59 =	vld [tilespmem:s29+$0x100];
	[tilespmem:s29+$0x60] =	vst v3;
	v3 =	vmul.f32 v49, v6  }
0x622: {  	v58 =	vld [tilespmem:s29+$0xF0];
	v54 =	vmul.f32 v47, v10;
	[tilespmem:s29+$0x50] =	vst v51  }
0x623: {  	v53 =	vld [tilespmem:s29+$0xC0];
	[tilespmem:s29+$0x90] =	vst v3;
	v3 =	vmul.f32 v52, v6  }
0x624: {  	v61 =	vld [tilespmem:s29+$0x110];
	v57 =	vmul.f32 v50, v6;
	[tilespmem:s29+$0x70] =	vst v54  }
0x625: {  	[tilespmem:s29+$0xB0] =	vst v3;
	v3 =	vmul.f32 v55, v6  }
0x626: {  	s8 =	sadd.s32 $0x1, s8;
	v63 =	vmul.f32 v59, v6;
	[tilespmem:s29+$0xA0] =	vst v57  }
0x627: {  	p0 =	sne.s32 s8, $0x9D;
	[tilespmem:s29+$0xD0] =	vst v3;
	v3 =	vmul.f32 v58, v6  }
.Ltmp11:
0x628: {  	[tilespmem:s29+$0x100] =	vst v63;
	v60 =	vmul.f32 v53, v6;
	(pc) =	sbr.rel @p0 .LBB2_20-.Ltmp11, $4  }
0x629: {  	[tilespmem:s29+$0xF0] =	vst v3;
	v3 =	vmul.f32 v61, v6  }
0x62a: {  	[tilespmem:s29+$0xC0] =	vst v60  }
0x62b: {  	[tilespmem:s29+$0x110] =	vst v3  }
0x62c: {  	[spmem:s3] =	stream.indirect.scatter.add.f32 [tilespmem:s16], [sflag:$0x8], $0x90, s25, s13, $0xb8;
	[tilespmem:$0x18DA0] =	vst v63  }
0x62d: {  	s1 =	simm.s32 $0x7  }
0x62e: {  	_ =	swait.ge [sflag:s1], $0x1200  }
0x62f: {  	[sflag:s1] =	ssyncset.done $0x0  }
0x630: {  	s28 =	simm.s32 $0x8;
	[sflag:s1] =	ssyncadd.s32 $0xFFFFEE00  }
0x631: {  	_ =	swait.ge [sflag:s28], $0x1200  }
0x632: {  	[sflag:s28] =	ssyncset.done $0x0  }
0x633: {  	[sflag:s28] =	ssyncadd.s32 $0xFFFFEE00  }
0x634: {  	[bflag:$0x0] =	sbarrier.arrive $0xFFFF  }
0x635: {  	s4 =	sld [smem:$0x7FB]  }
0x636: {  	s8 =	sld [smem:$0x7FC];
	_ =	sdelay $0x1  }
0x637: {  	s30 =	simm.s32 $0x9;
	s29 =	rddreg [dreg:$0x1f]  }
0x638: {  	[hbm:s29], [sflag:s4] =	dma.local [spmem:s8], $0x2D00  }
0x639: {  	_ =	swait.ge [sflag:s30], $0x2D00  }
0x63a: {  	s31 =	sld [smem:$0x7FD]  }
0x63b: {  	s12 =	rddreg [dreg:$0x4]  }
0x63c: {  	s12 =	sadd.s32 $0x1, s12  }
0x63d: {  	p0 =	sne.s32 s12, s31  }
.Ltmp12:
0x63e: {  	_ = 	snop;
	(pc) =	sbr.rel @p0 .LBB2_1-.Ltmp12, $3  }
0x63f: {  	[sflag:s30] =	ssyncset.done $0x0  }
0x640: {  	[sflag:s30] =	ssyncadd.s32 $0xFFFFD300  }
0x641: {  	[bflag:$0x0] =	sbarrier.arrive $0xFFFF;
	_ =	sdelay $0x1  }
0x642: {  	_ =	sfence.sel $0x180000  }
0x643: {  	[bflag:$0x0] =	sbarrier.arrive $0xFFFF  }
0x644: {  	_ =	strace $0x90000047  }
0x645: {  	s0 =	stileid.u32;
	[bflag:$0x2] =	sbarrier.arrive $0xFFFF  }
0x646: {  	p0 =	sne.s32 s0, $0x0;
	s0 =	rddreg [dreg:$0x3]  }
0x647: {  	s0 =	sadd.s32 @!p0 $0x100000, s0  }
0x648: {  	[sflag:s0] =	ssyncadd.tile.s32 @!p0 $0x1;
	_ =	shalt  }
.Lfunc_end2:
_tile_overlayer_lowered:
.L_overlay_start_2:
0x649: {  	(tag) =	ssettag $0x2  }
0x64a: {  	s0 =	rddreg [dreg:$0x0];
	s2 =	stileid.u32  }
0x64b: {  	s1 =	rddreg [dreg:$0x1];
	p0 =	sne.s32 s2, $0x0  }
0x64c: {  	s3 =	rddreg [dreg:$0x2];
	[bflag:$0x3] =	sbarrier.arrive $0xFFFF;
	s2 =	simm.s32 @!p0 $0x1C0A  }
0x64d: {  	[timem:s3], [sflag:s2] =	dma.local @!p0 [hbm:s0], s1  }
0x64e: {  	s0 =	simm.s32 @!p0 $0xA  }
0x64f: {  	_ =	swait.ge @!p0 [sflag:s0], s1  }
0x650: {  	s1 =	ssub.s32 @!p0 $0x0, s1;
	[sflag:s0] =	ssyncset.done @!p0 $0x0  }
0x651: {  	[sflag:s0] =	ssyncadd.s32 @!p0 s1  }
0x652: {  	[bflag:$0x3] =	sbarrier.arrive $0xFFFF  }
0x653: {  	_ =	shalt  }

</sc_bundles>
